<compile_context>
chip_gen: v7x
topology: tpu7x:2x2x1
jax: 0.10.2.dev20260603
libtpu: 0.0.44.dev20260713+nightly
codegen_flags: <defaults>
</compile_context>

<pallas_src>
import functools

import jax
import jax.numpy as jnp
from jax import lax
from jax.experimental import pallas as pl
from jax.experimental.pallas import tpu as pltpu
from jax.experimental.pallas import tpu_sc as plsc

B = 16384
SD = 32
TD = 32
L = 16
NC = 2
NS = 16
NW = NC * NS
PER_W = B // NW
C = 128

_TWO_PI = 6.283185307179586
_INV_TWO_PI = 0.15915494309189535
_MAGIC = 12582912.0


def _sinp(x):
    k = (x * _INV_TWO_PI + _MAGIC) - _MAGIC
    r = x - _TWO_PI * k
    r2 = r * r
    p = jnp.float32(-2.505210838544172e-08)
    p = p * r2 + jnp.float32(2.755731922398589e-06)
    p = p * r2 + jnp.float32(-0.0001984126984126984)
    p = p * r2 + jnp.float32(0.008333333333333333)
    p = p * r2 + jnp.float32(-0.16666666666666666)
    p = p * r2 + jnp.float32(1.0)
    return r * p


def _make_sc_kernel():
    mesh = plsc.VectorSubcoreMesh(core_axis_name="c", subcore_axis_name="s")

    scratch = [
        pltpu.VMEM((C,), jnp.int32),
        pltpu.VMEM((C,), jnp.int32),
        pltpu.VMEM((C,), jnp.int32),
        pltpu.VMEM((C, L), jnp.float32),
        pltpu.VMEM((C, L), jnp.float32),
        pltpu.VMEM((C, L), jnp.float32),
        pltpu.VMEM((C, SD + TD), jnp.float32),
        pltpu.VMEM((C, SD + TD), jnp.float32),
    ] + [pltpu.VMEM((C, TD), jnp.float32) for _ in range(18)] + [
        pltpu.VMEM((C * L,), jnp.float32),
        pltpu.VMEM((C,), jnp.float32),
        pltpu.SemaphoreType.DMA,
    ]

    @functools.partial(
        pl.kernel,
        out_type=jax.ShapeDtypeStruct((B,), jnp.float32),
        mesh=mesh,
        scratch_types=scratch,
        compiler_params=pltpu.CompilerParams(use_tc_tiling_on_sc=False),
    )
    def sck(heads, rels, tails, years_b, months_b, days_b,
            ent_h, ent_t, rel_f, rel_i,
            yfh, yft, mfh, mft, dfh, dft,
            yph, ypt, mph, mpt, dph, dpt,
            yah, yat, mah, mat, dah, dat,
            out,
            idx_h, idx_t, idx_r, ty, tm, td, rf_v, ri_v,
            *rest):
        tbufs = rest[:18]
        acc, out_v, sem = rest[18], rest[19], rest[20]

        wid = lax.axis_index("s") * NC + lax.axis_index("c")
        h_tables = (yfh, yph, yah, mfh, mph, mah, dfh, dph, dah)
        t_tables = (yft, ypt, yat, mft, mpt, mat, dft, dpt, dat)
        rows0 = lax.iota(jnp.int32, L)

        def chunk_body(j, carry):
            base = wid * PER_W + j * C

            pltpu.sync_copy(heads.at[pl.ds(base, C)], idx_h)
            pltpu.sync_copy(tails.at[pl.ds(base, C)], idx_t)
            pltpu.sync_copy(rels.at[pl.ds(base, C)], idx_r)
            pltpu.sync_copy(years_b.at[pl.ds(base, C)], ty)
            pltpu.sync_copy(months_b.at[pl.ds(base, C)], tm)
            pltpu.sync_copy(days_b.at[pl.ds(base, C)], td)

            cps = [
                pltpu.async_copy(ent_h.at[idx_h], tbufs[0], sem),
                pltpu.async_copy(ent_t.at[idx_t], tbufs[1], sem),
                pltpu.async_copy(ent_h.at[idx_t], tbufs[2], sem),
                pltpu.async_copy(ent_t.at[idx_h], tbufs[3], sem),
                pltpu.async_copy(rel_f.at[idx_r], rf_v, sem),
                pltpu.async_copy(rel_i.at[idx_r], ri_v, sem),
            ]
            for cp in cps:
                cp.wait()

            def s_body(e, _):
                a = None
                for q in (0, 1):
                    sl = pl.ds(q * L, L)
                    v = (tbufs[0][e, sl] * rf_v[e, sl] * tbufs[1][e, sl]
                         + tbufs[2][e, sl] * ri_v[e, sl] * tbufs[3][e, sl])
                    a = v if a is None else a + v
                acc[pl.ds(e * L, L)] = a
                return _

            lax.fori_loop(0, C, s_body, None)

            for ia, ib, rel_v in ((idx_h, idx_t, rf_v), (idx_t, idx_h, ri_v)):
                cps = [pltpu.async_copy(tab.at[ia], tbufs[k], sem)
                       for k, tab in enumerate(h_tables)]
                cps += [pltpu.async_copy(tab.at[ib], tbufs[9 + k], sem)
                        for k, tab in enumerate(t_tables)]
                for cp in cps:
                    cp.wait()

                def t_body(e, _):
                    tvs = (ty[e, :], tm[e, :], td[e, :])
                    a = acc[pl.ds(e * L, L)]
                    for q in (0, 1):
                        sl = pl.ds(q * L, L)
                        th = None
                        tt = None
                        for p in range(3):
                            tv = tvs[p]
                            vh = tbufs[3 * p + 2][e, sl] * _sinp(
                                tbufs[3 * p + 0][e, sl] * tv
                                + tbufs[3 * p + 1][e, sl])
                            vt = tbufs[9 + 3 * p + 2][e, sl] * _sinp(
                                tbufs[9 + 3 * p + 0][e, sl] * tv
                                + tbufs[9 + 3 * p + 1][e, sl])
                            th = vh if th is None else th + vh
                            tt = vt if tt is None else tt + vt
                        rT = rel_v[e, pl.ds(SD + q * L, L)]
                        a = a + th * rT * tt
                    acc[pl.ds(e * L, L)] = a
                    return _

                lax.fori_loop(0, C, t_body, None)

            def fin_group(g, _):
                ov = jnp.zeros((L,), jnp.float32)
                for l in range(L):
                    v = acc[pl.ds((g * L + l) * L, L)]
                    h = v + lax.rev(v, (0,))
                    s = h[0]
                    for q in range(1, L // 2):
                        s = s + h[q]
                    ov = jnp.where(rows0 == l, s, ov)
                out_v[pl.ds(g * L, L)] = ov * jnp.float32(0.5)
                return _

            lax.fori_loop(0, C // L, fin_group, None)
            pltpu.sync_copy(out_v, out.at[pl.ds(base, C)])
            return carry

        lax.fori_loop(0, PER_W // C, chunk_body, None)

    return sck


_sck = _make_sc_kernel()


def kernel(heads, rels, tails, years, months, days,
           ent_h, ent_t, rel_f, rel_i,
           y_freq_h, y_freq_t, m_freq_h, m_freq_t, d_freq_h, d_freq_t,
           y_phi_h, y_phi_t, m_phi_h, m_phi_t, d_phi_h, d_phi_t,
           y_amp_h, y_amp_t, m_amp_h, m_amp_t, d_amp_h, d_amp_t):
    years_b = jnp.broadcast_to(years.reshape(-1, 1).astype(jnp.float32), (B, L))
    months_b = jnp.broadcast_to(months.reshape(-1, 1).astype(jnp.float32), (B, L))
    days_b = jnp.broadcast_to(days.reshape(-1, 1).astype(jnp.float32), (B, L))
    return _sck(
        heads.astype(jnp.int32), rels.astype(jnp.int32),
        tails.astype(jnp.int32),
        years_b, months_b, days_b, ent_h, ent_t, rel_f, rel_i,
        y_freq_h, y_freq_t, m_freq_h, m_freq_t, d_freq_h, d_freq_t,
        y_phi_h, y_phi_t, m_phi_h, m_phi_t, d_phi_h, d_phi_t,
        y_amp_h, y_amp_t, m_amp_h, m_amp_t, d_amp_h, d_amp_t)

# --- scband reference (transcript-rebuilt; emitter-appended) ---
"""Pipeline reference for scband-de-simpl-e-38671885533208 (READ-ONLY COPY).

The authoritative reference and input builder live on the scoring server;
editing this copy changes nothing except your own understanding.
"""

import jax, jax.numpy as jnp
import numpy as np

NUM_ENT = 100000
NUM_REL = 1000
S_DIM = 32
T_DIM = 32
B = 16384

TIME_TABLE_NAMES = [
    "y_freq_h", "y_freq_t", "m_freq_h", "m_freq_t", "d_freq_h", "d_freq_t",
    "y_phi_h", "y_phi_t", "m_phi_h", "m_phi_t", "d_phi_h", "d_phi_t",
    "y_amp_h", "y_amp_t", "m_amp_h", "m_amp_t", "d_amp_h", "d_amp_t",
]


def setup_inputs(seed: int = 0) -> dict:
    key = jax.random.key(seed)
    inp = {}
    inp["heads"] = jax.random.randint(jax.random.fold_in(key, 1), (B,), 0, NUM_ENT)
    inp["rels"] = jax.random.randint(jax.random.fold_in(key, 2), (B,), 0, NUM_REL)
    inp["tails"] = jax.random.randint(jax.random.fold_in(key, 3), (B,), 0, NUM_ENT)
    inp["years"] = jax.random.uniform(jax.random.fold_in(key, 4), (B,), dtype=jnp.float32)
    inp["months"] = jax.random.uniform(jax.random.fold_in(key, 5), (B,), dtype=jnp.float32)
    inp["days"] = jax.random.uniform(jax.random.fold_in(key, 6), (B,), dtype=jnp.float32)
    inp["ent_h"] = jax.random.normal(jax.random.fold_in(key, 7), (NUM_ENT, S_DIM), dtype=jnp.float32) * 0.05
    inp["ent_t"] = jax.random.normal(jax.random.fold_in(key, 8), (NUM_ENT, S_DIM), dtype=jnp.float32) * 0.05
    inp["rel_f"] = jax.random.normal(jax.random.fold_in(key, 9), (NUM_REL, S_DIM + T_DIM), dtype=jnp.float32) * 0.05
    inp["rel_i"] = jax.random.normal(jax.random.fold_in(key, 10), (NUM_REL, S_DIM + T_DIM), dtype=jnp.float32) * 0.05
    for i, name in enumerate(TIME_TABLE_NAMES):
        inp[name] = jax.random.normal(jax.random.fold_in(key, 20 + i), (NUM_ENT, T_DIM), dtype=jnp.float32) * 0.05
    return inp


def reference(heads, rels, tails, years, months, days,
              ent_h, ent_t, rel_f, rel_i,
              y_freq_h, y_freq_t, m_freq_h, m_freq_t, d_freq_h, d_freq_t,
              y_phi_h, y_phi_t, m_phi_h, m_phi_t, d_phi_h, d_phi_t,
              y_amp_h, y_amp_t, m_amp_h, m_amp_t, d_amp_h, d_amp_t):
    y = years.reshape(-1, 1)
    m = months.reshape(-1, 1)
    d = days.reshape(-1, 1)

    def temb(ents, yf, yp, ya, mf, mp, ma, df, dp, da):
        e = ya[ents] * jnp.sin(yf[ents] * y + yp[ents])
        e = e + ma[ents] * jnp.sin(mf[ents] * m + mp[ents])
        e = e + da[ents] * jnp.sin(df[ents] * d + dp[ents])
        return e

    th_heads = temb(heads, y_freq_h, y_phi_h, y_amp_h, m_freq_h, m_phi_h, m_amp_h, d_freq_h, d_phi_h, d_amp_h)
    tt_tails = temb(tails, y_freq_t, y_phi_t, y_amp_t, m_freq_t, m_phi_t, m_amp_t, d_freq_t, d_phi_t, d_amp_t)
    th_tails = temb(tails, y_freq_h, y_phi_h, y_amp_h, m_freq_h, m_phi_h, m_amp_h, d_freq_h, d_phi_h, d_amp_h)
    tt_heads = temb(heads, y_freq_t, y_phi_t, y_amp_t, m_freq_t, m_phi_t, m_amp_t, d_freq_t, d_phi_t, d_amp_t)

    h_embs1 = jnp.concatenate([ent_h[heads], th_heads], axis=1)
    t_embs1 = jnp.concatenate([ent_t[tails], tt_tails], axis=1)
    h_embs2 = jnp.concatenate([ent_h[tails], th_tails], axis=1)
    t_embs2 = jnp.concatenate([ent_t[heads], tt_heads], axis=1)
    r_embs1 = rel_f[rels]
    r_embs2 = rel_i[rels]

    scores = (h_embs1 * r_embs1 * t_embs1 + h_embs2 * r_embs2 * t_embs2) / 2.0
    # dropout p=0.0 / eval mode -> identity
    return jnp.sum(scores, axis=1)

if __name__ == "__main__":
    import jax
    _d = setup_inputs()
    print(jax.jit(kernel)(*tuple(_d.values())))

</pallas_src>

<mosaic_0001>
#map = affine_map<(d0, d1) -> (0)>
#map1 = affine_map<(d0, d1) -> (0, 0)>
module attributes {stable_mosaic.version = 14 : i64} {
  func.func @sck(%arg0: i32, %arg1: i32, %arg2: memref<16384xi32, #tpu.memory_space<hbm>>, %arg3: memref<16384xi32, #tpu.memory_space<hbm>>, %arg4: memref<16384xi32, #tpu.memory_space<hbm>>, %arg5: memref<16384x16xf32, #tpu.memory_space<hbm>>, %arg6: memref<16384x16xf32, #tpu.memory_space<hbm>>, %arg7: memref<16384x16xf32, #tpu.memory_space<hbm>>, %arg8: memref<100000x32xf32, #tpu.memory_space<hbm>>, %arg9: memref<100000x32xf32, #tpu.memory_space<hbm>>, %arg10: memref<1000x64xf32, #tpu.memory_space<hbm>>, %arg11: memref<1000x64xf32, #tpu.memory_space<hbm>>, %arg12: memref<100000x32xf32, #tpu.memory_space<hbm>>, %arg13: memref<100000x32xf32, #tpu.memory_space<hbm>>, %arg14: memref<100000x32xf32, #tpu.memory_space<hbm>>, %arg15: memref<100000x32xf32, #tpu.memory_space<hbm>>, %arg16: memref<100000x32xf32, #tpu.memory_space<hbm>>, %arg17: memref<100000x32xf32, #tpu.memory_space<hbm>>, %arg18: memref<100000x32xf32, #tpu.memory_space<hbm>>, %arg19: memref<100000x32xf32, #tpu.memory_space<hbm>>, %arg20: memref<100000x32xf32, #tpu.memory_space<hbm>>, %arg21: memref<100000x32xf32, #tpu.memory_space<hbm>>, %arg22: memref<100000x32xf32, #tpu.memory_space<hbm>>, %arg23: memref<100000x32xf32, #tpu.memory_space<hbm>>, %arg24: memref<100000x32xf32, #tpu.memory_space<hbm>>, %arg25: memref<100000x32xf32, #tpu.memory_space<hbm>>, %arg26: memref<100000x32xf32, #tpu.memory_space<hbm>>, %arg27: memref<100000x32xf32, #tpu.memory_space<hbm>>, %arg28: memref<100000x32xf32, #tpu.memory_space<hbm>>, %arg29: memref<100000x32xf32, #tpu.memory_space<hbm>>, %arg30: memref<16384xf32, #tpu.memory_space<hbm>>, %arg31: memref<128xi32, #tpu.memory_space<vmem>>, %arg32: memref<128xi32, #tpu.memory_space<vmem>>, %arg33: memref<128xi32, #tpu.memory_space<vmem>>, %arg34: memref<128x16xf32, #tpu.memory_space<vmem>>, %arg35: memref<128x16xf32, #tpu.memory_space<vmem>>, %arg36: memref<128x16xf32, #tpu.memory_space<vmem>>, %arg37: memref<128x64xf32, #tpu.memory_space<vmem>>, %arg38: memref<128x64xf32, #tpu.memory_space<vmem>>, %arg39: memref<128x32xf32, #tpu.memory_space<vmem>>, %arg40: memref<128x32xf32, #tpu.memory_space<vmem>>, %arg41: memref<128x32xf32, #tpu.memory_space<vmem>>, %arg42: memref<128x32xf32, #tpu.memory_space<vmem>>, %arg43: memref<128x32xf32, #tpu.memory_space<vmem>>, %arg44: memref<128x32xf32, #tpu.memory_space<vmem>>, %arg45: memref<128x32xf32, #tpu.memory_space<vmem>>, %arg46: memref<128x32xf32, #tpu.memory_space<vmem>>, %arg47: memref<128x32xf32, #tpu.memory_space<vmem>>, %arg48: memref<128x32xf32, #tpu.memory_space<vmem>>, %arg49: memref<128x32xf32, #tpu.memory_space<vmem>>, %arg50: memref<128x32xf32, #tpu.memory_space<vmem>>, %arg51: memref<128x32xf32, #tpu.memory_space<vmem>>, %arg52: memref<128x32xf32, #tpu.memory_space<vmem>>, %arg53: memref<128x32xf32, #tpu.memory_space<vmem>>, %arg54: memref<128x32xf32, #tpu.memory_space<vmem>>, %arg55: memref<128x32xf32, #tpu.memory_space<vmem>>, %arg56: memref<128x32xf32, #tpu.memory_space<vmem>>, %arg57: memref<2048xf32, #tpu.memory_space<vmem>>, %arg58: memref<128xf32, #tpu.memory_space<vmem>>, %arg59: memref<!tpu.dma_semaphore, #tpu.memory_space<semaphore_mem>>) attributes {dimension_semantics = [#tpu.dimension_semantics<core_parallel>, #tpu.dimension_semantics<subcore_parallel>], iteration_bounds = array<i64: 2, 16>, scalar_prefetch = 0 : i64, scratch_operands = 29 : i64, tpu.core_type = #tpu.core_type<sc_vector_subcore>, window_params = [{transform_indices = #map}, {transform_indices = #map}, {transform_indices = #map}, {transform_indices = #map1}, {transform_indices = #map1}, {transform_indices = #map1}, {transform_indices = #map1}, {transform_indices = #map1}, {transform_indices = #map1}, {transform_indices = #map1}, {transform_indices = #map1}, {transform_indices = #map1}, {transform_indices = #map1}, {transform_indices = #map1}, {transform_indices = #map1}, {transform_indices = #map1}, {transform_indices = #map1}, {transform_indices = #map1}, {transform_indices = #map1}, {transform_indices = #map1}, {transform_indices = #map1}, {transform_indices = #map1}, {transform_indices = #map1}, {transform_indices = #map1}, {transform_indices = #map1}, {transform_indices = #map1}, {transform_indices = #map1}, {transform_indices = #map1}, {transform_indices = #map}]} {
    %mul3A = arith.constant 2 : i32
    %mul3A_0 = arith.muli %arg1, %mul3A : i32
    %add3A = arith.addi %mul3A_0, %arg0 : i32
    %iota3A = tpu.iota {dimensions = array<i32: 0>} : vector<16xi32>
    %scan3A = arith.constant 0 : i32
    %scan3A_1 = arith.constant 4 : i32
    %scan3A_2 = arith.addi %scan3A, %scan3A_1 : i32
    %scan3A_3 = arith.constant 1 : i32
    scf.for %scan3A_5 = %scan3A to %scan3A_2 step %scan3A_3  : i32 {
      %mul3A_6 = arith.constant 512 : i32
      %mul3A_7 = arith.muli %add3A, %mul3A_6 : i32
      %mul3A_8 = arith.constant 128 : i32
      %mul3A_9 = arith.muli %scan3A_5, %mul3A_8 : i32
      %add3A_10 = arith.addi %mul3A_7, %mul3A_9 : i32
      "tpu.region"() ({
        %run_scoped3A = tpu.sem_alloc : memref<!tpu.dma_semaphore, #tpu.memory_space<semaphore_mem>>
        %dma_start3A_281 = tpu.memref_slice %arg2[%add3A_10] : memref<16384xi32, #tpu.memory_space<hbm>> -> memref<128xi32, #tpu.memory_space<hbm>>
        %dma_start3A_282 = tpu.memref_slice %arg2[%add3A_10] : memref<16384xi32, #tpu.memory_space<hbm>> -> memref<128xi32, #tpu.memory_space<hbm>>
        tpu.enqueue_dma source(%dma_start3A_282 : memref<128xi32, #tpu.memory_space<hbm>>) target(%arg31 : memref<128xi32, #tpu.memory_space<vmem>>) target_semaphore(%run_scoped3A : memref<!tpu.dma_semaphore, #tpu.memory_space<semaphore_mem>>)
        %dma_wait3A_283 = tpu.memref_slice %arg2[%add3A_10] : memref<16384xi32, #tpu.memory_space<hbm>> -> memref<128xi32, #tpu.memory_space<hbm>>
        %dma_wait3A_284 = tpu.memref_slice %arg2[%add3A_10] : memref<16384xi32, #tpu.memory_space<hbm>> -> memref<128xi32, #tpu.memory_space<hbm>>
        tpu.wait_dma2 semaphore(%run_scoped3A : memref<!tpu.dma_semaphore, #tpu.memory_space<semaphore_mem>>) src(%dma_wait3A_284 : memref<128xi32, #tpu.memory_space<hbm>>) dst(%arg31 : memref<128xi32, #tpu.memory_space<vmem>>)
        tpu.yield
      }) : () -> ()
      "tpu.region"() ({
        %run_scoped3A = tpu.sem_alloc : memref<!tpu.dma_semaphore, #tpu.memory_space<semaphore_mem>>
        %dma_start3A_281 = tpu.memref_slice %arg4[%add3A_10] : memref<16384xi32, #tpu.memory_space<hbm>> -> memref<128xi32, #tpu.memory_space<hbm>>
        %dma_start3A_282 = tpu.memref_slice %arg4[%add3A_10] : memref<16384xi32, #tpu.memory_space<hbm>> -> memref<128xi32, #tpu.memory_space<hbm>>
        tpu.enqueue_dma source(%dma_start3A_282 : memref<128xi32, #tpu.memory_space<hbm>>) target(%arg32 : memref<128xi32, #tpu.memory_space<vmem>>) target_semaphore(%run_scoped3A : memref<!tpu.dma_semaphore, #tpu.memory_space<semaphore_mem>>)
        %dma_wait3A_283 = tpu.memref_slice %arg4[%add3A_10] : memref<16384xi32, #tpu.memory_space<hbm>> -> memref<128xi32, #tpu.memory_space<hbm>>
        %dma_wait3A_284 = tpu.memref_slice %arg4[%add3A_10] : memref<16384xi32, #tpu.memory_space<hbm>> -> memref<128xi32, #tpu.memory_space<hbm>>
        tpu.wait_dma2 semaphore(%run_scoped3A : memref<!tpu.dma_semaphore, #tpu.memory_space<semaphore_mem>>) src(%dma_wait3A_284 : memref<128xi32, #tpu.memory_space<hbm>>) dst(%arg32 : memref<128xi32, #tpu.memory_space<vmem>>)
        tpu.yield
      }) : () -> ()
      "tpu.region"() ({
        %run_scoped3A = tpu.sem_alloc : memref<!tpu.dma_semaphore, #tpu.memory_space<semaphore_mem>>
        %dma_start3A_281 = tpu.memref_slice %arg3[%add3A_10] : memref<16384xi32, #tpu.memory_space<hbm>> -> memref<128xi32, #tpu.memory_space<hbm>>
        %dma_start3A_282 = tpu.memref_slice %arg3[%add3A_10] : memref<16384xi32, #tpu.memory_space<hbm>> -> memref<128xi32, #tpu.memory_space<hbm>>
        tpu.enqueue_dma source(%dma_start3A_282 : memref<128xi32, #tpu.memory_space<hbm>>) target(%arg33 : memref<128xi32, #tpu.memory_space<vmem>>) target_semaphore(%run_scoped3A : memref<!tpu.dma_semaphore, #tpu.memory_space<semaphore_mem>>)
        %dma_wait3A_283 = tpu.memref_slice %arg3[%add3A_10] : memref<16384xi32, #tpu.memory_space<hbm>> -> memref<128xi32, #tpu.memory_space<hbm>>
        %dma_wait3A_284 = tpu.memref_slice %arg3[%add3A_10] : memref<16384xi32, #tpu.memory_space<hbm>> -> memref<128xi32, #tpu.memory_space<hbm>>
        tpu.wait_dma2 semaphore(%run_scoped3A : memref<!tpu.dma_semaphore, #tpu.memory_space<semaphore_mem>>) src(%dma_wait3A_284 : memref<128xi32, #tpu.memory_space<hbm>>) dst(%arg33 : memref<128xi32, #tpu.memory_space<vmem>>)
        tpu.yield
      }) : () -> ()
      "tpu.region"() ({
        %run_scoped3A = tpu.sem_alloc : memref<!tpu.dma_semaphore, #tpu.memory_space<semaphore_mem>>
        %dma_start3A_281 = arith.constant 0 : i32
        %dma_start3A_282 = tpu.memref_slice %arg5[%add3A_10, %dma_start3A_281] : memref<16384x16xf32, #tpu.memory_space<hbm>> -> memref<128x16xf32, #tpu.memory_space<hbm>>
        %dma_start3A_283 = arith.constant 0 : i32
        %dma_start3A_284 = tpu.memref_slice %arg5[%add3A_10, %dma_start3A_283] : memref<16384x16xf32, #tpu.memory_space<hbm>> -> memref<128x16xf32, #tpu.memory_space<hbm>>
        tpu.enqueue_dma source(%dma_start3A_284 : memref<128x16xf32, #tpu.memory_space<hbm>>) target(%arg34 : memref<128x16xf32, #tpu.memory_space<vmem>>) target_semaphore(%run_scoped3A : memref<!tpu.dma_semaphore, #tpu.memory_space<semaphore_mem>>)
        %dma_wait3A_285 = arith.constant 0 : i32
        %dma_wait3A_286 = tpu.memref_slice %arg5[%add3A_10, %dma_wait3A_285] : memref<16384x16xf32, #tpu.memory_space<hbm>> -> memref<128x16xf32, #tpu.memory_space<hbm>>
        %dma_wait3A_287 = arith.constant 0 : i32
        %dma_wait3A_288 = tpu.memref_slice %arg5[%add3A_10, %dma_wait3A_287] : memref<16384x16xf32, #tpu.memory_space<hbm>> -> memref<128x16xf32, #tpu.memory_space<hbm>>
        tpu.wait_dma2 semaphore(%run_scoped3A : memref<!tpu.dma_semaphore, #tpu.memory_space<semaphore_mem>>) src(%dma_wait3A_288 : memref<128x16xf32, #tpu.memory_space<hbm>>) dst(%arg34 : memref<128x16xf32, #tpu.memory_space<vmem>>)
        tpu.yield
      }) : () -> ()
      "tpu.region"() ({
        %run_scoped3A = tpu.sem_alloc : memref<!tpu.dma_semaphore, #tpu.memory_space<semaphore_mem>>
        %dma_start3A_281 = arith.constant 0 : i32
        %dma_start3A_282 = tpu.memref_slice %arg6[%add3A_10, %dma_start3A_281] : memref<16384x16xf32, #tpu.memory_space<hbm>> -> memref<128x16xf32, #tpu.memory_space<hbm>>
        %dma_start3A_283 = arith.constant 0 : i32
        %dma_start3A_284 = tpu.memref_slice %arg6[%add3A_10, %dma_start3A_283] : memref<16384x16xf32, #tpu.memory_space<hbm>> -> memref<128x16xf32, #tpu.memory_space<hbm>>
        tpu.enqueue_dma source(%dma_start3A_284 : memref<128x16xf32, #tpu.memory_space<hbm>>) target(%arg35 : memref<128x16xf32, #tpu.memory_space<vmem>>) target_semaphore(%run_scoped3A : memref<!tpu.dma_semaphore, #tpu.memory_space<semaphore_mem>>)
        %dma_wait3A_285 = arith.constant 0 : i32
        %dma_wait3A_286 = tpu.memref_slice %arg6[%add3A_10, %dma_wait3A_285] : memref<16384x16xf32, #tpu.memory_space<hbm>> -> memref<128x16xf32, #tpu.memory_space<hbm>>
        %dma_wait3A_287 = arith.constant 0 : i32
        %dma_wait3A_288 = tpu.memref_slice %arg6[%add3A_10, %dma_wait3A_287] : memref<16384x16xf32, #tpu.memory_space<hbm>> -> memref<128x16xf32, #tpu.memory_space<hbm>>
        tpu.wait_dma2 semaphore(%run_scoped3A : memref<!tpu.dma_semaphore, #tpu.memory_space<semaphore_mem>>) src(%dma_wait3A_288 : memref<128x16xf32, #tpu.memory_space<hbm>>) dst(%arg35 : memref<128x16xf32, #tpu.memory_space<vmem>>)
        tpu.yield
      }) : () -> ()
      "tpu.region"() ({
        %run_scoped3A = tpu.sem_alloc : memref<!tpu.dma_semaphore, #tpu.memory_space<semaphore_mem>>
        %dma_start3A_281 = arith.constant 0 : i32
        %dma_start3A_282 = tpu.memref_slice %arg7[%add3A_10, %dma_start3A_281] : memref<16384x16xf32, #tpu.memory_space<hbm>> -> memref<128x16xf32, #tpu.memory_space<hbm>>
        %dma_start3A_283 = arith.constant 0 : i32
        %dma_start3A_284 = tpu.memref_slice %arg7[%add3A_10, %dma_start3A_283] : memref<16384x16xf32, #tpu.memory_space<hbm>> -> memref<128x16xf32, #tpu.memory_space<hbm>>
        tpu.enqueue_dma source(%dma_start3A_284 : memref<128x16xf32, #tpu.memory_space<hbm>>) target(%arg36 : memref<128x16xf32, #tpu.memory_space<vmem>>) target_semaphore(%run_scoped3A : memref<!tpu.dma_semaphore, #tpu.memory_space<semaphore_mem>>)
        %dma_wait3A_285 = arith.constant 0 : i32
        %dma_wait3A_286 = tpu.memref_slice %arg7[%add3A_10, %dma_wait3A_285] : memref<16384x16xf32, #tpu.memory_space<hbm>> -> memref<128x16xf32, #tpu.memory_space<hbm>>
        %dma_wait3A_287 = arith.constant 0 : i32
        %dma_wait3A_288 = tpu.memref_slice %arg7[%add3A_10, %dma_wait3A_287] : memref<16384x16xf32, #tpu.memory_space<hbm>> -> memref<128x16xf32, #tpu.memory_space<hbm>>
        tpu.wait_dma2 semaphore(%run_scoped3A : memref<!tpu.dma_semaphore, #tpu.memory_space<semaphore_mem>>) src(%dma_wait3A_288 : memref<128x16xf32, #tpu.memory_space<hbm>>) dst(%arg36 : memref<128x16xf32, #tpu.memory_space<vmem>>)
        tpu.yield
      }) : () -> ()
      %dma_start3A = arith.constant 0 : i32
      %dma_start3A_11 = arith.constant 0 : i32
      %dma_start3A_12 = tpu.memref_slice %arg8[%dma_start3A, %dma_start3A_11] : memref<100000x32xf32, #tpu.memory_space<hbm>> -> memref<100000x32xf32, #tpu.memory_space<hbm>>
      tpu.enqueue_indirect_dma source(%dma_start3A_12 : memref<100000x32xf32, #tpu.memory_space<hbm>>) target(%arg39 : memref<128x32xf32, #tpu.memory_space<vmem>>) offsets(%arg31 : memref<128xi32, #tpu.memory_space<vmem>>) semaphore(%arg59 : memref<!tpu.dma_semaphore, #tpu.memory_space<semaphore_mem>>)
      %dma_start3A_13 = arith.constant 0 : i32
      %dma_start3A_14 = arith.constant 0 : i32
      %dma_start3A_15 = tpu.memref_slice %arg9[%dma_start3A_13, %dma_start3A_14] : memref<100000x32xf32, #tpu.memory_space<hbm>> -> memref<100000x32xf32, #tpu.memory_space<hbm>>
      tpu.enqueue_indirect_dma source(%dma_start3A_15 : memref<100000x32xf32, #tpu.memory_space<hbm>>) target(%arg40 : memref<128x32xf32, #tpu.memory_space<vmem>>) offsets(%arg32 : memref<128xi32, #tpu.memory_space<vmem>>) semaphore(%arg59 : memref<!tpu.dma_semaphore, #tpu.memory_space<semaphore_mem>>)
      %dma_start3A_16 = arith.constant 0 : i32
      %dma_start3A_17 = arith.constant 0 : i32
      %dma_start3A_18 = tpu.memref_slice %arg8[%dma_start3A_16, %dma_start3A_17] : memref<100000x32xf32, #tpu.memory_space<hbm>> -> memref<100000x32xf32, #tpu.memory_space<hbm>>
      tpu.enqueue_indirect_dma source(%dma_start3A_18 : memref<100000x32xf32, #tpu.memory_space<hbm>>) target(%arg41 : memref<128x32xf32, #tpu.memory_space<vmem>>) offsets(%arg32 : memref<128xi32, #tpu.memory_space<vmem>>) semaphore(%arg59 : memref<!tpu.dma_semaphore, #tpu.memory_space<semaphore_mem>>)
      %dma_start3A_19 = arith.constant 0 : i32
      %dma_start3A_20 = arith.constant 0 : i32
      %dma_start3A_21 = tpu.memref_slice %arg9[%dma_start3A_19, %dma_start3A_20] : memref<100000x32xf32, #tpu.memory_space<hbm>> -> memref<100000x32xf32, #tpu.memory_space<hbm>>
      tpu.enqueue_indirect_dma source(%dma_start3A_21 : memref<100000x32xf32, #tpu.memory_space<hbm>>) target(%arg42 : memref<128x32xf32, #tpu.memory_space<vmem>>) offsets(%arg31 : memref<128xi32, #tpu.memory_space<vmem>>) semaphore(%arg59 : memref<!tpu.dma_semaphore, #tpu.memory_space<semaphore_mem>>)
      %dma_start3A_22 = arith.constant 0 : i32
      %dma_start3A_23 = arith.constant 0 : i32
      %dma_start3A_24 = tpu.memref_slice %arg10[%dma_start3A_22, %dma_start3A_23] : memref<1000x64xf32, #tpu.memory_space<hbm>> -> memref<1000x64xf32, #tpu.memory_space<hbm>>
      tpu.enqueue_indirect_dma source(%dma_start3A_24 : memref<1000x64xf32, #tpu.memory_space<hbm>>) target(%arg37 : memref<128x64xf32, #tpu.memory_space<vmem>>) offsets(%arg33 : memref<128xi32, #tpu.memory_space<vmem>>) semaphore(%arg59 : memref<!tpu.dma_semaphore, #tpu.memory_space<semaphore_mem>>)
      %dma_start3A_25 = arith.constant 0 : i32
      %dma_start3A_26 = arith.constant 0 : i32
      %dma_start3A_27 = tpu.memref_slice %arg11[%dma_start3A_25, %dma_start3A_26] : memref<1000x64xf32, #tpu.memory_space<hbm>> -> memref<1000x64xf32, #tpu.memory_space<hbm>>
      tpu.enqueue_indirect_dma source(%dma_start3A_27 : memref<1000x64xf32, #tpu.memory_space<hbm>>) target(%arg38 : memref<128x64xf32, #tpu.memory_space<vmem>>) offsets(%arg33 : memref<128xi32, #tpu.memory_space<vmem>>) semaphore(%arg59 : memref<!tpu.dma_semaphore, #tpu.memory_space<semaphore_mem>>)
      %dma_wait3A = arith.constant 0 : i32
      %dma_wait3A_28 = arith.constant 0 : i32
      %dma_wait3A_29 = tpu.memref_slice %arg8[%dma_wait3A, %dma_wait3A_28] : memref<100000x32xf32, #tpu.memory_space<hbm>> -> memref<100000x32xf32, #tpu.memory_space<hbm>>
      tpu.wait_indirect_dma semaphore(%arg59 : memref<!tpu.dma_semaphore, #tpu.memory_space<semaphore_mem>>) src(%dma_wait3A_29 : memref<100000x32xf32, #tpu.memory_space<hbm>>) dst(%arg39 : memref<128x32xf32, #tpu.memory_space<vmem>>)
      %dma_wait3A_30 = arith.constant 0 : i32
      %dma_wait3A_31 = arith.constant 0 : i32
      %dma_wait3A_32 = tpu.memref_slice %arg9[%dma_wait3A_30, %dma_wait3A_31] : memref<100000x32xf32, #tpu.memory_space<hbm>> -> memref<100000x32xf32, #tpu.memory_space<hbm>>
      tpu.wait_indirect_dma semaphore(%arg59 : memref<!tpu.dma_semaphore, #tpu.memory_space<semaphore_mem>>) src(%dma_wait3A_32 : memref<100000x32xf32, #tpu.memory_space<hbm>>) dst(%arg40 : memref<128x32xf32, #tpu.memory_space<vmem>>)
      %dma_wait3A_33 = arith.constant 0 : i32
      %dma_wait3A_34 = arith.constant 0 : i32
      %dma_wait3A_35 = tpu.memref_slice %arg8[%dma_wait3A_33, %dma_wait3A_34] : memref<100000x32xf32, #tpu.memory_space<hbm>> -> memref<100000x32xf32, #tpu.memory_space<hbm>>
      tpu.wait_indirect_dma semaphore(%arg59 : memref<!tpu.dma_semaphore, #tpu.memory_space<semaphore_mem>>) src(%dma_wait3A_35 : memref<100000x32xf32, #tpu.memory_space<hbm>>) dst(%arg41 : memref<128x32xf32, #tpu.memory_space<vmem>>)
      %dma_wait3A_36 = arith.constant 0 : i32
      %dma_wait3A_37 = arith.constant 0 : i32
      %dma_wait3A_38 = tpu.memref_slice %arg9[%dma_wait3A_36, %dma_wait3A_37] : memref<100000x32xf32, #tpu.memory_space<hbm>> -> memref<100000x32xf32, #tpu.memory_space<hbm>>
      tpu.wait_indirect_dma semaphore(%arg59 : memref<!tpu.dma_semaphore, #tpu.memory_space<semaphore_mem>>) src(%dma_wait3A_38 : memref<100000x32xf32, #tpu.memory_space<hbm>>) dst(%arg42 : memref<128x32xf32, #tpu.memory_space<vmem>>)
      %dma_wait3A_39 = arith.constant 0 : i32
      %dma_wait3A_40 = arith.constant 0 : i32
      %dma_wait3A_41 = tpu.memref_slice %arg10[%dma_wait3A_39, %dma_wait3A_40] : memref<1000x64xf32, #tpu.memory_space<hbm>> -> memref<1000x64xf32, #tpu.memory_space<hbm>>
      tpu.wait_indirect_dma semaphore(%arg59 : memref<!tpu.dma_semaphore, #tpu.memory_space<semaphore_mem>>) src(%dma_wait3A_41 : memref<1000x64xf32, #tpu.memory_space<hbm>>) dst(%arg37 : memref<128x64xf32, #tpu.memory_space<vmem>>)
      %dma_wait3A_42 = arith.constant 0 : i32
      %dma_wait3A_43 = arith.constant 0 : i32
      %dma_wait3A_44 = tpu.memref_slice %arg11[%dma_wait3A_42, %dma_wait3A_43] : memref<1000x64xf32, #tpu.memory_space<hbm>> -> memref<1000x64xf32, #tpu.memory_space<hbm>>
      tpu.wait_indirect_dma semaphore(%arg59 : memref<!tpu.dma_semaphore, #tpu.memory_space<semaphore_mem>>) src(%dma_wait3A_44 : memref<1000x64xf32, #tpu.memory_space<hbm>>) dst(%arg38 : memref<128x64xf32, #tpu.memory_space<vmem>>)
      %scan3A_45 = arith.constant 0 : i32
      %scan3A_46 = arith.constant 128 : i32
      %scan3A_47 = arith.addi %scan3A_45, %scan3A_46 : i32
      %scan3A_48 = arith.constant 1 : i32
      scf.for %scan3A_281 = %scan3A_45 to %scan3A_47 step %scan3A_48  : i32 {
        %get3A = arith.index_cast %scan3A_281 : i32 to index
        %get3A_282 = arith.constant 0 : index
        %get3A_283 = tpu.vector_load %arg39[%get3A, %get3A_282] {strides = array<i32>} : memref<128x32xf32, #tpu.memory_space<vmem>>, vector<1x16xf32>,
        %get3A_284 = vector.shape_cast %get3A_283 : vector<1x16xf32> to vector<16xf32>
        %get3A_285 = arith.index_cast %scan3A_281 : i32 to index
        %get3A_286 = arith.constant 0 : index
        %get3A_287 = tpu.vector_load %arg37[%get3A_285, %get3A_286] {strides = array<i32>} : memref<128x64xf32, #tpu.memory_space<vmem>>, vector<1x16xf32>,
        %get3A_288 = vector.shape_cast %get3A_287 : vector<1x16xf32> to vector<16xf32>
        %mul3A_289 = arith.mulf %get3A_284, %get3A_288 : vector<16xf32>
        %get3A_290 = arith.index_cast %scan3A_281 : i32 to index
        %get3A_291 = arith.constant 0 : index
        %get3A_292 = tpu.vector_load %arg40[%get3A_290, %get3A_291] {strides = array<i32>} : memref<128x32xf32, #tpu.memory_space<vmem>>, vector<1x16xf32>,
        %get3A_293 = vector.shape_cast %get3A_292 : vector<1x16xf32> to vector<16xf32>
        %mul3A_294 = arith.mulf %mul3A_289, %get3A_293 : vector<16xf32>
        %get3A_295 = arith.index_cast %scan3A_281 : i32 to index
        %get3A_296 = arith.constant 0 : index
        %get3A_297 = tpu.vector_load %arg41[%get3A_295, %get3A_296] {strides = array<i32>} : memref<128x32xf32, #tpu.memory_space<vmem>>, vector<1x16xf32>,
        %get3A_298 = vector.shape_cast %get3A_297 : vector<1x16xf32> to vector<16xf32>
        %get3A_299 = arith.index_cast %scan3A_281 : i32 to index
        %get3A_300 = arith.constant 0 : index
        %get3A_301 = tpu.vector_load %arg38[%get3A_299, %get3A_300] {strides = array<i32>} : memref<128x64xf32, #tpu.memory_space<vmem>>, vector<1x16xf32>,
        %get3A_302 = vector.shape_cast %get3A_301 : vector<1x16xf32> to vector<16xf32>
        %mul3A_303 = arith.mulf %get3A_298, %get3A_302 : vector<16xf32>
        %get3A_304 = arith.index_cast %scan3A_281 : i32 to index
        %get3A_305 = arith.constant 0 : index
        %get3A_306 = tpu.vector_load %arg42[%get3A_304, %get3A_305] {strides = array<i32>} : memref<128x32xf32, #tpu.memory_space<vmem>>, vector<1x16xf32>,
        %get3A_307 = vector.shape_cast %get3A_306 : vector<1x16xf32> to vector<16xf32>
        %mul3A_308 = arith.mulf %mul3A_303, %get3A_307 : vector<16xf32>
        %add3A_309 = arith.addf %mul3A_294, %mul3A_308 : vector<16xf32>
        %get3A_310 = arith.index_cast %scan3A_281 : i32 to index
        %get3A_311 = arith.constant 16 : index
        %get3A_312 = tpu.vector_load %arg39[%get3A_310, %get3A_311] {strides = array<i32>} : memref<128x32xf32, #tpu.memory_space<vmem>>, vector<1x16xf32>,
        %get3A_313 = vector.shape_cast %get3A_312 : vector<1x16xf32> to vector<16xf32>
        %get3A_314 = arith.index_cast %scan3A_281 : i32 to index
        %get3A_315 = arith.constant 16 : index
        %get3A_316 = tpu.vector_load %arg37[%get3A_314, %get3A_315] {strides = array<i32>} : memref<128x64xf32, #tpu.memory_space<vmem>>, vector<1x16xf32>,
        %get3A_317 = vector.shape_cast %get3A_316 : vector<1x16xf32> to vector<16xf32>
        %mul3A_318 = arith.mulf %get3A_313, %get3A_317 : vector<16xf32>
        %get3A_319 = arith.index_cast %scan3A_281 : i32 to index
        %get3A_320 = arith.constant 16 : index
        %get3A_321 = tpu.vector_load %arg40[%get3A_319, %get3A_320] {strides = array<i32>} : memref<128x32xf32, #tpu.memory_space<vmem>>, vector<1x16xf32>,
        %get3A_322 = vector.shape_cast %get3A_321 : vector<1x16xf32> to vector<16xf32>
        %mul3A_323 = arith.mulf %mul3A_318, %get3A_322 : vector<16xf32>
        %get3A_324 = arith.index_cast %scan3A_281 : i32 to index
        %get3A_325 = arith.constant 16 : index
        %get3A_326 = tpu.vector_load %arg41[%get3A_324, %get3A_325] {strides = array<i32>} : memref<128x32xf32, #tpu.memory_space<vmem>>, vector<1x16xf32>,
        %get3A_327 = vector.shape_cast %get3A_326 : vector<1x16xf32> to vector<16xf32>
        %get3A_328 = arith.index_cast %scan3A_281 : i32 to index
        %get3A_329 = arith.constant 16 : index
        %get3A_330 = tpu.vector_load %arg38[%get3A_328, %get3A_329] {strides = array<i32>} : memref<128x64xf32, #tpu.memory_space<vmem>>, vector<1x16xf32>,
        %get3A_331 = vector.shape_cast %get3A_330 : vector<1x16xf32> to vector<16xf32>
        %mul3A_332 = arith.mulf %get3A_327, %get3A_331 : vector<16xf32>
        %get3A_333 = arith.index_cast %scan3A_281 : i32 to index
        %get3A_334 = arith.constant 16 : index
        %get3A_335 = tpu.vector_load %arg42[%get3A_333, %get3A_334] {strides = array<i32>} : memref<128x32xf32, #tpu.memory_space<vmem>>, vector<1x16xf32>,
        %get3A_336 = vector.shape_cast %get3A_335 : vector<1x16xf32> to vector<16xf32>
        %mul3A_337 = arith.mulf %mul3A_332, %get3A_336 : vector<16xf32>
        %add3A_338 = arith.addf %mul3A_323, %mul3A_337 : vector<16xf32>
        %add3A_339 = arith.addf %add3A_309, %add3A_338 : vector<16xf32>
        %mul3A_340 = arith.constant 16 : i32
        %mul3A_341 = arith.muli %scan3A_281, %mul3A_340 : i32
        %swap3A = arith.index_cast %mul3A_341 : i32 to index
        %swap3A_342 = tpu.vector_load %arg57[%swap3A] {strides = array<i32>} : memref<2048xf32, #tpu.memory_space<vmem>>, vector<16xf32>,
        %swap3A_343 = vector.shape_cast %swap3A_342 : vector<16xf32> to vector<16xf32>
        %swap3A_344 = vector.shape_cast %add3A_339 : vector<16xf32> to vector<16xf32>
        tpu.vector_store %arg57[%swap3A], %swap3A_344 {strides = array<i32>} : memref<2048xf32, #tpu.memory_space<vmem>>, vector<16xf32>,
      }
      %scan3A_49 = arith.constant 128 : i32
      %dma_start3A_50 = arith.constant 0 : i32
      %dma_start3A_51 = arith.constant 0 : i32
      %dma_start3A_52 = tpu.memref_slice %arg12[%dma_start3A_50, %dma_start3A_51] : memref<100000x32xf32, #tpu.memory_space<hbm>> -> memref<100000x32xf32, #tpu.memory_space<hbm>>
      tpu.enqueue_indirect_dma source(%dma_start3A_52 : memref<100000x32xf32, #tpu.memory_space<hbm>>) target(%arg39 : memref<128x32xf32, #tpu.memory_space<vmem>>) offsets(%arg31 : memref<128xi32, #tpu.memory_space<vmem>>) semaphore(%arg59 : memref<!tpu.dma_semaphore, #tpu.memory_space<semaphore_mem>>)
      %dma_start3A_53 = arith.constant 0 : i32
      %dma_start3A_54 = arith.constant 0 : i32
      %dma_start3A_55 = tpu.memref_slice %arg18[%dma_start3A_53, %dma_start3A_54] : memref<100000x32xf32, #tpu.memory_space<hbm>> -> memref<100000x32xf32, #tpu.memory_space<hbm>>
      tpu.enqueue_indirect_dma source(%dma_start3A_55 : memref<100000x32xf32, #tpu.memory_space<hbm>>) target(%arg40 : memref<128x32xf32, #tpu.memory_space<vmem>>) offsets(%arg31 : memref<128xi32, #tpu.memory_space<vmem>>) semaphore(%arg59 : memref<!tpu.dma_semaphore, #tpu.memory_space<semaphore_mem>>)
      %dma_start3A_56 = arith.constant 0 : i32
      %dma_start3A_57 = arith.constant 0 : i32
      %dma_start3A_58 = tpu.memref_slice %arg24[%dma_start3A_56, %dma_start3A_57] : memref<100000x32xf32, #tpu.memory_space<hbm>> -> memref<100000x32xf32, #tpu.memory_space<hbm>>
      tpu.enqueue_indirect_dma source(%dma_start3A_58 : memref<100000x32xf32, #tpu.memory_space<hbm>>) target(%arg41 : memref<128x32xf32, #tpu.memory_space<vmem>>) offsets(%arg31 : memref<128xi32, #tpu.memory_space<vmem>>) semaphore(%arg59 : memref<!tpu.dma_semaphore, #tpu.memory_space<semaphore_mem>>)
      %dma_start3A_59 = arith.constant 0 : i32
      %dma_start3A_60 = arith.constant 0 : i32
      %dma_start3A_61 = tpu.memref_slice %arg14[%dma_start3A_59, %dma_start3A_60] : memref<100000x32xf32, #tpu.memory_space<hbm>> -> memref<100000x32xf32, #tpu.memory_space<hbm>>
      tpu.enqueue_indirect_dma source(%dma_start3A_61 : memref<100000x32xf32, #tpu.memory_space<hbm>>) target(%arg42 : memref<128x32xf32, #tpu.memory_space<vmem>>) offsets(%arg31 : memref<128xi32, #tpu.memory_space<vmem>>) semaphore(%arg59 : memref<!tpu.dma_semaphore, #tpu.memory_space<semaphore_mem>>)
      %dma_start3A_62 = arith.constant 0 : i32
      %dma_start3A_63 = arith.constant 0 : i32
      %dma_start3A_64 = tpu.memref_slice %arg20[%dma_start3A_62, %dma_start3A_63] : memref<100000x32xf32, #tpu.memory_space<hbm>> -> memref<100000x32xf32, #tpu.memory_space<hbm>>
      tpu.enqueue_indirect_dma source(%dma_start3A_64 : memref<100000x32xf32, #tpu.memory_space<hbm>>) target(%arg43 : memref<128x32xf32, #tpu.memory_space<vmem>>) offsets(%arg31 : memref<128xi32, #tpu.memory_space<vmem>>) semaphore(%arg59 : memref<!tpu.dma_semaphore, #tpu.memory_space<semaphore_mem>>)
      %dma_start3A_65 = arith.constant 0 : i32
      %dma_start3A_66 = arith.constant 0 : i32
      %dma_start3A_67 = tpu.memref_slice %arg26[%dma_start3A_65, %dma_start3A_66] : memref<100000x32xf32, #tpu.memory_space<hbm>> -> memref<100000x32xf32, #tpu.memory_space<hbm>>
      tpu.enqueue_indirect_dma source(%dma_start3A_67 : memref<100000x32xf32, #tpu.memory_space<hbm>>) target(%arg44 : memref<128x32xf32, #tpu.memory_space<vmem>>) offsets(%arg31 : memref<128xi32, #tpu.memory_space<vmem>>) semaphore(%arg59 : memref<!tpu.dma_semaphore, #tpu.memory_space<semaphore_mem>>)
      %dma_start3A_68 = arith.constant 0 : i32
      %dma_start3A_69 = arith.constant 0 : i32
      %dma_start3A_70 = tpu.memref_slice %arg16[%dma_start3A_68, %dma_start3A_69] : memref<100000x32xf32, #tpu.memory_space<hbm>> -> memref<100000x32xf32, #tpu.memory_space<hbm>>
      tpu.enqueue_indirect_dma source(%dma_start3A_70 : memref<100000x32xf32, #tpu.memory_space<hbm>>) target(%arg45 : memref<128x32xf32, #tpu.memory_space<vmem>>) offsets(%arg31 : memref<128xi32, #tpu.memory_space<vmem>>) semaphore(%arg59 : memref<!tpu.dma_semaphore, #tpu.memory_space<semaphore_mem>>)
      %dma_start3A_71 = arith.constant 0 : i32
      %dma_start3A_72 = arith.constant 0 : i32
      %dma_start3A_73 = tpu.memref_slice %arg22[%dma_start3A_71, %dma_start3A_72] : memref<100000x32xf32, #tpu.memory_space<hbm>> -> memref<100000x32xf32, #tpu.memory_space<hbm>>
      tpu.enqueue_indirect_dma source(%dma_start3A_73 : memref<100000x32xf32, #tpu.memory_space<hbm>>) target(%arg46 : memref<128x32xf32, #tpu.memory_space<vmem>>) offsets(%arg31 : memref<128xi32, #tpu.memory_space<vmem>>) semaphore(%arg59 : memref<!tpu.dma_semaphore, #tpu.memory_space<semaphore_mem>>)
      %dma_start3A_74 = arith.constant 0 : i32
      %dma_start3A_75 = arith.constant 0 : i32
      %dma_start3A_76 = tpu.memref_slice %arg28[%dma_start3A_74, %dma_start3A_75] : memref<100000x32xf32, #tpu.memory_space<hbm>> -> memref<100000x32xf32, #tpu.memory_space<hbm>>
      tpu.enqueue_indirect_dma source(%dma_start3A_76 : memref<100000x32xf32, #tpu.memory_space<hbm>>) target(%arg47 : memref<128x32xf32, #tpu.memory_space<vmem>>) offsets(%arg31 : memref<128xi32, #tpu.memory_space<vmem>>) semaphore(%arg59 : memref<!tpu.dma_semaphore, #tpu.memory_space<semaphore_mem>>)
      %dma_start3A_77 = arith.constant 0 : i32
      %dma_start3A_78 = arith.constant 0 : i32
      %dma_start3A_79 = tpu.memref_slice %arg13[%dma_start3A_77, %dma_start3A_78] : memref<100000x32xf32, #tpu.memory_space<hbm>> -> memref<100000x32xf32, #tpu.memory_space<hbm>>
      tpu.enqueue_indirect_dma source(%dma_start3A_79 : memref<100000x32xf32, #tpu.memory_space<hbm>>) target(%arg48 : memref<128x32xf32, #tpu.memory_space<vmem>>) offsets(%arg32 : memref<128xi32, #tpu.memory_space<vmem>>) semaphore(%arg59 : memref<!tpu.dma_semaphore, #tpu.memory_space<semaphore_mem>>)
      %dma_start3A_80 = arith.constant 0 : i32
      %dma_start3A_81 = arith.constant 0 : i32
      %dma_start3A_82 = tpu.memref_slice %arg19[%dma_start3A_80, %dma_start3A_81] : memref<100000x32xf32, #tpu.memory_space<hbm>> -> memref<100000x32xf32, #tpu.memory_space<hbm>>
      tpu.enqueue_indirect_dma source(%dma_start3A_82 : memref<100000x32xf32, #tpu.memory_space<hbm>>) target(%arg49 : memref<128x32xf32, #tpu.memory_space<vmem>>) offsets(%arg32 : memref<128xi32, #tpu.memory_space<vmem>>) semaphore(%arg59 : memref<!tpu.dma_semaphore, #tpu.memory_space<semaphore_mem>>)
      %dma_start3A_83 = arith.constant 0 : i32
      %dma_start3A_84 = arith.constant 0 : i32
      %dma_start3A_85 = tpu.memref_slice %arg25[%dma_start3A_83, %dma_start3A_84] : memref<100000x32xf32, #tpu.memory_space<hbm>> -> memref<100000x32xf32, #tpu.memory_space<hbm>>
      tpu.enqueue_indirect_dma source(%dma_start3A_85 : memref<100000x32xf32, #tpu.memory_space<hbm>>) target(%arg50 : memref<128x32xf32, #tpu.memory_space<vmem>>) offsets(%arg32 : memref<128xi32, #tpu.memory_space<vmem>>) semaphore(%arg59 : memref<!tpu.dma_semaphore, #tpu.memory_space<semaphore_mem>>)
      %dma_start3A_86 = arith.constant 0 : i32
      %dma_start3A_87 = arith.constant 0 : i32
      %dma_start3A_88 = tpu.memref_slice %arg15[%dma_start3A_86, %dma_start3A_87] : memref<100000x32xf32, #tpu.memory_space<hbm>> -> memref<100000x32xf32, #tpu.memory_space<hbm>>
      tpu.enqueue_indirect_dma source(%dma_start3A_88 : memref<100000x32xf32, #tpu.memory_space<hbm>>) target(%arg51 : memref<128x32xf32, #tpu.memory_space<vmem>>) offsets(%arg32 : memref<128xi32, #tpu.memory_space<vmem>>) semaphore(%arg59 : memref<!tpu.dma_semaphore, #tpu.memory_space<semaphore_mem>>)
      %dma_start3A_89 = arith.constant 0 : i32
      %dma_start3A_90 = arith.constant 0 : i32
      %dma_start3A_91 = tpu.memref_slice %arg21[%dma_start3A_89, %dma_start3A_90] : memref<100000x32xf32, #tpu.memory_space<hbm>> -> memref<100000x32xf32, #tpu.memory_space<hbm>>
      tpu.enqueue_indirect_dma source(%dma_start3A_91 : memref<100000x32xf32, #tpu.memory_space<hbm>>) target(%arg52 : memref<128x32xf32, #tpu.memory_space<vmem>>) offsets(%arg32 : memref<128xi32, #tpu.memory_space<vmem>>) semaphore(%arg59 : memref<!tpu.dma_semaphore, #tpu.memory_space<semaphore_mem>>)
      %dma_start3A_92 = arith.constant 0 : i32
      %dma_start3A_93 = arith.constant 0 : i32
      %dma_start3A_94 = tpu.memref_slice %arg27[%dma_start3A_92, %dma_start3A_93] : memref<100000x32xf32, #tpu.memory_space<hbm>> -> memref<100000x32xf32, #tpu.memory_space<hbm>>
      tpu.enqueue_indirect_dma source(%dma_start3A_94 : memref<100000x32xf32, #tpu.memory_space<hbm>>) target(%arg53 : memref<128x32xf32, #tpu.memory_space<vmem>>) offsets(%arg32 : memref<128xi32, #tpu.memory_space<vmem>>) semaphore(%arg59 : memref<!tpu.dma_semaphore, #tpu.memory_space<semaphore_mem>>)
      %dma_start3A_95 = arith.constant 0 : i32
      %dma_start3A_96 = arith.constant 0 : i32
      %dma_start3A_97 = tpu.memref_slice %arg17[%dma_start3A_95, %dma_start3A_96] : memref<100000x32xf32, #tpu.memory_space<hbm>> -> memref<100000x32xf32, #tpu.memory_space<hbm>>
      tpu.enqueue_indirect_dma source(%dma_start3A_97 : memref<100000x32xf32, #tpu.memory_space<hbm>>) target(%arg54 : memref<128x32xf32, #tpu.memory_space<vmem>>) offsets(%arg32 : memref<128xi32, #tpu.memory_space<vmem>>) semaphore(%arg59 : memref<!tpu.dma_semaphore, #tpu.memory_space<semaphore_mem>>)
      %dma_start3A_98 = arith.constant 0 : i32
      %dma_start3A_99 = arith.constant 0 : i32
      %dma_start3A_100 = tpu.memref_slice %arg23[%dma_start3A_98, %dma_start3A_99] : memref<100000x32xf32, #tpu.memory_space<hbm>> -> memref<100000x32xf32, #tpu.memory_space<hbm>>
      tpu.enqueue_indirect_dma source(%dma_start3A_100 : memref<100000x32xf32, #tpu.memory_space<hbm>>) target(%arg55 : memref<128x32xf32, #tpu.memory_space<vmem>>) offsets(%arg32 : memref<128xi32, #tpu.memory_space<vmem>>) semaphore(%arg59 : memref<!tpu.dma_semaphore, #tpu.memory_space<semaphore_mem>>)
      %dma_start3A_101 = arith.constant 0 : i32
      %dma_start3A_102 = arith.constant 0 : i32
      %dma_start3A_103 = tpu.memref_slice %arg29[%dma_start3A_101, %dma_start3A_102] : memref<100000x32xf32, #tpu.memory_space<hbm>> -> memref<100000x32xf32, #tpu.memory_space<hbm>>
      tpu.enqueue_indirect_dma source(%dma_start3A_103 : memref<100000x32xf32, #tpu.memory_space<hbm>>) target(%arg56 : memref<128x32xf32, #tpu.memory_space<vmem>>) offsets(%arg32 : memref<128xi32, #tpu.memory_space<vmem>>) semaphore(%arg59 : memref<!tpu.dma_semaphore, #tpu.memory_space<semaphore_mem>>)
      %dma_wait3A_104 = arith.constant 0 : i32
      %dma_wait3A_105 = arith.constant 0 : i32
      %dma_wait3A_106 = tpu.memref_slice %arg12[%dma_wait3A_104, %dma_wait3A_105] : memref<100000x32xf32, #tpu.memory_space<hbm>> -> memref<100000x32xf32, #tpu.memory_space<hbm>>
      tpu.wait_indirect_dma semaphore(%arg59 : memref<!tpu.dma_semaphore, #tpu.memory_space<semaphore_mem>>) src(%dma_wait3A_106 : memref<100000x32xf32, #tpu.memory_space<hbm>>) dst(%arg39 : memref<128x32xf32, #tpu.memory_space<vmem>>)
      %dma_wait3A_107 = arith.constant 0 : i32
      %dma_wait3A_108 = arith.constant 0 : i32
      %dma_wait3A_109 = tpu.memref_slice %arg18[%dma_wait3A_107, %dma_wait3A_108] : memref<100000x32xf32, #tpu.memory_space<hbm>> -> memref<100000x32xf32, #tpu.memory_space<hbm>>
      tpu.wait_indirect_dma semaphore(%arg59 : memref<!tpu.dma_semaphore, #tpu.memory_space<semaphore_mem>>) src(%dma_wait3A_109 : memref<100000x32xf32, #tpu.memory_space<hbm>>) dst(%arg40 : memref<128x32xf32, #tpu.memory_space<vmem>>)
      %dma_wait3A_110 = arith.constant 0 : i32
      %dma_wait3A_111 = arith.constant 0 : i32
      %dma_wait3A_112 = tpu.memref_slice %arg24[%dma_wait3A_110, %dma_wait3A_111] : memref<100000x32xf32, #tpu.memory_space<hbm>> -> memref<100000x32xf32, #tpu.memory_space<hbm>>
      tpu.wait_indirect_dma semaphore(%arg59 : memref<!tpu.dma_semaphore, #tpu.memory_space<semaphore_mem>>) src(%dma_wait3A_112 : memref<100000x32xf32, #tpu.memory_space<hbm>>) dst(%arg41 : memref<128x32xf32, #tpu.memory_space<vmem>>)
      %dma_wait3A_113 = arith.constant 0 : i32
      %dma_wait3A_114 = arith.constant 0 : i32
      %dma_wait3A_115 = tpu.memref_slice %arg14[%dma_wait3A_113, %dma_wait3A_114] : memref<100000x32xf32, #tpu.memory_space<hbm>> -> memref<100000x32xf32, #tpu.memory_space<hbm>>
      tpu.wait_indirect_dma semaphore(%arg59 : memref<!tpu.dma_semaphore, #tpu.memory_space<semaphore_mem>>) src(%dma_wait3A_115 : memref<100000x32xf32, #tpu.memory_space<hbm>>) dst(%arg42 : memref<128x32xf32, #tpu.memory_space<vmem>>)
      %dma_wait3A_116 = arith.constant 0 : i32
      %dma_wait3A_117 = arith.constant 0 : i32
      %dma_wait3A_118 = tpu.memref_slice %arg20[%dma_wait3A_116, %dma_wait3A_117] : memref<100000x32xf32, #tpu.memory_space<hbm>> -> memref<100000x32xf32, #tpu.memory_space<hbm>>
      tpu.wait_indirect_dma semaphore(%arg59 : memref<!tpu.dma_semaphore, #tpu.memory_space<semaphore_mem>>) src(%dma_wait3A_118 : memref<100000x32xf32, #tpu.memory_space<hbm>>) dst(%arg43 : memref<128x32xf32, #tpu.memory_space<vmem>>)
      %dma_wait3A_119 = arith.constant 0 : i32
      %dma_wait3A_120 = arith.constant 0 : i32
      %dma_wait3A_121 = tpu.memref_slice %arg26[%dma_wait3A_119, %dma_wait3A_120] : memref<100000x32xf32, #tpu.memory_space<hbm>> -> memref<100000x32xf32, #tpu.memory_space<hbm>>
      tpu.wait_indirect_dma semaphore(%arg59 : memref<!tpu.dma_semaphore, #tpu.memory_space<semaphore_mem>>) src(%dma_wait3A_121 : memref<100000x32xf32, #tpu.memory_space<hbm>>) dst(%arg44 : memref<128x32xf32, #tpu.memory_space<vmem>>)
      %dma_wait3A_122 = arith.constant 0 : i32
      %dma_wait3A_123 = arith.constant 0 : i32
      %dma_wait3A_124 = tpu.memref_slice %arg16[%dma_wait3A_122, %dma_wait3A_123] : memref<100000x32xf32, #tpu.memory_space<hbm>> -> memref<100000x32xf32, #tpu.memory_space<hbm>>
      tpu.wait_indirect_dma semaphore(%arg59 : memref<!tpu.dma_semaphore, #tpu.memory_space<semaphore_mem>>) src(%dma_wait3A_124 : memref<100000x32xf32, #tpu.memory_space<hbm>>) dst(%arg45 : memref<128x32xf32, #tpu.memory_space<vmem>>)
      %dma_wait3A_125 = arith.constant 0 : i32
      %dma_wait3A_126 = arith.constant 0 : i32
      %dma_wait3A_127 = tpu.memref_slice %arg22[%dma_wait3A_125, %dma_wait3A_126] : memref<100000x32xf32, #tpu.memory_space<hbm>> -> memref<100000x32xf32, #tpu.memory_space<hbm>>
      tpu.wait_indirect_dma semaphore(%arg59 : memref<!tpu.dma_semaphore, #tpu.memory_space<semaphore_mem>>) src(%dma_wait3A_127 : memref<100000x32xf32, #tpu.memory_space<hbm>>) dst(%arg46 : memref<128x32xf32, #tpu.memory_space<vmem>>)
      %dma_wait3A_128 = arith.constant 0 : i32
      %dma_wait3A_129 = arith.constant 0 : i32
      %dma_wait3A_130 = tpu.memref_slice %arg28[%dma_wait3A_128, %dma_wait3A_129] : memref<100000x32xf32, #tpu.memory_space<hbm>> -> memref<100000x32xf32, #tpu.memory_space<hbm>>
      tpu.wait_indirect_dma semaphore(%arg59 : memref<!tpu.dma_semaphore, #tpu.memory_space<semaphore_mem>>) src(%dma_wait3A_130 : memref<100000x32xf32, #tpu.memory_space<hbm>>) dst(%arg47 : memref<128x32xf32, #tpu.memory_space<vmem>>)
      %dma_wait3A_131 = arith.constant 0 : i32
      %dma_wait3A_132 = arith.constant 0 : i32
      %dma_wait3A_133 = tpu.memref_slice %arg13[%dma_wait3A_131, %dma_wait3A_132] : memref<100000x32xf32, #tpu.memory_space<hbm>> -> memref<100000x32xf32, #tpu.memory_space<hbm>>
      tpu.wait_indirect_dma semaphore(%arg59 : memref<!tpu.dma_semaphore, #tpu.memory_space<semaphore_mem>>) src(%dma_wait3A_133 : memref<100000x32xf32, #tpu.memory_space<hbm>>) dst(%arg48 : memref<128x32xf32, #tpu.memory_space<vmem>>)
      %dma_wait3A_134 = arith.constant 0 : i32
      %dma_wait3A_135 = arith.constant 0 : i32
      %dma_wait3A_136 = tpu.memref_slice %arg19[%dma_wait3A_134, %dma_wait3A_135] : memref<100000x32xf32, #tpu.memory_space<hbm>> -> memref<100000x32xf32, #tpu.memory_space<hbm>>
      tpu.wait_indirect_dma semaphore(%arg59 : memref<!tpu.dma_semaphore, #tpu.memory_space<semaphore_mem>>) src(%dma_wait3A_136 : memref<100000x32xf32, #tpu.memory_space<hbm>>) dst(%arg49 : memref<128x32xf32, #tpu.memory_space<vmem>>)
      %dma_wait3A_137 = arith.constant 0 : i32
      %dma_wait3A_138 = arith.constant 0 : i32
      %dma_wait3A_139 = tpu.memref_slice %arg25[%dma_wait3A_137, %dma_wait3A_138] : memref<100000x32xf32, #tpu.memory_space<hbm>> -> memref<100000x32xf32, #tpu.memory_space<hbm>>
      tpu.wait_indirect_dma semaphore(%arg59 : memref<!tpu.dma_semaphore, #tpu.memory_space<semaphore_mem>>) src(%dma_wait3A_139 : memref<100000x32xf32, #tpu.memory_space<hbm>>) dst(%arg50 : memref<128x32xf32, #tpu.memory_space<vmem>>)
      %dma_wait3A_140 = arith.constant 0 : i32
      %dma_wait3A_141 = arith.constant 0 : i32
      %dma_wait3A_142 = tpu.memref_slice %arg15[%dma_wait3A_140, %dma_wait3A_141] : memref<100000x32xf32, #tpu.memory_space<hbm>> -> memref<100000x32xf32, #tpu.memory_space<hbm>>
      tpu.wait_indirect_dma semaphore(%arg59 : memref<!tpu.dma_semaphore, #tpu.memory_space<semaphore_mem>>) src(%dma_wait3A_142 : memref<100000x32xf32, #tpu.memory_space<hbm>>) dst(%arg51 : memref<128x32xf32, #tpu.memory_space<vmem>>)
      %dma_wait3A_143 = arith.constant 0 : i32
      %dma_wait3A_144 = arith.constant 0 : i32
      %dma_wait3A_145 = tpu.memref_slice %arg21[%dma_wait3A_143, %dma_wait3A_144] : memref<100000x32xf32, #tpu.memory_space<hbm>> -> memref<100000x32xf32, #tpu.memory_space<hbm>>
      tpu.wait_indirect_dma semaphore(%arg59 : memref<!tpu.dma_semaphore, #tpu.memory_space<semaphore_mem>>) src(%dma_wait3A_145 : memref<100000x32xf32, #tpu.memory_space<hbm>>) dst(%arg52 : memref<128x32xf32, #tpu.memory_space<vmem>>)
      %dma_wait3A_146 = arith.constant 0 : i32
      %dma_wait3A_147 = arith.constant 0 : i32
      %dma_wait3A_148 = tpu.memref_slice %arg27[%dma_wait3A_146, %dma_wait3A_147] : memref<100000x32xf32, #tpu.memory_space<hbm>> -> memref<100000x32xf32, #tpu.memory_space<hbm>>
      tpu.wait_indirect_dma semaphore(%arg59 : memref<!tpu.dma_semaphore, #tpu.memory_space<semaphore_mem>>) src(%dma_wait3A_148 : memref<100000x32xf32, #tpu.memory_space<hbm>>) dst(%arg53 : memref<128x32xf32, #tpu.memory_space<vmem>>)
      %dma_wait3A_149 = arith.constant 0 : i32
      %dma_wait3A_150 = arith.constant 0 : i32
      %dma_wait3A_151 = tpu.memref_slice %arg17[%dma_wait3A_149, %dma_wait3A_150] : memref<100000x32xf32, #tpu.memory_space<hbm>> -> memref<100000x32xf32, #tpu.memory_space<hbm>>
      tpu.wait_indirect_dma semaphore(%arg59 : memref<!tpu.dma_semaphore, #tpu.memory_space<semaphore_mem>>) src(%dma_wait3A_151 : memref<100000x32xf32, #tpu.memory_space<hbm>>) dst(%arg54 : memref<128x32xf32, #tpu.memory_space<vmem>>)
      %dma_wait3A_152 = arith.constant 0 : i32
      %dma_wait3A_153 = arith.constant 0 : i32
      %dma_wait3A_154 = tpu.memref_slice %arg23[%dma_wait3A_152, %dma_wait3A_153] : memref<100000x32xf32, #tpu.memory_space<hbm>> -> memref<100000x32xf32, #tpu.memory_space<hbm>>
      tpu.wait_indirect_dma semaphore(%arg59 : memref<!tpu.dma_semaphore, #tpu.memory_space<semaphore_mem>>) src(%dma_wait3A_154 : memref<100000x32xf32, #tpu.memory_space<hbm>>) dst(%arg55 : memref<128x32xf32, #tpu.memory_space<vmem>>)
      %dma_wait3A_155 = arith.constant 0 : i32
      %dma_wait3A_156 = arith.constant 0 : i32
      %dma_wait3A_157 = tpu.memref_slice %arg29[%dma_wait3A_155, %dma_wait3A_156] : memref<100000x32xf32, #tpu.memory_space<hbm>> -> memref<100000x32xf32, #tpu.memory_space<hbm>>
      tpu.wait_indirect_dma semaphore(%arg59 : memref<!tpu.dma_semaphore, #tpu.memory_space<semaphore_mem>>) src(%dma_wait3A_157 : memref<100000x32xf32, #tpu.memory_space<hbm>>) dst(%arg56 : memref<128x32xf32, #tpu.memory_space<vmem>>)
      %scan3A_158 = arith.constant 0 : i32
      %scan3A_159 = arith.constant 128 : i32
      %scan3A_160 = arith.addi %scan3A_158, %scan3A_159 : i32
      %scan3A_161 = arith.constant 1 : i32
      scf.for %scan3A_281 = %scan3A_158 to %scan3A_160 step %scan3A_161  : i32 {
        %get3A = arith.index_cast %scan3A_281 : i32 to index
        %get3A_282 = arith.constant 0 : index
        %get3A_283 = tpu.vector_load %arg34[%get3A, %get3A_282] {strides = array<i32>} : memref<128x16xf32, #tpu.memory_space<vmem>>, vector<1x16xf32>,
        %get3A_284 = vector.shape_cast %get3A_283 : vector<1x16xf32> to vector<16xf32>
        %get3A_285 = arith.index_cast %scan3A_281 : i32 to index
        %get3A_286 = arith.constant 0 : index
        %get3A_287 = tpu.vector_load %arg35[%get3A_285, %get3A_286] {strides = array<i32>} : memref<128x16xf32, #tpu.memory_space<vmem>>, vector<1x16xf32>,
        %get3A_288 = vector.shape_cast %get3A_287 : vector<1x16xf32> to vector<16xf32>
        %get3A_289 = arith.index_cast %scan3A_281 : i32 to index
        %get3A_290 = arith.constant 0 : index
        %get3A_291 = tpu.vector_load %arg36[%get3A_289, %get3A_290] {strides = array<i32>} : memref<128x16xf32, #tpu.memory_space<vmem>>, vector<1x16xf32>,
        %get3A_292 = vector.shape_cast %get3A_291 : vector<1x16xf32> to vector<16xf32>
        %mul3A_293 = arith.constant 16 : i32
        %mul3A_294 = arith.muli %scan3A_281, %mul3A_293 : i32
        %get3A_295 = arith.index_cast %mul3A_294 : i32 to index
        %get3A_296 = tpu.vector_load %arg57[%get3A_295] {strides = array<i32>} : memref<2048xf32, #tpu.memory_space<vmem>>, vector<16xf32>,
        %get3A_297 = vector.shape_cast %get3A_296 : vector<16xf32> to vector<16xf32>
        %get3A_298 = arith.index_cast %scan3A_281 : i32 to index
        %get3A_299 = arith.constant 0 : index
        %get3A_300 = tpu.vector_load %arg41[%get3A_298, %get3A_299] {strides = array<i32>} : memref<128x32xf32, #tpu.memory_space<vmem>>, vector<1x16xf32>,
        %get3A_301 = vector.shape_cast %get3A_300 : vector<1x16xf32> to vector<16xf32>
        %get3A_302 = arith.index_cast %scan3A_281 : i32 to index
        %get3A_303 = arith.constant 0 : index
        %get3A_304 = tpu.vector_load %arg39[%get3A_302, %get3A_303] {strides = array<i32>} : memref<128x32xf32, #tpu.memory_space<vmem>>, vector<1x16xf32>,
        %get3A_305 = vector.shape_cast %get3A_304 : vector<1x16xf32> to vector<16xf32>
        %mul3A_306 = arith.mulf %get3A_305, %get3A_284 : vector<16xf32>
        %get3A_307 = arith.index_cast %scan3A_281 : i32 to index
        %get3A_308 = arith.constant 0 : index
        %get3A_309 = tpu.vector_load %arg40[%get3A_307, %get3A_308] {strides = array<i32>} : memref<128x32xf32, #tpu.memory_space<vmem>>, vector<1x16xf32>,
        %get3A_310 = vector.shape_cast %get3A_309 : vector<1x16xf32> to vector<16xf32>
        %add3A_311 = arith.addf %mul3A_306, %get3A_310 : vector<16xf32>
        %mul3A_312 = arith.constant 0.159154937 : f32
        %mul3A_313 = vector.broadcast %mul3A_312 : f32 to vector<16xf32>
        %mul3A_314 = arith.mulf %add3A_311, %mul3A_313 : vector<16xf32>
        %add3A_315 = arith.constant 0x4B400000 : f32
        %add3A_316 = vector.broadcast %add3A_315 : f32 to vector<16xf32>
        %add3A_317 = arith.addf %mul3A_314, %add3A_316 : vector<16xf32>
        %sub3A = arith.constant 0x4B400000 : f32
        %sub3A_318 = vector.broadcast %sub3A : f32 to vector<16xf32>
        %sub3A_319 = arith.subf %add3A_317, %sub3A_318 : vector<16xf32>
        %mul3A_320 = arith.constant 6.28318548 : f32
        %mul3A_321 = vector.broadcast %mul3A_320 : f32 to vector<16xf32>
        %mul3A_322 = arith.mulf %mul3A_321, %sub3A_319 : vector<16xf32>
        %sub3A_323 = arith.subf %add3A_311, %mul3A_322 : vector<16xf32>
        %mul3A_324 = arith.mulf %sub3A_323, %sub3A_323 : vector<16xf32>
        %mul3A_325 = arith.constant -2.50521079E-8 : f32
        %mul3A_326 = vector.broadcast %mul3A_325 : f32 to vector<16xf32>
        %mul3A_327 = arith.mulf %mul3A_326, %mul3A_324 : vector<16xf32>
        %add3A_328 = arith.constant 2.75573188E-6 : f32
        %add3A_329 = vector.broadcast %add3A_328 : f32 to vector<16xf32>
        %add3A_330 = arith.addf %mul3A_327, %add3A_329 : vector<16xf32>
        %mul3A_331 = arith.mulf %add3A_330, %mul3A_324 : vector<16xf32>
        %add3A_332 = arith.constant -1.98412701E-4 : f32
        %add3A_333 = vector.broadcast %add3A_332 : f32 to vector<16xf32>
        %add3A_334 = arith.addf %mul3A_331, %add3A_333 : vector<16xf32>
        %mul3A_335 = arith.mulf %add3A_334, %mul3A_324 : vector<16xf32>
        %add3A_336 = arith.constant 0.00833333377 : f32
        %add3A_337 = vector.broadcast %add3A_336 : f32 to vector<16xf32>
        %add3A_338 = arith.addf %mul3A_335, %add3A_337 : vector<16xf32>
        %mul3A_339 = arith.mulf %add3A_338, %mul3A_324 : vector<16xf32>
        %add3A_340 = arith.constant -0.166666672 : f32
        %add3A_341 = vector.broadcast %add3A_340 : f32 to vector<16xf32>
        %add3A_342 = arith.addf %mul3A_339, %add3A_341 : vector<16xf32>
        %mul3A_343 = arith.mulf %add3A_342, %mul3A_324 : vector<16xf32>
        %add3A_344 = arith.constant 1.000000e+00 : f32
        %add3A_345 = vector.broadcast %add3A_344 : f32 to vector<16xf32>
        %add3A_346 = arith.addf %mul3A_343, %add3A_345 : vector<16xf32>
        %mul3A_347 = arith.mulf %sub3A_323, %add3A_346 : vector<16xf32>
        %mul3A_348 = arith.mulf %get3A_301, %mul3A_347 : vector<16xf32>
        %get3A_349 = arith.index_cast %scan3A_281 : i32 to index
        %get3A_350 = arith.constant 0 : index
        %get3A_351 = tpu.vector_load %arg50[%get3A_349, %get3A_350] {strides = array<i32>} : memref<128x32xf32, #tpu.memory_space<vmem>>, vector<1x16xf32>,
        %get3A_352 = vector.shape_cast %get3A_351 : vector<1x16xf32> to vector<16xf32>
        %get3A_353 = arith.index_cast %scan3A_281 : i32 to index
        %get3A_354 = arith.constant 0 : index
        %get3A_355 = tpu.vector_load %arg48[%get3A_353, %get3A_354] {strides = array<i32>} : memref<128x32xf32, #tpu.memory_space<vmem>>, vector<1x16xf32>,
        %get3A_356 = vector.shape_cast %get3A_355 : vector<1x16xf32> to vector<16xf32>
        %mul3A_357 = arith.mulf %get3A_356, %get3A_284 : vector<16xf32>
        %get3A_358 = arith.index_cast %scan3A_281 : i32 to index
        %get3A_359 = arith.constant 0 : index
        %get3A_360 = tpu.vector_load %arg49[%get3A_358, %get3A_359] {strides = array<i32>} : memref<128x32xf32, #tpu.memory_space<vmem>>, vector<1x16xf32>,
        %get3A_361 = vector.shape_cast %get3A_360 : vector<1x16xf32> to vector<16xf32>
        %add3A_362 = arith.addf %mul3A_357, %get3A_361 : vector<16xf32>
        %mul3A_363 = arith.constant 0.159154937 : f32
        %mul3A_364 = vector.broadcast %mul3A_363 : f32 to vector<16xf32>
        %mul3A_365 = arith.mulf %add3A_362, %mul3A_364 : vector<16xf32>
        %add3A_366 = arith.constant 0x4B400000 : f32
        %add3A_367 = vector.broadcast %add3A_366 : f32 to vector<16xf32>
        %add3A_368 = arith.addf %mul3A_365, %add3A_367 : vector<16xf32>
        %sub3A_369 = arith.constant 0x4B400000 : f32
        %sub3A_370 = vector.broadcast %sub3A_369 : f32 to vector<16xf32>
        %sub3A_371 = arith.subf %add3A_368, %sub3A_370 : vector<16xf32>
        %mul3A_372 = arith.constant 6.28318548 : f32
        %mul3A_373 = vector.broadcast %mul3A_372 : f32 to vector<16xf32>
        %mul3A_374 = arith.mulf %mul3A_373, %sub3A_371 : vector<16xf32>
        %sub3A_375 = arith.subf %add3A_362, %mul3A_374 : vector<16xf32>
        %mul3A_376 = arith.mulf %sub3A_375, %sub3A_375 : vector<16xf32>
        %mul3A_377 = arith.constant -2.50521079E-8 : f32
        %mul3A_378 = vector.broadcast %mul3A_377 : f32 to vector<16xf32>
        %mul3A_379 = arith.mulf %mul3A_378, %mul3A_376 : vector<16xf32>
        %add3A_380 = arith.constant 2.75573188E-6 : f32
        %add3A_381 = vector.broadcast %add3A_380 : f32 to vector<16xf32>
        %add3A_382 = arith.addf %mul3A_379, %add3A_381 : vector<16xf32>
        %mul3A_383 = arith.mulf %add3A_382, %mul3A_376 : vector<16xf32>
        %add3A_384 = arith.constant -1.98412701E-4 : f32
        %add3A_385 = vector.broadcast %add3A_384 : f32 to vector<16xf32>
        %add3A_386 = arith.addf %mul3A_383, %add3A_385 : vector<16xf32>
        %mul3A_387 = arith.mulf %add3A_386, %mul3A_376 : vector<16xf32>
        %add3A_388 = arith.constant 0.00833333377 : f32
        %add3A_389 = vector.broadcast %add3A_388 : f32 to vector<16xf32>
        %add3A_390 = arith.addf %mul3A_387, %add3A_389 : vector<16xf32>
        %mul3A_391 = arith.mulf %add3A_390, %mul3A_376 : vector<16xf32>
        %add3A_392 = arith.constant -0.166666672 : f32
        %add3A_393 = vector.broadcast %add3A_392 : f32 to vector<16xf32>
        %add3A_394 = arith.addf %mul3A_391, %add3A_393 : vector<16xf32>
        %mul3A_395 = arith.mulf %add3A_394, %mul3A_376 : vector<16xf32>
        %add3A_396 = arith.constant 1.000000e+00 : f32
        %add3A_397 = vector.broadcast %add3A_396 : f32 to vector<16xf32>
        %add3A_398 = arith.addf %mul3A_395, %add3A_397 : vector<16xf32>
        %mul3A_399 = arith.mulf %sub3A_375, %add3A_398 : vector<16xf32>
        %mul3A_400 = arith.mulf %get3A_352, %mul3A_399 : vector<16xf32>
        %get3A_401 = arith.index_cast %scan3A_281 : i32 to index
        %get3A_402 = arith.constant 0 : index
        %get3A_403 = tpu.vector_load %arg44[%get3A_401, %get3A_402] {strides = array<i32>} : memref<128x32xf32, #tpu.memory_space<vmem>>, vector<1x16xf32>,
        %get3A_404 = vector.shape_cast %get3A_403 : vector<1x16xf32> to vector<16xf32>
        %get3A_405 = arith.index_cast %scan3A_281 : i32 to index
        %get3A_406 = arith.constant 0 : index
        %get3A_407 = tpu.vector_load %arg42[%get3A_405, %get3A_406] {strides = array<i32>} : memref<128x32xf32, #tpu.memory_space<vmem>>, vector<1x16xf32>,
        %get3A_408 = vector.shape_cast %get3A_407 : vector<1x16xf32> to vector<16xf32>
        %mul3A_409 = arith.mulf %get3A_408, %get3A_288 : vector<16xf32>
        %get3A_410 = arith.index_cast %scan3A_281 : i32 to index
        %get3A_411 = arith.constant 0 : index
        %get3A_412 = tpu.vector_load %arg43[%get3A_410, %get3A_411] {strides = array<i32>} : memref<128x32xf32, #tpu.memory_space<vmem>>, vector<1x16xf32>,
        %get3A_413 = vector.shape_cast %get3A_412 : vector<1x16xf32> to vector<16xf32>
        %add3A_414 = arith.addf %mul3A_409, %get3A_413 : vector<16xf32>
        %mul3A_415 = arith.constant 0.159154937 : f32
        %mul3A_416 = vector.broadcast %mul3A_415 : f32 to vector<16xf32>
        %mul3A_417 = arith.mulf %add3A_414, %mul3A_416 : vector<16xf32>
        %add3A_418 = arith.constant 0x4B400000 : f32
        %add3A_419 = vector.broadcast %add3A_418 : f32 to vector<16xf32>
        %add3A_420 = arith.addf %mul3A_417, %add3A_419 : vector<16xf32>
        %sub3A_421 = arith.constant 0x4B400000 : f32
        %sub3A_422 = vector.broadcast %sub3A_421 : f32 to vector<16xf32>
        %sub3A_423 = arith.subf %add3A_420, %sub3A_422 : vector<16xf32>
        %mul3A_424 = arith.constant 6.28318548 : f32
        %mul3A_425 = vector.broadcast %mul3A_424 : f32 to vector<16xf32>
        %mul3A_426 = arith.mulf %mul3A_425, %sub3A_423 : vector<16xf32>
        %sub3A_427 = arith.subf %add3A_414, %mul3A_426 : vector<16xf32>
        %mul3A_428 = arith.mulf %sub3A_427, %sub3A_427 : vector<16xf32>
        %mul3A_429 = arith.constant -2.50521079E-8 : f32
        %mul3A_430 = vector.broadcast %mul3A_429 : f32 to vector<16xf32>
        %mul3A_431 = arith.mulf %mul3A_430, %mul3A_428 : vector<16xf32>
        %add3A_432 = arith.constant 2.75573188E-6 : f32
        %add3A_433 = vector.broadcast %add3A_432 : f32 to vector<16xf32>
        %add3A_434 = arith.addf %mul3A_431, %add3A_433 : vector<16xf32>
        %mul3A_435 = arith.mulf %add3A_434, %mul3A_428 : vector<16xf32>
        %add3A_436 = arith.constant -1.98412701E-4 : f32
        %add3A_437 = vector.broadcast %add3A_436 : f32 to vector<16xf32>
        %add3A_438 = arith.addf %mul3A_435, %add3A_437 : vector<16xf32>
        %mul3A_439 = arith.mulf %add3A_438, %mul3A_428 : vector<16xf32>
        %add3A_440 = arith.constant 0.00833333377 : f32
        %add3A_441 = vector.broadcast %add3A_440 : f32 to vector<16xf32>
        %add3A_442 = arith.addf %mul3A_439, %add3A_441 : vector<16xf32>
        %mul3A_443 = arith.mulf %add3A_442, %mul3A_428 : vector<16xf32>
        %add3A_444 = arith.constant -0.166666672 : f32
        %add3A_445 = vector.broadcast %add3A_444 : f32 to vector<16xf32>
        %add3A_446 = arith.addf %mul3A_443, %add3A_445 : vector<16xf32>
        %mul3A_447 = arith.mulf %add3A_446, %mul3A_428 : vector<16xf32>
        %add3A_448 = arith.constant 1.000000e+00 : f32
        %add3A_449 = vector.broadcast %add3A_448 : f32 to vector<16xf32>
        %add3A_450 = arith.addf %mul3A_447, %add3A_449 : vector<16xf32>
        %mul3A_451 = arith.mulf %sub3A_427, %add3A_450 : vector<16xf32>
        %mul3A_452 = arith.mulf %get3A_404, %mul3A_451 : vector<16xf32>
        %get3A_453 = arith.index_cast %scan3A_281 : i32 to index
        %get3A_454 = arith.constant 0 : index
        %get3A_455 = tpu.vector_load %arg53[%get3A_453, %get3A_454] {strides = array<i32>} : memref<128x32xf32, #tpu.memory_space<vmem>>, vector<1x16xf32>,
        %get3A_456 = vector.shape_cast %get3A_455 : vector<1x16xf32> to vector<16xf32>
        %get3A_457 = arith.index_cast %scan3A_281 : i32 to index
        %get3A_458 = arith.constant 0 : index
        %get3A_459 = tpu.vector_load %arg51[%get3A_457, %get3A_458] {strides = array<i32>} : memref<128x32xf32, #tpu.memory_space<vmem>>, vector<1x16xf32>,
        %get3A_460 = vector.shape_cast %get3A_459 : vector<1x16xf32> to vector<16xf32>
        %mul3A_461 = arith.mulf %get3A_460, %get3A_288 : vector<16xf32>
        %get3A_462 = arith.index_cast %scan3A_281 : i32 to index
        %get3A_463 = arith.constant 0 : index
        %get3A_464 = tpu.vector_load %arg52[%get3A_462, %get3A_463] {strides = array<i32>} : memref<128x32xf32, #tpu.memory_space<vmem>>, vector<1x16xf32>,
        %get3A_465 = vector.shape_cast %get3A_464 : vector<1x16xf32> to vector<16xf32>
        %add3A_466 = arith.addf %mul3A_461, %get3A_465 : vector<16xf32>
        %mul3A_467 = arith.constant 0.159154937 : f32
        %mul3A_468 = vector.broadcast %mul3A_467 : f32 to vector<16xf32>
        %mul3A_469 = arith.mulf %add3A_466, %mul3A_468 : vector<16xf32>
        %add3A_470 = arith.constant 0x4B400000 : f32
        %add3A_471 = vector.broadcast %add3A_470 : f32 to vector<16xf32>
        %add3A_472 = arith.addf %mul3A_469, %add3A_471 : vector<16xf32>
        %sub3A_473 = arith.constant 0x4B400000 : f32
        %sub3A_474 = vector.broadcast %sub3A_473 : f32 to vector<16xf32>
        %sub3A_475 = arith.subf %add3A_472, %sub3A_474 : vector<16xf32>
        %mul3A_476 = arith.constant 6.28318548 : f32
        %mul3A_477 = vector.broadcast %mul3A_476 : f32 to vector<16xf32>
        %mul3A_478 = arith.mulf %mul3A_477, %sub3A_475 : vector<16xf32>
        %sub3A_479 = arith.subf %add3A_466, %mul3A_478 : vector<16xf32>
        %mul3A_480 = arith.mulf %sub3A_479, %sub3A_479 : vector<16xf32>
        %mul3A_481 = arith.constant -2.50521079E-8 : f32
        %mul3A_482 = vector.broadcast %mul3A_481 : f32 to vector<16xf32>
        %mul3A_483 = arith.mulf %mul3A_482, %mul3A_480 : vector<16xf32>
        %add3A_484 = arith.constant 2.75573188E-6 : f32
        %add3A_485 = vector.broadcast %add3A_484 : f32 to vector<16xf32>
        %add3A_486 = arith.addf %mul3A_483, %add3A_485 : vector<16xf32>
        %mul3A_487 = arith.mulf %add3A_486, %mul3A_480 : vector<16xf32>
        %add3A_488 = arith.constant -1.98412701E-4 : f32
        %add3A_489 = vector.broadcast %add3A_488 : f32 to vector<16xf32>
        %add3A_490 = arith.addf %mul3A_487, %add3A_489 : vector<16xf32>
        %mul3A_491 = arith.mulf %add3A_490, %mul3A_480 : vector<16xf32>
        %add3A_492 = arith.constant 0.00833333377 : f32
        %add3A_493 = vector.broadcast %add3A_492 : f32 to vector<16xf32>
        %add3A_494 = arith.addf %mul3A_491, %add3A_493 : vector<16xf32>
        %mul3A_495 = arith.mulf %add3A_494, %mul3A_480 : vector<16xf32>
        %add3A_496 = arith.constant -0.166666672 : f32
        %add3A_497 = vector.broadcast %add3A_496 : f32 to vector<16xf32>
        %add3A_498 = arith.addf %mul3A_495, %add3A_497 : vector<16xf32>
        %mul3A_499 = arith.mulf %add3A_498, %mul3A_480 : vector<16xf32>
        %add3A_500 = arith.constant 1.000000e+00 : f32
        %add3A_501 = vector.broadcast %add3A_500 : f32 to vector<16xf32>
        %add3A_502 = arith.addf %mul3A_499, %add3A_501 : vector<16xf32>
        %mul3A_503 = arith.mulf %sub3A_479, %add3A_502 : vector<16xf32>
        %mul3A_504 = arith.mulf %get3A_456, %mul3A_503 : vector<16xf32>
        %add3A_505 = arith.addf %mul3A_348, %mul3A_452 : vector<16xf32>
        %add3A_506 = arith.addf %mul3A_400, %mul3A_504 : vector<16xf32>
        %get3A_507 = arith.index_cast %scan3A_281 : i32 to index
        %get3A_508 = arith.constant 0 : index
        %get3A_509 = tpu.vector_load %arg47[%get3A_507, %get3A_508] {strides = array<i32>} : memref<128x32xf32, #tpu.memory_space<vmem>>, vector<1x16xf32>,
        %get3A_510 = vector.shape_cast %get3A_509 : vector<1x16xf32> to vector<16xf32>
        %get3A_511 = arith.index_cast %scan3A_281 : i32 to index
        %get3A_512 = arith.constant 0 : index
        %get3A_513 = tpu.vector_load %arg45[%get3A_511, %get3A_512] {strides = array<i32>} : memref<128x32xf32, #tpu.memory_space<vmem>>, vector<1x16xf32>,
        %get3A_514 = vector.shape_cast %get3A_513 : vector<1x16xf32> to vector<16xf32>
        %mul3A_515 = arith.mulf %get3A_514, %get3A_292 : vector<16xf32>
        %get3A_516 = arith.index_cast %scan3A_281 : i32 to index
        %get3A_517 = arith.constant 0 : index
        %get3A_518 = tpu.vector_load %arg46[%get3A_516, %get3A_517] {strides = array<i32>} : memref<128x32xf32, #tpu.memory_space<vmem>>, vector<1x16xf32>,
        %get3A_519 = vector.shape_cast %get3A_518 : vector<1x16xf32> to vector<16xf32>
        %add3A_520 = arith.addf %mul3A_515, %get3A_519 : vector<16xf32>
        %mul3A_521 = arith.constant 0.159154937 : f32
        %mul3A_522 = vector.broadcast %mul3A_521 : f32 to vector<16xf32>
        %mul3A_523 = arith.mulf %add3A_520, %mul3A_522 : vector<16xf32>
        %add3A_524 = arith.constant 0x4B400000 : f32
        %add3A_525 = vector.broadcast %add3A_524 : f32 to vector<16xf32>
        %add3A_526 = arith.addf %mul3A_523, %add3A_525 : vector<16xf32>
        %sub3A_527 = arith.constant 0x4B400000 : f32
        %sub3A_528 = vector.broadcast %sub3A_527 : f32 to vector<16xf32>
        %sub3A_529 = arith.subf %add3A_526, %sub3A_528 : vector<16xf32>
        %mul3A_530 = arith.constant 6.28318548 : f32
        %mul3A_531 = vector.broadcast %mul3A_530 : f32 to vector<16xf32>
        %mul3A_532 = arith.mulf %mul3A_531, %sub3A_529 : vector<16xf32>
        %sub3A_533 = arith.subf %add3A_520, %mul3A_532 : vector<16xf32>
        %mul3A_534 = arith.mulf %sub3A_533, %sub3A_533 : vector<16xf32>
        %mul3A_535 = arith.constant -2.50521079E-8 : f32
        %mul3A_536 = vector.broadcast %mul3A_535 : f32 to vector<16xf32>
        %mul3A_537 = arith.mulf %mul3A_536, %mul3A_534 : vector<16xf32>
        %add3A_538 = arith.constant 2.75573188E-6 : f32
        %add3A_539 = vector.broadcast %add3A_538 : f32 to vector<16xf32>
        %add3A_540 = arith.addf %mul3A_537, %add3A_539 : vector<16xf32>
        %mul3A_541 = arith.mulf %add3A_540, %mul3A_534 : vector<16xf32>
        %add3A_542 = arith.constant -1.98412701E-4 : f32
        %add3A_543 = vector.broadcast %add3A_542 : f32 to vector<16xf32>
        %add3A_544 = arith.addf %mul3A_541, %add3A_543 : vector<16xf32>
        %mul3A_545 = arith.mulf %add3A_544, %mul3A_534 : vector<16xf32>
        %add3A_546 = arith.constant 0.00833333377 : f32
        %add3A_547 = vector.broadcast %add3A_546 : f32 to vector<16xf32>
        %add3A_548 = arith.addf %mul3A_545, %add3A_547 : vector<16xf32>
        %mul3A_549 = arith.mulf %add3A_548, %mul3A_534 : vector<16xf32>
        %add3A_550 = arith.constant -0.166666672 : f32
        %add3A_551 = vector.broadcast %add3A_550 : f32 to vector<16xf32>
        %add3A_552 = arith.addf %mul3A_549, %add3A_551 : vector<16xf32>
        %mul3A_553 = arith.mulf %add3A_552, %mul3A_534 : vector<16xf32>
        %add3A_554 = arith.constant 1.000000e+00 : f32
        %add3A_555 = vector.broadcast %add3A_554 : f32 to vector<16xf32>
        %add3A_556 = arith.addf %mul3A_553, %add3A_555 : vector<16xf32>
        %mul3A_557 = arith.mulf %sub3A_533, %add3A_556 : vector<16xf32>
        %mul3A_558 = arith.mulf %get3A_510, %mul3A_557 : vector<16xf32>
        %get3A_559 = arith.index_cast %scan3A_281 : i32 to index
        %get3A_560 = arith.constant 0 : index
        %get3A_561 = tpu.vector_load %arg56[%get3A_559, %get3A_560] {strides = array<i32>} : memref<128x32xf32, #tpu.memory_space<vmem>>, vector<1x16xf32>,
        %get3A_562 = vector.shape_cast %get3A_561 : vector<1x16xf32> to vector<16xf32>
        %get3A_563 = arith.index_cast %scan3A_281 : i32 to index
        %get3A_564 = arith.constant 0 : index
        %get3A_565 = tpu.vector_load %arg54[%get3A_563, %get3A_564] {strides = array<i32>} : memref<128x32xf32, #tpu.memory_space<vmem>>, vector<1x16xf32>,
        %get3A_566 = vector.shape_cast %get3A_565 : vector<1x16xf32> to vector<16xf32>
        %mul3A_567 = arith.mulf %get3A_566, %get3A_292 : vector<16xf32>
        %get3A_568 = arith.index_cast %scan3A_281 : i32 to index
        %get3A_569 = arith.constant 0 : index
        %get3A_570 = tpu.vector_load %arg55[%get3A_568, %get3A_569] {strides = array<i32>} : memref<128x32xf32, #tpu.memory_space<vmem>>, vector<1x16xf32>,
        %get3A_571 = vector.shape_cast %get3A_570 : vector<1x16xf32> to vector<16xf32>
        %add3A_572 = arith.addf %mul3A_567, %get3A_571 : vector<16xf32>
        %mul3A_573 = arith.constant 0.159154937 : f32
        %mul3A_574 = vector.broadcast %mul3A_573 : f32 to vector<16xf32>
        %mul3A_575 = arith.mulf %add3A_572, %mul3A_574 : vector<16xf32>
        %add3A_576 = arith.constant 0x4B400000 : f32
        %add3A_577 = vector.broadcast %add3A_576 : f32 to vector<16xf32>
        %add3A_578 = arith.addf %mul3A_575, %add3A_577 : vector<16xf32>
        %sub3A_579 = arith.constant 0x4B400000 : f32
        %sub3A_580 = vector.broadcast %sub3A_579 : f32 to vector<16xf32>
        %sub3A_581 = arith.subf %add3A_578, %sub3A_580 : vector<16xf32>
        %mul3A_582 = arith.constant 6.28318548 : f32
        %mul3A_583 = vector.broadcast %mul3A_582 : f32 to vector<16xf32>
        %mul3A_584 = arith.mulf %mul3A_583, %sub3A_581 : vector<16xf32>
        %sub3A_585 = arith.subf %add3A_572, %mul3A_584 : vector<16xf32>
        %mul3A_586 = arith.mulf %sub3A_585, %sub3A_585 : vector<16xf32>
        %mul3A_587 = arith.constant -2.50521079E-8 : f32
        %mul3A_588 = vector.broadcast %mul3A_587 : f32 to vector<16xf32>
        %mul3A_589 = arith.mulf %mul3A_588, %mul3A_586 : vector<16xf32>
        %add3A_590 = arith.constant 2.75573188E-6 : f32
        %add3A_591 = vector.broadcast %add3A_590 : f32 to vector<16xf32>
        %add3A_592 = arith.addf %mul3A_589, %add3A_591 : vector<16xf32>
        %mul3A_593 = arith.mulf %add3A_592, %mul3A_586 : vector<16xf32>
        %add3A_594 = arith.constant -1.98412701E-4 : f32
        %add3A_595 = vector.broadcast %add3A_594 : f32 to vector<16xf32>
        %add3A_596 = arith.addf %mul3A_593, %add3A_595 : vector<16xf32>
        %mul3A_597 = arith.mulf %add3A_596, %mul3A_586 : vector<16xf32>
        %add3A_598 = arith.constant 0.00833333377 : f32
        %add3A_599 = vector.broadcast %add3A_598 : f32 to vector<16xf32>
        %add3A_600 = arith.addf %mul3A_597, %add3A_599 : vector<16xf32>
        %mul3A_601 = arith.mulf %add3A_600, %mul3A_586 : vector<16xf32>
        %add3A_602 = arith.constant -0.166666672 : f32
        %add3A_603 = vector.broadcast %add3A_602 : f32 to vector<16xf32>
        %add3A_604 = arith.addf %mul3A_601, %add3A_603 : vector<16xf32>
        %mul3A_605 = arith.mulf %add3A_604, %mul3A_586 : vector<16xf32>
        %add3A_606 = arith.constant 1.000000e+00 : f32
        %add3A_607 = vector.broadcast %add3A_606 : f32 to vector<16xf32>
        %add3A_608 = arith.addf %mul3A_605, %add3A_607 : vector<16xf32>
        %mul3A_609 = arith.mulf %sub3A_585, %add3A_608 : vector<16xf32>
        %mul3A_610 = arith.mulf %get3A_562, %mul3A_609 : vector<16xf32>
        %add3A_611 = arith.addf %add3A_505, %mul3A_558 : vector<16xf32>
        %add3A_612 = arith.addf %add3A_506, %mul3A_610 : vector<16xf32>
        %get3A_613 = arith.index_cast %scan3A_281 : i32 to index
        %get3A_614 = arith.constant 32 : index
        %get3A_615 = tpu.vector_load %arg37[%get3A_613, %get3A_614] {strides = array<i32>} : memref<128x64xf32, #tpu.memory_space<vmem>>, vector<1x16xf32>,
        %get3A_616 = vector.shape_cast %get3A_615 : vector<1x16xf32> to vector<16xf32>
        %mul3A_617 = arith.mulf %add3A_611, %get3A_616 : vector<16xf32>
        %mul3A_618 = arith.mulf %mul3A_617, %add3A_612 : vector<16xf32>
        %add3A_619 = arith.addf %get3A_297, %mul3A_618 : vector<16xf32>
        %get3A_620 = arith.index_cast %scan3A_281 : i32 to index
        %get3A_621 = arith.constant 16 : index
        %get3A_622 = tpu.vector_load %arg41[%get3A_620, %get3A_621] {strides = array<i32>} : memref<128x32xf32, #tpu.memory_space<vmem>>, vector<1x16xf32>,
        %get3A_623 = vector.shape_cast %get3A_622 : vector<1x16xf32> to vector<16xf32>
        %get3A_624 = arith.index_cast %scan3A_281 : i32 to index
        %get3A_625 = arith.constant 16 : index
        %get3A_626 = tpu.vector_load %arg39[%get3A_624, %get3A_625] {strides = array<i32>} : memref<128x32xf32, #tpu.memory_space<vmem>>, vector<1x16xf32>,
        %get3A_627 = vector.shape_cast %get3A_626 : vector<1x16xf32> to vector<16xf32>
        %mul3A_628 = arith.mulf %get3A_627, %get3A_284 : vector<16xf32>
        %get3A_629 = arith.index_cast %scan3A_281 : i32 to index
        %get3A_630 = arith.constant 16 : index
        %get3A_631 = tpu.vector_load %arg40[%get3A_629, %get3A_630] {strides = array<i32>} : memref<128x32xf32, #tpu.memory_space<vmem>>, vector<1x16xf32>,
        %get3A_632 = vector.shape_cast %get3A_631 : vector<1x16xf32> to vector<16xf32>
        %add3A_633 = arith.addf %mul3A_628, %get3A_632 : vector<16xf32>
        %mul3A_634 = arith.constant 0.159154937 : f32
        %mul3A_635 = vector.broadcast %mul3A_634 : f32 to vector<16xf32>
        %mul3A_636 = arith.mulf %add3A_633, %mul3A_635 : vector<16xf32>
        %add3A_637 = arith.constant 0x4B400000 : f32
        %add3A_638 = vector.broadcast %add3A_637 : f32 to vector<16xf32>
        %add3A_639 = arith.addf %mul3A_636, %add3A_638 : vector<16xf32>
        %sub3A_640 = arith.constant 0x4B400000 : f32
        %sub3A_641 = vector.broadcast %sub3A_640 : f32 to vector<16xf32>
        %sub3A_642 = arith.subf %add3A_639, %sub3A_641 : vector<16xf32>
        %mul3A_643 = arith.constant 6.28318548 : f32
        %mul3A_644 = vector.broadcast %mul3A_643 : f32 to vector<16xf32>
        %mul3A_645 = arith.mulf %mul3A_644, %sub3A_642 : vector<16xf32>
        %sub3A_646 = arith.subf %add3A_633, %mul3A_645 : vector<16xf32>
        %mul3A_647 = arith.mulf %sub3A_646, %sub3A_646 : vector<16xf32>
        %mul3A_648 = arith.constant -2.50521079E-8 : f32
        %mul3A_649 = vector.broadcast %mul3A_648 : f32 to vector<16xf32>
        %mul3A_650 = arith.mulf %mul3A_649, %mul3A_647 : vector<16xf32>
        %add3A_651 = arith.constant 2.75573188E-6 : f32
        %add3A_652 = vector.broadcast %add3A_651 : f32 to vector<16xf32>
        %add3A_653 = arith.addf %mul3A_650, %add3A_652 : vector<16xf32>
        %mul3A_654 = arith.mulf %add3A_653, %mul3A_647 : vector<16xf32>
        %add3A_655 = arith.constant -1.98412701E-4 : f32
        %add3A_656 = vector.broadcast %add3A_655 : f32 to vector<16xf32>
        %add3A_657 = arith.addf %mul3A_654, %add3A_656 : vector<16xf32>
        %mul3A_658 = arith.mulf %add3A_657, %mul3A_647 : vector<16xf32>
        %add3A_659 = arith.constant 0.00833333377 : f32
        %add3A_660 = vector.broadcast %add3A_659 : f32 to vector<16xf32>
        %add3A_661 = arith.addf %mul3A_658, %add3A_660 : vector<16xf32>
        %mul3A_662 = arith.mulf %add3A_661, %mul3A_647 : vector<16xf32>
        %add3A_663 = arith.constant -0.166666672 : f32
        %add3A_664 = vector.broadcast %add3A_663 : f32 to vector<16xf32>
        %add3A_665 = arith.addf %mul3A_662, %add3A_664 : vector<16xf32>
        %mul3A_666 = arith.mulf %add3A_665, %mul3A_647 : vector<16xf32>
        %add3A_667 = arith.constant 1.000000e+00 : f32
        %add3A_668 = vector.broadcast %add3A_667 : f32 to vector<16xf32>
        %add3A_669 = arith.addf %mul3A_666, %add3A_668 : vector<16xf32>
        %mul3A_670 = arith.mulf %sub3A_646, %add3A_669 : vector<16xf32>
        %mul3A_671 = arith.mulf %get3A_623, %mul3A_670 : vector<16xf32>
        %get3A_672 = arith.index_cast %scan3A_281 : i32 to index
        %get3A_673 = arith.constant 16 : index
        %get3A_674 = tpu.vector_load %arg50[%get3A_672, %get3A_673] {strides = array<i32>} : memref<128x32xf32, #tpu.memory_space<vmem>>, vector<1x16xf32>,
        %get3A_675 = vector.shape_cast %get3A_674 : vector<1x16xf32> to vector<16xf32>
        %get3A_676 = arith.index_cast %scan3A_281 : i32 to index
        %get3A_677 = arith.constant 16 : index
        %get3A_678 = tpu.vector_load %arg48[%get3A_676, %get3A_677] {strides = array<i32>} : memref<128x32xf32, #tpu.memory_space<vmem>>, vector<1x16xf32>,
        %get3A_679 = vector.shape_cast %get3A_678 : vector<1x16xf32> to vector<16xf32>
        %mul3A_680 = arith.mulf %get3A_679, %get3A_284 : vector<16xf32>
        %get3A_681 = arith.index_cast %scan3A_281 : i32 to index
        %get3A_682 = arith.constant 16 : index
        %get3A_683 = tpu.vector_load %arg49[%get3A_681, %get3A_682] {strides = array<i32>} : memref<128x32xf32, #tpu.memory_space<vmem>>, vector<1x16xf32>,
        %get3A_684 = vector.shape_cast %get3A_683 : vector<1x16xf32> to vector<16xf32>
        %add3A_685 = arith.addf %mul3A_680, %get3A_684 : vector<16xf32>
        %mul3A_686 = arith.constant 0.159154937 : f32
        %mul3A_687 = vector.broadcast %mul3A_686 : f32 to vector<16xf32>
        %mul3A_688 = arith.mulf %add3A_685, %mul3A_687 : vector<16xf32>
        %add3A_689 = arith.constant 0x4B400000 : f32
        %add3A_690 = vector.broadcast %add3A_689 : f32 to vector<16xf32>
        %add3A_691 = arith.addf %mul3A_688, %add3A_690 : vector<16xf32>
        %sub3A_692 = arith.constant 0x4B400000 : f32
        %sub3A_693 = vector.broadcast %sub3A_692 : f32 to vector<16xf32>
        %sub3A_694 = arith.subf %add3A_691, %sub3A_693 : vector<16xf32>
        %mul3A_695 = arith.constant 6.28318548 : f32
        %mul3A_696 = vector.broadcast %mul3A_695 : f32 to vector<16xf32>
        %mul3A_697 = arith.mulf %mul3A_696, %sub3A_694 : vector<16xf32>
        %sub3A_698 = arith.subf %add3A_685, %mul3A_697 : vector<16xf32>
        %mul3A_699 = arith.mulf %sub3A_698, %sub3A_698 : vector<16xf32>
        %mul3A_700 = arith.constant -2.50521079E-8 : f32
        %mul3A_701 = vector.broadcast %mul3A_700 : f32 to vector<16xf32>
        %mul3A_702 = arith.mulf %mul3A_701, %mul3A_699 : vector<16xf32>
        %add3A_703 = arith.constant 2.75573188E-6 : f32
        %add3A_704 = vector.broadcast %add3A_703 : f32 to vector<16xf32>
        %add3A_705 = arith.addf %mul3A_702, %add3A_704 : vector<16xf32>
        %mul3A_706 = arith.mulf %add3A_705, %mul3A_699 : vector<16xf32>
        %add3A_707 = arith.constant -1.98412701E-4 : f32
        %add3A_708 = vector.broadcast %add3A_707 : f32 to vector<16xf32>
        %add3A_709 = arith.addf %mul3A_706, %add3A_708 : vector<16xf32>
        %mul3A_710 = arith.mulf %add3A_709, %mul3A_699 : vector<16xf32>
        %add3A_711 = arith.constant 0.00833333377 : f32
        %add3A_712 = vector.broadcast %add3A_711 : f32 to vector<16xf32>
        %add3A_713 = arith.addf %mul3A_710, %add3A_712 : vector<16xf32>
        %mul3A_714 = arith.mulf %add3A_713, %mul3A_699 : vector<16xf32>
        %add3A_715 = arith.constant -0.166666672 : f32
        %add3A_716 = vector.broadcast %add3A_715 : f32 to vector<16xf32>
        %add3A_717 = arith.addf %mul3A_714, %add3A_716 : vector<16xf32>
        %mul3A_718 = arith.mulf %add3A_717, %mul3A_699 : vector<16xf32>
        %add3A_719 = arith.constant 1.000000e+00 : f32
        %add3A_720 = vector.broadcast %add3A_719 : f32 to vector<16xf32>
        %add3A_721 = arith.addf %mul3A_718, %add3A_720 : vector<16xf32>
        %mul3A_722 = arith.mulf %sub3A_698, %add3A_721 : vector<16xf32>
        %mul3A_723 = arith.mulf %get3A_675, %mul3A_722 : vector<16xf32>
        %get3A_724 = arith.index_cast %scan3A_281 : i32 to index
        %get3A_725 = arith.constant 16 : index
        %get3A_726 = tpu.vector_load %arg44[%get3A_724, %get3A_725] {strides = array<i32>} : memref<128x32xf32, #tpu.memory_space<vmem>>, vector<1x16xf32>,
        %get3A_727 = vector.shape_cast %get3A_726 : vector<1x16xf32> to vector<16xf32>
        %get3A_728 = arith.index_cast %scan3A_281 : i32 to index
        %get3A_729 = arith.constant 16 : index
        %get3A_730 = tpu.vector_load %arg42[%get3A_728, %get3A_729] {strides = array<i32>} : memref<128x32xf32, #tpu.memory_space<vmem>>, vector<1x16xf32>,
        %get3A_731 = vector.shape_cast %get3A_730 : vector<1x16xf32> to vector<16xf32>
        %mul3A_732 = arith.mulf %get3A_731, %get3A_288 : vector<16xf32>
        %get3A_733 = arith.index_cast %scan3A_281 : i32 to index
        %get3A_734 = arith.constant 16 : index
        %get3A_735 = tpu.vector_load %arg43[%get3A_733, %get3A_734] {strides = array<i32>} : memref<128x32xf32, #tpu.memory_space<vmem>>, vector<1x16xf32>,
        %get3A_736 = vector.shape_cast %get3A_735 : vector<1x16xf32> to vector<16xf32>
        %add3A_737 = arith.addf %mul3A_732, %get3A_736 : vector<16xf32>
        %mul3A_738 = arith.constant 0.159154937 : f32
        %mul3A_739 = vector.broadcast %mul3A_738 : f32 to vector<16xf32>
        %mul3A_740 = arith.mulf %add3A_737, %mul3A_739 : vector<16xf32>
        %add3A_741 = arith.constant 0x4B400000 : f32
        %add3A_742 = vector.broadcast %add3A_741 : f32 to vector<16xf32>
        %add3A_743 = arith.addf %mul3A_740, %add3A_742 : vector<16xf32>
        %sub3A_744 = arith.constant 0x4B400000 : f32
        %sub3A_745 = vector.broadcast %sub3A_744 : f32 to vector<16xf32>
        %sub3A_746 = arith.subf %add3A_743, %sub3A_745 : vector<16xf32>
        %mul3A_747 = arith.constant 6.28318548 : f32
        %mul3A_748 = vector.broadcast %mul3A_747 : f32 to vector<16xf32>
        %mul3A_749 = arith.mulf %mul3A_748, %sub3A_746 : vector<16xf32>
        %sub3A_750 = arith.subf %add3A_737, %mul3A_749 : vector<16xf32>
        %mul3A_751 = arith.mulf %sub3A_750, %sub3A_750 : vector<16xf32>
        %mul3A_752 = arith.constant -2.50521079E-8 : f32
        %mul3A_753 = vector.broadcast %mul3A_752 : f32 to vector<16xf32>
        %mul3A_754 = arith.mulf %mul3A_753, %mul3A_751 : vector<16xf32>
        %add3A_755 = arith.constant 2.75573188E-6 : f32
        %add3A_756 = vector.broadcast %add3A_755 : f32 to vector<16xf32>
        %add3A_757 = arith.addf %mul3A_754, %add3A_756 : vector<16xf32>
        %mul3A_758 = arith.mulf %add3A_757, %mul3A_751 : vector<16xf32>
        %add3A_759 = arith.constant -1.98412701E-4 : f32
        %add3A_760 = vector.broadcast %add3A_759 : f32 to vector<16xf32>
        %add3A_761 = arith.addf %mul3A_758, %add3A_760 : vector<16xf32>
        %mul3A_762 = arith.mulf %add3A_761, %mul3A_751 : vector<16xf32>
        %add3A_763 = arith.constant 0.00833333377 : f32
        %add3A_764 = vector.broadcast %add3A_763 : f32 to vector<16xf32>
        %add3A_765 = arith.addf %mul3A_762, %add3A_764 : vector<16xf32>
        %mul3A_766 = arith.mulf %add3A_765, %mul3A_751 : vector<16xf32>
        %add3A_767 = arith.constant -0.166666672 : f32
        %add3A_768 = vector.broadcast %add3A_767 : f32 to vector<16xf32>
        %add3A_769 = arith.addf %mul3A_766, %add3A_768 : vector<16xf32>
        %mul3A_770 = arith.mulf %add3A_769, %mul3A_751 : vector<16xf32>
        %add3A_771 = arith.constant 1.000000e+00 : f32
        %add3A_772 = vector.broadcast %add3A_771 : f32 to vector<16xf32>
        %add3A_773 = arith.addf %mul3A_770, %add3A_772 : vector<16xf32>
        %mul3A_774 = arith.mulf %sub3A_750, %add3A_773 : vector<16xf32>
        %mul3A_775 = arith.mulf %get3A_727, %mul3A_774 : vector<16xf32>
        %get3A_776 = arith.index_cast %scan3A_281 : i32 to index
        %get3A_777 = arith.constant 16 : index
        %get3A_778 = tpu.vector_load %arg53[%get3A_776, %get3A_777] {strides = array<i32>} : memref<128x32xf32, #tpu.memory_space<vmem>>, vector<1x16xf32>,
        %get3A_779 = vector.shape_cast %get3A_778 : vector<1x16xf32> to vector<16xf32>
        %get3A_780 = arith.index_cast %scan3A_281 : i32 to index
        %get3A_781 = arith.constant 16 : index
        %get3A_782 = tpu.vector_load %arg51[%get3A_780, %get3A_781] {strides = array<i32>} : memref<128x32xf32, #tpu.memory_space<vmem>>, vector<1x16xf32>,
        %get3A_783 = vector.shape_cast %get3A_782 : vector<1x16xf32> to vector<16xf32>
        %mul3A_784 = arith.mulf %get3A_783, %get3A_288 : vector<16xf32>
        %get3A_785 = arith.index_cast %scan3A_281 : i32 to index
        %get3A_786 = arith.constant 16 : index
        %get3A_787 = tpu.vector_load %arg52[%get3A_785, %get3A_786] {strides = array<i32>} : memref<128x32xf32, #tpu.memory_space<vmem>>, vector<1x16xf32>,
        %get3A_788 = vector.shape_cast %get3A_787 : vector<1x16xf32> to vector<16xf32>
        %add3A_789 = arith.addf %mul3A_784, %get3A_788 : vector<16xf32>
        %mul3A_790 = arith.constant 0.159154937 : f32
        %mul3A_791 = vector.broadcast %mul3A_790 : f32 to vector<16xf32>
        %mul3A_792 = arith.mulf %add3A_789, %mul3A_791 : vector<16xf32>
        %add3A_793 = arith.constant 0x4B400000 : f32
        %add3A_794 = vector.broadcast %add3A_793 : f32 to vector<16xf32>
        %add3A_795 = arith.addf %mul3A_792, %add3A_794 : vector<16xf32>
        %sub3A_796 = arith.constant 0x4B400000 : f32
        %sub3A_797 = vector.broadcast %sub3A_796 : f32 to vector<16xf32>
        %sub3A_798 = arith.subf %add3A_795, %sub3A_797 : vector<16xf32>
        %mul3A_799 = arith.constant 6.28318548 : f32
        %mul3A_800 = vector.broadcast %mul3A_799 : f32 to vector<16xf32>
        %mul3A_801 = arith.mulf %mul3A_800, %sub3A_798 : vector<16xf32>
        %sub3A_802 = arith.subf %add3A_789, %mul3A_801 : vector<16xf32>
        %mul3A_803 = arith.mulf %sub3A_802, %sub3A_802 : vector<16xf32>
        %mul3A_804 = arith.constant -2.50521079E-8 : f32
        %mul3A_805 = vector.broadcast %mul3A_804 : f32 to vector<16xf32>
        %mul3A_806 = arith.mulf %mul3A_805, %mul3A_803 : vector<16xf32>
        %add3A_807 = arith.constant 2.75573188E-6 : f32
        %add3A_808 = vector.broadcast %add3A_807 : f32 to vector<16xf32>
        %add3A_809 = arith.addf %mul3A_806, %add3A_808 : vector<16xf32>
        %mul3A_810 = arith.mulf %add3A_809, %mul3A_803 : vector<16xf32>
        %add3A_811 = arith.constant -1.98412701E-4 : f32
        %add3A_812 = vector.broadcast %add3A_811 : f32 to vector<16xf32>
        %add3A_813 = arith.addf %mul3A_810, %add3A_812 : vector<16xf32>
        %mul3A_814 = arith.mulf %add3A_813, %mul3A_803 : vector<16xf32>
        %add3A_815 = arith.constant 0.00833333377 : f32
        %add3A_816 = vector.broadcast %add3A_815 : f32 to vector<16xf32>
        %add3A_817 = arith.addf %mul3A_814, %add3A_816 : vector<16xf32>
        %mul3A_818 = arith.mulf %add3A_817, %mul3A_803 : vector<16xf32>
        %add3A_819 = arith.constant -0.166666672 : f32
        %add3A_820 = vector.broadcast %add3A_819 : f32 to vector<16xf32>
        %add3A_821 = arith.addf %mul3A_818, %add3A_820 : vector<16xf32>
        %mul3A_822 = arith.mulf %add3A_821, %mul3A_803 : vector<16xf32>
        %add3A_823 = arith.constant 1.000000e+00 : f32
        %add3A_824 = vector.broadcast %add3A_823 : f32 to vector<16xf32>
        %add3A_825 = arith.addf %mul3A_822, %add3A_824 : vector<16xf32>
        %mul3A_826 = arith.mulf %sub3A_802, %add3A_825 : vector<16xf32>
        %mul3A_827 = arith.mulf %get3A_779, %mul3A_826 : vector<16xf32>
        %add3A_828 = arith.addf %mul3A_671, %mul3A_775 : vector<16xf32>
        %add3A_829 = arith.addf %mul3A_723, %mul3A_827 : vector<16xf32>
        %get3A_830 = arith.index_cast %scan3A_281 : i32 to index
        %get3A_831 = arith.constant 16 : index
        %get3A_832 = tpu.vector_load %arg47[%get3A_830, %get3A_831] {strides = array<i32>} : memref<128x32xf32, #tpu.memory_space<vmem>>, vector<1x16xf32>,
        %get3A_833 = vector.shape_cast %get3A_832 : vector<1x16xf32> to vector<16xf32>
        %get3A_834 = arith.index_cast %scan3A_281 : i32 to index
        %get3A_835 = arith.constant 16 : index
        %get3A_836 = tpu.vector_load %arg45[%get3A_834, %get3A_835] {strides = array<i32>} : memref<128x32xf32, #tpu.memory_space<vmem>>, vector<1x16xf32>,
        %get3A_837 = vector.shape_cast %get3A_836 : vector<1x16xf32> to vector<16xf32>
        %mul3A_838 = arith.mulf %get3A_837, %get3A_292 : vector<16xf32>
        %get3A_839 = arith.index_cast %scan3A_281 : i32 to index
        %get3A_840 = arith.constant 16 : index
        %get3A_841 = tpu.vector_load %arg46[%get3A_839, %get3A_840] {strides = array<i32>} : memref<128x32xf32, #tpu.memory_space<vmem>>, vector<1x16xf32>,
        %get3A_842 = vector.shape_cast %get3A_841 : vector<1x16xf32> to vector<16xf32>
        %add3A_843 = arith.addf %mul3A_838, %get3A_842 : vector<16xf32>
        %mul3A_844 = arith.constant 0.159154937 : f32
        %mul3A_845 = vector.broadcast %mul3A_844 : f32 to vector<16xf32>
        %mul3A_846 = arith.mulf %add3A_843, %mul3A_845 : vector<16xf32>
        %add3A_847 = arith.constant 0x4B400000 : f32
        %add3A_848 = vector.broadcast %add3A_847 : f32 to vector<16xf32>
        %add3A_849 = arith.addf %mul3A_846, %add3A_848 : vector<16xf32>
        %sub3A_850 = arith.constant 0x4B400000 : f32
        %sub3A_851 = vector.broadcast %sub3A_850 : f32 to vector<16xf32>
        %sub3A_852 = arith.subf %add3A_849, %sub3A_851 : vector<16xf32>
        %mul3A_853 = arith.constant 6.28318548 : f32
        %mul3A_854 = vector.broadcast %mul3A_853 : f32 to vector<16xf32>
        %mul3A_855 = arith.mulf %mul3A_854, %sub3A_852 : vector<16xf32>
        %sub3A_856 = arith.subf %add3A_843, %mul3A_855 : vector<16xf32>
        %mul3A_857 = arith.mulf %sub3A_856, %sub3A_856 : vector<16xf32>
        %mul3A_858 = arith.constant -2.50521079E-8 : f32
        %mul3A_859 = vector.broadcast %mul3A_858 : f32 to vector<16xf32>
        %mul3A_860 = arith.mulf %mul3A_859, %mul3A_857 : vector<16xf32>
        %add3A_861 = arith.constant 2.75573188E-6 : f32
        %add3A_862 = vector.broadcast %add3A_861 : f32 to vector<16xf32>
        %add3A_863 = arith.addf %mul3A_860, %add3A_862 : vector<16xf32>
        %mul3A_864 = arith.mulf %add3A_863, %mul3A_857 : vector<16xf32>
        %add3A_865 = arith.constant -1.98412701E-4 : f32
        %add3A_866 = vector.broadcast %add3A_865 : f32 to vector<16xf32>
        %add3A_867 = arith.addf %mul3A_864, %add3A_866 : vector<16xf32>
        %mul3A_868 = arith.mulf %add3A_867, %mul3A_857 : vector<16xf32>
        %add3A_869 = arith.constant 0.00833333377 : f32
        %add3A_870 = vector.broadcast %add3A_869 : f32 to vector<16xf32>
        %add3A_871 = arith.addf %mul3A_868, %add3A_870 : vector<16xf32>
        %mul3A_872 = arith.mulf %add3A_871, %mul3A_857 : vector<16xf32>
        %add3A_873 = arith.constant -0.166666672 : f32
        %add3A_874 = vector.broadcast %add3A_873 : f32 to vector<16xf32>
        %add3A_875 = arith.addf %mul3A_872, %add3A_874 : vector<16xf32>
        %mul3A_876 = arith.mulf %add3A_875, %mul3A_857 : vector<16xf32>
        %add3A_877 = arith.constant 1.000000e+00 : f32
        %add3A_878 = vector.broadcast %add3A_877 : f32 to vector<16xf32>
        %add3A_879 = arith.addf %mul3A_876, %add3A_878 : vector<16xf32>
        %mul3A_880 = arith.mulf %sub3A_856, %add3A_879 : vector<16xf32>
        %mul3A_881 = arith.mulf %get3A_833, %mul3A_880 : vector<16xf32>
        %get3A_882 = arith.index_cast %scan3A_281 : i32 to index
        %get3A_883 = arith.constant 16 : index
        %get3A_884 = tpu.vector_load %arg56[%get3A_882, %get3A_883] {strides = array<i32>} : memref<128x32xf32, #tpu.memory_space<vmem>>, vector<1x16xf32>,
        %get3A_885 = vector.shape_cast %get3A_884 : vector<1x16xf32> to vector<16xf32>
        %get3A_886 = arith.index_cast %scan3A_281 : i32 to index
        %get3A_887 = arith.constant 16 : index
        %get3A_888 = tpu.vector_load %arg54[%get3A_886, %get3A_887] {strides = array<i32>} : memref<128x32xf32, #tpu.memory_space<vmem>>, vector<1x16xf32>,
        %get3A_889 = vector.shape_cast %get3A_888 : vector<1x16xf32> to vector<16xf32>
        %mul3A_890 = arith.mulf %get3A_889, %get3A_292 : vector<16xf32>
        %get3A_891 = arith.index_cast %scan3A_281 : i32 to index
        %get3A_892 = arith.constant 16 : index
        %get3A_893 = tpu.vector_load %arg55[%get3A_891, %get3A_892] {strides = array<i32>} : memref<128x32xf32, #tpu.memory_space<vmem>>, vector<1x16xf32>,
        %get3A_894 = vector.shape_cast %get3A_893 : vector<1x16xf32> to vector<16xf32>
        %add3A_895 = arith.addf %mul3A_890, %get3A_894 : vector<16xf32>
        %mul3A_896 = arith.constant 0.159154937 : f32
        %mul3A_897 = vector.broadcast %mul3A_896 : f32 to vector<16xf32>
        %mul3A_898 = arith.mulf %add3A_895, %mul3A_897 : vector<16xf32>
        %add3A_899 = arith.constant 0x4B400000 : f32
        %add3A_900 = vector.broadcast %add3A_899 : f32 to vector<16xf32>
        %add3A_901 = arith.addf %mul3A_898, %add3A_900 : vector<16xf32>
        %sub3A_902 = arith.constant 0x4B400000 : f32
        %sub3A_903 = vector.broadcast %sub3A_902 : f32 to vector<16xf32>
        %sub3A_904 = arith.subf %add3A_901, %sub3A_903 : vector<16xf32>
        %mul3A_905 = arith.constant 6.28318548 : f32
        %mul3A_906 = vector.broadcast %mul3A_905 : f32 to vector<16xf32>
        %mul3A_907 = arith.mulf %mul3A_906, %sub3A_904 : vector<16xf32>
        %sub3A_908 = arith.subf %add3A_895, %mul3A_907 : vector<16xf32>
        %mul3A_909 = arith.mulf %sub3A_908, %sub3A_908 : vector<16xf32>
        %mul3A_910 = arith.constant -2.50521079E-8 : f32
        %mul3A_911 = vector.broadcast %mul3A_910 : f32 to vector<16xf32>
        %mul3A_912 = arith.mulf %mul3A_911, %mul3A_909 : vector<16xf32>
        %add3A_913 = arith.constant 2.75573188E-6 : f32
        %add3A_914 = vector.broadcast %add3A_913 : f32 to vector<16xf32>
        %add3A_915 = arith.addf %mul3A_912, %add3A_914 : vector<16xf32>
        %mul3A_916 = arith.mulf %add3A_915, %mul3A_909 : vector<16xf32>
        %add3A_917 = arith.constant -1.98412701E-4 : f32
        %add3A_918 = vector.broadcast %add3A_917 : f32 to vector<16xf32>
        %add3A_919 = arith.addf %mul3A_916, %add3A_918 : vector<16xf32>
        %mul3A_920 = arith.mulf %add3A_919, %mul3A_909 : vector<16xf32>
        %add3A_921 = arith.constant 0.00833333377 : f32
        %add3A_922 = vector.broadcast %add3A_921 : f32 to vector<16xf32>
        %add3A_923 = arith.addf %mul3A_920, %add3A_922 : vector<16xf32>
        %mul3A_924 = arith.mulf %add3A_923, %mul3A_909 : vector<16xf32>
        %add3A_925 = arith.constant -0.166666672 : f32
        %add3A_926 = vector.broadcast %add3A_925 : f32 to vector<16xf32>
        %add3A_927 = arith.addf %mul3A_924, %add3A_926 : vector<16xf32>
        %mul3A_928 = arith.mulf %add3A_927, %mul3A_909 : vector<16xf32>
        %add3A_929 = arith.constant 1.000000e+00 : f32
        %add3A_930 = vector.broadcast %add3A_929 : f32 to vector<16xf32>
        %add3A_931 = arith.addf %mul3A_928, %add3A_930 : vector<16xf32>
        %mul3A_932 = arith.mulf %sub3A_908, %add3A_931 : vector<16xf32>
        %mul3A_933 = arith.mulf %get3A_885, %mul3A_932 : vector<16xf32>
        %add3A_934 = arith.addf %add3A_828, %mul3A_881 : vector<16xf32>
        %add3A_935 = arith.addf %add3A_829, %mul3A_933 : vector<16xf32>
        %get3A_936 = arith.index_cast %scan3A_281 : i32 to index
        %get3A_937 = arith.constant 48 : index
        %get3A_938 = tpu.vector_load %arg37[%get3A_936, %get3A_937] {strides = array<i32>} : memref<128x64xf32, #tpu.memory_space<vmem>>, vector<1x16xf32>,
        %get3A_939 = vector.shape_cast %get3A_938 : vector<1x16xf32> to vector<16xf32>
        %mul3A_940 = arith.mulf %add3A_934, %get3A_939 : vector<16xf32>
        %mul3A_941 = arith.mulf %mul3A_940, %add3A_935 : vector<16xf32>
        %add3A_942 = arith.addf %add3A_619, %mul3A_941 : vector<16xf32>
        %mul3A_943 = arith.constant 16 : i32
        %mul3A_944 = arith.muli %scan3A_281, %mul3A_943 : i32
        %swap3A = arith.index_cast %mul3A_944 : i32 to index
        %swap3A_945 = tpu.vector_load %arg57[%swap3A] {strides = array<i32>} : memref<2048xf32, #tpu.memory_space<vmem>>, vector<16xf32>,
        %swap3A_946 = vector.shape_cast %swap3A_945 : vector<16xf32> to vector<16xf32>
        %swap3A_947 = vector.shape_cast %add3A_942 : vector<16xf32> to vector<16xf32>
        tpu.vector_store %arg57[%swap3A], %swap3A_947 {strides = array<i32>} : memref<2048xf32, #tpu.memory_space<vmem>>, vector<16xf32>,
      }
      %scan3A_162 = arith.constant 128 : i32
      %dma_start3A_163 = arith.constant 0 : i32
      %dma_start3A_164 = arith.constant 0 : i32
      %dma_start3A_165 = tpu.memref_slice %arg12[%dma_start3A_163, %dma_start3A_164] : memref<100000x32xf32, #tpu.memory_space<hbm>> -> memref<100000x32xf32, #tpu.memory_space<hbm>>
      tpu.enqueue_indirect_dma source(%dma_start3A_165 : memref<100000x32xf32, #tpu.memory_space<hbm>>) target(%arg39 : memref<128x32xf32, #tpu.memory_space<vmem>>) offsets(%arg32 : memref<128xi32, #tpu.memory_space<vmem>>) semaphore(%arg59 : memref<!tpu.dma_semaphore, #tpu.memory_space<semaphore_mem>>)
      %dma_start3A_166 = arith.constant 0 : i32
      %dma_start3A_167 = arith.constant 0 : i32
      %dma_start3A_168 = tpu.memref_slice %arg18[%dma_start3A_166, %dma_start3A_167] : memref<100000x32xf32, #tpu.memory_space<hbm>> -> memref<100000x32xf32, #tpu.memory_space<hbm>>
      tpu.enqueue_indirect_dma source(%dma_start3A_168 : memref<100000x32xf32, #tpu.memory_space<hbm>>) target(%arg40 : memref<128x32xf32, #tpu.memory_space<vmem>>) offsets(%arg32 : memref<128xi32, #tpu.memory_space<vmem>>) semaphore(%arg59 : memref<!tpu.dma_semaphore, #tpu.memory_space<semaphore_mem>>)
      %dma_start3A_169 = arith.constant 0 : i32
      %dma_start3A_170 = arith.constant 0 : i32
      %dma_start3A_171 = tpu.memref_slice %arg24[%dma_start3A_169, %dma_start3A_170] : memref<100000x32xf32, #tpu.memory_space<hbm>> -> memref<100000x32xf32, #tpu.memory_space<hbm>>
      tpu.enqueue_indirect_dma source(%dma_start3A_171 : memref<100000x32xf32, #tpu.memory_space<hbm>>) target(%arg41 : memref<128x32xf32, #tpu.memory_space<vmem>>) offsets(%arg32 : memref<128xi32, #tpu.memory_space<vmem>>) semaphore(%arg59 : memref<!tpu.dma_semaphore, #tpu.memory_space<semaphore_mem>>)
      %dma_start3A_172 = arith.constant 0 : i32
      %dma_start3A_173 = arith.constant 0 : i32
      %dma_start3A_174 = tpu.memref_slice %arg14[%dma_start3A_172, %dma_start3A_173] : memref<100000x32xf32, #tpu.memory_space<hbm>> -> memref<100000x32xf32, #tpu.memory_space<hbm>>
      tpu.enqueue_indirect_dma source(%dma_start3A_174 : memref<100000x32xf32, #tpu.memory_space<hbm>>) target(%arg42 : memref<128x32xf32, #tpu.memory_space<vmem>>) offsets(%arg32 : memref<128xi32, #tpu.memory_space<vmem>>) semaphore(%arg59 : memref<!tpu.dma_semaphore, #tpu.memory_space<semaphore_mem>>)
      %dma_start3A_175 = arith.constant 0 : i32
      %dma_start3A_176 = arith.constant 0 : i32
      %dma_start3A_177 = tpu.memref_slice %arg20[%dma_start3A_175, %dma_start3A_176] : memref<100000x32xf32, #tpu.memory_space<hbm>> -> memref<100000x32xf32, #tpu.memory_space<hbm>>
      tpu.enqueue_indirect_dma source(%dma_start3A_177 : memref<100000x32xf32, #tpu.memory_space<hbm>>) target(%arg43 : memref<128x32xf32, #tpu.memory_space<vmem>>) offsets(%arg32 : memref<128xi32, #tpu.memory_space<vmem>>) semaphore(%arg59 : memref<!tpu.dma_semaphore, #tpu.memory_space<semaphore_mem>>)
      %dma_start3A_178 = arith.constant 0 : i32
      %dma_start3A_179 = arith.constant 0 : i32
      %dma_start3A_180 = tpu.memref_slice %arg26[%dma_start3A_178, %dma_start3A_179] : memref<100000x32xf32, #tpu.memory_space<hbm>> -> memref<100000x32xf32, #tpu.memory_space<hbm>>
      tpu.enqueue_indirect_dma source(%dma_start3A_180 : memref<100000x32xf32, #tpu.memory_space<hbm>>) target(%arg44 : memref<128x32xf32, #tpu.memory_space<vmem>>) offsets(%arg32 : memref<128xi32, #tpu.memory_space<vmem>>) semaphore(%arg59 : memref<!tpu.dma_semaphore, #tpu.memory_space<semaphore_mem>>)
      %dma_start3A_181 = arith.constant 0 : i32
      %dma_start3A_182 = arith.constant 0 : i32
      %dma_start3A_183 = tpu.memref_slice %arg16[%dma_start3A_181, %dma_start3A_182] : memref<100000x32xf32, #tpu.memory_space<hbm>> -> memref<100000x32xf32, #tpu.memory_space<hbm>>
      tpu.enqueue_indirect_dma source(%dma_start3A_183 : memref<100000x32xf32, #tpu.memory_space<hbm>>) target(%arg45 : memref<128x32xf32, #tpu.memory_space<vmem>>) offsets(%arg32 : memref<128xi32, #tpu.memory_space<vmem>>) semaphore(%arg59 : memref<!tpu.dma_semaphore, #tpu.memory_space<semaphore_mem>>)
      %dma_start3A_184 = arith.constant 0 : i32
      %dma_start3A_185 = arith.constant 0 : i32
      %dma_start3A_186 = tpu.memref_slice %arg22[%dma_start3A_184, %dma_start3A_185] : memref<100000x32xf32, #tpu.memory_space<hbm>> -> memref<100000x32xf32, #tpu.memory_space<hbm>>
      tpu.enqueue_indirect_dma source(%dma_start3A_186 : memref<100000x32xf32, #tpu.memory_space<hbm>>) target(%arg46 : memref<128x32xf32, #tpu.memory_space<vmem>>) offsets(%arg32 : memref<128xi32, #tpu.memory_space<vmem>>) semaphore(%arg59 : memref<!tpu.dma_semaphore, #tpu.memory_space<semaphore_mem>>)
      %dma_start3A_187 = arith.constant 0 : i32
      %dma_start3A_188 = arith.constant 0 : i32
      %dma_start3A_189 = tpu.memref_slice %arg28[%dma_start3A_187, %dma_start3A_188] : memref<100000x32xf32, #tpu.memory_space<hbm>> -> memref<100000x32xf32, #tpu.memory_space<hbm>>
      tpu.enqueue_indirect_dma source(%dma_start3A_189 : memref<100000x32xf32, #tpu.memory_space<hbm>>) target(%arg47 : memref<128x32xf32, #tpu.memory_space<vmem>>) offsets(%arg32 : memref<128xi32, #tpu.memory_space<vmem>>) semaphore(%arg59 : memref<!tpu.dma_semaphore, #tpu.memory_space<semaphore_mem>>)
      %dma_start3A_190 = arith.constant 0 : i32
      %dma_start3A_191 = arith.constant 0 : i32
      %dma_start3A_192 = tpu.memref_slice %arg13[%dma_start3A_190, %dma_start3A_191] : memref<100000x32xf32, #tpu.memory_space<hbm>> -> memref<100000x32xf32, #tpu.memory_space<hbm>>
      tpu.enqueue_indirect_dma source(%dma_start3A_192 : memref<100000x32xf32, #tpu.memory_space<hbm>>) target(%arg48 : memref<128x32xf32, #tpu.memory_space<vmem>>) offsets(%arg31 : memref<128xi32, #tpu.memory_space<vmem>>) semaphore(%arg59 : memref<!tpu.dma_semaphore, #tpu.memory_space<semaphore_mem>>)
      %dma_start3A_193 = arith.constant 0 : i32
      %dma_start3A_194 = arith.constant 0 : i32
      %dma_start3A_195 = tpu.memref_slice %arg19[%dma_start3A_193, %dma_start3A_194] : memref<100000x32xf32, #tpu.memory_space<hbm>> -> memref<100000x32xf32, #tpu.memory_space<hbm>>
      tpu.enqueue_indirect_dma source(%dma_start3A_195 : memref<100000x32xf32, #tpu.memory_space<hbm>>) target(%arg49 : memref<128x32xf32, #tpu.memory_space<vmem>>) offsets(%arg31 : memref<128xi32, #tpu.memory_space<vmem>>) semaphore(%arg59 : memref<!tpu.dma_semaphore, #tpu.memory_space<semaphore_mem>>)
      %dma_start3A_196 = arith.constant 0 : i32
      %dma_start3A_197 = arith.constant 0 : i32
      %dma_start3A_198 = tpu.memref_slice %arg25[%dma_start3A_196, %dma_start3A_197] : memref<100000x32xf32, #tpu.memory_space<hbm>> -> memref<100000x32xf32, #tpu.memory_space<hbm>>
      tpu.enqueue_indirect_dma source(%dma_start3A_198 : memref<100000x32xf32, #tpu.memory_space<hbm>>) target(%arg50 : memref<128x32xf32, #tpu.memory_space<vmem>>) offsets(%arg31 : memref<128xi32, #tpu.memory_space<vmem>>) semaphore(%arg59 : memref<!tpu.dma_semaphore, #tpu.memory_space<semaphore_mem>>)
      %dma_start3A_199 = arith.constant 0 : i32
      %dma_start3A_200 = arith.constant 0 : i32
      %dma_start3A_201 = tpu.memref_slice %arg15[%dma_start3A_199, %dma_start3A_200] : memref<100000x32xf32, #tpu.memory_space<hbm>> -> memref<100000x32xf32, #tpu.memory_space<hbm>>
      tpu.enqueue_indirect_dma source(%dma_start3A_201 : memref<100000x32xf32, #tpu.memory_space<hbm>>) target(%arg51 : memref<128x32xf32, #tpu.memory_space<vmem>>) offsets(%arg31 : memref<128xi32, #tpu.memory_space<vmem>>) semaphore(%arg59 : memref<!tpu.dma_semaphore, #tpu.memory_space<semaphore_mem>>)
      %dma_start3A_202 = arith.constant 0 : i32
      %dma_start3A_203 = arith.constant 0 : i32
      %dma_start3A_204 = tpu.memref_slice %arg21[%dma_start3A_202, %dma_start3A_203] : memref<100000x32xf32, #tpu.memory_space<hbm>> -> memref<100000x32xf32, #tpu.memory_space<hbm>>
      tpu.enqueue_indirect_dma source(%dma_start3A_204 : memref<100000x32xf32, #tpu.memory_space<hbm>>) target(%arg52 : memref<128x32xf32, #tpu.memory_space<vmem>>) offsets(%arg31 : memref<128xi32, #tpu.memory_space<vmem>>) semaphore(%arg59 : memref<!tpu.dma_semaphore, #tpu.memory_space<semaphore_mem>>)
      %dma_start3A_205 = arith.constant 0 : i32
      %dma_start3A_206 = arith.constant 0 : i32
      %dma_start3A_207 = tpu.memref_slice %arg27[%dma_start3A_205, %dma_start3A_206] : memref<100000x32xf32, #tpu.memory_space<hbm>> -> memref<100000x32xf32, #tpu.memory_space<hbm>>
      tpu.enqueue_indirect_dma source(%dma_start3A_207 : memref<100000x32xf32, #tpu.memory_space<hbm>>) target(%arg53 : memref<128x32xf32, #tpu.memory_space<vmem>>) offsets(%arg31 : memref<128xi32, #tpu.memory_space<vmem>>) semaphore(%arg59 : memref<!tpu.dma_semaphore, #tpu.memory_space<semaphore_mem>>)
      %dma_start3A_208 = arith.constant 0 : i32
      %dma_start3A_209 = arith.constant 0 : i32
      %dma_start3A_210 = tpu.memref_slice %arg17[%dma_start3A_208, %dma_start3A_209] : memref<100000x32xf32, #tpu.memory_space<hbm>> -> memref<100000x32xf32, #tpu.memory_space<hbm>>
      tpu.enqueue_indirect_dma source(%dma_start3A_210 : memref<100000x32xf32, #tpu.memory_space<hbm>>) target(%arg54 : memref<128x32xf32, #tpu.memory_space<vmem>>) offsets(%arg31 : memref<128xi32, #tpu.memory_space<vmem>>) semaphore(%arg59 : memref<!tpu.dma_semaphore, #tpu.memory_space<semaphore_mem>>)
      %dma_start3A_211 = arith.constant 0 : i32
      %dma_start3A_212 = arith.constant 0 : i32
      %dma_start3A_213 = tpu.memref_slice %arg23[%dma_start3A_211, %dma_start3A_212] : memref<100000x32xf32, #tpu.memory_space<hbm>> -> memref<100000x32xf32, #tpu.memory_space<hbm>>
      tpu.enqueue_indirect_dma source(%dma_start3A_213 : memref<100000x32xf32, #tpu.memory_space<hbm>>) target(%arg55 : memref<128x32xf32, #tpu.memory_space<vmem>>) offsets(%arg31 : memref<128xi32, #tpu.memory_space<vmem>>) semaphore(%arg59 : memref<!tpu.dma_semaphore, #tpu.memory_space<semaphore_mem>>)
      %dma_start3A_214 = arith.constant 0 : i32
      %dma_start3A_215 = arith.constant 0 : i32
      %dma_start3A_216 = tpu.memref_slice %arg29[%dma_start3A_214, %dma_start3A_215] : memref<100000x32xf32, #tpu.memory_space<hbm>> -> memref<100000x32xf32, #tpu.memory_space<hbm>>
      tpu.enqueue_indirect_dma source(%dma_start3A_216 : memref<100000x32xf32, #tpu.memory_space<hbm>>) target(%arg56 : memref<128x32xf32, #tpu.memory_space<vmem>>) offsets(%arg31 : memref<128xi32, #tpu.memory_space<vmem>>) semaphore(%arg59 : memref<!tpu.dma_semaphore, #tpu.memory_space<semaphore_mem>>)
      %dma_wait3A_217 = arith.constant 0 : i32
      %dma_wait3A_218 = arith.constant 0 : i32
      %dma_wait3A_219 = tpu.memref_slice %arg12[%dma_wait3A_217, %dma_wait3A_218] : memref<100000x32xf32, #tpu.memory_space<hbm>> -> memref<100000x32xf32, #tpu.memory_space<hbm>>
      tpu.wait_indirect_dma semaphore(%arg59 : memref<!tpu.dma_semaphore, #tpu.memory_space<semaphore_mem>>) src(%dma_wait3A_219 : memref<100000x32xf32, #tpu.memory_space<hbm>>) dst(%arg39 : memref<128x32xf32, #tpu.memory_space<vmem>>)
      %dma_wait3A_220 = arith.constant 0 : i32
      %dma_wait3A_221 = arith.constant 0 : i32
      %dma_wait3A_222 = tpu.memref_slice %arg18[%dma_wait3A_220, %dma_wait3A_221] : memref<100000x32xf32, #tpu.memory_space<hbm>> -> memref<100000x32xf32, #tpu.memory_space<hbm>>
      tpu.wait_indirect_dma semaphore(%arg59 : memref<!tpu.dma_semaphore, #tpu.memory_space<semaphore_mem>>) src(%dma_wait3A_222 : memref<100000x32xf32, #tpu.memory_space<hbm>>) dst(%arg40 : memref<128x32xf32, #tpu.memory_space<vmem>>)
      %dma_wait3A_223 = arith.constant 0 : i32
      %dma_wait3A_224 = arith.constant 0 : i32
      %dma_wait3A_225 = tpu.memref_slice %arg24[%dma_wait3A_223, %dma_wait3A_224] : memref<100000x32xf32, #tpu.memory_space<hbm>> -> memref<100000x32xf32, #tpu.memory_space<hbm>>
      tpu.wait_indirect_dma semaphore(%arg59 : memref<!tpu.dma_semaphore, #tpu.memory_space<semaphore_mem>>) src(%dma_wait3A_225 : memref<100000x32xf32, #tpu.memory_space<hbm>>) dst(%arg41 : memref<128x32xf32, #tpu.memory_space<vmem>>)
      %dma_wait3A_226 = arith.constant 0 : i32
      %dma_wait3A_227 = arith.constant 0 : i32
      %dma_wait3A_228 = tpu.memref_slice %arg14[%dma_wait3A_226, %dma_wait3A_227] : memref<100000x32xf32, #tpu.memory_space<hbm>> -> memref<100000x32xf32, #tpu.memory_space<hbm>>
      tpu.wait_indirect_dma semaphore(%arg59 : memref<!tpu.dma_semaphore, #tpu.memory_space<semaphore_mem>>) src(%dma_wait3A_228 : memref<100000x32xf32, #tpu.memory_space<hbm>>) dst(%arg42 : memref<128x32xf32, #tpu.memory_space<vmem>>)
      %dma_wait3A_229 = arith.constant 0 : i32
      %dma_wait3A_230 = arith.constant 0 : i32
      %dma_wait3A_231 = tpu.memref_slice %arg20[%dma_wait3A_229, %dma_wait3A_230] : memref<100000x32xf32, #tpu.memory_space<hbm>> -> memref<100000x32xf32, #tpu.memory_space<hbm>>
      tpu.wait_indirect_dma semaphore(%arg59 : memref<!tpu.dma_semaphore, #tpu.memory_space<semaphore_mem>>) src(%dma_wait3A_231 : memref<100000x32xf32, #tpu.memory_space<hbm>>) dst(%arg43 : memref<128x32xf32, #tpu.memory_space<vmem>>)
      %dma_wait3A_232 = arith.constant 0 : i32
      %dma_wait3A_233 = arith.constant 0 : i32
      %dma_wait3A_234 = tpu.memref_slice %arg26[%dma_wait3A_232, %dma_wait3A_233] : memref<100000x32xf32, #tpu.memory_space<hbm>> -> memref<100000x32xf32, #tpu.memory_space<hbm>>
      tpu.wait_indirect_dma semaphore(%arg59 : memref<!tpu.dma_semaphore, #tpu.memory_space<semaphore_mem>>) src(%dma_wait3A_234 : memref<100000x32xf32, #tpu.memory_space<hbm>>) dst(%arg44 : memref<128x32xf32, #tpu.memory_space<vmem>>)
      %dma_wait3A_235 = arith.constant 0 : i32
      %dma_wait3A_236 = arith.constant 0 : i32
      %dma_wait3A_237 = tpu.memref_slice %arg16[%dma_wait3A_235, %dma_wait3A_236] : memref<100000x32xf32, #tpu.memory_space<hbm>> -> memref<100000x32xf32, #tpu.memory_space<hbm>>
      tpu.wait_indirect_dma semaphore(%arg59 : memref<!tpu.dma_semaphore, #tpu.memory_space<semaphore_mem>>) src(%dma_wait3A_237 : memref<100000x32xf32, #tpu.memory_space<hbm>>) dst(%arg45 : memref<128x32xf32, #tpu.memory_space<vmem>>)
      %dma_wait3A_238 = arith.constant 0 : i32
      %dma_wait3A_239 = arith.constant 0 : i32
      %dma_wait3A_240 = tpu.memref_slice %arg22[%dma_wait3A_238, %dma_wait3A_239] : memref<100000x32xf32, #tpu.memory_space<hbm>> -> memref<100000x32xf32, #tpu.memory_space<hbm>>
      tpu.wait_indirect_dma semaphore(%arg59 : memref<!tpu.dma_semaphore, #tpu.memory_space<semaphore_mem>>) src(%dma_wait3A_240 : memref<100000x32xf32, #tpu.memory_space<hbm>>) dst(%arg46 : memref<128x32xf32, #tpu.memory_space<vmem>>)
      %dma_wait3A_241 = arith.constant 0 : i32
      %dma_wait3A_242 = arith.constant 0 : i32
      %dma_wait3A_243 = tpu.memref_slice %arg28[%dma_wait3A_241, %dma_wait3A_242] : memref<100000x32xf32, #tpu.memory_space<hbm>> -> memref<100000x32xf32, #tpu.memory_space<hbm>>
      tpu.wait_indirect_dma semaphore(%arg59 : memref<!tpu.dma_semaphore, #tpu.memory_space<semaphore_mem>>) src(%dma_wait3A_243 : memref<100000x32xf32, #tpu.memory_space<hbm>>) dst(%arg47 : memref<128x32xf32, #tpu.memory_space<vmem>>)
      %dma_wait3A_244 = arith.constant 0 : i32
      %dma_wait3A_245 = arith.constant 0 : i32
      %dma_wait3A_246 = tpu.memref_slice %arg13[%dma_wait3A_244, %dma_wait3A_245] : memref<100000x32xf32, #tpu.memory_space<hbm>> -> memref<100000x32xf32, #tpu.memory_space<hbm>>
      tpu.wait_indirect_dma semaphore(%arg59 : memref<!tpu.dma_semaphore, #tpu.memory_space<semaphore_mem>>) src(%dma_wait3A_246 : memref<100000x32xf32, #tpu.memory_space<hbm>>) dst(%arg48 : memref<128x32xf32, #tpu.memory_space<vmem>>)
      %dma_wait3A_247 = arith.constant 0 : i32
      %dma_wait3A_248 = arith.constant 0 : i32
      %dma_wait3A_249 = tpu.memref_slice %arg19[%dma_wait3A_247, %dma_wait3A_248] : memref<100000x32xf32, #tpu.memory_space<hbm>> -> memref<100000x32xf32, #tpu.memory_space<hbm>>
      tpu.wait_indirect_dma semaphore(%arg59 : memref<!tpu.dma_semaphore, #tpu.memory_space<semaphore_mem>>) src(%dma_wait3A_249 : memref<100000x32xf32, #tpu.memory_space<hbm>>) dst(%arg49 : memref<128x32xf32, #tpu.memory_space<vmem>>)
      %dma_wait3A_250 = arith.constant 0 : i32
      %dma_wait3A_251 = arith.constant 0 : i32
      %dma_wait3A_252 = tpu.memref_slice %arg25[%dma_wait3A_250, %dma_wait3A_251] : memref<100000x32xf32, #tpu.memory_space<hbm>> -> memref<100000x32xf32, #tpu.memory_space<hbm>>
      tpu.wait_indirect_dma semaphore(%arg59 : memref<!tpu.dma_semaphore, #tpu.memory_space<semaphore_mem>>) src(%dma_wait3A_252 : memref<100000x32xf32, #tpu.memory_space<hbm>>) dst(%arg50 : memref<128x32xf32, #tpu.memory_space<vmem>>)
      %dma_wait3A_253 = arith.constant 0 : i32
      %dma_wait3A_254 = arith.constant 0 : i32
      %dma_wait3A_255 = tpu.memref_slice %arg15[%dma_wait3A_253, %dma_wait3A_254] : memref<100000x32xf32, #tpu.memory_space<hbm>> -> memref<100000x32xf32, #tpu.memory_space<hbm>>
      tpu.wait_indirect_dma semaphore(%arg59 : memref<!tpu.dma_semaphore, #tpu.memory_space<semaphore_mem>>) src(%dma_wait3A_255 : memref<100000x32xf32, #tpu.memory_space<hbm>>) dst(%arg51 : memref<128x32xf32, #tpu.memory_space<vmem>>)
      %dma_wait3A_256 = arith.constant 0 : i32
      %dma_wait3A_257 = arith.constant 0 : i32
      %dma_wait3A_258 = tpu.memref_slice %arg21[%dma_wait3A_256, %dma_wait3A_257] : memref<100000x32xf32, #tpu.memory_space<hbm>> -> memref<100000x32xf32, #tpu.memory_space<hbm>>
      tpu.wait_indirect_dma semaphore(%arg59 : memref<!tpu.dma_semaphore, #tpu.memory_space<semaphore_mem>>) src(%dma_wait3A_258 : memref<100000x32xf32, #tpu.memory_space<hbm>>) dst(%arg52 : memref<128x32xf32, #tpu.memory_space<vmem>>)
      %dma_wait3A_259 = arith.constant 0 : i32
      %dma_wait3A_260 = arith.constant 0 : i32
      %dma_wait3A_261 = tpu.memref_slice %arg27[%dma_wait3A_259, %dma_wait3A_260] : memref<100000x32xf32, #tpu.memory_space<hbm>> -> memref<100000x32xf32, #tpu.memory_space<hbm>>
      tpu.wait_indirect_dma semaphore(%arg59 : memref<!tpu.dma_semaphore, #tpu.memory_space<semaphore_mem>>) src(%dma_wait3A_261 : memref<100000x32xf32, #tpu.memory_space<hbm>>) dst(%arg53 : memref<128x32xf32, #tpu.memory_space<vmem>>)
      %dma_wait3A_262 = arith.constant 0 : i32
      %dma_wait3A_263 = arith.constant 0 : i32
      %dma_wait3A_264 = tpu.memref_slice %arg17[%dma_wait3A_262, %dma_wait3A_263] : memref<100000x32xf32, #tpu.memory_space<hbm>> -> memref<100000x32xf32, #tpu.memory_space<hbm>>
      tpu.wait_indirect_dma semaphore(%arg59 : memref<!tpu.dma_semaphore, #tpu.memory_space<semaphore_mem>>) src(%dma_wait3A_264 : memref<100000x32xf32, #tpu.memory_space<hbm>>) dst(%arg54 : memref<128x32xf32, #tpu.memory_space<vmem>>)
      %dma_wait3A_265 = arith.constant 0 : i32
      %dma_wait3A_266 = arith.constant 0 : i32
      %dma_wait3A_267 = tpu.memref_slice %arg23[%dma_wait3A_265, %dma_wait3A_266] : memref<100000x32xf32, #tpu.memory_space<hbm>> -> memref<100000x32xf32, #tpu.memory_space<hbm>>
      tpu.wait_indirect_dma semaphore(%arg59 : memref<!tpu.dma_semaphore, #tpu.memory_space<semaphore_mem>>) src(%dma_wait3A_267 : memref<100000x32xf32, #tpu.memory_space<hbm>>) dst(%arg55 : memref<128x32xf32, #tpu.memory_space<vmem>>)
      %dma_wait3A_268 = arith.constant 0 : i32
      %dma_wait3A_269 = arith.constant 0 : i32
      %dma_wait3A_270 = tpu.memref_slice %arg29[%dma_wait3A_268, %dma_wait3A_269] : memref<100000x32xf32, #tpu.memory_space<hbm>> -> memref<100000x32xf32, #tpu.memory_space<hbm>>
      tpu.wait_indirect_dma semaphore(%arg59 : memref<!tpu.dma_semaphore, #tpu.memory_space<semaphore_mem>>) src(%dma_wait3A_270 : memref<100000x32xf32, #tpu.memory_space<hbm>>) dst(%arg56 : memref<128x32xf32, #tpu.memory_space<vmem>>)
      %scan3A_271 = arith.constant 0 : i32
      %scan3A_272 = arith.constant 128 : i32
      %scan3A_273 = arith.addi %scan3A_271, %scan3A_272 : i32
      %scan3A_274 = arith.constant 1 : i32
      scf.for %scan3A_281 = %scan3A_271 to %scan3A_273 step %scan3A_274  : i32 {
        %get3A = arith.index_cast %scan3A_281 : i32 to index
        %get3A_282 = arith.constant 0 : index
        %get3A_283 = tpu.vector_load %arg34[%get3A, %get3A_282] {strides = array<i32>} : memref<128x16xf32, #tpu.memory_space<vmem>>, vector<1x16xf32>,
        %get3A_284 = vector.shape_cast %get3A_283 : vector<1x16xf32> to vector<16xf32>
        %get3A_285 = arith.index_cast %scan3A_281 : i32 to index
        %get3A_286 = arith.constant 0 : index
        %get3A_287 = tpu.vector_load %arg35[%get3A_285, %get3A_286] {strides = array<i32>} : memref<128x16xf32, #tpu.memory_space<vmem>>, vector<1x16xf32>,
        %get3A_288 = vector.shape_cast %get3A_287 : vector<1x16xf32> to vector<16xf32>
        %get3A_289 = arith.index_cast %scan3A_281 : i32 to index
        %get3A_290 = arith.constant 0 : index
        %get3A_291 = tpu.vector_load %arg36[%get3A_289, %get3A_290] {strides = array<i32>} : memref<128x16xf32, #tpu.memory_space<vmem>>, vector<1x16xf32>,
        %get3A_292 = vector.shape_cast %get3A_291 : vector<1x16xf32> to vector<16xf32>
        %mul3A_293 = arith.constant 16 : i32
        %mul3A_294 = arith.muli %scan3A_281, %mul3A_293 : i32
        %get3A_295 = arith.index_cast %mul3A_294 : i32 to index
        %get3A_296 = tpu.vector_load %arg57[%get3A_295] {strides = array<i32>} : memref<2048xf32, #tpu.memory_space<vmem>>, vector<16xf32>,
        %get3A_297 = vector.shape_cast %get3A_296 : vector<16xf32> to vector<16xf32>
        %get3A_298 = arith.index_cast %scan3A_281 : i32 to index
        %get3A_299 = arith.constant 0 : index
        %get3A_300 = tpu.vector_load %arg41[%get3A_298, %get3A_299] {strides = array<i32>} : memref<128x32xf32, #tpu.memory_space<vmem>>, vector<1x16xf32>,
        %get3A_301 = vector.shape_cast %get3A_300 : vector<1x16xf32> to vector<16xf32>
        %get3A_302 = arith.index_cast %scan3A_281 : i32 to index
        %get3A_303 = arith.constant 0 : index
        %get3A_304 = tpu.vector_load %arg39[%get3A_302, %get3A_303] {strides = array<i32>} : memref<128x32xf32, #tpu.memory_space<vmem>>, vector<1x16xf32>,
        %get3A_305 = vector.shape_cast %get3A_304 : vector<1x16xf32> to vector<16xf32>
        %mul3A_306 = arith.mulf %get3A_305, %get3A_284 : vector<16xf32>
        %get3A_307 = arith.index_cast %scan3A_281 : i32 to index
        %get3A_308 = arith.constant 0 : index
        %get3A_309 = tpu.vector_load %arg40[%get3A_307, %get3A_308] {strides = array<i32>} : memref<128x32xf32, #tpu.memory_space<vmem>>, vector<1x16xf32>,
        %get3A_310 = vector.shape_cast %get3A_309 : vector<1x16xf32> to vector<16xf32>
        %add3A_311 = arith.addf %mul3A_306, %get3A_310 : vector<16xf32>
        %mul3A_312 = arith.constant 0.159154937 : f32
        %mul3A_313 = vector.broadcast %mul3A_312 : f32 to vector<16xf32>
        %mul3A_314 = arith.mulf %add3A_311, %mul3A_313 : vector<16xf32>
        %add3A_315 = arith.constant 0x4B400000 : f32
        %add3A_316 = vector.broadcast %add3A_315 : f32 to vector<16xf32>
        %add3A_317 = arith.addf %mul3A_314, %add3A_316 : vector<16xf32>
        %sub3A = arith.constant 0x4B400000 : f32
        %sub3A_318 = vector.broadcast %sub3A : f32 to vector<16xf32>
        %sub3A_319 = arith.subf %add3A_317, %sub3A_318 : vector<16xf32>
        %mul3A_320 = arith.constant 6.28318548 : f32
        %mul3A_321 = vector.broadcast %mul3A_320 : f32 to vector<16xf32>
        %mul3A_322 = arith.mulf %mul3A_321, %sub3A_319 : vector<16xf32>
        %sub3A_323 = arith.subf %add3A_311, %mul3A_322 : vector<16xf32>
        %mul3A_324 = arith.mulf %sub3A_323, %sub3A_323 : vector<16xf32>
        %mul3A_325 = arith.constant -2.50521079E-8 : f32
        %mul3A_326 = vector.broadcast %mul3A_325 : f32 to vector<16xf32>
        %mul3A_327 = arith.mulf %mul3A_326, %mul3A_324 : vector<16xf32>
        %add3A_328 = arith.constant 2.75573188E-6 : f32
        %add3A_329 = vector.broadcast %add3A_328 : f32 to vector<16xf32>
        %add3A_330 = arith.addf %mul3A_327, %add3A_329 : vector<16xf32>
        %mul3A_331 = arith.mulf %add3A_330, %mul3A_324 : vector<16xf32>
        %add3A_332 = arith.constant -1.98412701E-4 : f32
        %add3A_333 = vector.broadcast %add3A_332 : f32 to vector<16xf32>
        %add3A_334 = arith.addf %mul3A_331, %add3A_333 : vector<16xf32>
        %mul3A_335 = arith.mulf %add3A_334, %mul3A_324 : vector<16xf32>
        %add3A_336 = arith.constant 0.00833333377 : f32
        %add3A_337 = vector.broadcast %add3A_336 : f32 to vector<16xf32>
        %add3A_338 = arith.addf %mul3A_335, %add3A_337 : vector<16xf32>
        %mul3A_339 = arith.mulf %add3A_338, %mul3A_324 : vector<16xf32>
        %add3A_340 = arith.constant -0.166666672 : f32
        %add3A_341 = vector.broadcast %add3A_340 : f32 to vector<16xf32>
        %add3A_342 = arith.addf %mul3A_339, %add3A_341 : vector<16xf32>
        %mul3A_343 = arith.mulf %add3A_342, %mul3A_324 : vector<16xf32>
        %add3A_344 = arith.constant 1.000000e+00 : f32
        %add3A_345 = vector.broadcast %add3A_344 : f32 to vector<16xf32>
        %add3A_346 = arith.addf %mul3A_343, %add3A_345 : vector<16xf32>
        %mul3A_347 = arith.mulf %sub3A_323, %add3A_346 : vector<16xf32>
        %mul3A_348 = arith.mulf %get3A_301, %mul3A_347 : vector<16xf32>
        %get3A_349 = arith.index_cast %scan3A_281 : i32 to index
        %get3A_350 = arith.constant 0 : index
        %get3A_351 = tpu.vector_load %arg50[%get3A_349, %get3A_350] {strides = array<i32>} : memref<128x32xf32, #tpu.memory_space<vmem>>, vector<1x16xf32>,
        %get3A_352 = vector.shape_cast %get3A_351 : vector<1x16xf32> to vector<16xf32>
        %get3A_353 = arith.index_cast %scan3A_281 : i32 to index
        %get3A_354 = arith.constant 0 : index
        %get3A_355 = tpu.vector_load %arg48[%get3A_353, %get3A_354] {strides = array<i32>} : memref<128x32xf32, #tpu.memory_space<vmem>>, vector<1x16xf32>,
        %get3A_356 = vector.shape_cast %get3A_355 : vector<1x16xf32> to vector<16xf32>
        %mul3A_357 = arith.mulf %get3A_356, %get3A_284 : vector<16xf32>
        %get3A_358 = arith.index_cast %scan3A_281 : i32 to index
        %get3A_359 = arith.constant 0 : index
        %get3A_360 = tpu.vector_load %arg49[%get3A_358, %get3A_359] {strides = array<i32>} : memref<128x32xf32, #tpu.memory_space<vmem>>, vector<1x16xf32>,
        %get3A_361 = vector.shape_cast %get3A_360 : vector<1x16xf32> to vector<16xf32>
        %add3A_362 = arith.addf %mul3A_357, %get3A_361 : vector<16xf32>
        %mul3A_363 = arith.constant 0.159154937 : f32
        %mul3A_364 = vector.broadcast %mul3A_363 : f32 to vector<16xf32>
        %mul3A_365 = arith.mulf %add3A_362, %mul3A_364 : vector<16xf32>
        %add3A_366 = arith.constant 0x4B400000 : f32
        %add3A_367 = vector.broadcast %add3A_366 : f32 to vector<16xf32>
        %add3A_368 = arith.addf %mul3A_365, %add3A_367 : vector<16xf32>
        %sub3A_369 = arith.constant 0x4B400000 : f32
        %sub3A_370 = vector.broadcast %sub3A_369 : f32 to vector<16xf32>
        %sub3A_371 = arith.subf %add3A_368, %sub3A_370 : vector<16xf32>
        %mul3A_372 = arith.constant 6.28318548 : f32
        %mul3A_373 = vector.broadcast %mul3A_372 : f32 to vector<16xf32>
        %mul3A_374 = arith.mulf %mul3A_373, %sub3A_371 : vector<16xf32>
        %sub3A_375 = arith.subf %add3A_362, %mul3A_374 : vector<16xf32>
        %mul3A_376 = arith.mulf %sub3A_375, %sub3A_375 : vector<16xf32>
        %mul3A_377 = arith.constant -2.50521079E-8 : f32
        %mul3A_378 = vector.broadcast %mul3A_377 : f32 to vector<16xf32>
        %mul3A_379 = arith.mulf %mul3A_378, %mul3A_376 : vector<16xf32>
        %add3A_380 = arith.constant 2.75573188E-6 : f32
        %add3A_381 = vector.broadcast %add3A_380 : f32 to vector<16xf32>
        %add3A_382 = arith.addf %mul3A_379, %add3A_381 : vector<16xf32>
        %mul3A_383 = arith.mulf %add3A_382, %mul3A_376 : vector<16xf32>
        %add3A_384 = arith.constant -1.98412701E-4 : f32
        %add3A_385 = vector.broadcast %add3A_384 : f32 to vector<16xf32>
        %add3A_386 = arith.addf %mul3A_383, %add3A_385 : vector<16xf32>
        %mul3A_387 = arith.mulf %add3A_386, %mul3A_376 : vector<16xf32>
        %add3A_388 = arith.constant 0.00833333377 : f32
        %add3A_389 = vector.broadcast %add3A_388 : f32 to vector<16xf32>
        %add3A_390 = arith.addf %mul3A_387, %add3A_389 : vector<16xf32>
        %mul3A_391 = arith.mulf %add3A_390, %mul3A_376 : vector<16xf32>
        %add3A_392 = arith.constant -0.166666672 : f32
        %add3A_393 = vector.broadcast %add3A_392 : f32 to vector<16xf32>
        %add3A_394 = arith.addf %mul3A_391, %add3A_393 : vector<16xf32>
        %mul3A_395 = arith.mulf %add3A_394, %mul3A_376 : vector<16xf32>
        %add3A_396 = arith.constant 1.000000e+00 : f32
        %add3A_397 = vector.broadcast %add3A_396 : f32 to vector<16xf32>
        %add3A_398 = arith.addf %mul3A_395, %add3A_397 : vector<16xf32>
        %mul3A_399 = arith.mulf %sub3A_375, %add3A_398 : vector<16xf32>
        %mul3A_400 = arith.mulf %get3A_352, %mul3A_399 : vector<16xf32>
        %get3A_401 = arith.index_cast %scan3A_281 : i32 to index
        %get3A_402 = arith.constant 0 : index
        %get3A_403 = tpu.vector_load %arg44[%get3A_401, %get3A_402] {strides = array<i32>} : memref<128x32xf32, #tpu.memory_space<vmem>>, vector<1x16xf32>,
        %get3A_404 = vector.shape_cast %get3A_403 : vector<1x16xf32> to vector<16xf32>
        %get3A_405 = arith.index_cast %scan3A_281 : i32 to index
        %get3A_406 = arith.constant 0 : index
        %get3A_407 = tpu.vector_load %arg42[%get3A_405, %get3A_406] {strides = array<i32>} : memref<128x32xf32, #tpu.memory_space<vmem>>, vector<1x16xf32>,
        %get3A_408 = vector.shape_cast %get3A_407 : vector<1x16xf32> to vector<16xf32>
        %mul3A_409 = arith.mulf %get3A_408, %get3A_288 : vector<16xf32>
        %get3A_410 = arith.index_cast %scan3A_281 : i32 to index
        %get3A_411 = arith.constant 0 : index
        %get3A_412 = tpu.vector_load %arg43[%get3A_410, %get3A_411] {strides = array<i32>} : memref<128x32xf32, #tpu.memory_space<vmem>>, vector<1x16xf32>,
        %get3A_413 = vector.shape_cast %get3A_412 : vector<1x16xf32> to vector<16xf32>
        %add3A_414 = arith.addf %mul3A_409, %get3A_413 : vector<16xf32>
        %mul3A_415 = arith.constant 0.159154937 : f32
        %mul3A_416 = vector.broadcast %mul3A_415 : f32 to vector<16xf32>
        %mul3A_417 = arith.mulf %add3A_414, %mul3A_416 : vector<16xf32>
        %add3A_418 = arith.constant 0x4B400000 : f32
        %add3A_419 = vector.broadcast %add3A_418 : f32 to vector<16xf32>
        %add3A_420 = arith.addf %mul3A_417, %add3A_419 : vector<16xf32>
        %sub3A_421 = arith.constant 0x4B400000 : f32
        %sub3A_422 = vector.broadcast %sub3A_421 : f32 to vector<16xf32>
        %sub3A_423 = arith.subf %add3A_420, %sub3A_422 : vector<16xf32>
        %mul3A_424 = arith.constant 6.28318548 : f32
        %mul3A_425 = vector.broadcast %mul3A_424 : f32 to vector<16xf32>
        %mul3A_426 = arith.mulf %mul3A_425, %sub3A_423 : vector<16xf32>
        %sub3A_427 = arith.subf %add3A_414, %mul3A_426 : vector<16xf32>
        %mul3A_428 = arith.mulf %sub3A_427, %sub3A_427 : vector<16xf32>
        %mul3A_429 = arith.constant -2.50521079E-8 : f32
        %mul3A_430 = vector.broadcast %mul3A_429 : f32 to vector<16xf32>
        %mul3A_431 = arith.mulf %mul3A_430, %mul3A_428 : vector<16xf32>
        %add3A_432 = arith.constant 2.75573188E-6 : f32
        %add3A_433 = vector.broadcast %add3A_432 : f32 to vector<16xf32>
        %add3A_434 = arith.addf %mul3A_431, %add3A_433 : vector<16xf32>
        %mul3A_435 = arith.mulf %add3A_434, %mul3A_428 : vector<16xf32>
        %add3A_436 = arith.constant -1.98412701E-4 : f32
        %add3A_437 = vector.broadcast %add3A_436 : f32 to vector<16xf32>
        %add3A_438 = arith.addf %mul3A_435, %add3A_437 : vector<16xf32>
        %mul3A_439 = arith.mulf %add3A_438, %mul3A_428 : vector<16xf32>
        %add3A_440 = arith.constant 0.00833333377 : f32
        %add3A_441 = vector.broadcast %add3A_440 : f32 to vector<16xf32>
        %add3A_442 = arith.addf %mul3A_439, %add3A_441 : vector<16xf32>
        %mul3A_443 = arith.mulf %add3A_442, %mul3A_428 : vector<16xf32>
        %add3A_444 = arith.constant -0.166666672 : f32
        %add3A_445 = vector.broadcast %add3A_444 : f32 to vector<16xf32>
        %add3A_446 = arith.addf %mul3A_443, %add3A_445 : vector<16xf32>
        %mul3A_447 = arith.mulf %add3A_446, %mul3A_428 : vector<16xf32>
        %add3A_448 = arith.constant 1.000000e+00 : f32
        %add3A_449 = vector.broadcast %add3A_448 : f32 to vector<16xf32>
        %add3A_450 = arith.addf %mul3A_447, %add3A_449 : vector<16xf32>
        %mul3A_451 = arith.mulf %sub3A_427, %add3A_450 : vector<16xf32>
        %mul3A_452 = arith.mulf %get3A_404, %mul3A_451 : vector<16xf32>
        %get3A_453 = arith.index_cast %scan3A_281 : i32 to index
        %get3A_454 = arith.constant 0 : index
        %get3A_455 = tpu.vector_load %arg53[%get3A_453, %get3A_454] {strides = array<i32>} : memref<128x32xf32, #tpu.memory_space<vmem>>, vector<1x16xf32>,
        %get3A_456 = vector.shape_cast %get3A_455 : vector<1x16xf32> to vector<16xf32>
        %get3A_457 = arith.index_cast %scan3A_281 : i32 to index
        %get3A_458 = arith.constant 0 : index
        %get3A_459 = tpu.vector_load %arg51[%get3A_457, %get3A_458] {strides = array<i32>} : memref<128x32xf32, #tpu.memory_space<vmem>>, vector<1x16xf32>,
        %get3A_460 = vector.shape_cast %get3A_459 : vector<1x16xf32> to vector<16xf32>
        %mul3A_461 = arith.mulf %get3A_460, %get3A_288 : vector<16xf32>
        %get3A_462 = arith.index_cast %scan3A_281 : i32 to index
        %get3A_463 = arith.constant 0 : index
        %get3A_464 = tpu.vector_load %arg52[%get3A_462, %get3A_463] {strides = array<i32>} : memref<128x32xf32, #tpu.memory_space<vmem>>, vector<1x16xf32>,
        %get3A_465 = vector.shape_cast %get3A_464 : vector<1x16xf32> to vector<16xf32>
        %add3A_466 = arith.addf %mul3A_461, %get3A_465 : vector<16xf32>
        %mul3A_467 = arith.constant 0.159154937 : f32
        %mul3A_468 = vector.broadcast %mul3A_467 : f32 to vector<16xf32>
        %mul3A_469 = arith.mulf %add3A_466, %mul3A_468 : vector<16xf32>
        %add3A_470 = arith.constant 0x4B400000 : f32
        %add3A_471 = vector.broadcast %add3A_470 : f32 to vector<16xf32>
        %add3A_472 = arith.addf %mul3A_469, %add3A_471 : vector<16xf32>
        %sub3A_473 = arith.constant 0x4B400000 : f32
        %sub3A_474 = vector.broadcast %sub3A_473 : f32 to vector<16xf32>
        %sub3A_475 = arith.subf %add3A_472, %sub3A_474 : vector<16xf32>
        %mul3A_476 = arith.constant 6.28318548 : f32
        %mul3A_477 = vector.broadcast %mul3A_476 : f32 to vector<16xf32>
        %mul3A_478 = arith.mulf %mul3A_477, %sub3A_475 : vector<16xf32>
        %sub3A_479 = arith.subf %add3A_466, %mul3A_478 : vector<16xf32>
        %mul3A_480 = arith.mulf %sub3A_479, %sub3A_479 : vector<16xf32>
        %mul3A_481 = arith.constant -2.50521079E-8 : f32
        %mul3A_482 = vector.broadcast %mul3A_481 : f32 to vector<16xf32>
        %mul3A_483 = arith.mulf %mul3A_482, %mul3A_480 : vector<16xf32>
        %add3A_484 = arith.constant 2.75573188E-6 : f32
        %add3A_485 = vector.broadcast %add3A_484 : f32 to vector<16xf32>
        %add3A_486 = arith.addf %mul3A_483, %add3A_485 : vector<16xf32>
        %mul3A_487 = arith.mulf %add3A_486, %mul3A_480 : vector<16xf32>
        %add3A_488 = arith.constant -1.98412701E-4 : f32
        %add3A_489 = vector.broadcast %add3A_488 : f32 to vector<16xf32>
        %add3A_490 = arith.addf %mul3A_487, %add3A_489 : vector<16xf32>
        %mul3A_491 = arith.mulf %add3A_490, %mul3A_480 : vector<16xf32>
        %add3A_492 = arith.constant 0.00833333377 : f32
        %add3A_493 = vector.broadcast %add3A_492 : f32 to vector<16xf32>
        %add3A_494 = arith.addf %mul3A_491, %add3A_493 : vector<16xf32>
        %mul3A_495 = arith.mulf %add3A_494, %mul3A_480 : vector<16xf32>
        %add3A_496 = arith.constant -0.166666672 : f32
        %add3A_497 = vector.broadcast %add3A_496 : f32 to vector<16xf32>
        %add3A_498 = arith.addf %mul3A_495, %add3A_497 : vector<16xf32>
        %mul3A_499 = arith.mulf %add3A_498, %mul3A_480 : vector<16xf32>
        %add3A_500 = arith.constant 1.000000e+00 : f32
        %add3A_501 = vector.broadcast %add3A_500 : f32 to vector<16xf32>
        %add3A_502 = arith.addf %mul3A_499, %add3A_501 : vector<16xf32>
        %mul3A_503 = arith.mulf %sub3A_479, %add3A_502 : vector<16xf32>
        %mul3A_504 = arith.mulf %get3A_456, %mul3A_503 : vector<16xf32>
        %add3A_505 = arith.addf %mul3A_348, %mul3A_452 : vector<16xf32>
        %add3A_506 = arith.addf %mul3A_400, %mul3A_504 : vector<16xf32>
        %get3A_507 = arith.index_cast %scan3A_281 : i32 to index
        %get3A_508 = arith.constant 0 : index
        %get3A_509 = tpu.vector_load %arg47[%get3A_507, %get3A_508] {strides = array<i32>} : memref<128x32xf32, #tpu.memory_space<vmem>>, vector<1x16xf32>,
        %get3A_510 = vector.shape_cast %get3A_509 : vector<1x16xf32> to vector<16xf32>
        %get3A_511 = arith.index_cast %scan3A_281 : i32 to index
        %get3A_512 = arith.constant 0 : index
        %get3A_513 = tpu.vector_load %arg45[%get3A_511, %get3A_512] {strides = array<i32>} : memref<128x32xf32, #tpu.memory_space<vmem>>, vector<1x16xf32>,
        %get3A_514 = vector.shape_cast %get3A_513 : vector<1x16xf32> to vector<16xf32>
        %mul3A_515 = arith.mulf %get3A_514, %get3A_292 : vector<16xf32>
        %get3A_516 = arith.index_cast %scan3A_281 : i32 to index
        %get3A_517 = arith.constant 0 : index
        %get3A_518 = tpu.vector_load %arg46[%get3A_516, %get3A_517] {strides = array<i32>} : memref<128x32xf32, #tpu.memory_space<vmem>>, vector<1x16xf32>,
        %get3A_519 = vector.shape_cast %get3A_518 : vector<1x16xf32> to vector<16xf32>
        %add3A_520 = arith.addf %mul3A_515, %get3A_519 : vector<16xf32>
        %mul3A_521 = arith.constant 0.159154937 : f32
        %mul3A_522 = vector.broadcast %mul3A_521 : f32 to vector<16xf32>
        %mul3A_523 = arith.mulf %add3A_520, %mul3A_522 : vector<16xf32>
        %add3A_524 = arith.constant 0x4B400000 : f32
        %add3A_525 = vector.broadcast %add3A_524 : f32 to vector<16xf32>
        %add3A_526 = arith.addf %mul3A_523, %add3A_525 : vector<16xf32>
        %sub3A_527 = arith.constant 0x4B400000 : f32
        %sub3A_528 = vector.broadcast %sub3A_527 : f32 to vector<16xf32>
        %sub3A_529 = arith.subf %add3A_526, %sub3A_528 : vector<16xf32>
        %mul3A_530 = arith.constant 6.28318548 : f32
        %mul3A_531 = vector.broadcast %mul3A_530 : f32 to vector<16xf32>
        %mul3A_532 = arith.mulf %mul3A_531, %sub3A_529 : vector<16xf32>
        %sub3A_533 = arith.subf %add3A_520, %mul3A_532 : vector<16xf32>
        %mul3A_534 = arith.mulf %sub3A_533, %sub3A_533 : vector<16xf32>
        %mul3A_535 = arith.constant -2.50521079E-8 : f32
        %mul3A_536 = vector.broadcast %mul3A_535 : f32 to vector<16xf32>
        %mul3A_537 = arith.mulf %mul3A_536, %mul3A_534 : vector<16xf32>
        %add3A_538 = arith.constant 2.75573188E-6 : f32
        %add3A_539 = vector.broadcast %add3A_538 : f32 to vector<16xf32>
        %add3A_540 = arith.addf %mul3A_537, %add3A_539 : vector<16xf32>
        %mul3A_541 = arith.mulf %add3A_540, %mul3A_534 : vector<16xf32>
        %add3A_542 = arith.constant -1.98412701E-4 : f32
        %add3A_543 = vector.broadcast %add3A_542 : f32 to vector<16xf32>
        %add3A_544 = arith.addf %mul3A_541, %add3A_543 : vector<16xf32>
        %mul3A_545 = arith.mulf %add3A_544, %mul3A_534 : vector<16xf32>
        %add3A_546 = arith.constant 0.00833333377 : f32
        %add3A_547 = vector.broadcast %add3A_546 : f32 to vector<16xf32>
        %add3A_548 = arith.addf %mul3A_545, %add3A_547 : vector<16xf32>
        %mul3A_549 = arith.mulf %add3A_548, %mul3A_534 : vector<16xf32>
        %add3A_550 = arith.constant -0.166666672 : f32
        %add3A_551 = vector.broadcast %add3A_550 : f32 to vector<16xf32>
        %add3A_552 = arith.addf %mul3A_549, %add3A_551 : vector<16xf32>
        %mul3A_553 = arith.mulf %add3A_552, %mul3A_534 : vector<16xf32>
        %add3A_554 = arith.constant 1.000000e+00 : f32
        %add3A_555 = vector.broadcast %add3A_554 : f32 to vector<16xf32>
        %add3A_556 = arith.addf %mul3A_553, %add3A_555 : vector<16xf32>
        %mul3A_557 = arith.mulf %sub3A_533, %add3A_556 : vector<16xf32>
        %mul3A_558 = arith.mulf %get3A_510, %mul3A_557 : vector<16xf32>
        %get3A_559 = arith.index_cast %scan3A_281 : i32 to index
        %get3A_560 = arith.constant 0 : index
        %get3A_561 = tpu.vector_load %arg56[%get3A_559, %get3A_560] {strides = array<i32>} : memref<128x32xf32, #tpu.memory_space<vmem>>, vector<1x16xf32>,
        %get3A_562 = vector.shape_cast %get3A_561 : vector<1x16xf32> to vector<16xf32>
        %get3A_563 = arith.index_cast %scan3A_281 : i32 to index
        %get3A_564 = arith.constant 0 : index
        %get3A_565 = tpu.vector_load %arg54[%get3A_563, %get3A_564] {strides = array<i32>} : memref<128x32xf32, #tpu.memory_space<vmem>>, vector<1x16xf32>,
        %get3A_566 = vector.shape_cast %get3A_565 : vector<1x16xf32> to vector<16xf32>
        %mul3A_567 = arith.mulf %get3A_566, %get3A_292 : vector<16xf32>
        %get3A_568 = arith.index_cast %scan3A_281 : i32 to index
        %get3A_569 = arith.constant 0 : index
        %get3A_570 = tpu.vector_load %arg55[%get3A_568, %get3A_569] {strides = array<i32>} : memref<128x32xf32, #tpu.memory_space<vmem>>, vector<1x16xf32>,
        %get3A_571 = vector.shape_cast %get3A_570 : vector<1x16xf32> to vector<16xf32>
        %add3A_572 = arith.addf %mul3A_567, %get3A_571 : vector<16xf32>
        %mul3A_573 = arith.constant 0.159154937 : f32
        %mul3A_574 = vector.broadcast %mul3A_573 : f32 to vector<16xf32>
        %mul3A_575 = arith.mulf %add3A_572, %mul3A_574 : vector<16xf32>
        %add3A_576 = arith.constant 0x4B400000 : f32
        %add3A_577 = vector.broadcast %add3A_576 : f32 to vector<16xf32>
        %add3A_578 = arith.addf %mul3A_575, %add3A_577 : vector<16xf32>
        %sub3A_579 = arith.constant 0x4B400000 : f32
        %sub3A_580 = vector.broadcast %sub3A_579 : f32 to vector<16xf32>
        %sub3A_581 = arith.subf %add3A_578, %sub3A_580 : vector<16xf32>
        %mul3A_582 = arith.constant 6.28318548 : f32
        %mul3A_583 = vector.broadcast %mul3A_582 : f32 to vector<16xf32>
        %mul3A_584 = arith.mulf %mul3A_583, %sub3A_581 : vector<16xf32>
        %sub3A_585 = arith.subf %add3A_572, %mul3A_584 : vector<16xf32>
        %mul3A_586 = arith.mulf %sub3A_585, %sub3A_585 : vector<16xf32>
        %mul3A_587 = arith.constant -2.50521079E-8 : f32
        %mul3A_588 = vector.broadcast %mul3A_587 : f32 to vector<16xf32>
        %mul3A_589 = arith.mulf %mul3A_588, %mul3A_586 : vector<16xf32>
        %add3A_590 = arith.constant 2.75573188E-6 : f32
        %add3A_591 = vector.broadcast %add3A_590 : f32 to vector<16xf32>
        %add3A_592 = arith.addf %mul3A_589, %add3A_591 : vector<16xf32>
        %mul3A_593 = arith.mulf %add3A_592, %mul3A_586 : vector<16xf32>
        %add3A_594 = arith.constant -1.98412701E-4 : f32
        %add3A_595 = vector.broadcast %add3A_594 : f32 to vector<16xf32>
        %add3A_596 = arith.addf %mul3A_593, %add3A_595 : vector<16xf32>
        %mul3A_597 = arith.mulf %add3A_596, %mul3A_586 : vector<16xf32>
        %add3A_598 = arith.constant 0.00833333377 : f32
        %add3A_599 = vector.broadcast %add3A_598 : f32 to vector<16xf32>
        %add3A_600 = arith.addf %mul3A_597, %add3A_599 : vector<16xf32>
        %mul3A_601 = arith.mulf %add3A_600, %mul3A_586 : vector<16xf32>
        %add3A_602 = arith.constant -0.166666672 : f32
        %add3A_603 = vector.broadcast %add3A_602 : f32 to vector<16xf32>
        %add3A_604 = arith.addf %mul3A_601, %add3A_603 : vector<16xf32>
        %mul3A_605 = arith.mulf %add3A_604, %mul3A_586 : vector<16xf32>
        %add3A_606 = arith.constant 1.000000e+00 : f32
        %add3A_607 = vector.broadcast %add3A_606 : f32 to vector<16xf32>
        %add3A_608 = arith.addf %mul3A_605, %add3A_607 : vector<16xf32>
        %mul3A_609 = arith.mulf %sub3A_585, %add3A_608 : vector<16xf32>
        %mul3A_610 = arith.mulf %get3A_562, %mul3A_609 : vector<16xf32>
        %add3A_611 = arith.addf %add3A_505, %mul3A_558 : vector<16xf32>
        %add3A_612 = arith.addf %add3A_506, %mul3A_610 : vector<16xf32>
        %get3A_613 = arith.index_cast %scan3A_281 : i32 to index
        %get3A_614 = arith.constant 32 : index
        %get3A_615 = tpu.vector_load %arg38[%get3A_613, %get3A_614] {strides = array<i32>} : memref<128x64xf32, #tpu.memory_space<vmem>>, vector<1x16xf32>,
        %get3A_616 = vector.shape_cast %get3A_615 : vector<1x16xf32> to vector<16xf32>
        %mul3A_617 = arith.mulf %add3A_611, %get3A_616 : vector<16xf32>
        %mul3A_618 = arith.mulf %mul3A_617, %add3A_612 : vector<16xf32>
        %add3A_619 = arith.addf %get3A_297, %mul3A_618 : vector<16xf32>
        %get3A_620 = arith.index_cast %scan3A_281 : i32 to index
        %get3A_621 = arith.constant 16 : index
        %get3A_622 = tpu.vector_load %arg41[%get3A_620, %get3A_621] {strides = array<i32>} : memref<128x32xf32, #tpu.memory_space<vmem>>, vector<1x16xf32>,
        %get3A_623 = vector.shape_cast %get3A_622 : vector<1x16xf32> to vector<16xf32>
        %get3A_624 = arith.index_cast %scan3A_281 : i32 to index
        %get3A_625 = arith.constant 16 : index
        %get3A_626 = tpu.vector_load %arg39[%get3A_624, %get3A_625] {strides = array<i32>} : memref<128x32xf32, #tpu.memory_space<vmem>>, vector<1x16xf32>,
        %get3A_627 = vector.shape_cast %get3A_626 : vector<1x16xf32> to vector<16xf32>
        %mul3A_628 = arith.mulf %get3A_627, %get3A_284 : vector<16xf32>
        %get3A_629 = arith.index_cast %scan3A_281 : i32 to index
        %get3A_630 = arith.constant 16 : index
        %get3A_631 = tpu.vector_load %arg40[%get3A_629, %get3A_630] {strides = array<i32>} : memref<128x32xf32, #tpu.memory_space<vmem>>, vector<1x16xf32>,
        %get3A_632 = vector.shape_cast %get3A_631 : vector<1x16xf32> to vector<16xf32>
        %add3A_633 = arith.addf %mul3A_628, %get3A_632 : vector<16xf32>
        %mul3A_634 = arith.constant 0.159154937 : f32
        %mul3A_635 = vector.broadcast %mul3A_634 : f32 to vector<16xf32>
        %mul3A_636 = arith.mulf %add3A_633, %mul3A_635 : vector<16xf32>
        %add3A_637 = arith.constant 0x4B400000 : f32
        %add3A_638 = vector.broadcast %add3A_637 : f32 to vector<16xf32>
        %add3A_639 = arith.addf %mul3A_636, %add3A_638 : vector<16xf32>
        %sub3A_640 = arith.constant 0x4B400000 : f32
        %sub3A_641 = vector.broadcast %sub3A_640 : f32 to vector<16xf32>
        %sub3A_642 = arith.subf %add3A_639, %sub3A_641 : vector<16xf32>
        %mul3A_643 = arith.constant 6.28318548 : f32
        %mul3A_644 = vector.broadcast %mul3A_643 : f32 to vector<16xf32>
        %mul3A_645 = arith.mulf %mul3A_644, %sub3A_642 : vector<16xf32>
        %sub3A_646 = arith.subf %add3A_633, %mul3A_645 : vector<16xf32>
        %mul3A_647 = arith.mulf %sub3A_646, %sub3A_646 : vector<16xf32>
        %mul3A_648 = arith.constant -2.50521079E-8 : f32
        %mul3A_649 = vector.broadcast %mul3A_648 : f32 to vector<16xf32>
        %mul3A_650 = arith.mulf %mul3A_649, %mul3A_647 : vector<16xf32>
        %add3A_651 = arith.constant 2.75573188E-6 : f32
        %add3A_652 = vector.broadcast %add3A_651 : f32 to vector<16xf32>
        %add3A_653 = arith.addf %mul3A_650, %add3A_652 : vector<16xf32>
        %mul3A_654 = arith.mulf %add3A_653, %mul3A_647 : vector<16xf32>
        %add3A_655 = arith.constant -1.98412701E-4 : f32
        %add3A_656 = vector.broadcast %add3A_655 : f32 to vector<16xf32>
        %add3A_657 = arith.addf %mul3A_654, %add3A_656 : vector<16xf32>
        %mul3A_658 = arith.mulf %add3A_657, %mul3A_647 : vector<16xf32>
        %add3A_659 = arith.constant 0.00833333377 : f32
        %add3A_660 = vector.broadcast %add3A_659 : f32 to vector<16xf32>
        %add3A_661 = arith.addf %mul3A_658, %add3A_660 : vector<16xf32>
        %mul3A_662 = arith.mulf %add3A_661, %mul3A_647 : vector<16xf32>
        %add3A_663 = arith.constant -0.166666672 : f32
        %add3A_664 = vector.broadcast %add3A_663 : f32 to vector<16xf32>
        %add3A_665 = arith.addf %mul3A_662, %add3A_664 : vector<16xf32>
        %mul3A_666 = arith.mulf %add3A_665, %mul3A_647 : vector<16xf32>
        %add3A_667 = arith.constant 1.000000e+00 : f32
        %add3A_668 = vector.broadcast %add3A_667 : f32 to vector<16xf32>
        %add3A_669 = arith.addf %mul3A_666, %add3A_668 : vector<16xf32>
        %mul3A_670 = arith.mulf %sub3A_646, %add3A_669 : vector<16xf32>
        %mul3A_671 = arith.mulf %get3A_623, %mul3A_670 : vector<16xf32>
        %get3A_672 = arith.index_cast %scan3A_281 : i32 to index
        %get3A_673 = arith.constant 16 : index
        %get3A_674 = tpu.vector_load %arg50[%get3A_672, %get3A_673] {strides = array<i32>} : memref<128x32xf32, #tpu.memory_space<vmem>>, vector<1x16xf32>,
        %get3A_675 = vector.shape_cast %get3A_674 : vector<1x16xf32> to vector<16xf32>
        %get3A_676 = arith.index_cast %scan3A_281 : i32 to index
        %get3A_677 = arith.constant 16 : index
        %get3A_678 = tpu.vector_load %arg48[%get3A_676, %get3A_677] {strides = array<i32>} : memref<128x32xf32, #tpu.memory_space<vmem>>, vector<1x16xf32>,
        %get3A_679 = vector.shape_cast %get3A_678 : vector<1x16xf32> to vector<16xf32>
        %mul3A_680 = arith.mulf %get3A_679, %get3A_284 : vector<16xf32>
        %get3A_681 = arith.index_cast %scan3A_281 : i32 to index
        %get3A_682 = arith.constant 16 : index
        %get3A_683 = tpu.vector_load %arg49[%get3A_681, %get3A_682] {strides = array<i32>} : memref<128x32xf32, #tpu.memory_space<vmem>>, vector<1x16xf32>,
        %get3A_684 = vector.shape_cast %get3A_683 : vector<1x16xf32> to vector<16xf32>
        %add3A_685 = arith.addf %mul3A_680, %get3A_684 : vector<16xf32>
        %mul3A_686 = arith.constant 0.159154937 : f32
        %mul3A_687 = vector.broadcast %mul3A_686 : f32 to vector<16xf32>
        %mul3A_688 = arith.mulf %add3A_685, %mul3A_687 : vector<16xf32>
        %add3A_689 = arith.constant 0x4B400000 : f32
        %add3A_690 = vector.broadcast %add3A_689 : f32 to vector<16xf32>
        %add3A_691 = arith.addf %mul3A_688, %add3A_690 : vector<16xf32>
        %sub3A_692 = arith.constant 0x4B400000 : f32
        %sub3A_693 = vector.broadcast %sub3A_692 : f32 to vector<16xf32>
        %sub3A_694 = arith.subf %add3A_691, %sub3A_693 : vector<16xf32>
        %mul3A_695 = arith.constant 6.28318548 : f32
        %mul3A_696 = vector.broadcast %mul3A_695 : f32 to vector<16xf32>
        %mul3A_697 = arith.mulf %mul3A_696, %sub3A_694 : vector<16xf32>
        %sub3A_698 = arith.subf %add3A_685, %mul3A_697 : vector<16xf32>
        %mul3A_699 = arith.mulf %sub3A_698, %sub3A_698 : vector<16xf32>
        %mul3A_700 = arith.constant -2.50521079E-8 : f32
        %mul3A_701 = vector.broadcast %mul3A_700 : f32 to vector<16xf32>
        %mul3A_702 = arith.mulf %mul3A_701, %mul3A_699 : vector<16xf32>
        %add3A_703 = arith.constant 2.75573188E-6 : f32
        %add3A_704 = vector.broadcast %add3A_703 : f32 to vector<16xf32>
        %add3A_705 = arith.addf %mul3A_702, %add3A_704 : vector<16xf32>
        %mul3A_706 = arith.mulf %add3A_705, %mul3A_699 : vector<16xf32>
        %add3A_707 = arith.constant -1.98412701E-4 : f32
        %add3A_708 = vector.broadcast %add3A_707 : f32 to vector<16xf32>
        %add3A_709 = arith.addf %mul3A_706, %add3A_708 : vector<16xf32>
        %mul3A_710 = arith.mulf %add3A_709, %mul3A_699 : vector<16xf32>
        %add3A_711 = arith.constant 0.00833333377 : f32
        %add3A_712 = vector.broadcast %add3A_711 : f32 to vector<16xf32>
        %add3A_713 = arith.addf %mul3A_710, %add3A_712 : vector<16xf32>
        %mul3A_714 = arith.mulf %add3A_713, %mul3A_699 : vector<16xf32>
        %add3A_715 = arith.constant -0.166666672 : f32
        %add3A_716 = vector.broadcast %add3A_715 : f32 to vector<16xf32>
        %add3A_717 = arith.addf %mul3A_714, %add3A_716 : vector<16xf32>
        %mul3A_718 = arith.mulf %add3A_717, %mul3A_699 : vector<16xf32>
        %add3A_719 = arith.constant 1.000000e+00 : f32
        %add3A_720 = vector.broadcast %add3A_719 : f32 to vector<16xf32>
        %add3A_721 = arith.addf %mul3A_718, %add3A_720 : vector<16xf32>
        %mul3A_722 = arith.mulf %sub3A_698, %add3A_721 : vector<16xf32>
        %mul3A_723 = arith.mulf %get3A_675, %mul3A_722 : vector<16xf32>
        %get3A_724 = arith.index_cast %scan3A_281 : i32 to index
        %get3A_725 = arith.constant 16 : index
        %get3A_726 = tpu.vector_load %arg44[%get3A_724, %get3A_725] {strides = array<i32>} : memref<128x32xf32, #tpu.memory_space<vmem>>, vector<1x16xf32>,
        %get3A_727 = vector.shape_cast %get3A_726 : vector<1x16xf32> to vector<16xf32>
        %get3A_728 = arith.index_cast %scan3A_281 : i32 to index
        %get3A_729 = arith.constant 16 : index
        %get3A_730 = tpu.vector_load %arg42[%get3A_728, %get3A_729] {strides = array<i32>} : memref<128x32xf32, #tpu.memory_space<vmem>>, vector<1x16xf32>,
        %get3A_731 = vector.shape_cast %get3A_730 : vector<1x16xf32> to vector<16xf32>
        %mul3A_732 = arith.mulf %get3A_731, %get3A_288 : vector<16xf32>
        %get3A_733 = arith.index_cast %scan3A_281 : i32 to index
        %get3A_734 = arith.constant 16 : index
        %get3A_735 = tpu.vector_load %arg43[%get3A_733, %get3A_734] {strides = array<i32>} : memref<128x32xf32, #tpu.memory_space<vmem>>, vector<1x16xf32>,
        %get3A_736 = vector.shape_cast %get3A_735 : vector<1x16xf32> to vector<16xf32>
        %add3A_737 = arith.addf %mul3A_732, %get3A_736 : vector<16xf32>
        %mul3A_738 = arith.constant 0.159154937 : f32
        %mul3A_739 = vector.broadcast %mul3A_738 : f32 to vector<16xf32>
        %mul3A_740 = arith.mulf %add3A_737, %mul3A_739 : vector<16xf32>
        %add3A_741 = arith.constant 0x4B400000 : f32
        %add3A_742 = vector.broadcast %add3A_741 : f32 to vector<16xf32>
        %add3A_743 = arith.addf %mul3A_740, %add3A_742 : vector<16xf32>
        %sub3A_744 = arith.constant 0x4B400000 : f32
        %sub3A_745 = vector.broadcast %sub3A_744 : f32 to vector<16xf32>
        %sub3A_746 = arith.subf %add3A_743, %sub3A_745 : vector<16xf32>
        %mul3A_747 = arith.constant 6.28318548 : f32
        %mul3A_748 = vector.broadcast %mul3A_747 : f32 to vector<16xf32>
        %mul3A_749 = arith.mulf %mul3A_748, %sub3A_746 : vector<16xf32>
        %sub3A_750 = arith.subf %add3A_737, %mul3A_749 : vector<16xf32>
        %mul3A_751 = arith.mulf %sub3A_750, %sub3A_750 : vector<16xf32>
        %mul3A_752 = arith.constant -2.50521079E-8 : f32
        %mul3A_753 = vector.broadcast %mul3A_752 : f32 to vector<16xf32>
        %mul3A_754 = arith.mulf %mul3A_753, %mul3A_751 : vector<16xf32>
        %add3A_755 = arith.constant 2.75573188E-6 : f32
        %add3A_756 = vector.broadcast %add3A_755 : f32 to vector<16xf32>
        %add3A_757 = arith.addf %mul3A_754, %add3A_756 : vector<16xf32>
        %mul3A_758 = arith.mulf %add3A_757, %mul3A_751 : vector<16xf32>
        %add3A_759 = arith.constant -1.98412701E-4 : f32
        %add3A_760 = vector.broadcast %add3A_759 : f32 to vector<16xf32>
        %add3A_761 = arith.addf %mul3A_758, %add3A_760 : vector<16xf32>
        %mul3A_762 = arith.mulf %add3A_761, %mul3A_751 : vector<16xf32>
        %add3A_763 = arith.constant 0.00833333377 : f32
        %add3A_764 = vector.broadcast %add3A_763 : f32 to vector<16xf32>
        %add3A_765 = arith.addf %mul3A_762, %add3A_764 : vector<16xf32>
        %mul3A_766 = arith.mulf %add3A_765, %mul3A_751 : vector<16xf32>
        %add3A_767 = arith.constant -0.166666672 : f32
        %add3A_768 = vector.broadcast %add3A_767 : f32 to vector<16xf32>
        %add3A_769 = arith.addf %mul3A_766, %add3A_768 : vector<16xf32>
        %mul3A_770 = arith.mulf %add3A_769, %mul3A_751 : vector<16xf32>
        %add3A_771 = arith.constant 1.000000e+00 : f32
        %add3A_772 = vector.broadcast %add3A_771 : f32 to vector<16xf32>
        %add3A_773 = arith.addf %mul3A_770, %add3A_772 : vector<16xf32>
        %mul3A_774 = arith.mulf %sub3A_750, %add3A_773 : vector<16xf32>
        %mul3A_775 = arith.mulf %get3A_727, %mul3A_774 : vector<16xf32>
        %get3A_776 = arith.index_cast %scan3A_281 : i32 to index
        %get3A_777 = arith.constant 16 : index
        %get3A_778 = tpu.vector_load %arg53[%get3A_776, %get3A_777] {strides = array<i32>} : memref<128x32xf32, #tpu.memory_space<vmem>>, vector<1x16xf32>,
        %get3A_779 = vector.shape_cast %get3A_778 : vector<1x16xf32> to vector<16xf32>
        %get3A_780 = arith.index_cast %scan3A_281 : i32 to index
        %get3A_781 = arith.constant 16 : index
        %get3A_782 = tpu.vector_load %arg51[%get3A_780, %get3A_781] {strides = array<i32>} : memref<128x32xf32, #tpu.memory_space<vmem>>, vector<1x16xf32>,
        %get3A_783 = vector.shape_cast %get3A_782 : vector<1x16xf32> to vector<16xf32>
        %mul3A_784 = arith.mulf %get3A_783, %get3A_288 : vector<16xf32>
        %get3A_785 = arith.index_cast %scan3A_281 : i32 to index
        %get3A_786 = arith.constant 16 : index
        %get3A_787 = tpu.vector_load %arg52[%get3A_785, %get3A_786] {strides = array<i32>} : memref<128x32xf32, #tpu.memory_space<vmem>>, vector<1x16xf32>,
        %get3A_788 = vector.shape_cast %get3A_787 : vector<1x16xf32> to vector<16xf32>
        %add3A_789 = arith.addf %mul3A_784, %get3A_788 : vector<16xf32>
        %mul3A_790 = arith.constant 0.159154937 : f32
        %mul3A_791 = vector.broadcast %mul3A_790 : f32 to vector<16xf32>
        %mul3A_792 = arith.mulf %add3A_789, %mul3A_791 : vector<16xf32>
        %add3A_793 = arith.constant 0x4B400000 : f32
        %add3A_794 = vector.broadcast %add3A_793 : f32 to vector<16xf32>
        %add3A_795 = arith.addf %mul3A_792, %add3A_794 : vector<16xf32>
        %sub3A_796 = arith.constant 0x4B400000 : f32
        %sub3A_797 = vector.broadcast %sub3A_796 : f32 to vector<16xf32>
        %sub3A_798 = arith.subf %add3A_795, %sub3A_797 : vector<16xf32>
        %mul3A_799 = arith.constant 6.28318548 : f32
        %mul3A_800 = vector.broadcast %mul3A_799 : f32 to vector<16xf32>
        %mul3A_801 = arith.mulf %mul3A_800, %sub3A_798 : vector<16xf32>
        %sub3A_802 = arith.subf %add3A_789, %mul3A_801 : vector<16xf32>
        %mul3A_803 = arith.mulf %sub3A_802, %sub3A_802 : vector<16xf32>
        %mul3A_804 = arith.constant -2.50521079E-8 : f32
        %mul3A_805 = vector.broadcast %mul3A_804 : f32 to vector<16xf32>
        %mul3A_806 = arith.mulf %mul3A_805, %mul3A_803 : vector<16xf32>
        %add3A_807 = arith.constant 2.75573188E-6 : f32
        %add3A_808 = vector.broadcast %add3A_807 : f32 to vector<16xf32>
        %add3A_809 = arith.addf %mul3A_806, %add3A_808 : vector<16xf32>
        %mul3A_810 = arith.mulf %add3A_809, %mul3A_803 : vector<16xf32>
        %add3A_811 = arith.constant -1.98412701E-4 : f32
        %add3A_812 = vector.broadcast %add3A_811 : f32 to vector<16xf32>
        %add3A_813 = arith.addf %mul3A_810, %add3A_812 : vector<16xf32>
        %mul3A_814 = arith.mulf %add3A_813, %mul3A_803 : vector<16xf32>
        %add3A_815 = arith.constant 0.00833333377 : f32
        %add3A_816 = vector.broadcast %add3A_815 : f32 to vector<16xf32>
        %add3A_817 = arith.addf %mul3A_814, %add3A_816 : vector<16xf32>
        %mul3A_818 = arith.mulf %add3A_817, %mul3A_803 : vector<16xf32>
        %add3A_819 = arith.constant -0.166666672 : f32
        %add3A_820 = vector.broadcast %add3A_819 : f32 to vector<16xf32>
        %add3A_821 = arith.addf %mul3A_818, %add3A_820 : vector<16xf32>
        %mul3A_822 = arith.mulf %add3A_821, %mul3A_803 : vector<16xf32>
        %add3A_823 = arith.constant 1.000000e+00 : f32
        %add3A_824 = vector.broadcast %add3A_823 : f32 to vector<16xf32>
        %add3A_825 = arith.addf %mul3A_822, %add3A_824 : vector<16xf32>
        %mul3A_826 = arith.mulf %sub3A_802, %add3A_825 : vector<16xf32>
        %mul3A_827 = arith.mulf %get3A_779, %mul3A_826 : vector<16xf32>
        %add3A_828 = arith.addf %mul3A_671, %mul3A_775 : vector<16xf32>
        %add3A_829 = arith.addf %mul3A_723, %mul3A_827 : vector<16xf32>
        %get3A_830 = arith.index_cast %scan3A_281 : i32 to index
        %get3A_831 = arith.constant 16 : index
        %get3A_832 = tpu.vector_load %arg47[%get3A_830, %get3A_831] {strides = array<i32>} : memref<128x32xf32, #tpu.memory_space<vmem>>, vector<1x16xf32>,
        %get3A_833 = vector.shape_cast %get3A_832 : vector<1x16xf32> to vector<16xf32>
        %get3A_834 = arith.index_cast %scan3A_281 : i32 to index
        %get3A_835 = arith.constant 16 : index
        %get3A_836 = tpu.vector_load %arg45[%get3A_834, %get3A_835] {strides = array<i32>} : memref<128x32xf32, #tpu.memory_space<vmem>>, vector<1x16xf32>,
        %get3A_837 = vector.shape_cast %get3A_836 : vector<1x16xf32> to vector<16xf32>
        %mul3A_838 = arith.mulf %get3A_837, %get3A_292 : vector<16xf32>
        %get3A_839 = arith.index_cast %scan3A_281 : i32 to index
        %get3A_840 = arith.constant 16 : index
        %get3A_841 = tpu.vector_load %arg46[%get3A_839, %get3A_840] {strides = array<i32>} : memref<128x32xf32, #tpu.memory_space<vmem>>, vector<1x16xf32>,
        %get3A_842 = vector.shape_cast %get3A_841 : vector<1x16xf32> to vector<16xf32>
        %add3A_843 = arith.addf %mul3A_838, %get3A_842 : vector<16xf32>
        %mul3A_844 = arith.constant 0.159154937 : f32
        %mul3A_845 = vector.broadcast %mul3A_844 : f32 to vector<16xf32>
        %mul3A_846 = arith.mulf %add3A_843, %mul3A_845 : vector<16xf32>
        %add3A_847 = arith.constant 0x4B400000 : f32
        %add3A_848 = vector.broadcast %add3A_847 : f32 to vector<16xf32>
        %add3A_849 = arith.addf %mul3A_846, %add3A_848 : vector<16xf32>
        %sub3A_850 = arith.constant 0x4B400000 : f32
        %sub3A_851 = vector.broadcast %sub3A_850 : f32 to vector<16xf32>
        %sub3A_852 = arith.subf %add3A_849, %sub3A_851 : vector<16xf32>
        %mul3A_853 = arith.constant 6.28318548 : f32
        %mul3A_854 = vector.broadcast %mul3A_853 : f32 to vector<16xf32>
        %mul3A_855 = arith.mulf %mul3A_854, %sub3A_852 : vector<16xf32>
        %sub3A_856 = arith.subf %add3A_843, %mul3A_855 : vector<16xf32>
        %mul3A_857 = arith.mulf %sub3A_856, %sub3A_856 : vector<16xf32>
        %mul3A_858 = arith.constant -2.50521079E-8 : f32
        %mul3A_859 = vector.broadcast %mul3A_858 : f32 to vector<16xf32>
        %mul3A_860 = arith.mulf %mul3A_859, %mul3A_857 : vector<16xf32>
        %add3A_861 = arith.constant 2.75573188E-6 : f32
        %add3A_862 = vector.broadcast %add3A_861 : f32 to vector<16xf32>
        %add3A_863 = arith.addf %mul3A_860, %add3A_862 : vector<16xf32>
        %mul3A_864 = arith.mulf %add3A_863, %mul3A_857 : vector<16xf32>
        %add3A_865 = arith.constant -1.98412701E-4 : f32
        %add3A_866 = vector.broadcast %add3A_865 : f32 to vector<16xf32>
        %add3A_867 = arith.addf %mul3A_864, %add3A_866 : vector<16xf32>
        %mul3A_868 = arith.mulf %add3A_867, %mul3A_857 : vector<16xf32>
        %add3A_869 = arith.constant 0.00833333377 : f32
        %add3A_870 = vector.broadcast %add3A_869 : f32 to vector<16xf32>
        %add3A_871 = arith.addf %mul3A_868, %add3A_870 : vector<16xf32>
        %mul3A_872 = arith.mulf %add3A_871, %mul3A_857 : vector<16xf32>
        %add3A_873 = arith.constant -0.166666672 : f32
        %add3A_874 = vector.broadcast %add3A_873 : f32 to vector<16xf32>
        %add3A_875 = arith.addf %mul3A_872, %add3A_874 : vector<16xf32>
        %mul3A_876 = arith.mulf %add3A_875, %mul3A_857 : vector<16xf32>
        %add3A_877 = arith.constant 1.000000e+00 : f32
        %add3A_878 = vector.broadcast %add3A_877 : f32 to vector<16xf32>
        %add3A_879 = arith.addf %mul3A_876, %add3A_878 : vector<16xf32>
        %mul3A_880 = arith.mulf %sub3A_856, %add3A_879 : vector<16xf32>
        %mul3A_881 = arith.mulf %get3A_833, %mul3A_880 : vector<16xf32>
        %get3A_882 = arith.index_cast %scan3A_281 : i32 to index
        %get3A_883 = arith.constant 16 : index
        %get3A_884 = tpu.vector_load %arg56[%get3A_882, %get3A_883] {strides = array<i32>} : memref<128x32xf32, #tpu.memory_space<vmem>>, vector<1x16xf32>,
        %get3A_885 = vector.shape_cast %get3A_884 : vector<1x16xf32> to vector<16xf32>
        %get3A_886 = arith.index_cast %scan3A_281 : i32 to index
        %get3A_887 = arith.constant 16 : index
        %get3A_888 = tpu.vector_load %arg54[%get3A_886, %get3A_887] {strides = array<i32>} : memref<128x32xf32, #tpu.memory_space<vmem>>, vector<1x16xf32>,
        %get3A_889 = vector.shape_cast %get3A_888 : vector<1x16xf32> to vector<16xf32>
        %mul3A_890 = arith.mulf %get3A_889, %get3A_292 : vector<16xf32>
        %get3A_891 = arith.index_cast %scan3A_281 : i32 to index
        %get3A_892 = arith.constant 16 : index
        %get3A_893 = tpu.vector_load %arg55[%get3A_891, %get3A_892] {strides = array<i32>} : memref<128x32xf32, #tpu.memory_space<vmem>>, vector<1x16xf32>,
        %get3A_894 = vector.shape_cast %get3A_893 : vector<1x16xf32> to vector<16xf32>
        %add3A_895 = arith.addf %mul3A_890, %get3A_894 : vector<16xf32>
        %mul3A_896 = arith.constant 0.159154937 : f32
        %mul3A_897 = vector.broadcast %mul3A_896 : f32 to vector<16xf32>
        %mul3A_898 = arith.mulf %add3A_895, %mul3A_897 : vector<16xf32>
        %add3A_899 = arith.constant 0x4B400000 : f32
        %add3A_900 = vector.broadcast %add3A_899 : f32 to vector<16xf32>
        %add3A_901 = arith.addf %mul3A_898, %add3A_900 : vector<16xf32>
        %sub3A_902 = arith.constant 0x4B400000 : f32
        %sub3A_903 = vector.broadcast %sub3A_902 : f32 to vector<16xf32>
        %sub3A_904 = arith.subf %add3A_901, %sub3A_903 : vector<16xf32>
        %mul3A_905 = arith.constant 6.28318548 : f32
        %mul3A_906 = vector.broadcast %mul3A_905 : f32 to vector<16xf32>
        %mul3A_907 = arith.mulf %mul3A_906, %sub3A_904 : vector<16xf32>
        %sub3A_908 = arith.subf %add3A_895, %mul3A_907 : vector<16xf32>
        %mul3A_909 = arith.mulf %sub3A_908, %sub3A_908 : vector<16xf32>
        %mul3A_910 = arith.constant -2.50521079E-8 : f32
        %mul3A_911 = vector.broadcast %mul3A_910 : f32 to vector<16xf32>
        %mul3A_912 = arith.mulf %mul3A_911, %mul3A_909 : vector<16xf32>
        %add3A_913 = arith.constant 2.75573188E-6 : f32
        %add3A_914 = vector.broadcast %add3A_913 : f32 to vector<16xf32>
        %add3A_915 = arith.addf %mul3A_912, %add3A_914 : vector<16xf32>
        %mul3A_916 = arith.mulf %add3A_915, %mul3A_909 : vector<16xf32>
        %add3A_917 = arith.constant -1.98412701E-4 : f32
        %add3A_918 = vector.broadcast %add3A_917 : f32 to vector<16xf32>
        %add3A_919 = arith.addf %mul3A_916, %add3A_918 : vector<16xf32>
        %mul3A_920 = arith.mulf %add3A_919, %mul3A_909 : vector<16xf32>
        %add3A_921 = arith.constant 0.00833333377 : f32
        %add3A_922 = vector.broadcast %add3A_921 : f32 to vector<16xf32>
        %add3A_923 = arith.addf %mul3A_920, %add3A_922 : vector<16xf32>
        %mul3A_924 = arith.mulf %add3A_923, %mul3A_909 : vector<16xf32>
        %add3A_925 = arith.constant -0.166666672 : f32
        %add3A_926 = vector.broadcast %add3A_925 : f32 to vector<16xf32>
        %add3A_927 = arith.addf %mul3A_924, %add3A_926 : vector<16xf32>
        %mul3A_928 = arith.mulf %add3A_927, %mul3A_909 : vector<16xf32>
        %add3A_929 = arith.constant 1.000000e+00 : f32
        %add3A_930 = vector.broadcast %add3A_929 : f32 to vector<16xf32>
        %add3A_931 = arith.addf %mul3A_928, %add3A_930 : vector<16xf32>
        %mul3A_932 = arith.mulf %sub3A_908, %add3A_931 : vector<16xf32>
        %mul3A_933 = arith.mulf %get3A_885, %mul3A_932 : vector<16xf32>
        %add3A_934 = arith.addf %add3A_828, %mul3A_881 : vector<16xf32>
        %add3A_935 = arith.addf %add3A_829, %mul3A_933 : vector<16xf32>
        %get3A_936 = arith.index_cast %scan3A_281 : i32 to index
        %get3A_937 = arith.constant 48 : index
        %get3A_938 = tpu.vector_load %arg38[%get3A_936, %get3A_937] {strides = array<i32>} : memref<128x64xf32, #tpu.memory_space<vmem>>, vector<1x16xf32>,
        %get3A_939 = vector.shape_cast %get3A_938 : vector<1x16xf32> to vector<16xf32>
        %mul3A_940 = arith.mulf %add3A_934, %get3A_939 : vector<16xf32>
        %mul3A_941 = arith.mulf %mul3A_940, %add3A_935 : vector<16xf32>
        %add3A_942 = arith.addf %add3A_619, %mul3A_941 : vector<16xf32>
        %mul3A_943 = arith.constant 16 : i32
        %mul3A_944 = arith.muli %scan3A_281, %mul3A_943 : i32
        %swap3A = arith.index_cast %mul3A_944 : i32 to index
        %swap3A_945 = tpu.vector_load %arg57[%swap3A] {strides = array<i32>} : memref<2048xf32, #tpu.memory_space<vmem>>, vector<16xf32>,
        %swap3A_946 = vector.shape_cast %swap3A_945 : vector<16xf32> to vector<16xf32>
        %swap3A_947 = vector.shape_cast %add3A_942 : vector<16xf32> to vector<16xf32>
        tpu.vector_store %arg57[%swap3A], %swap3A_947 {strides = array<i32>} : memref<2048xf32, #tpu.memory_space<vmem>>, vector<16xf32>,
      }
      %scan3A_275 = arith.constant 128 : i32
      %scan3A_276 = arith.constant 0 : i32
      %scan3A_277 = arith.constant 8 : i32
      %scan3A_278 = arith.addi %scan3A_276, %scan3A_277 : i32
      %scan3A_279 = arith.constant 1 : i32
      scf.for %scan3A_281 = %scan3A_276 to %scan3A_278 step %scan3A_279  : i32 {
        %broadcast_in_dim3A = arith.constant 0.000000e+00 : f32
        %broadcast_in_dim3A_282 = vector.broadcast %broadcast_in_dim3A : f32 to vector<16xf32>
        %mul3A_283 = arith.constant 16 : i32
        %mul3A_284 = arith.muli %scan3A_281, %mul3A_283 : i32
        %add3A_285 = arith.constant 0 : i32
        %add3A_286 = arith.addi %mul3A_284, %add3A_285 : i32
        %mul3A_287 = arith.constant 16 : i32
        %mul3A_288 = arith.muli %add3A_286, %mul3A_287 : i32
        %get3A = arith.index_cast %mul3A_288 : i32 to index
        %get3A_289 = tpu.vector_load %arg57[%get3A] {strides = array<i32>} : memref<2048xf32, #tpu.memory_space<vmem>>, vector<16xf32>,
        %get3A_290 = vector.shape_cast %get3A_289 : vector<16xf32> to vector<16xf32>
        %rev3A = arith.constant 15 : i32
        %rev3A_291 = vector.broadcast %rev3A : i32 to vector<16xi32>
        %rev3A_292 = tpu.iota {dimensions = array<i32: 0>} : vector<16xi32>
        %rev3A_293 = arith.subi %rev3A_291, %rev3A_292 : vector<16xi32>
        %rev3A_294 = tpu.dynamic_gather %get3A_290[%rev3A_293] in [0] : vector<16xf32>, vector<16xi32> -> vector<16xf32>
        %add3A_295 = arith.addf %get3A_290, %rev3A_294 : vector<16xf32>
        %slice3A = vector.extract_strided_slice %add3A_295 {offsets = [0], sizes = [1], strides = [1]} : vector<16xf32> to vector<1xf32>
        %squeeze3A = vector.extract %slice3A[0] : f32 from vector<1xf32>
        %slice3A_296 = vector.extract_strided_slice %add3A_295 {offsets = [1], sizes = [1], strides = [1]} : vector<16xf32> to vector<1xf32>
        %squeeze3A_297 = vector.extract %slice3A_296[0] : f32 from vector<1xf32>
        %add3A_298 = arith.addf %squeeze3A, %squeeze3A_297 : f32
        %slice3A_299 = vector.extract_strided_slice %add3A_295 {offsets = [2], sizes = [1], strides = [1]} : vector<16xf32> to vector<1xf32>
        %squeeze3A_300 = vector.extract %slice3A_299[0] : f32 from vector<1xf32>
        %add3A_301 = arith.addf %add3A_298, %squeeze3A_300 : f32
        %slice3A_302 = vector.extract_strided_slice %add3A_295 {offsets = [3], sizes = [1], strides = [1]} : vector<16xf32> to vector<1xf32>
        %squeeze3A_303 = vector.extract %slice3A_302[0] : f32 from vector<1xf32>
        %add3A_304 = arith.addf %add3A_301, %squeeze3A_303 : f32
        %slice3A_305 = vector.extract_strided_slice %add3A_295 {offsets = [4], sizes = [1], strides = [1]} : vector<16xf32> to vector<1xf32>
        %squeeze3A_306 = vector.extract %slice3A_305[0] : f32 from vector<1xf32>
        %add3A_307 = arith.addf %add3A_304, %squeeze3A_306 : f32
        %slice3A_308 = vector.extract_strided_slice %add3A_295 {offsets = [5], sizes = [1], strides = [1]} : vector<16xf32> to vector<1xf32>
        %squeeze3A_309 = vector.extract %slice3A_308[0] : f32 from vector<1xf32>
        %add3A_310 = arith.addf %add3A_307, %squeeze3A_309 : f32
        %slice3A_311 = vector.extract_strided_slice %add3A_295 {offsets = [6], sizes = [1], strides = [1]} : vector<16xf32> to vector<1xf32>
        %squeeze3A_312 = vector.extract %slice3A_311[0] : f32 from vector<1xf32>
        %add3A_313 = arith.addf %add3A_310, %squeeze3A_312 : f32
        %slice3A_314 = vector.extract_strided_slice %add3A_295 {offsets = [7], sizes = [1], strides = [1]} : vector<16xf32> to vector<1xf32>
        %squeeze3A_315 = vector.extract %slice3A_314[0] : f32 from vector<1xf32>
        %add3A_316 = arith.addf %add3A_313, %squeeze3A_315 : f32
        %eq3A = arith.constant 0 : i32
        %eq3A_317 = vector.broadcast %eq3A : i32 to vector<16xi32>
        %eq3A_318 = arith.cmpi eq, %iota3A, %eq3A_317 : vector<16xi32>
        %broadcast_in_dim3A_319 = vector.broadcast %add3A_316 : f32 to vector<16xf32>
        %select_n3A = arith.select %eq3A_318, %broadcast_in_dim3A_319, %broadcast_in_dim3A_282 : vector<16xi1>, vector<16xf32>
        %mul3A_320 = arith.constant 16 : i32
        %mul3A_321 = arith.muli %scan3A_281, %mul3A_320 : i32
        %add3A_322 = arith.constant 1 : i32
        %add3A_323 = arith.addi %mul3A_321, %add3A_322 : i32
        %mul3A_324 = arith.constant 16 : i32
        %mul3A_325 = arith.muli %add3A_323, %mul3A_324 : i32
        %get3A_326 = arith.index_cast %mul3A_325 : i32 to index
        %get3A_327 = tpu.vector_load %arg57[%get3A_326] {strides = array<i32>} : memref<2048xf32, #tpu.memory_space<vmem>>, vector<16xf32>,
        %get3A_328 = vector.shape_cast %get3A_327 : vector<16xf32> to vector<16xf32>
        %rev3A_329 = arith.constant 15 : i32
        %rev3A_330 = vector.broadcast %rev3A_329 : i32 to vector<16xi32>
        %rev3A_331 = tpu.iota {dimensions = array<i32: 0>} : vector<16xi32>
        %rev3A_332 = arith.subi %rev3A_330, %rev3A_331 : vector<16xi32>
        %rev3A_333 = tpu.dynamic_gather %get3A_328[%rev3A_332] in [0] : vector<16xf32>, vector<16xi32> -> vector<16xf32>
        %add3A_334 = arith.addf %get3A_328, %rev3A_333 : vector<16xf32>
        %slice3A_335 = vector.extract_strided_slice %add3A_334 {offsets = [0], sizes = [1], strides = [1]} : vector<16xf32> to vector<1xf32>
        %squeeze3A_336 = vector.extract %slice3A_335[0] : f32 from vector<1xf32>
        %slice3A_337 = vector.extract_strided_slice %add3A_334 {offsets = [1], sizes = [1], strides = [1]} : vector<16xf32> to vector<1xf32>
        %squeeze3A_338 = vector.extract %slice3A_337[0] : f32 from vector<1xf32>
        %add3A_339 = arith.addf %squeeze3A_336, %squeeze3A_338 : f32
        %slice3A_340 = vector.extract_strided_slice %add3A_334 {offsets = [2], sizes = [1], strides = [1]} : vector<16xf32> to vector<1xf32>
        %squeeze3A_341 = vector.extract %slice3A_340[0] : f32 from vector<1xf32>
        %add3A_342 = arith.addf %add3A_339, %squeeze3A_341 : f32
        %slice3A_343 = vector.extract_strided_slice %add3A_334 {offsets = [3], sizes = [1], strides = [1]} : vector<16xf32> to vector<1xf32>
        %squeeze3A_344 = vector.extract %slice3A_343[0] : f32 from vector<1xf32>
        %add3A_345 = arith.addf %add3A_342, %squeeze3A_344 : f32
        %slice3A_346 = vector.extract_strided_slice %add3A_334 {offsets = [4], sizes = [1], strides = [1]} : vector<16xf32> to vector<1xf32>
        %squeeze3A_347 = vector.extract %slice3A_346[0] : f32 from vector<1xf32>
        %add3A_348 = arith.addf %add3A_345, %squeeze3A_347 : f32
        %slice3A_349 = vector.extract_strided_slice %add3A_334 {offsets = [5], sizes = [1], strides = [1]} : vector<16xf32> to vector<1xf32>
        %squeeze3A_350 = vector.extract %slice3A_349[0] : f32 from vector<1xf32>
        %add3A_351 = arith.addf %add3A_348, %squeeze3A_350 : f32
        %slice3A_352 = vector.extract_strided_slice %add3A_334 {offsets = [6], sizes = [1], strides = [1]} : vector<16xf32> to vector<1xf32>
        %squeeze3A_353 = vector.extract %slice3A_352[0] : f32 from vector<1xf32>
        %add3A_354 = arith.addf %add3A_351, %squeeze3A_353 : f32
        %slice3A_355 = vector.extract_strided_slice %add3A_334 {offsets = [7], sizes = [1], strides = [1]} : vector<16xf32> to vector<1xf32>
        %squeeze3A_356 = vector.extract %slice3A_355[0] : f32 from vector<1xf32>
        %add3A_357 = arith.addf %add3A_354, %squeeze3A_356 : f32
        %eq3A_358 = arith.constant 1 : i32
        %eq3A_359 = vector.broadcast %eq3A_358 : i32 to vector<16xi32>
        %eq3A_360 = arith.cmpi eq, %iota3A, %eq3A_359 : vector<16xi32>
        %broadcast_in_dim3A_361 = vector.broadcast %add3A_357 : f32 to vector<16xf32>
        %select_n3A_362 = arith.select %eq3A_360, %broadcast_in_dim3A_361, %select_n3A : vector<16xi1>, vector<16xf32>
        %mul3A_363 = arith.constant 16 : i32
        %mul3A_364 = arith.muli %scan3A_281, %mul3A_363 : i32
        %add3A_365 = arith.constant 2 : i32
        %add3A_366 = arith.addi %mul3A_364, %add3A_365 : i32
        %mul3A_367 = arith.constant 16 : i32
        %mul3A_368 = arith.muli %add3A_366, %mul3A_367 : i32
        %get3A_369 = arith.index_cast %mul3A_368 : i32 to index
        %get3A_370 = tpu.vector_load %arg57[%get3A_369] {strides = array<i32>} : memref<2048xf32, #tpu.memory_space<vmem>>, vector<16xf32>,
        %get3A_371 = vector.shape_cast %get3A_370 : vector<16xf32> to vector<16xf32>
        %rev3A_372 = arith.constant 15 : i32
        %rev3A_373 = vector.broadcast %rev3A_372 : i32 to vector<16xi32>
        %rev3A_374 = tpu.iota {dimensions = array<i32: 0>} : vector<16xi32>
        %rev3A_375 = arith.subi %rev3A_373, %rev3A_374 : vector<16xi32>
        %rev3A_376 = tpu.dynamic_gather %get3A_371[%rev3A_375] in [0] : vector<16xf32>, vector<16xi32> -> vector<16xf32>
        %add3A_377 = arith.addf %get3A_371, %rev3A_376 : vector<16xf32>
        %slice3A_378 = vector.extract_strided_slice %add3A_377 {offsets = [0], sizes = [1], strides = [1]} : vector<16xf32> to vector<1xf32>
        %squeeze3A_379 = vector.extract %slice3A_378[0] : f32 from vector<1xf32>
        %slice3A_380 = vector.extract_strided_slice %add3A_377 {offsets = [1], sizes = [1], strides = [1]} : vector<16xf32> to vector<1xf32>
        %squeeze3A_381 = vector.extract %slice3A_380[0] : f32 from vector<1xf32>
        %add3A_382 = arith.addf %squeeze3A_379, %squeeze3A_381 : f32
        %slice3A_383 = vector.extract_strided_slice %add3A_377 {offsets = [2], sizes = [1], strides = [1]} : vector<16xf32> to vector<1xf32>
        %squeeze3A_384 = vector.extract %slice3A_383[0] : f32 from vector<1xf32>
        %add3A_385 = arith.addf %add3A_382, %squeeze3A_384 : f32
        %slice3A_386 = vector.extract_strided_slice %add3A_377 {offsets = [3], sizes = [1], strides = [1]} : vector<16xf32> to vector<1xf32>
        %squeeze3A_387 = vector.extract %slice3A_386[0] : f32 from vector<1xf32>
        %add3A_388 = arith.addf %add3A_385, %squeeze3A_387 : f32
        %slice3A_389 = vector.extract_strided_slice %add3A_377 {offsets = [4], sizes = [1], strides = [1]} : vector<16xf32> to vector<1xf32>
        %squeeze3A_390 = vector.extract %slice3A_389[0] : f32 from vector<1xf32>
        %add3A_391 = arith.addf %add3A_388, %squeeze3A_390 : f32
        %slice3A_392 = vector.extract_strided_slice %add3A_377 {offsets = [5], sizes = [1], strides = [1]} : vector<16xf32> to vector<1xf32>
        %squeeze3A_393 = vector.extract %slice3A_392[0] : f32 from vector<1xf32>
        %add3A_394 = arith.addf %add3A_391, %squeeze3A_393 : f32
        %slice3A_395 = vector.extract_strided_slice %add3A_377 {offsets = [6], sizes = [1], strides = [1]} : vector<16xf32> to vector<1xf32>
        %squeeze3A_396 = vector.extract %slice3A_395[0] : f32 from vector<1xf32>
        %add3A_397 = arith.addf %add3A_394, %squeeze3A_396 : f32
        %slice3A_398 = vector.extract_strided_slice %add3A_377 {offsets = [7], sizes = [1], strides = [1]} : vector<16xf32> to vector<1xf32>
        %squeeze3A_399 = vector.extract %slice3A_398[0] : f32 from vector<1xf32>
        %add3A_400 = arith.addf %add3A_397, %squeeze3A_399 : f32
        %eq3A_401 = arith.constant 2 : i32
        %eq3A_402 = vector.broadcast %eq3A_401 : i32 to vector<16xi32>
        %eq3A_403 = arith.cmpi eq, %iota3A, %eq3A_402 : vector<16xi32>
        %broadcast_in_dim3A_404 = vector.broadcast %add3A_400 : f32 to vector<16xf32>
        %select_n3A_405 = arith.select %eq3A_403, %broadcast_in_dim3A_404, %select_n3A_362 : vector<16xi1>, vector<16xf32>
        %mul3A_406 = arith.constant 16 : i32
        %mul3A_407 = arith.muli %scan3A_281, %mul3A_406 : i32
        %add3A_408 = arith.constant 3 : i32
        %add3A_409 = arith.addi %mul3A_407, %add3A_408 : i32
        %mul3A_410 = arith.constant 16 : i32
        %mul3A_411 = arith.muli %add3A_409, %mul3A_410 : i32
        %get3A_412 = arith.index_cast %mul3A_411 : i32 to index
        %get3A_413 = tpu.vector_load %arg57[%get3A_412] {strides = array<i32>} : memref<2048xf32, #tpu.memory_space<vmem>>, vector<16xf32>,
        %get3A_414 = vector.shape_cast %get3A_413 : vector<16xf32> to vector<16xf32>
        %rev3A_415 = arith.constant 15 : i32
        %rev3A_416 = vector.broadcast %rev3A_415 : i32 to vector<16xi32>
        %rev3A_417 = tpu.iota {dimensions = array<i32: 0>} : vector<16xi32>
        %rev3A_418 = arith.subi %rev3A_416, %rev3A_417 : vector<16xi32>
        %rev3A_419 = tpu.dynamic_gather %get3A_414[%rev3A_418] in [0] : vector<16xf32>, vector<16xi32> -> vector<16xf32>
        %add3A_420 = arith.addf %get3A_414, %rev3A_419 : vector<16xf32>
        %slice3A_421 = vector.extract_strided_slice %add3A_420 {offsets = [0], sizes = [1], strides = [1]} : vector<16xf32> to vector<1xf32>
        %squeeze3A_422 = vector.extract %slice3A_421[0] : f32 from vector<1xf32>
        %slice3A_423 = vector.extract_strided_slice %add3A_420 {offsets = [1], sizes = [1], strides = [1]} : vector<16xf32> to vector<1xf32>
        %squeeze3A_424 = vector.extract %slice3A_423[0] : f32 from vector<1xf32>
        %add3A_425 = arith.addf %squeeze3A_422, %squeeze3A_424 : f32
        %slice3A_426 = vector.extract_strided_slice %add3A_420 {offsets = [2], sizes = [1], strides = [1]} : vector<16xf32> to vector<1xf32>
        %squeeze3A_427 = vector.extract %slice3A_426[0] : f32 from vector<1xf32>
        %add3A_428 = arith.addf %add3A_425, %squeeze3A_427 : f32
        %slice3A_429 = vector.extract_strided_slice %add3A_420 {offsets = [3], sizes = [1], strides = [1]} : vector<16xf32> to vector<1xf32>
        %squeeze3A_430 = vector.extract %slice3A_429[0] : f32 from vector<1xf32>
        %add3A_431 = arith.addf %add3A_428, %squeeze3A_430 : f32
        %slice3A_432 = vector.extract_strided_slice %add3A_420 {offsets = [4], sizes = [1], strides = [1]} : vector<16xf32> to vector<1xf32>
        %squeeze3A_433 = vector.extract %slice3A_432[0] : f32 from vector<1xf32>
        %add3A_434 = arith.addf %add3A_431, %squeeze3A_433 : f32
        %slice3A_435 = vector.extract_strided_slice %add3A_420 {offsets = [5], sizes = [1], strides = [1]} : vector<16xf32> to vector<1xf32>
        %squeeze3A_436 = vector.extract %slice3A_435[0] : f32 from vector<1xf32>
        %add3A_437 = arith.addf %add3A_434, %squeeze3A_436 : f32
        %slice3A_438 = vector.extract_strided_slice %add3A_420 {offsets = [6], sizes = [1], strides = [1]} : vector<16xf32> to vector<1xf32>
        %squeeze3A_439 = vector.extract %slice3A_438[0] : f32 from vector<1xf32>
        %add3A_440 = arith.addf %add3A_437, %squeeze3A_439 : f32
        %slice3A_441 = vector.extract_strided_slice %add3A_420 {offsets = [7], sizes = [1], strides = [1]} : vector<16xf32> to vector<1xf32>
        %squeeze3A_442 = vector.extract %slice3A_441[0] : f32 from vector<1xf32>
        %add3A_443 = arith.addf %add3A_440, %squeeze3A_442 : f32
        %eq3A_444 = arith.constant 3 : i32
        %eq3A_445 = vector.broadcast %eq3A_444 : i32 to vector<16xi32>
        %eq3A_446 = arith.cmpi eq, %iota3A, %eq3A_445 : vector<16xi32>
        %broadcast_in_dim3A_447 = vector.broadcast %add3A_443 : f32 to vector<16xf32>
        %select_n3A_448 = arith.select %eq3A_446, %broadcast_in_dim3A_447, %select_n3A_405 : vector<16xi1>, vector<16xf32>
        %mul3A_449 = arith.constant 16 : i32
        %mul3A_450 = arith.muli %scan3A_281, %mul3A_449 : i32
        %add3A_451 = arith.constant 4 : i32
        %add3A_452 = arith.addi %mul3A_450, %add3A_451 : i32
        %mul3A_453 = arith.constant 16 : i32
        %mul3A_454 = arith.muli %add3A_452, %mul3A_453 : i32
        %get3A_455 = arith.index_cast %mul3A_454 : i32 to index
        %get3A_456 = tpu.vector_load %arg57[%get3A_455] {strides = array<i32>} : memref<2048xf32, #tpu.memory_space<vmem>>, vector<16xf32>,
        %get3A_457 = vector.shape_cast %get3A_456 : vector<16xf32> to vector<16xf32>
        %rev3A_458 = arith.constant 15 : i32
        %rev3A_459 = vector.broadcast %rev3A_458 : i32 to vector<16xi32>
        %rev3A_460 = tpu.iota {dimensions = array<i32: 0>} : vector<16xi32>
        %rev3A_461 = arith.subi %rev3A_459, %rev3A_460 : vector<16xi32>
        %rev3A_462 = tpu.dynamic_gather %get3A_457[%rev3A_461] in [0] : vector<16xf32>, vector<16xi32> -> vector<16xf32>
        %add3A_463 = arith.addf %get3A_457, %rev3A_462 : vector<16xf32>
        %slice3A_464 = vector.extract_strided_slice %add3A_463 {offsets = [0], sizes = [1], strides = [1]} : vector<16xf32> to vector<1xf32>
        %squeeze3A_465 = vector.extract %slice3A_464[0] : f32 from vector<1xf32>
        %slice3A_466 = vector.extract_strided_slice %add3A_463 {offsets = [1], sizes = [1], strides = [1]} : vector<16xf32> to vector<1xf32>
        %squeeze3A_467 = vector.extract %slice3A_466[0] : f32 from vector<1xf32>
        %add3A_468 = arith.addf %squeeze3A_465, %squeeze3A_467 : f32
        %slice3A_469 = vector.extract_strided_slice %add3A_463 {offsets = [2], sizes = [1], strides = [1]} : vector<16xf32> to vector<1xf32>
        %squeeze3A_470 = vector.extract %slice3A_469[0] : f32 from vector<1xf32>
        %add3A_471 = arith.addf %add3A_468, %squeeze3A_470 : f32
        %slice3A_472 = vector.extract_strided_slice %add3A_463 {offsets = [3], sizes = [1], strides = [1]} : vector<16xf32> to vector<1xf32>
        %squeeze3A_473 = vector.extract %slice3A_472[0] : f32 from vector<1xf32>
        %add3A_474 = arith.addf %add3A_471, %squeeze3A_473 : f32
        %slice3A_475 = vector.extract_strided_slice %add3A_463 {offsets = [4], sizes = [1], strides = [1]} : vector<16xf32> to vector<1xf32>
        %squeeze3A_476 = vector.extract %slice3A_475[0] : f32 from vector<1xf32>
        %add3A_477 = arith.addf %add3A_474, %squeeze3A_476 : f32
        %slice3A_478 = vector.extract_strided_slice %add3A_463 {offsets = [5], sizes = [1], strides = [1]} : vector<16xf32> to vector<1xf32>
        %squeeze3A_479 = vector.extract %slice3A_478[0] : f32 from vector<1xf32>
        %add3A_480 = arith.addf %add3A_477, %squeeze3A_479 : f32
        %slice3A_481 = vector.extract_strided_slice %add3A_463 {offsets = [6], sizes = [1], strides = [1]} : vector<16xf32> to vector<1xf32>
        %squeeze3A_482 = vector.extract %slice3A_481[0] : f32 from vector<1xf32>
        %add3A_483 = arith.addf %add3A_480, %squeeze3A_482 : f32
        %slice3A_484 = vector.extract_strided_slice %add3A_463 {offsets = [7], sizes = [1], strides = [1]} : vector<16xf32> to vector<1xf32>
        %squeeze3A_485 = vector.extract %slice3A_484[0] : f32 from vector<1xf32>
        %add3A_486 = arith.addf %add3A_483, %squeeze3A_485 : f32
        %eq3A_487 = arith.constant 4 : i32
        %eq3A_488 = vector.broadcast %eq3A_487 : i32 to vector<16xi32>
        %eq3A_489 = arith.cmpi eq, %iota3A, %eq3A_488 : vector<16xi32>
        %broadcast_in_dim3A_490 = vector.broadcast %add3A_486 : f32 to vector<16xf32>
        %select_n3A_491 = arith.select %eq3A_489, %broadcast_in_dim3A_490, %select_n3A_448 : vector<16xi1>, vector<16xf32>
        %mul3A_492 = arith.constant 16 : i32
        %mul3A_493 = arith.muli %scan3A_281, %mul3A_492 : i32
        %add3A_494 = arith.constant 5 : i32
        %add3A_495 = arith.addi %mul3A_493, %add3A_494 : i32
        %mul3A_496 = arith.constant 16 : i32
        %mul3A_497 = arith.muli %add3A_495, %mul3A_496 : i32
        %get3A_498 = arith.index_cast %mul3A_497 : i32 to index
        %get3A_499 = tpu.vector_load %arg57[%get3A_498] {strides = array<i32>} : memref<2048xf32, #tpu.memory_space<vmem>>, vector<16xf32>,
        %get3A_500 = vector.shape_cast %get3A_499 : vector<16xf32> to vector<16xf32>
        %rev3A_501 = arith.constant 15 : i32
        %rev3A_502 = vector.broadcast %rev3A_501 : i32 to vector<16xi32>
        %rev3A_503 = tpu.iota {dimensions = array<i32: 0>} : vector<16xi32>
        %rev3A_504 = arith.subi %rev3A_502, %rev3A_503 : vector<16xi32>
        %rev3A_505 = tpu.dynamic_gather %get3A_500[%rev3A_504] in [0] : vector<16xf32>, vector<16xi32> -> vector<16xf32>
        %add3A_506 = arith.addf %get3A_500, %rev3A_505 : vector<16xf32>
        %slice3A_507 = vector.extract_strided_slice %add3A_506 {offsets = [0], sizes = [1], strides = [1]} : vector<16xf32> to vector<1xf32>
        %squeeze3A_508 = vector.extract %slice3A_507[0] : f32 from vector<1xf32>
        %slice3A_509 = vector.extract_strided_slice %add3A_506 {offsets = [1], sizes = [1], strides = [1]} : vector<16xf32> to vector<1xf32>
        %squeeze3A_510 = vector.extract %slice3A_509[0] : f32 from vector<1xf32>
        %add3A_511 = arith.addf %squeeze3A_508, %squeeze3A_510 : f32
        %slice3A_512 = vector.extract_strided_slice %add3A_506 {offsets = [2], sizes = [1], strides = [1]} : vector<16xf32> to vector<1xf32>
        %squeeze3A_513 = vector.extract %slice3A_512[0] : f32 from vector<1xf32>
        %add3A_514 = arith.addf %add3A_511, %squeeze3A_513 : f32
        %slice3A_515 = vector.extract_strided_slice %add3A_506 {offsets = [3], sizes = [1], strides = [1]} : vector<16xf32> to vector<1xf32>
        %squeeze3A_516 = vector.extract %slice3A_515[0] : f32 from vector<1xf32>
        %add3A_517 = arith.addf %add3A_514, %squeeze3A_516 : f32
        %slice3A_518 = vector.extract_strided_slice %add3A_506 {offsets = [4], sizes = [1], strides = [1]} : vector<16xf32> to vector<1xf32>
        %squeeze3A_519 = vector.extract %slice3A_518[0] : f32 from vector<1xf32>
        %add3A_520 = arith.addf %add3A_517, %squeeze3A_519 : f32
        %slice3A_521 = vector.extract_strided_slice %add3A_506 {offsets = [5], sizes = [1], strides = [1]} : vector<16xf32> to vector<1xf32>
        %squeeze3A_522 = vector.extract %slice3A_521[0] : f32 from vector<1xf32>
        %add3A_523 = arith.addf %add3A_520, %squeeze3A_522 : f32
        %slice3A_524 = vector.extract_strided_slice %add3A_506 {offsets = [6], sizes = [1], strides = [1]} : vector<16xf32> to vector<1xf32>
        %squeeze3A_525 = vector.extract %slice3A_524[0] : f32 from vector<1xf32>
        %add3A_526 = arith.addf %add3A_523, %squeeze3A_525 : f32
        %slice3A_527 = vector.extract_strided_slice %add3A_506 {offsets = [7], sizes = [1], strides = [1]} : vector<16xf32> to vector<1xf32>
        %squeeze3A_528 = vector.extract %slice3A_527[0] : f32 from vector<1xf32>
        %add3A_529 = arith.addf %add3A_526, %squeeze3A_528 : f32
        %eq3A_530 = arith.constant 5 : i32
        %eq3A_531 = vector.broadcast %eq3A_530 : i32 to vector<16xi32>
        %eq3A_532 = arith.cmpi eq, %iota3A, %eq3A_531 : vector<16xi32>
        %broadcast_in_dim3A_533 = vector.broadcast %add3A_529 : f32 to vector<16xf32>
        %select_n3A_534 = arith.select %eq3A_532, %broadcast_in_dim3A_533, %select_n3A_491 : vector<16xi1>, vector<16xf32>
        %mul3A_535 = arith.constant 16 : i32
        %mul3A_536 = arith.muli %scan3A_281, %mul3A_535 : i32
        %add3A_537 = arith.constant 6 : i32
        %add3A_538 = arith.addi %mul3A_536, %add3A_537 : i32
        %mul3A_539 = arith.constant 16 : i32
        %mul3A_540 = arith.muli %add3A_538, %mul3A_539 : i32
        %get3A_541 = arith.index_cast %mul3A_540 : i32 to index
        %get3A_542 = tpu.vector_load %arg57[%get3A_541] {strides = array<i32>} : memref<2048xf32, #tpu.memory_space<vmem>>, vector<16xf32>,
        %get3A_543 = vector.shape_cast %get3A_542 : vector<16xf32> to vector<16xf32>
        %rev3A_544 = arith.constant 15 : i32
        %rev3A_545 = vector.broadcast %rev3A_544 : i32 to vector<16xi32>
        %rev3A_546 = tpu.iota {dimensions = array<i32: 0>} : vector<16xi32>
        %rev3A_547 = arith.subi %rev3A_545, %rev3A_546 : vector<16xi32>
        %rev3A_548 = tpu.dynamic_gather %get3A_543[%rev3A_547] in [0] : vector<16xf32>, vector<16xi32> -> vector<16xf32>
        %add3A_549 = arith.addf %get3A_543, %rev3A_548 : vector<16xf32>
        %slice3A_550 = vector.extract_strided_slice %add3A_549 {offsets = [0], sizes = [1], strides = [1]} : vector<16xf32> to vector<1xf32>
        %squeeze3A_551 = vector.extract %slice3A_550[0] : f32 from vector<1xf32>
        %slice3A_552 = vector.extract_strided_slice %add3A_549 {offsets = [1], sizes = [1], strides = [1]} : vector<16xf32> to vector<1xf32>
        %squeeze3A_553 = vector.extract %slice3A_552[0] : f32 from vector<1xf32>
        %add3A_554 = arith.addf %squeeze3A_551, %squeeze3A_553 : f32
        %slice3A_555 = vector.extract_strided_slice %add3A_549 {offsets = [2], sizes = [1], strides = [1]} : vector<16xf32> to vector<1xf32>
        %squeeze3A_556 = vector.extract %slice3A_555[0] : f32 from vector<1xf32>
        %add3A_557 = arith.addf %add3A_554, %squeeze3A_556 : f32
        %slice3A_558 = vector.extract_strided_slice %add3A_549 {offsets = [3], sizes = [1], strides = [1]} : vector<16xf32> to vector<1xf32>
        %squeeze3A_559 = vector.extract %slice3A_558[0] : f32 from vector<1xf32>
        %add3A_560 = arith.addf %add3A_557, %squeeze3A_559 : f32
        %slice3A_561 = vector.extract_strided_slice %add3A_549 {offsets = [4], sizes = [1], strides = [1]} : vector<16xf32> to vector<1xf32>
        %squeeze3A_562 = vector.extract %slice3A_561[0] : f32 from vector<1xf32>
        %add3A_563 = arith.addf %add3A_560, %squeeze3A_562 : f32
        %slice3A_564 = vector.extract_strided_slice %add3A_549 {offsets = [5], sizes = [1], strides = [1]} : vector<16xf32> to vector<1xf32>
        %squeeze3A_565 = vector.extract %slice3A_564[0] : f32 from vector<1xf32>
        %add3A_566 = arith.addf %add3A_563, %squeeze3A_565 : f32
        %slice3A_567 = vector.extract_strided_slice %add3A_549 {offsets = [6], sizes = [1], strides = [1]} : vector<16xf32> to vector<1xf32>
        %squeeze3A_568 = vector.extract %slice3A_567[0] : f32 from vector<1xf32>
        %add3A_569 = arith.addf %add3A_566, %squeeze3A_568 : f32
        %slice3A_570 = vector.extract_strided_slice %add3A_549 {offsets = [7], sizes = [1], strides = [1]} : vector<16xf32> to vector<1xf32>
        %squeeze3A_571 = vector.extract %slice3A_570[0] : f32 from vector<1xf32>
        %add3A_572 = arith.addf %add3A_569, %squeeze3A_571 : f32
        %eq3A_573 = arith.constant 6 : i32
        %eq3A_574 = vector.broadcast %eq3A_573 : i32 to vector<16xi32>
        %eq3A_575 = arith.cmpi eq, %iota3A, %eq3A_574 : vector<16xi32>
        %broadcast_in_dim3A_576 = vector.broadcast %add3A_572 : f32 to vector<16xf32>
        %select_n3A_577 = arith.select %eq3A_575, %broadcast_in_dim3A_576, %select_n3A_534 : vector<16xi1>, vector<16xf32>
        %mul3A_578 = arith.constant 16 : i32
        %mul3A_579 = arith.muli %scan3A_281, %mul3A_578 : i32
        %add3A_580 = arith.constant 7 : i32
        %add3A_581 = arith.addi %mul3A_579, %add3A_580 : i32
        %mul3A_582 = arith.constant 16 : i32
        %mul3A_583 = arith.muli %add3A_581, %mul3A_582 : i32
        %get3A_584 = arith.index_cast %mul3A_583 : i32 to index
        %get3A_585 = tpu.vector_load %arg57[%get3A_584] {strides = array<i32>} : memref<2048xf32, #tpu.memory_space<vmem>>, vector<16xf32>,
        %get3A_586 = vector.shape_cast %get3A_585 : vector<16xf32> to vector<16xf32>
        %rev3A_587 = arith.constant 15 : i32
        %rev3A_588 = vector.broadcast %rev3A_587 : i32 to vector<16xi32>
        %rev3A_589 = tpu.iota {dimensions = array<i32: 0>} : vector<16xi32>
        %rev3A_590 = arith.subi %rev3A_588, %rev3A_589 : vector<16xi32>
        %rev3A_591 = tpu.dynamic_gather %get3A_586[%rev3A_590] in [0] : vector<16xf32>, vector<16xi32> -> vector<16xf32>
        %add3A_592 = arith.addf %get3A_586, %rev3A_591 : vector<16xf32>
        %slice3A_593 = vector.extract_strided_slice %add3A_592 {offsets = [0], sizes = [1], strides = [1]} : vector<16xf32> to vector<1xf32>
        %squeeze3A_594 = vector.extract %slice3A_593[0] : f32 from vector<1xf32>
        %slice3A_595 = vector.extract_strided_slice %add3A_592 {offsets = [1], sizes = [1], strides = [1]} : vector<16xf32> to vector<1xf32>
        %squeeze3A_596 = vector.extract %slice3A_595[0] : f32 from vector<1xf32>
        %add3A_597 = arith.addf %squeeze3A_594, %squeeze3A_596 : f32
        %slice3A_598 = vector.extract_strided_slice %add3A_592 {offsets = [2], sizes = [1], strides = [1]} : vector<16xf32> to vector<1xf32>
        %squeeze3A_599 = vector.extract %slice3A_598[0] : f32 from vector<1xf32>
        %add3A_600 = arith.addf %add3A_597, %squeeze3A_599 : f32
        %slice3A_601 = vector.extract_strided_slice %add3A_592 {offsets = [3], sizes = [1], strides = [1]} : vector<16xf32> to vector<1xf32>
        %squeeze3A_602 = vector.extract %slice3A_601[0] : f32 from vector<1xf32>
        %add3A_603 = arith.addf %add3A_600, %squeeze3A_602 : f32
        %slice3A_604 = vector.extract_strided_slice %add3A_592 {offsets = [4], sizes = [1], strides = [1]} : vector<16xf32> to vector<1xf32>
        %squeeze3A_605 = vector.extract %slice3A_604[0] : f32 from vector<1xf32>
        %add3A_606 = arith.addf %add3A_603, %squeeze3A_605 : f32
        %slice3A_607 = vector.extract_strided_slice %add3A_592 {offsets = [5], sizes = [1], strides = [1]} : vector<16xf32> to vector<1xf32>
        %squeeze3A_608 = vector.extract %slice3A_607[0] : f32 from vector<1xf32>
        %add3A_609 = arith.addf %add3A_606, %squeeze3A_608 : f32
        %slice3A_610 = vector.extract_strided_slice %add3A_592 {offsets = [6], sizes = [1], strides = [1]} : vector<16xf32> to vector<1xf32>
        %squeeze3A_611 = vector.extract %slice3A_610[0] : f32 from vector<1xf32>
        %add3A_612 = arith.addf %add3A_609, %squeeze3A_611 : f32
        %slice3A_613 = vector.extract_strided_slice %add3A_592 {offsets = [7], sizes = [1], strides = [1]} : vector<16xf32> to vector<1xf32>
        %squeeze3A_614 = vector.extract %slice3A_613[0] : f32 from vector<1xf32>
        %add3A_615 = arith.addf %add3A_612, %squeeze3A_614 : f32
        %eq3A_616 = arith.constant 7 : i32
        %eq3A_617 = vector.broadcast %eq3A_616 : i32 to vector<16xi32>
        %eq3A_618 = arith.cmpi eq, %iota3A, %eq3A_617 : vector<16xi32>
        %broadcast_in_dim3A_619 = vector.broadcast %add3A_615 : f32 to vector<16xf32>
        %select_n3A_620 = arith.select %eq3A_618, %broadcast_in_dim3A_619, %select_n3A_577 : vector<16xi1>, vector<16xf32>
        %mul3A_621 = arith.constant 16 : i32
        %mul3A_622 = arith.muli %scan3A_281, %mul3A_621 : i32
        %add3A_623 = arith.constant 8 : i32
        %add3A_624 = arith.addi %mul3A_622, %add3A_623 : i32
        %mul3A_625 = arith.constant 16 : i32
        %mul3A_626 = arith.muli %add3A_624, %mul3A_625 : i32
        %get3A_627 = arith.index_cast %mul3A_626 : i32 to index
        %get3A_628 = tpu.vector_load %arg57[%get3A_627] {strides = array<i32>} : memref<2048xf32, #tpu.memory_space<vmem>>, vector<16xf32>,
        %get3A_629 = vector.shape_cast %get3A_628 : vector<16xf32> to vector<16xf32>
        %rev3A_630 = arith.constant 15 : i32
        %rev3A_631 = vector.broadcast %rev3A_630 : i32 to vector<16xi32>
        %rev3A_632 = tpu.iota {dimensions = array<i32: 0>} : vector<16xi32>
        %rev3A_633 = arith.subi %rev3A_631, %rev3A_632 : vector<16xi32>
        %rev3A_634 = tpu.dynamic_gather %get3A_629[%rev3A_633] in [0] : vector<16xf32>, vector<16xi32> -> vector<16xf32>
        %add3A_635 = arith.addf %get3A_629, %rev3A_634 : vector<16xf32>
        %slice3A_636 = vector.extract_strided_slice %add3A_635 {offsets = [0], sizes = [1], strides = [1]} : vector<16xf32> to vector<1xf32>
        %squeeze3A_637 = vector.extract %slice3A_636[0] : f32 from vector<1xf32>
        %slice3A_638 = vector.extract_strided_slice %add3A_635 {offsets = [1], sizes = [1], strides = [1]} : vector<16xf32> to vector<1xf32>
        %squeeze3A_639 = vector.extract %slice3A_638[0] : f32 from vector<1xf32>
        %add3A_640 = arith.addf %squeeze3A_637, %squeeze3A_639 : f32
        %slice3A_641 = vector.extract_strided_slice %add3A_635 {offsets = [2], sizes = [1], strides = [1]} : vector<16xf32> to vector<1xf32>
        %squeeze3A_642 = vector.extract %slice3A_641[0] : f32 from vector<1xf32>
        %add3A_643 = arith.addf %add3A_640, %squeeze3A_642 : f32
        %slice3A_644 = vector.extract_strided_slice %add3A_635 {offsets = [3], sizes = [1], strides = [1]} : vector<16xf32> to vector<1xf32>
        %squeeze3A_645 = vector.extract %slice3A_644[0] : f32 from vector<1xf32>
        %add3A_646 = arith.addf %add3A_643, %squeeze3A_645 : f32
        %slice3A_647 = vector.extract_strided_slice %add3A_635 {offsets = [4], sizes = [1], strides = [1]} : vector<16xf32> to vector<1xf32>
        %squeeze3A_648 = vector.extract %slice3A_647[0] : f32 from vector<1xf32>
        %add3A_649 = arith.addf %add3A_646, %squeeze3A_648 : f32
        %slice3A_650 = vector.extract_strided_slice %add3A_635 {offsets = [5], sizes = [1], strides = [1]} : vector<16xf32> to vector<1xf32>
        %squeeze3A_651 = vector.extract %slice3A_650[0] : f32 from vector<1xf32>
        %add3A_652 = arith.addf %add3A_649, %squeeze3A_651 : f32
        %slice3A_653 = vector.extract_strided_slice %add3A_635 {offsets = [6], sizes = [1], strides = [1]} : vector<16xf32> to vector<1xf32>
        %squeeze3A_654 = vector.extract %slice3A_653[0] : f32 from vector<1xf32>
        %add3A_655 = arith.addf %add3A_652, %squeeze3A_654 : f32
        %slice3A_656 = vector.extract_strided_slice %add3A_635 {offsets = [7], sizes = [1], strides = [1]} : vector<16xf32> to vector<1xf32>
        %squeeze3A_657 = vector.extract %slice3A_656[0] : f32 from vector<1xf32>
        %add3A_658 = arith.addf %add3A_655, %squeeze3A_657 : f32
        %eq3A_659 = arith.constant 8 : i32
        %eq3A_660 = vector.broadcast %eq3A_659 : i32 to vector<16xi32>
        %eq3A_661 = arith.cmpi eq, %iota3A, %eq3A_660 : vector<16xi32>
        %broadcast_in_dim3A_662 = vector.broadcast %add3A_658 : f32 to vector<16xf32>
        %select_n3A_663 = arith.select %eq3A_661, %broadcast_in_dim3A_662, %select_n3A_620 : vector<16xi1>, vector<16xf32>
        %mul3A_664 = arith.constant 16 : i32
        %mul3A_665 = arith.muli %scan3A_281, %mul3A_664 : i32
        %add3A_666 = arith.constant 9 : i32
        %add3A_667 = arith.addi %mul3A_665, %add3A_666 : i32
        %mul3A_668 = arith.constant 16 : i32
        %mul3A_669 = arith.muli %add3A_667, %mul3A_668 : i32
        %get3A_670 = arith.index_cast %mul3A_669 : i32 to index
        %get3A_671 = tpu.vector_load %arg57[%get3A_670] {strides = array<i32>} : memref<2048xf32, #tpu.memory_space<vmem>>, vector<16xf32>,
        %get3A_672 = vector.shape_cast %get3A_671 : vector<16xf32> to vector<16xf32>
        %rev3A_673 = arith.constant 15 : i32
        %rev3A_674 = vector.broadcast %rev3A_673 : i32 to vector<16xi32>
        %rev3A_675 = tpu.iota {dimensions = array<i32: 0>} : vector<16xi32>
        %rev3A_676 = arith.subi %rev3A_674, %rev3A_675 : vector<16xi32>
        %rev3A_677 = tpu.dynamic_gather %get3A_672[%rev3A_676] in [0] : vector<16xf32>, vector<16xi32> -> vector<16xf32>
        %add3A_678 = arith.addf %get3A_672, %rev3A_677 : vector<16xf32>
        %slice3A_679 = vector.extract_strided_slice %add3A_678 {offsets = [0], sizes = [1], strides = [1]} : vector<16xf32> to vector<1xf32>
        %squeeze3A_680 = vector.extract %slice3A_679[0] : f32 from vector<1xf32>
        %slice3A_681 = vector.extract_strided_slice %add3A_678 {offsets = [1], sizes = [1], strides = [1]} : vector<16xf32> to vector<1xf32>
        %squeeze3A_682 = vector.extract %slice3A_681[0] : f32 from vector<1xf32>
        %add3A_683 = arith.addf %squeeze3A_680, %squeeze3A_682 : f32
        %slice3A_684 = vector.extract_strided_slice %add3A_678 {offsets = [2], sizes = [1], strides = [1]} : vector<16xf32> to vector<1xf32>
        %squeeze3A_685 = vector.extract %slice3A_684[0] : f32 from vector<1xf32>
        %add3A_686 = arith.addf %add3A_683, %squeeze3A_685 : f32
        %slice3A_687 = vector.extract_strided_slice %add3A_678 {offsets = [3], sizes = [1], strides = [1]} : vector<16xf32> to vector<1xf32>
        %squeeze3A_688 = vector.extract %slice3A_687[0] : f32 from vector<1xf32>
        %add3A_689 = arith.addf %add3A_686, %squeeze3A_688 : f32
        %slice3A_690 = vector.extract_strided_slice %add3A_678 {offsets = [4], sizes = [1], strides = [1]} : vector<16xf32> to vector<1xf32>
        %squeeze3A_691 = vector.extract %slice3A_690[0] : f32 from vector<1xf32>
        %add3A_692 = arith.addf %add3A_689, %squeeze3A_691 : f32
        %slice3A_693 = vector.extract_strided_slice %add3A_678 {offsets = [5], sizes = [1], strides = [1]} : vector<16xf32> to vector<1xf32>
        %squeeze3A_694 = vector.extract %slice3A_693[0] : f32 from vector<1xf32>
        %add3A_695 = arith.addf %add3A_692, %squeeze3A_694 : f32
        %slice3A_696 = vector.extract_strided_slice %add3A_678 {offsets = [6], sizes = [1], strides = [1]} : vector<16xf32> to vector<1xf32>
        %squeeze3A_697 = vector.extract %slice3A_696[0] : f32 from vector<1xf32>
        %add3A_698 = arith.addf %add3A_695, %squeeze3A_697 : f32
        %slice3A_699 = vector.extract_strided_slice %add3A_678 {offsets = [7], sizes = [1], strides = [1]} : vector<16xf32> to vector<1xf32>
        %squeeze3A_700 = vector.extract %slice3A_699[0] : f32 from vector<1xf32>
        %add3A_701 = arith.addf %add3A_698, %squeeze3A_700 : f32
        %eq3A_702 = arith.constant 9 : i32
        %eq3A_703 = vector.broadcast %eq3A_702 : i32 to vector<16xi32>
        %eq3A_704 = arith.cmpi eq, %iota3A, %eq3A_703 : vector<16xi32>
        %broadcast_in_dim3A_705 = vector.broadcast %add3A_701 : f32 to vector<16xf32>
        %select_n3A_706 = arith.select %eq3A_704, %broadcast_in_dim3A_705, %select_n3A_663 : vector<16xi1>, vector<16xf32>
        %mul3A_707 = arith.constant 16 : i32
        %mul3A_708 = arith.muli %scan3A_281, %mul3A_707 : i32
        %add3A_709 = arith.constant 10 : i32
        %add3A_710 = arith.addi %mul3A_708, %add3A_709 : i32
        %mul3A_711 = arith.constant 16 : i32
        %mul3A_712 = arith.muli %add3A_710, %mul3A_711 : i32
        %get3A_713 = arith.index_cast %mul3A_712 : i32 to index
        %get3A_714 = tpu.vector_load %arg57[%get3A_713] {strides = array<i32>} : memref<2048xf32, #tpu.memory_space<vmem>>, vector<16xf32>,
        %get3A_715 = vector.shape_cast %get3A_714 : vector<16xf32> to vector<16xf32>
        %rev3A_716 = arith.constant 15 : i32
        %rev3A_717 = vector.broadcast %rev3A_716 : i32 to vector<16xi32>
        %rev3A_718 = tpu.iota {dimensions = array<i32: 0>} : vector<16xi32>
        %rev3A_719 = arith.subi %rev3A_717, %rev3A_718 : vector<16xi32>
        %rev3A_720 = tpu.dynamic_gather %get3A_715[%rev3A_719] in [0] : vector<16xf32>, vector<16xi32> -> vector<16xf32>
        %add3A_721 = arith.addf %get3A_715, %rev3A_720 : vector<16xf32>
        %slice3A_722 = vector.extract_strided_slice %add3A_721 {offsets = [0], sizes = [1], strides = [1]} : vector<16xf32> to vector<1xf32>
        %squeeze3A_723 = vector.extract %slice3A_722[0] : f32 from vector<1xf32>
        %slice3A_724 = vector.extract_strided_slice %add3A_721 {offsets = [1], sizes = [1], strides = [1]} : vector<16xf32> to vector<1xf32>
        %squeeze3A_725 = vector.extract %slice3A_724[0] : f32 from vector<1xf32>
        %add3A_726 = arith.addf %squeeze3A_723, %squeeze3A_725 : f32
        %slice3A_727 = vector.extract_strided_slice %add3A_721 {offsets = [2], sizes = [1], strides = [1]} : vector<16xf32> to vector<1xf32>
        %squeeze3A_728 = vector.extract %slice3A_727[0] : f32 from vector<1xf32>
        %add3A_729 = arith.addf %add3A_726, %squeeze3A_728 : f32
        %slice3A_730 = vector.extract_strided_slice %add3A_721 {offsets = [3], sizes = [1], strides = [1]} : vector<16xf32> to vector<1xf32>
        %squeeze3A_731 = vector.extract %slice3A_730[0] : f32 from vector<1xf32>
        %add3A_732 = arith.addf %add3A_729, %squeeze3A_731 : f32
        %slice3A_733 = vector.extract_strided_slice %add3A_721 {offsets = [4], sizes = [1], strides = [1]} : vector<16xf32> to vector<1xf32>
        %squeeze3A_734 = vector.extract %slice3A_733[0] : f32 from vector<1xf32>
        %add3A_735 = arith.addf %add3A_732, %squeeze3A_734 : f32
        %slice3A_736 = vector.extract_strided_slice %add3A_721 {offsets = [5], sizes = [1], strides = [1]} : vector<16xf32> to vector<1xf32>
        %squeeze3A_737 = vector.extract %slice3A_736[0] : f32 from vector<1xf32>
        %add3A_738 = arith.addf %add3A_735, %squeeze3A_737 : f32
        %slice3A_739 = vector.extract_strided_slice %add3A_721 {offsets = [6], sizes = [1], strides = [1]} : vector<16xf32> to vector<1xf32>
        %squeeze3A_740 = vector.extract %slice3A_739[0] : f32 from vector<1xf32>
        %add3A_741 = arith.addf %add3A_738, %squeeze3A_740 : f32
        %slice3A_742 = vector.extract_strided_slice %add3A_721 {offsets = [7], sizes = [1], strides = [1]} : vector<16xf32> to vector<1xf32>
        %squeeze3A_743 = vector.extract %slice3A_742[0] : f32 from vector<1xf32>
        %add3A_744 = arith.addf %add3A_741, %squeeze3A_743 : f32
        %eq3A_745 = arith.constant 10 : i32
        %eq3A_746 = vector.broadcast %eq3A_745 : i32 to vector<16xi32>
        %eq3A_747 = arith.cmpi eq, %iota3A, %eq3A_746 : vector<16xi32>
        %broadcast_in_dim3A_748 = vector.broadcast %add3A_744 : f32 to vector<16xf32>
        %select_n3A_749 = arith.select %eq3A_747, %broadcast_in_dim3A_748, %select_n3A_706 : vector<16xi1>, vector<16xf32>
        %mul3A_750 = arith.constant 16 : i32
        %mul3A_751 = arith.muli %scan3A_281, %mul3A_750 : i32
        %add3A_752 = arith.constant 11 : i32
        %add3A_753 = arith.addi %mul3A_751, %add3A_752 : i32
        %mul3A_754 = arith.constant 16 : i32
        %mul3A_755 = arith.muli %add3A_753, %mul3A_754 : i32
        %get3A_756 = arith.index_cast %mul3A_755 : i32 to index
        %get3A_757 = tpu.vector_load %arg57[%get3A_756] {strides = array<i32>} : memref<2048xf32, #tpu.memory_space<vmem>>, vector<16xf32>,
        %get3A_758 = vector.shape_cast %get3A_757 : vector<16xf32> to vector<16xf32>
        %rev3A_759 = arith.constant 15 : i32
        %rev3A_760 = vector.broadcast %rev3A_759 : i32 to vector<16xi32>
        %rev3A_761 = tpu.iota {dimensions = array<i32: 0>} : vector<16xi32>
        %rev3A_762 = arith.subi %rev3A_760, %rev3A_761 : vector<16xi32>
        %rev3A_763 = tpu.dynamic_gather %get3A_758[%rev3A_762] in [0] : vector<16xf32>, vector<16xi32> -> vector<16xf32>
        %add3A_764 = arith.addf %get3A_758, %rev3A_763 : vector<16xf32>
        %slice3A_765 = vector.extract_strided_slice %add3A_764 {offsets = [0], sizes = [1], strides = [1]} : vector<16xf32> to vector<1xf32>
        %squeeze3A_766 = vector.extract %slice3A_765[0] : f32 from vector<1xf32>
        %slice3A_767 = vector.extract_strided_slice %add3A_764 {offsets = [1], sizes = [1], strides = [1]} : vector<16xf32> to vector<1xf32>
        %squeeze3A_768 = vector.extract %slice3A_767[0] : f32 from vector<1xf32>
        %add3A_769 = arith.addf %squeeze3A_766, %squeeze3A_768 : f32
        %slice3A_770 = vector.extract_strided_slice %add3A_764 {offsets = [2], sizes = [1], strides = [1]} : vector<16xf32> to vector<1xf32>
        %squeeze3A_771 = vector.extract %slice3A_770[0] : f32 from vector<1xf32>
        %add3A_772 = arith.addf %add3A_769, %squeeze3A_771 : f32
        %slice3A_773 = vector.extract_strided_slice %add3A_764 {offsets = [3], sizes = [1], strides = [1]} : vector<16xf32> to vector<1xf32>
        %squeeze3A_774 = vector.extract %slice3A_773[0] : f32 from vector<1xf32>
        %add3A_775 = arith.addf %add3A_772, %squeeze3A_774 : f32
        %slice3A_776 = vector.extract_strided_slice %add3A_764 {offsets = [4], sizes = [1], strides = [1]} : vector<16xf32> to vector<1xf32>
        %squeeze3A_777 = vector.extract %slice3A_776[0] : f32 from vector<1xf32>
        %add3A_778 = arith.addf %add3A_775, %squeeze3A_777 : f32
        %slice3A_779 = vector.extract_strided_slice %add3A_764 {offsets = [5], sizes = [1], strides = [1]} : vector<16xf32> to vector<1xf32>
        %squeeze3A_780 = vector.extract %slice3A_779[0] : f32 from vector<1xf32>
        %add3A_781 = arith.addf %add3A_778, %squeeze3A_780 : f32
        %slice3A_782 = vector.extract_strided_slice %add3A_764 {offsets = [6], sizes = [1], strides = [1]} : vector<16xf32> to vector<1xf32>
        %squeeze3A_783 = vector.extract %slice3A_782[0] : f32 from vector<1xf32>
        %add3A_784 = arith.addf %add3A_781, %squeeze3A_783 : f32
        %slice3A_785 = vector.extract_strided_slice %add3A_764 {offsets = [7], sizes = [1], strides = [1]} : vector<16xf32> to vector<1xf32>
        %squeeze3A_786 = vector.extract %slice3A_785[0] : f32 from vector<1xf32>
        %add3A_787 = arith.addf %add3A_784, %squeeze3A_786 : f32
        %eq3A_788 = arith.constant 11 : i32
        %eq3A_789 = vector.broadcast %eq3A_788 : i32 to vector<16xi32>
        %eq3A_790 = arith.cmpi eq, %iota3A, %eq3A_789 : vector<16xi32>
        %broadcast_in_dim3A_791 = vector.broadcast %add3A_787 : f32 to vector<16xf32>
        %select_n3A_792 = arith.select %eq3A_790, %broadcast_in_dim3A_791, %select_n3A_749 : vector<16xi1>, vector<16xf32>
        %mul3A_793 = arith.constant 16 : i32
        %mul3A_794 = arith.muli %scan3A_281, %mul3A_793 : i32
        %add3A_795 = arith.constant 12 : i32
        %add3A_796 = arith.addi %mul3A_794, %add3A_795 : i32
        %mul3A_797 = arith.constant 16 : i32
        %mul3A_798 = arith.muli %add3A_796, %mul3A_797 : i32
        %get3A_799 = arith.index_cast %mul3A_798 : i32 to index
        %get3A_800 = tpu.vector_load %arg57[%get3A_799] {strides = array<i32>} : memref<2048xf32, #tpu.memory_space<vmem>>, vector<16xf32>,
        %get3A_801 = vector.shape_cast %get3A_800 : vector<16xf32> to vector<16xf32>
        %rev3A_802 = arith.constant 15 : i32
        %rev3A_803 = vector.broadcast %rev3A_802 : i32 to vector<16xi32>
        %rev3A_804 = tpu.iota {dimensions = array<i32: 0>} : vector<16xi32>
        %rev3A_805 = arith.subi %rev3A_803, %rev3A_804 : vector<16xi32>
        %rev3A_806 = tpu.dynamic_gather %get3A_801[%rev3A_805] in [0] : vector<16xf32>, vector<16xi32> -> vector<16xf32>
        %add3A_807 = arith.addf %get3A_801, %rev3A_806 : vector<16xf32>
        %slice3A_808 = vector.extract_strided_slice %add3A_807 {offsets = [0], sizes = [1], strides = [1]} : vector<16xf32> to vector<1xf32>
        %squeeze3A_809 = vector.extract %slice3A_808[0] : f32 from vector<1xf32>
        %slice3A_810 = vector.extract_strided_slice %add3A_807 {offsets = [1], sizes = [1], strides = [1]} : vector<16xf32> to vector<1xf32>
        %squeeze3A_811 = vector.extract %slice3A_810[0] : f32 from vector<1xf32>
        %add3A_812 = arith.addf %squeeze3A_809, %squeeze3A_811 : f32
        %slice3A_813 = vector.extract_strided_slice %add3A_807 {offsets = [2], sizes = [1], strides = [1]} : vector<16xf32> to vector<1xf32>
        %squeeze3A_814 = vector.extract %slice3A_813[0] : f32 from vector<1xf32>
        %add3A_815 = arith.addf %add3A_812, %squeeze3A_814 : f32
        %slice3A_816 = vector.extract_strided_slice %add3A_807 {offsets = [3], sizes = [1], strides = [1]} : vector<16xf32> to vector<1xf32>
        %squeeze3A_817 = vector.extract %slice3A_816[0] : f32 from vector<1xf32>
        %add3A_818 = arith.addf %add3A_815, %squeeze3A_817 : f32
        %slice3A_819 = vector.extract_strided_slice %add3A_807 {offsets = [4], sizes = [1], strides = [1]} : vector<16xf32> to vector<1xf32>
        %squeeze3A_820 = vector.extract %slice3A_819[0] : f32 from vector<1xf32>
        %add3A_821 = arith.addf %add3A_818, %squeeze3A_820 : f32
        %slice3A_822 = vector.extract_strided_slice %add3A_807 {offsets = [5], sizes = [1], strides = [1]} : vector<16xf32> to vector<1xf32>
        %squeeze3A_823 = vector.extract %slice3A_822[0] : f32 from vector<1xf32>
        %add3A_824 = arith.addf %add3A_821, %squeeze3A_823 : f32
        %slice3A_825 = vector.extract_strided_slice %add3A_807 {offsets = [6], sizes = [1], strides = [1]} : vector<16xf32> to vector<1xf32>
        %squeeze3A_826 = vector.extract %slice3A_825[0] : f32 from vector<1xf32>
        %add3A_827 = arith.addf %add3A_824, %squeeze3A_826 : f32
        %slice3A_828 = vector.extract_strided_slice %add3A_807 {offsets = [7], sizes = [1], strides = [1]} : vector<16xf32> to vector<1xf32>
        %squeeze3A_829 = vector.extract %slice3A_828[0] : f32 from vector<1xf32>
        %add3A_830 = arith.addf %add3A_827, %squeeze3A_829 : f32
        %eq3A_831 = arith.constant 12 : i32
        %eq3A_832 = vector.broadcast %eq3A_831 : i32 to vector<16xi32>
        %eq3A_833 = arith.cmpi eq, %iota3A, %eq3A_832 : vector<16xi32>
        %broadcast_in_dim3A_834 = vector.broadcast %add3A_830 : f32 to vector<16xf32>
        %select_n3A_835 = arith.select %eq3A_833, %broadcast_in_dim3A_834, %select_n3A_792 : vector<16xi1>, vector<16xf32>
        %mul3A_836 = arith.constant 16 : i32
        %mul3A_837 = arith.muli %scan3A_281, %mul3A_836 : i32
        %add3A_838 = arith.constant 13 : i32
        %add3A_839 = arith.addi %mul3A_837, %add3A_838 : i32
        %mul3A_840 = arith.constant 16 : i32
        %mul3A_841 = arith.muli %add3A_839, %mul3A_840 : i32
        %get3A_842 = arith.index_cast %mul3A_841 : i32 to index
        %get3A_843 = tpu.vector_load %arg57[%get3A_842] {strides = array<i32>} : memref<2048xf32, #tpu.memory_space<vmem>>, vector<16xf32>,
        %get3A_844 = vector.shape_cast %get3A_843 : vector<16xf32> to vector<16xf32>
        %rev3A_845 = arith.constant 15 : i32
        %rev3A_846 = vector.broadcast %rev3A_845 : i32 to vector<16xi32>
        %rev3A_847 = tpu.iota {dimensions = array<i32: 0>} : vector<16xi32>
        %rev3A_848 = arith.subi %rev3A_846, %rev3A_847 : vector<16xi32>
        %rev3A_849 = tpu.dynamic_gather %get3A_844[%rev3A_848] in [0] : vector<16xf32>, vector<16xi32> -> vector<16xf32>
        %add3A_850 = arith.addf %get3A_844, %rev3A_849 : vector<16xf32>
        %slice3A_851 = vector.extract_strided_slice %add3A_850 {offsets = [0], sizes = [1], strides = [1]} : vector<16xf32> to vector<1xf32>
        %squeeze3A_852 = vector.extract %slice3A_851[0] : f32 from vector<1xf32>
        %slice3A_853 = vector.extract_strided_slice %add3A_850 {offsets = [1], sizes = [1], strides = [1]} : vector<16xf32> to vector<1xf32>
        %squeeze3A_854 = vector.extract %slice3A_853[0] : f32 from vector<1xf32>
        %add3A_855 = arith.addf %squeeze3A_852, %squeeze3A_854 : f32
        %slice3A_856 = vector.extract_strided_slice %add3A_850 {offsets = [2], sizes = [1], strides = [1]} : vector<16xf32> to vector<1xf32>
        %squeeze3A_857 = vector.extract %slice3A_856[0] : f32 from vector<1xf32>
        %add3A_858 = arith.addf %add3A_855, %squeeze3A_857 : f32
        %slice3A_859 = vector.extract_strided_slice %add3A_850 {offsets = [3], sizes = [1], strides = [1]} : vector<16xf32> to vector<1xf32>
        %squeeze3A_860 = vector.extract %slice3A_859[0] : f32 from vector<1xf32>
        %add3A_861 = arith.addf %add3A_858, %squeeze3A_860 : f32
        %slice3A_862 = vector.extract_strided_slice %add3A_850 {offsets = [4], sizes = [1], strides = [1]} : vector<16xf32> to vector<1xf32>
        %squeeze3A_863 = vector.extract %slice3A_862[0] : f32 from vector<1xf32>
        %add3A_864 = arith.addf %add3A_861, %squeeze3A_863 : f32
        %slice3A_865 = vector.extract_strided_slice %add3A_850 {offsets = [5], sizes = [1], strides = [1]} : vector<16xf32> to vector<1xf32>
        %squeeze3A_866 = vector.extract %slice3A_865[0] : f32 from vector<1xf32>
        %add3A_867 = arith.addf %add3A_864, %squeeze3A_866 : f32
        %slice3A_868 = vector.extract_strided_slice %add3A_850 {offsets = [6], sizes = [1], strides = [1]} : vector<16xf32> to vector<1xf32>
        %squeeze3A_869 = vector.extract %slice3A_868[0] : f32 from vector<1xf32>
        %add3A_870 = arith.addf %add3A_867, %squeeze3A_869 : f32
        %slice3A_871 = vector.extract_strided_slice %add3A_850 {offsets = [7], sizes = [1], strides = [1]} : vector<16xf32> to vector<1xf32>
        %squeeze3A_872 = vector.extract %slice3A_871[0] : f32 from vector<1xf32>
        %add3A_873 = arith.addf %add3A_870, %squeeze3A_872 : f32
        %eq3A_874 = arith.constant 13 : i32
        %eq3A_875 = vector.broadcast %eq3A_874 : i32 to vector<16xi32>
        %eq3A_876 = arith.cmpi eq, %iota3A, %eq3A_875 : vector<16xi32>
        %broadcast_in_dim3A_877 = vector.broadcast %add3A_873 : f32 to vector<16xf32>
        %select_n3A_878 = arith.select %eq3A_876, %broadcast_in_dim3A_877, %select_n3A_835 : vector<16xi1>, vector<16xf32>
        %mul3A_879 = arith.constant 16 : i32
        %mul3A_880 = arith.muli %scan3A_281, %mul3A_879 : i32
        %add3A_881 = arith.constant 14 : i32
        %add3A_882 = arith.addi %mul3A_880, %add3A_881 : i32
        %mul3A_883 = arith.constant 16 : i32
        %mul3A_884 = arith.muli %add3A_882, %mul3A_883 : i32
        %get3A_885 = arith.index_cast %mul3A_884 : i32 to index
        %get3A_886 = tpu.vector_load %arg57[%get3A_885] {strides = array<i32>} : memref<2048xf32, #tpu.memory_space<vmem>>, vector<16xf32>,
        %get3A_887 = vector.shape_cast %get3A_886 : vector<16xf32> to vector<16xf32>
        %rev3A_888 = arith.constant 15 : i32
        %rev3A_889 = vector.broadcast %rev3A_888 : i32 to vector<16xi32>
        %rev3A_890 = tpu.iota {dimensions = array<i32: 0>} : vector<16xi32>
        %rev3A_891 = arith.subi %rev3A_889, %rev3A_890 : vector<16xi32>
        %rev3A_892 = tpu.dynamic_gather %get3A_887[%rev3A_891] in [0] : vector<16xf32>, vector<16xi32> -> vector<16xf32>
        %add3A_893 = arith.addf %get3A_887, %rev3A_892 : vector<16xf32>
        %slice3A_894 = vector.extract_strided_slice %add3A_893 {offsets = [0], sizes = [1], strides = [1]} : vector<16xf32> to vector<1xf32>
        %squeeze3A_895 = vector.extract %slice3A_894[0] : f32 from vector<1xf32>
        %slice3A_896 = vector.extract_strided_slice %add3A_893 {offsets = [1], sizes = [1], strides = [1]} : vector<16xf32> to vector<1xf32>
        %squeeze3A_897 = vector.extract %slice3A_896[0] : f32 from vector<1xf32>
        %add3A_898 = arith.addf %squeeze3A_895, %squeeze3A_897 : f32
        %slice3A_899 = vector.extract_strided_slice %add3A_893 {offsets = [2], sizes = [1], strides = [1]} : vector<16xf32> to vector<1xf32>
        %squeeze3A_900 = vector.extract %slice3A_899[0] : f32 from vector<1xf32>
        %add3A_901 = arith.addf %add3A_898, %squeeze3A_900 : f32
        %slice3A_902 = vector.extract_strided_slice %add3A_893 {offsets = [3], sizes = [1], strides = [1]} : vector<16xf32> to vector<1xf32>
        %squeeze3A_903 = vector.extract %slice3A_902[0] : f32 from vector<1xf32>
        %add3A_904 = arith.addf %add3A_901, %squeeze3A_903 : f32
        %slice3A_905 = vector.extract_strided_slice %add3A_893 {offsets = [4], sizes = [1], strides = [1]} : vector<16xf32> to vector<1xf32>
        %squeeze3A_906 = vector.extract %slice3A_905[0] : f32 from vector<1xf32>
        %add3A_907 = arith.addf %add3A_904, %squeeze3A_906 : f32
        %slice3A_908 = vector.extract_strided_slice %add3A_893 {offsets = [5], sizes = [1], strides = [1]} : vector<16xf32> to vector<1xf32>
        %squeeze3A_909 = vector.extract %slice3A_908[0] : f32 from vector<1xf32>
        %add3A_910 = arith.addf %add3A_907, %squeeze3A_909 : f32
        %slice3A_911 = vector.extract_strided_slice %add3A_893 {offsets = [6], sizes = [1], strides = [1]} : vector<16xf32> to vector<1xf32>
        %squeeze3A_912 = vector.extract %slice3A_911[0] : f32 from vector<1xf32>
        %add3A_913 = arith.addf %add3A_910, %squeeze3A_912 : f32
        %slice3A_914 = vector.extract_strided_slice %add3A_893 {offsets = [7], sizes = [1], strides = [1]} : vector<16xf32> to vector<1xf32>
        %squeeze3A_915 = vector.extract %slice3A_914[0] : f32 from vector<1xf32>
        %add3A_916 = arith.addf %add3A_913, %squeeze3A_915 : f32
        %eq3A_917 = arith.constant 14 : i32
        %eq3A_918 = vector.broadcast %eq3A_917 : i32 to vector<16xi32>
        %eq3A_919 = arith.cmpi eq, %iota3A, %eq3A_918 : vector<16xi32>
        %broadcast_in_dim3A_920 = vector.broadcast %add3A_916 : f32 to vector<16xf32>
        %select_n3A_921 = arith.select %eq3A_919, %broadcast_in_dim3A_920, %select_n3A_878 : vector<16xi1>, vector<16xf32>
        %mul3A_922 = arith.constant 16 : i32
        %mul3A_923 = arith.muli %scan3A_281, %mul3A_922 : i32
        %add3A_924 = arith.constant 15 : i32
        %add3A_925 = arith.addi %mul3A_923, %add3A_924 : i32
        %mul3A_926 = arith.constant 16 : i32
        %mul3A_927 = arith.muli %add3A_925, %mul3A_926 : i32
        %get3A_928 = arith.index_cast %mul3A_927 : i32 to index
        %get3A_929 = tpu.vector_load %arg57[%get3A_928] {strides = array<i32>} : memref<2048xf32, #tpu.memory_space<vmem>>, vector<16xf32>,
        %get3A_930 = vector.shape_cast %get3A_929 : vector<16xf32> to vector<16xf32>
        %rev3A_931 = arith.constant 15 : i32
        %rev3A_932 = vector.broadcast %rev3A_931 : i32 to vector<16xi32>
        %rev3A_933 = tpu.iota {dimensions = array<i32: 0>} : vector<16xi32>
        %rev3A_934 = arith.subi %rev3A_932, %rev3A_933 : vector<16xi32>
        %rev3A_935 = tpu.dynamic_gather %get3A_930[%rev3A_934] in [0] : vector<16xf32>, vector<16xi32> -> vector<16xf32>
        %add3A_936 = arith.addf %get3A_930, %rev3A_935 : vector<16xf32>
        %slice3A_937 = vector.extract_strided_slice %add3A_936 {offsets = [0], sizes = [1], strides = [1]} : vector<16xf32> to vector<1xf32>
        %squeeze3A_938 = vector.extract %slice3A_937[0] : f32 from vector<1xf32>
        %slice3A_939 = vector.extract_strided_slice %add3A_936 {offsets = [1], sizes = [1], strides = [1]} : vector<16xf32> to vector<1xf32>
        %squeeze3A_940 = vector.extract %slice3A_939[0] : f32 from vector<1xf32>
        %add3A_941 = arith.addf %squeeze3A_938, %squeeze3A_940 : f32
        %slice3A_942 = vector.extract_strided_slice %add3A_936 {offsets = [2], sizes = [1], strides = [1]} : vector<16xf32> to vector<1xf32>
        %squeeze3A_943 = vector.extract %slice3A_942[0] : f32 from vector<1xf32>
        %add3A_944 = arith.addf %add3A_941, %squeeze3A_943 : f32
        %slice3A_945 = vector.extract_strided_slice %add3A_936 {offsets = [3], sizes = [1], strides = [1]} : vector<16xf32> to vector<1xf32>
        %squeeze3A_946 = vector.extract %slice3A_945[0] : f32 from vector<1xf32>
        %add3A_947 = arith.addf %add3A_944, %squeeze3A_946 : f32
        %slice3A_948 = vector.extract_strided_slice %add3A_936 {offsets = [4], sizes = [1], strides = [1]} : vector<16xf32> to vector<1xf32>
        %squeeze3A_949 = vector.extract %slice3A_948[0] : f32 from vector<1xf32>
        %add3A_950 = arith.addf %add3A_947, %squeeze3A_949 : f32
        %slice3A_951 = vector.extract_strided_slice %add3A_936 {offsets = [5], sizes = [1], strides = [1]} : vector<16xf32> to vector<1xf32>
        %squeeze3A_952 = vector.extract %slice3A_951[0] : f32 from vector<1xf32>
        %add3A_953 = arith.addf %add3A_950, %squeeze3A_952 : f32
        %slice3A_954 = vector.extract_strided_slice %add3A_936 {offsets = [6], sizes = [1], strides = [1]} : vector<16xf32> to vector<1xf32>
        %squeeze3A_955 = vector.extract %slice3A_954[0] : f32 from vector<1xf32>
        %add3A_956 = arith.addf %add3A_953, %squeeze3A_955 : f32
        %slice3A_957 = vector.extract_strided_slice %add3A_936 {offsets = [7], sizes = [1], strides = [1]} : vector<16xf32> to vector<1xf32>
        %squeeze3A_958 = vector.extract %slice3A_957[0] : f32 from vector<1xf32>
        %add3A_959 = arith.addf %add3A_956, %squeeze3A_958 : f32
        %eq3A_960 = arith.constant 15 : i32
        %eq3A_961 = vector.broadcast %eq3A_960 : i32 to vector<16xi32>
        %eq3A_962 = arith.cmpi eq, %iota3A, %eq3A_961 : vector<16xi32>
        %broadcast_in_dim3A_963 = vector.broadcast %add3A_959 : f32 to vector<16xf32>
        %select_n3A_964 = arith.select %eq3A_962, %broadcast_in_dim3A_963, %select_n3A_921 : vector<16xi1>, vector<16xf32>
        %mul3A_965 = arith.constant 5.000000e-01 : f32
        %mul3A_966 = vector.broadcast %mul3A_965 : f32 to vector<16xf32>
        %mul3A_967 = arith.mulf %select_n3A_964, %mul3A_966 : vector<16xf32>
        %mul3A_968 = arith.constant 16 : i32
        %mul3A_969 = arith.muli %scan3A_281, %mul3A_968 : i32
        %swap3A = arith.index_cast %mul3A_969 : i32 to index
        %swap3A_970 = tpu.vector_load %arg58[%swap3A] {strides = array<i32>} : memref<128xf32, #tpu.memory_space<vmem>>, vector<16xf32>,
        %swap3A_971 = vector.shape_cast %swap3A_970 : vector<16xf32> to vector<16xf32>
        %swap3A_972 = vector.shape_cast %mul3A_967 : vector<16xf32> to vector<16xf32>
        tpu.vector_store %arg58[%swap3A], %swap3A_972 {strides = array<i32>} : memref<128xf32, #tpu.memory_space<vmem>>, vector<16xf32>,
      }
      %scan3A_280 = arith.constant 8 : i32
      "tpu.region"() ({
        %run_scoped3A = tpu.sem_alloc : memref<!tpu.dma_semaphore, #tpu.memory_space<semaphore_mem>>
        %dma_start3A_281 = tpu.memref_slice %arg30[%add3A_10] : memref<16384xf32, #tpu.memory_space<hbm>> -> memref<128xf32, #tpu.memory_space<hbm>>
        %dma_start3A_282 = tpu.memref_slice %arg30[%add3A_10] : memref<16384xf32, #tpu.memory_space<hbm>> -> memref<128xf32, #tpu.memory_space<hbm>>
        tpu.enqueue_dma source(%arg58 : memref<128xf32, #tpu.memory_space<vmem>>) target(%dma_start3A_282 : memref<128xf32, #tpu.memory_space<hbm>>) target_semaphore(%run_scoped3A : memref<!tpu.dma_semaphore, #tpu.memory_space<semaphore_mem>>)
        %dma_wait3A_283 = tpu.memref_slice %arg30[%add3A_10] : memref<16384xf32, #tpu.memory_space<hbm>> -> memref<128xf32, #tpu.memory_space<hbm>>
        %dma_wait3A_284 = tpu.memref_slice %arg30[%add3A_10] : memref<16384xf32, #tpu.memory_space<hbm>> -> memref<128xf32, #tpu.memory_space<hbm>>
        tpu.wait_dma2 semaphore(%run_scoped3A : memref<!tpu.dma_semaphore, #tpu.memory_space<semaphore_mem>>) src(%arg58 : memref<128xf32, #tpu.memory_space<vmem>>) dst(%dma_wait3A_284 : memref<128xf32, #tpu.memory_space<hbm>>)
        tpu.yield
      }) : () -> ()
    }
    %scan3A_4 = arith.constant 4 : i32
    return
  }
}

</mosaic_0001>

<sc_bundles>
// kernel: kernel.3.cloned.1.call-start
scs
__scs_entry_jumppad:
0x0: {  	(pc) =	sbr.rel $0x88, $3  }
0x1: {  	(tag) =	ssettag $0x0;
	lr =	simm.s32 $0x1  }
0x2: {  	[smem:$0x3F85] =	sst lr;
	_ =	strace $0xD0000000  }
0x3: {  	_ = 	snop  }
0x4: {  	_ = 	snop  }
0x5: {  	_ = 	snop  }
0x6: {  	_ = 	snop  }
0x7: {  	_ = 	snop  }
__scs_overlays_trampoline_lowered:
0x8: {  	[smem:$0x3F94] =	sst s0  }
0x9: {  	[smem:$0x3F95] =	sst s1  }
0xa: {  	[smem:$0x3F96] =	sst s2  }
0xb: {  	[smem:$0x3F97] =	sst s3  }
0xc: {  	[smem:$0x3F98] =	sst s4  }
0xd: {  	[smem:$0x3F99] =	sst s5  }
0xe: {  	[smem:$0x3F9A] =	sst s6  }
0xf: {  	[smem:$0x3F9B] =	sst s7  }
0x10: {  	[smem:$0x3F9C] =	sst s8  }
0x11: {  	[smem:$0x3F9D] =	sst s9;
	s0 =	simm.s32 @!p0 $0x0  }
0x12: {  	s1 =	sld [smem:$0x3F83];
	s0 =	simm.s32 @p0 $0x1  }
0x13: {  	[smem:$0x3F9E] =	sst s0;
	s0 =	simm.s32 @!p1 $0x0  }
0x14: {  	s2 =	sld [smem:$0x3F82];
	s0 =	simm.s32 @p1 $0x1  }
0x15: {  	[smem:$0x3F9F] =	sst s0;
	s0 =	simm.s32 @!p2 $0x0  }
0x16: {  	s3 =	sld [smem:$0x3FDB];
	s0 =	simm.s32 @p2 $0x1  }
0x17: {  	s4 =	simm.s32 $0x1BF5;
	[smem:$0x3FA1] =	sst s0  }
0x18: {  	s0 =	sld [smem:$0x3F84];
	_ =	swait.ge [sflag:s4], $0x0  }
0x19: {  	s7 =	sld [smem:$0x3F85]  }
0x1a: {  	s8 =	sadd.s32 $0xFFFFE003, lr  }
0x1b: {  	s9 =	sadd.s32 $0xFFFFFEF7, lr;
	s5 =	simm.s32 $0xFFFFFFFF;
	p2 =	slt.u32 s8, $0xFFFFF086  }
0x1c: {  	p1 =	slt.u32 s9, $0xF7A;
	s5 =	simm.s32 @!p2 $0x0  }
0x1d: {  	s5 =	simm.s32 @p1 $0x1;
	p0 =	seq.s32 s7, s2  }
0x1e: {  	s7 =	smul.u32 @!p0 $0xF7A, s2;
	p2 =	seq.s32 @!p0 s5, $0x0  }
0x1f: {  	s9 =	smul.u32 $0xF7A, s1;
	s8 =	simm.s32 @!p0 $0x1BF5;
	p2 =	por !p2, p0  }
0x20: {  	[sflag:s8] =	ssyncset.s32 @!p0 $0xFFFFF086;
	s6 =	sadd.s32 @!p0 s3, s7;
	s7 =	simm.s32 @!p0 $0x108  }
0x21: {  	s3 =	sadd.s32 s3, s9;
	s6 =	sadd.s32 @!p0 $0x88, s6;
	s7 =	simm.s32 @p2 $0x1082  }
0x22: {  	[simem:s7], [sflag:s8] =	dma.local @!p0 [hbm:s6], $0xF7A  }
0x23: {  	s9 =	sor.u32 $0xD0000000, s2;
	s6 =	simm.s32 $0x108;
	_ =	swait.ge @!p0 [sflag:s8], $0x0  }
0x24: {  	s3 =	sadd.s32 $0x88, s3;
	s6 =	simm.s32 @!p1 $0x1082;
	[sflag:s4] =	ssyncset.s32 $0xFFFFF086  }
0x25: {  	[simem:s6], [sflag:s4] =	dma.local [hbm:s3], $0xF7A  }
0x26: {  	[smem:$0x3F85] =	sst s1;
	(tag) =	ssettag s2;
	_ =	strace s9  }
0x27: {  	s1 =	sld [smem:$0x3F95]  }
0x28: {  	s2 =	sld [smem:$0x3F96]  }
0x29: {  	s4 =	sld [smem:$0x3F98]  }
0x2a: {  	p0 =	seq.s32 s5, $0x0;
	s5 =	sld [smem:$0x3F99]  }
0x2b: {  	s6 =	sld [smem:$0x3F9A]  }
0x2c: {  	s7 =	sld [smem:$0x3F9B]  }
0x2d: {  	s3 =	simm.s32 $0x108;
	s8 =	sld [smem:$0x3F9C]  }
0x2e: {  	s3 =	simm.s32 @!p0 $0x1082;
	s9 =	sld [smem:$0x3F9D]  }
0x2f: {  	lr =	sadd.s32 s0, s3;
	s0 =	sld [smem:$0x3F94]  }
0x30: {  	s3 =	sld [smem:$0x3F97]  }
0x31: {  	[smem:$0x3FA0] =	sst s10  }
0x32: {  	s10 =	sld [smem:$0x3F9E];
	_ =	sdelay $0x3  }
0x33: {  	p0 =	seq.s32 s10, $0x1;
	s10 =	sld [smem:$0x3FA0];
	_ =	sdelay $0x3  }
0x34: {  	[smem:$0x3FA0] =	sst s10  }
0x35: {  	s10 =	sld [smem:$0x3F9F];
	_ =	sdelay $0x3  }
0x36: {  	p1 =	seq.s32 s10, $0x1;
	s10 =	sld [smem:$0x3FA0];
	_ =	sdelay $0x3  }
0x37: {  	[smem:$0x3FA0] =	sst s10  }
0x38: {  	s10 =	sld [smem:$0x3FA1]  }
0x39: {  	_ = 	snop;
	(pc) =	sbr.ind lr, $3  }
0x3a: {  	_ = 	snop  }
0x3b: {  	_ = 	snop  }
0x3c: {  	p2 =	seq.s32 s10, $0x1;
	s10 =	sld [smem:$0x3FA0]  }
0x3d: {  	_ =	shalt  }
0x3e: {  	_ =	shalt  }
0x3f: {  	_ =	shalt  }
0x40: {  	_ =	shalt  }
0x41: {  	_ =	shalt  }
0x42: {  	_ =	shalt  }
0x43: {  	_ =	shalt  }
0x44: {  	_ =	shalt  }
0x45: {  	_ =	shalt  }
0x46: {  	_ =	shalt  }
0x47: {  	_ =	shalt  }
0x48: {  	_ =	shalt  }
0x49: {  	_ =	shalt  }
0x4a: {  	_ =	shalt  }
0x4b: {  	_ =	shalt  }
0x4c: {  	_ =	shalt  }
0x4d: {  	_ =	shalt  }
0x4e: {  	_ =	shalt  }
0x4f: {  	_ =	shalt  }
0x50: {  	_ =	shalt  }
0x51: {  	_ =	shalt  }
0x52: {  	_ =	shalt  }
0x53: {  	_ =	shalt  }
0x54: {  	_ =	shalt  }
0x55: {  	_ =	shalt  }
0x56: {  	_ =	shalt  }
0x57: {  	_ =	shalt  }
0x58: {  	_ =	shalt  }
0x59: {  	_ =	shalt  }
0x5a: {  	_ =	shalt  }
0x5b: {  	_ =	shalt  }
0x5c: {  	_ =	shalt  }
0x5d: {  	_ =	shalt  }
0x5e: {  	_ =	shalt  }
0x5f: {  	_ =	shalt  }
0x60: {  	_ =	shalt  }
0x61: {  	_ =	shalt  }
0x62: {  	_ =	shalt  }
0x63: {  	_ =	shalt  }
0x64: {  	_ =	shalt  }
0x65: {  	_ =	shalt  }
0x66: {  	_ =	shalt  }
0x67: {  	_ =	shalt  }
0x68: {  	_ =	shalt  }
0x69: {  	_ =	shalt  }
0x6a: {  	_ =	shalt  }
0x6b: {  	_ =	shalt  }
0x6c: {  	_ =	shalt  }
0x6d: {  	_ =	shalt  }
0x6e: {  	_ =	shalt  }
0x6f: {  	_ =	shalt  }
0x70: {  	_ =	shalt  }
0x71: {  	_ =	shalt  }
0x72: {  	_ =	shalt  }
0x73: {  	_ =	shalt  }
0x74: {  	_ =	shalt  }
0x75: {  	_ =	shalt  }
0x76: {  	_ =	shalt  }
0x77: {  	_ =	shalt  }
0x78: {  	_ =	shalt  }
0x79: {  	_ =	shalt  }
0x7a: {  	_ =	shalt  }
0x7b: {  	_ =	shalt  }
0x7c: {  	_ =	shalt  }
0x7d: {  	_ =	shalt  }
0x7e: {  	_ =	shalt  }
0x7f: {  	_ =	shalt  }
0x80: {  	_ =	shalt  }
0x81: {  	_ =	shalt  }
0x82: {  	_ =	shalt  }
0x83: {  	_ =	shalt  }
0x84: {  	_ =	shalt  }
0x85: {  	_ =	shalt  }
0x86: {  	_ =	shalt  }
0x87: {  	_ =	shalt  }
.Lfunc_end0:
.L_simem_size_0:
called_computation_lowered:
.L_overlay_start_0:
0x88: {  	s2 =	sld [smem:$0x3FD9]  }
0x89: {  	s3 =	sld [smem:$0x3FFE];
	_ =	sdelay $0x1  }
0x8a: {  	s1 =	srdreg.scid  }
0x8b: {  	s0 =	sand.u32 $0x1, s1  }
0x8c: {  	s17 =	sshll.u32 s0, $0xA;
	s2 =	sadd.s32 s3, s2  }
0x8d: {  	s2 =	sadd.s32 s2, s17  }
0x8e: {  	[smem:$0x3FAC] =	sst s2  }
0x8f: {  	_ = 	snop  }
0x90: {  	s2 =	sld [smem:$0x3FC9]  }
0x91: {  	s18 =	sld [smem:$0x3FC8]  }
0x92: {  	s4 =	sld [smem:$0x3FC7]  }
0x93: {  	s5 =	sld [smem:$0x3FD0];
	(tm) =	ssettm $0x1  }
0x94: {  	s6 =	sld [smem:$0x3FFB];
	_ =	sdelay $0x3  }
0x95: {  	_ =	strace s6  }
0x96: {  	s6 =	sld [smem:$0x3FFC];
	_ =	sdelay $0x3  }
0x97: {  	_ =	strace s6  }
0x98: {  	s6 =	sld [smem:$0x3FFD];
	_ =	sdelay $0x3  }
0x99: {  	_ =	strace s6  }
0x9a: {  	_ =	strace $0x8FFFFFFF  }
0x9b: {  	s19 =	sld [smem:$0x3FDB];
	_ =	sdelay $0x1  }
0x9c: {  	s7 =	simm.s32 $_scs_section_size  }
0x9d: {  	s8 =	simm.s32 $_size__tile_overlayer_lowered;
	s9 =	simm.s32 $_tile_overlayer_lowered  }
0x9e: {  	s22 =	simm.s32 $0x1BFF;
	s21 =	sshll.u32 s9, $0x1;
	s6 =	sadd.s32 s7, s19  }
0x9f: {  	s10 =	simm.s32 $0x0;
	s20 =	sshll.u32 s8, $0x1;
	s8 =	sadd.s32 s21, s6  }
0xa0: {  	[timem:s10], [sflag:s22] =	dma.local [hbm:s8], s20  }
0xa1: {  	_ =	swait.ge [sflag:s22], s20  }
0xa2: {  	s7 =	ssub.s32 $0x0, s20;
	[sflag:s22] =	ssyncset.done $0x0  }
0xa3: {  	[sflag:s22] =	ssyncadd.s32 s7;
	_ =	sdelay $0x1  }
0xa4: {  	s23 =	simm.s32 $0x1B8B  }
0xa5: {  	_ =	swait.ge [sflag:s23], $0x1  }
0xa6: {  	[sflag:s23] =	ssyncset.done $0x0  }
0xa7: {  	s25 =	simm.s32 $0x1B8E;
	s24 =	sld [smem:$0x3FFE];
	[sflag:s23] =	ssyncadd.s32 $0xFFFFFFFF  }
0xa8: {  	s26 =	simm.s32 $execute0_lowered;
	[smem:$0x3FD2] =	sst s25  }
0xa9: {  	s8 =	sshll.u32 s26, $0x1;
	_ =	strace $0x80000046;
	[dreg:$0x1] =	wrdreg $0xFFFFFFFF  }
0xaa: {  	s28 =	simm.s32 $_size_execute0_lowered;
	s6 =	sadd.s32 s6, s8;
	[dreg:$0x0] =	wrdreg $0x0  }
0xab: {  	s8 =	sshll.u32 s28, $0x1;
	[dreg:$0x2] =	wrdreg s6  }
0xac: {  	[dreg:$0x3] =	wrdreg s8  }
0xad: {  	[dreg:$0x4] =	wrdreg $0xC0  }
0xae: {  	_ =	task [dreg:s10], $0x5FFFF  }
0xaf: {  	[dreg:$0x1] =	wrdreg $0xFFFFFFFF  }
0xb0: {  	[dreg:$0x0] =	wrdreg $0x60  }
0xb1: {  	[dreg:$0x2] =	wrdreg s2  }
0xb2: {  	[dreg:$0x3] =	wrdreg s18  }
0xb3: {  	[dreg:$0x4] =	wrdreg s4  }
0xb4: {  	[dreg:$0x5] =	wrdreg s24  }
0xb5: {  	[dreg:$0x6] =	wrdreg s5  }
0xb6: {  	[dreg:$0x7] =	wrdreg $0x9  }
0xb7: {  	_ =	task.clear_ibuf [dreg:s10], $0x8FFFF;
	_ =	strace $0x90000046  }
0xb8: {  	s29 =	simm.s32 $0x9;
	_ =	strace $0x80000048  }
0xb9: {  	_ =	swait.ge [sflag:s29], $0x1  }
0xba: {  	[sflag:s29] =	ssyncadd.s32 $0xFFFFFFFF  }
0xbb: {  	_ =	strace $0x90000048  }
0xbc: {  	_ =	sfence  }
0xbd: {  	s30 =	sld [smem:$0x0];
	_ =	sdelay $0x2  }
0xbe: {  	s31 =	sshll.u32 s1, $0xD;
	s1 =	sshrl.u32 s1, $0x2  }
0xbf: {  	s3 =	sand.u32 $0x4000, s31;
	s1 =	sadd.s32 s1, s30  }
0xc0: {  	s0 =	sor.u32 s3, s0;
	s1 =	sshll.u32 s1, $0x11  }
0xc1: {  	s0 =	sor.u32 s1, s0  }
0xc2: {  	s0 =	sadd.s32 $0x8F2B, s0  }
0xc3: {  	[sflag:s0] =	ssyncadd.remote.s32 $0x1  }
0xc4: {  	_ =	sfence.sel $0xFFFF  }
0xc5: {  	[dreg:$0x0] =	wrdreg $0xFFFFFFFF;
	(pc) =	sbr.abs _section_cstart, $3  }
0xc6: {  	[dreg:$0x1] =	wrdreg $0xFFFFFFFF  }
0xc7: {  	_ =	task.clear_ibuf [dreg:s10], $0x2FFFF;
	_ =	strace $0x9FFFFFFF  }
0xc8: {  	(tm) =	ssettm $0x7FFFFFFF  }
0xc9: {  	_ =	shalt  }
tec
execute0_lowered:
.L_overlay_start_1:
0x0: {  	(tag) =	ssettag $0x1  }
0x1: {  	s1 =	rddreg [dreg:$0x3];
	s0 =	simm.s32 $0x0  }
0x2: {  	[smem:$0x7FF] =	sst s0;
	s2 =	sadd.s32 $0x23E00, s1  }
0x3: {  	s3 =	sadd.s32 $0x1BE00, s1;
	_ =	strace $0x80000047;
	[dreg:$0x6] =	wrdreg s2  }
0x4: {  	s4 =	sadd.s32 $0x13E00, s1;
	[dreg:$0x7] =	wrdreg s3  }
0x5: {  	s5 =	sadd.s32 $0x62F800, s1;
	[dreg:$0x8] =	wrdreg s4  }
0x6: {  	s6 =	sadd.s32 $0x5CDC00, s1;
	[dreg:$0x9] =	wrdreg s5  }
0x7: {  	s7 =	sadd.s32 $0x2DE00, s1;
	[dreg:$0xa] =	wrdreg s6  }
0x8: {  	s8 =	sadd.s32 $0x2BE00, s1;
	[dreg:$0xb] =	wrdreg s7  }
0x9: {  	s11 =	sadd.s32 $0x19A800, s1;
	[dreg:$0xc] =	wrdreg s8  }
0xa: {  	s9 =	srdreg.scid;
	s12 =	sadd.s32 $0x50A400, s1;
	[dreg:$0x1b] =	wrdreg s11  }
0xb: {  	s10 =	stileid.u32;
	s14 =	sadd.s32 $0x446C00, s1;
	[dreg:$0xd] =	wrdreg s12  }
0xc: {  	s31 =	simm.s32 $0x5980;
	s18 =	sadd.s32 $0x2BFC00, s1;
	[dreg:$0xe] =	wrdreg s14  }
0xd: {  	s13 =	sadd.s32 $0x4A8800, s1;
	s16 =	sadd.s32 $0x383400, s1;
	[dreg:$0xf] =	wrdreg s18  }
0xe: {  	s15 =	sadd.s32 $0x3E5000, s1;
	s20 =	sadd.s32 $0x1FC400, s1;
	[dreg:$0x10] =	wrdreg s16  }
0xf: {  	s0 =	sand.u32 $0x1, s9;
	s19 =	sadd.s32 $0x25E000, s1;
	[dreg:$0x11] =	wrdreg s20  }
0x10: {  	s17 =	sadd.s32 $0x321800, s1;
	s21 =	sadd.s32 $0x8DBC00, s1;
	[dreg:$0x12] =	wrdreg s19  }
0x11: {  	s23 =	sadd.s32 $0x818400, s1;
	s22 =	sadd.s32 $0x87A000, s1;
	[dreg:$0x13] =	wrdreg s13  }
0x12: {  	s24 =	sadd.s32 $0x7B6800, s1;
	s25 =	sadd.s32 $0x754C00, s1;
	[dreg:$0x14] =	wrdreg s22  }
0x13: {  	s26 =	sadd.s32 $0x691400, s1;
	s29 =	sadd.s32 $0x6F3000, s1;
	[dreg:$0x15] =	wrdreg s24  }
0x14: {  	v0 =	vlaneseq.u32;
	vm0 =	vcmask $0x300;
	vm1 =	vcmask $0x704;
	s30 =	sadd.s32 $0x56C000, s1;
	s2 =	ssub.s32 $0x2, s0;
	[dreg:$0x17] =	wrdreg s25  }
0x15: {  	vm2 =	vcmask $0xB08;
	vm3 =	vcmask $0xF0C;
	vm4 =	vcmask $0x1310;
	s0 =	sshll.u32 s0, $0x9;
	[dreg:$0x18] =	wrdreg s26;
	s3 =	sshrl.u32 s2, $0x1  }
0x16: {  	vm5 =	vcmask $0x1714;
	vm6 =	vcmask $0x1B18;
	vm7 =	vcmask $0x1F1C;
	[dreg:$0x19] =	wrdreg s29;
	s2 =	ssub.s32 s2, s3;
	s3 =	sshll.u32 s10, $0xA  }
0x17: {  	vm8 =	vcmask $0x2320;
	vm9 =	vcmask $0x2724;
	s1 =	simm.s32 $0x2;
	v0 =	vmul.u32 $0xFFFFFFFF, v0;
	[dreg:$0x1a] =	wrdreg s30;
	s0 =	sor.u32 s0, s3  }
0x18: {  	vm10 =	vcmask $0x2B28;
	vm11 =	vcmask $0x2F2C;
	vm12 =	vcmask $0x3330;
	s8 =	simm.s32 $0x1;
	s28 =	smax.u32 s2, $0x1;
	[dreg:$0x16] =	wrdreg s0  }
0x19: {  	vm13 =	vcmask $0x3734;
	vm14 =	vcmask $0x3B38;
	v0 =	vadd.s32 $0xF, v0;
	s2 =	simm.s32 $0x80;
	s3 =	simm.s32 $0x0;
	[dreg:$0x1c] =	wrdreg s28  }
.LBB2_1:
0x1a: {  	[dreg:$0x1d] =	wrdreg s3;
	s28 =	simm.s32 $0x0  }
.LBB2_2:
0x1b: {  	s3 =	sshll.u32 s28, $0x7;
	s0 =	rddreg [dreg:$0x16]  }
0x1c: {  	s3 =	sadd.s32 s0, s3  }
0x1d: {  	s4 =	rddreg [dreg:$0x0];
	s11 =	sshrl.u32 s3, $0x3  }
0x1e: {  	s5 =	simm.s32 $0x0;
	s4 =	sadd.s32 s4, s11  }
0x1f: {  	[tilespmem:s5], [sflag:$0x2] =	stream.linear.gather [hbm4b:s4+s5], $0x80, $0x38;
	[tilespmem:$0x18200] =	vst v63  }
0x20: {  	_ =	swait.ge [sflag:s1], $0x80  }
0x21: {  	[sflag:s1] =	ssyncset.done $0x0  }
0x22: {  	[sflag:s1] =	ssyncadd.s32 $0xFFFFFF80  }
0x23: {  	s10 =	rddreg [dreg:$0x2]  }
0x24: {  	s4 =	sadd.s32 s10, s11  }
0x25: {  	[tilespmem:s2], [sflag:$0x2] =	stream.linear.gather [hbm4b:s4+s5], $0x80, $0x38;
	[tilespmem:$0x18200] =	vst v63  }
0x26: {  	_ =	swait.ge [sflag:s1], $0x80  }
0x27: {  	[sflag:s1] =	ssyncset.done $0x0  }
0x28: {  	[sflag:s1] =	ssyncadd.s32 $0xFFFFFF80  }
0x29: {  	s0 =	rddreg [dreg:$0x1]  }
0x2a: {  	s4 =	sadd.s32 s0, s11;
	s0 =	simm.s32 $0x100  }
0x2b: {  	[tilespmem:s0], [sflag:$0x2] =	stream.linear.gather [hbm4b:s4+s5], $0x80, $0x38;
	[tilespmem:$0x18200] =	vst v63  }
0x2c: {  	_ =	swait.ge [sflag:s1], $0x80  }
0x2d: {  	s3 =	sshll.u32 s3, $0x1;
	[sflag:s1] =	ssyncset.done $0x0;
	s6 =	rddreg [dreg:$0x6]  }
0x2e: {  	[sflag:s1] =	ssyncadd.s32 $0xFFFFFF80;
	s4 =	sadd.s32 s6, s3;
	s6 =	simm.s32 $0x180  }
0x2f: {  	[tilespmem:s6], [sflag:$0x2] =	stream.linear.gather [hbm4b:s4+s5], $0x800, $0x38;
	[tilespmem:$0x18200] =	vst v63  }
0x30: {  	_ =	swait.ge [sflag:s1], $0x800  }
0x31: {  	[sflag:s1] =	ssyncset.done $0x0;
	s7 =	rddreg [dreg:$0x7]  }
0x32: {  	s9 =	simm.s32 $0x980;
	[sflag:s1] =	ssyncadd.s32 $0xFFFFF800;
	s4 =	sadd.s32 s7, s3  }
0x33: {  	[tilespmem:s9], [sflag:$0x2] =	stream.linear.gather [hbm4b:s4+s5], $0x800, $0x38;
	[tilespmem:$0x18200] =	vst v63  }
0x34: {  	_ =	swait.ge [sflag:s1], $0x800  }
0x35: {  	[sflag:s1] =	ssyncset.done $0x0;
	s10 =	rddreg [dreg:$0x8]  }
0x36: {  	s6 =	simm.s32 $0x1180;
	[sflag:s1] =	ssyncadd.s32 $0xFFFFF800;
	s3 =	sadd.s32 s10, s3  }
0x37: {  	[tilespmem:s6], [sflag:$0x2] =	stream.linear.gather [hbm4b:s3+s5], $0x800, $0x38;
	[tilespmem:$0x18200] =	vst v63  }
0x38: {  	_ =	swait.ge [sflag:s1], $0x800  }
0x39: {  	[sflag:s1] =	ssyncset.done $0x0  }
0x3a: {  	s7 =	rddreg [dreg:$0x9];
	[sflag:s1] =	ssyncadd.s32 $0xFFFFF800  }
0x3b: {  	[tilespmem:s31], [sflag:$0x1] =	stream.indirect.gather [hbm4b:s7+s2], $0x20, s5, s2, $0xb8;
	[tilespmem:$0x18200] =	vst v63  }
0x3c: {  	s9 =	simm.s32 $0x6980;
	s4 =	rddreg [dreg:$0xa]  }
0x3d: {  	[tilespmem:s9], [sflag:$0x1] =	stream.indirect.gather [hbm4b:s4+s2], $0x20, s2, s2, $0xb8;
	[tilespmem:$0x18200] =	vst v63  }
0x3e: {  	s10 =	simm.s32 $0x7980  }
0x3f: {  	[tilespmem:s10], [sflag:$0x1] =	stream.indirect.gather [hbm4b:s7+s2], $0x20, s2, s2, $0xb8;
	[tilespmem:$0x18200] =	vst v63  }
0x40: {  	s7 =	simm.s32 $0x8980  }
0x41: {  	[tilespmem:s7], [sflag:$0x1] =	stream.indirect.gather [hbm4b:s4+s2], $0x20, s5, s2, $0xb8;
	[tilespmem:$0x18200] =	vst v63  }
0x42: {  	s9 =	rddreg [dreg:$0xb];
	s10 =	simm.s32 $0x1980  }
0x43: {  	[tilespmem:s10], [sflag:$0x1] =	stream.indirect.gather [hbm4b:s9+s2], $0x40, s0, s2, $0xb8;
	[tilespmem:$0x18200] =	vst v63  }
0x44: {  	s6 =	simm.s32 $0x3980;
	s5 =	rddreg [dreg:$0xc]  }
0x45: {  	[tilespmem:s6], [sflag:$0x1] =	stream.indirect.gather [hbm4b:s5+s2], $0x40, s0, s2, $0xb8;
	[tilespmem:$0x18200] =	vst v63  }
0x46: {  	_ =	swait.ge [sflag:s8], $0x1000  }
0x47: {  	[sflag:s8] =	ssyncset.done $0x0  }
0x48: {  	[sflag:s8] =	ssyncadd.s32 $0xFFFFF000  }
0x49: {  	_ =	swait.ge [sflag:s8], $0x1000  }
0x4a: {  	[sflag:s8] =	ssyncset.done $0x0  }
0x4b: {  	[sflag:s8] =	ssyncadd.s32 $0xFFFFF000  }
0x4c: {  	_ =	swait.ge [sflag:s8], $0x1000  }
0x4d: {  	[sflag:s8] =	ssyncset.done $0x0  }
0x4e: {  	[sflag:s8] =	ssyncadd.s32 $0xFFFFF000  }
0x4f: {  	_ =	swait.ge [sflag:s8], $0x1000  }
0x50: {  	[sflag:s8] =	ssyncset.done $0x0  }
0x51: {  	[sflag:s8] =	ssyncadd.s32 $0xFFFFF000  }
0x52: {  	_ =	swait.ge [sflag:s8], $0x2000  }
0x53: {  	[sflag:s8] =	ssyncset.done $0x0  }
0x54: {  	[sflag:s8] =	ssyncadd.s32 $0xFFFFE000  }
0x55: {  	_ =	swait.ge [sflag:s8], $0x2000  }
0x56: {  	[sflag:s8] =	ssyncset.done $0x0  }
0x57: {  	s7 =	simm.s32 $0x0;
	[sflag:s8] =	ssyncadd.s32 $0xFFFFE000  }
0x58: {  	v1 =	vld [tilespmem:s7+$0x6980]  }
0x59: {  	s9 =	simm.s32 $0x1990;
	v2 =	vld [tilespmem:s7+$0x8980]  }
0x5a: {  	v3 =	vld [tilespmem:s9+$0xFFFFFFF0]  }
0x5b: {  	v4 =	vld [tilespmem:s7+$0x5980]  }
0x5c: {  	s10 =	simm.s32 $0x3990;
	v5 =	vld [tilespmem:s7+$0x7980]  }
0x5d: {  	v6 =	vld [tilespmem:s10+$0xFFFFFFF0]  }
0x5e: {  	v7 =	vld [tilespmem:s7+$0x5990]  }
0x5f: {  	v8 =	vld [tilespmem:s9+$0x0]  }
0x60: {  	v9 =	vld [tilespmem:s7+$0x7990]  }
0x61: {  	v10 =	vld [tilespmem:s10+$0x0]  }
0x62: {  	v11 =	vld [tilespmem:s7+$0x6990]  }
0x63: {  	v12 =	vld [tilespmem:s7+$0x8990];
	_ =	sdelay $0x1  }
0x64: {  	v3 =	vmul.f32 v3, v4;
	v4 =	vmul.f32 v6, v5  }
0x65: {  	v5 =	vmul.f32 v8, v7;
	v6 =	vmul.f32 v10, v9  }
0x66: {  	v1 =	vmul.f32 v1, v3;
	v2 =	vmul.f32 v2, v4  }
0x67: {  	v3 =	vmul.f32 v11, v5;
	v4 =	vmul.f32 v12, v6;
	_ =	sdelay $0x1  }
0x68: {  	v1 =	vadd.f32 v2, v1;
	v2 =	vadd.f32 v4, v3;
	_ =	sdelay $0x1  }
0x69: {  	v1 =	vadd.f32 v2, v1  }
0x6a: {  	s3 =	simm.s32 $0x17980  }
0x6b: {  	s7 =	simm.s32 $0x20;
	[tilespmem:s3+$0x0] =	vst v1  }
0x6c: {  	v1 =	vld [tilespmem:s7+$0x6980]  }
0x6d: {  	s4 =	simm.s32 $0x19D0;
	v2 =	vld [tilespmem:s7+$0x8980]  }
0x6e: {  	v3 =	vld [tilespmem:s4+$0xFFFFFFF0]  }
0x6f: {  	v4 =	vld [tilespmem:s7+$0x5980]  }
0x70: {  	s5 =	simm.s32 $0x39D0;
	v5 =	vld [tilespmem:s7+$0x7980]  }
0x71: {  	v6 =	vld [tilespmem:s5+$0xFFFFFFF0]  }
0x72: {  	v7 =	vld [tilespmem:s7+$0x5990]  }
0x73: {  	v8 =	vld [tilespmem:s4+$0x0]  }
0x74: {  	s6 =	simm.s32 $0x100;
	v9 =	vld [tilespmem:s7+$0x7990]  }
.LBB2_3:
0x75: {  	p0 =	sne.s32 s6, $0x3F80;
	v10 =	vld [tilespmem:s5+$0x0]  }
0x76: {  	v11 =	vld [tilespmem:s7+$0x6990]  }
0x77: {  	v12 =	vld [tilespmem:s7+$0x8990];
	_ =	sdelay $0x1  }
0x78: {  	v3 =	vmul.f32 v3, v4;
	v4 =	vmul.f32 v6, v5  }
0x79: {  	v5 =	vmul.f32 v8, v7;
	v6 =	vmul.f32 v10, v9  }
0x7a: {  	v1 =	vmul.f32 v1, v3;
	v2 =	vmul.f32 v2, v4  }
0x7b: {  	v3 =	vmul.f32 v11, v5;
	v4 =	vmul.f32 v12, v6;
	_ =	sdelay $0x1  }
0x7c: {  	v1 =	vadd.f32 v2, v1;
	v2 =	vadd.f32 v4, v3;
	_ =	sdelay $0x1  }
0x7d: {  	v1 =	vadd.f32 v2, v1  }
0x7e: {  	s3 =	sadd.s32 $0x10, s3  }
0x7f: {  	s7 =	sshra.s32 s6, $0x2;
	[tilespmem:s3+$0x0] =	vst v1  }
0x80: {  	v1 =	vld [tilespmem:s7+$0x6980]  }
0x81: {  	s4 =	sadd.s32 $0x40, s4;
	v2 =	vld [tilespmem:s7+$0x8980]  }
0x82: {  	v3 =	vld [tilespmem:s4+$0xFFFFFFF0]  }
0x83: {  	v4 =	vld [tilespmem:s7+$0x5980]  }
.Ltmp0:
0x84: {  	s5 =	sadd.s32 $0x40, s5;
	v5 =	vld [tilespmem:s7+$0x7980];
	(pc) =	sbr.rel @p0 .LBB2_3-.Ltmp0, $4  }
0x85: {  	v6 =	vld [tilespmem:s5+$0xFFFFFFF0]  }
0x86: {  	v7 =	vld [tilespmem:s7+$0x5990]  }
0x87: {  	v8 =	vld [tilespmem:s4+$0x0]  }
0x88: {  	s6 =	sadd.s32 $0x80, s6;
	v9 =	vld [tilespmem:s7+$0x7990]  }
0x89: {  	v10 =	vld [tilespmem:s5+$0x0]  }
0x8a: {  	v11 =	vld [tilespmem:s7+$0x6990]  }
0x8b: {  	v12 =	vld [tilespmem:s7+$0x8990];
	_ =	sdelay $0x1  }
0x8c: {  	v3 =	vmul.f32 v3, v4;
	v4 =	vmul.f32 v6, v5  }
0x8d: {  	v5 =	vmul.f32 v8, v7;
	v6 =	vmul.f32 v10, v9  }
0x8e: {  	v1 =	vmul.f32 v1, v3;
	v2 =	vmul.f32 v2, v4  }
0x8f: {  	v3 =	vmul.f32 v11, v5;
	v4 =	vmul.f32 v12, v6;
	_ =	sdelay $0x1  }
0x90: {  	v1 =	vadd.f32 v2, v1;
	v2 =	vadd.f32 v4, v3;
	_ =	sdelay $0x1  }
0x91: {  	v1 =	vadd.f32 v2, v1  }
0x92: {  	s3 =	sadd.s32 $0x10, s3  }
0x93: {  	[tilespmem:s3+$0x0] =	vst v1;
	s3 =	simm.s32 $0x0  }
0x94: {  	[tilespmem:s31], [sflag:$0x1] =	stream.indirect.gather [hbm4b:s12+s2], $0x20, s3, s2, $0xb8;
	[tilespmem:$0x18200] =	vst v63  }
0x95: {  	s0 =	simm.s32 $0x6980  }
0x96: {  	[tilespmem:s0], [sflag:$0x1] =	stream.indirect.gather [hbm4b:s18+s2], $0x20, s3, s2, $0xb8;
	[tilespmem:$0x18200] =	vst v63  }
0x97: {  	s10 =	simm.s32 $0x7980  }
0x98: {  	[tilespmem:s10], [sflag:$0x1] =	stream.indirect.gather [hbm4b:s24+s2], $0x20, s3, s2, $0xb8;
	[tilespmem:$0x18200] =	vst v63  }
0x99: {  	s4 =	simm.s32 $0x8980  }
0x9a: {  	[tilespmem:s4], [sflag:$0x1] =	stream.indirect.gather [hbm4b:s14+s2], $0x20, s3, s2, $0xb8;
	[tilespmem:$0x18200] =	vst v63  }
0x9b: {  	s5 =	simm.s32 $0x9980  }
0x9c: {  	[tilespmem:s5], [sflag:$0x1] =	stream.indirect.gather [hbm4b:s20+s2], $0x20, s3, s2, $0xb8;
	[tilespmem:$0x18200] =	vst v63  }
0x9d: {  	s6 =	simm.s32 $0xA980  }
0x9e: {  	[tilespmem:s6], [sflag:$0x1] =	stream.indirect.gather [hbm4b:s29+s2], $0x20, s3, s2, $0xb8;
	[tilespmem:$0x18200] =	vst v63  }
0x9f: {  	s7 =	simm.s32 $0xB980  }
0xa0: {  	[tilespmem:s7], [sflag:$0x1] =	stream.indirect.gather [hbm4b:s16+s2], $0x20, s3, s2, $0xb8;
	[tilespmem:$0x18200] =	vst v63  }
0xa1: {  	s9 =	simm.s32 $0xC980  }
0xa2: {  	[tilespmem:s9], [sflag:$0x1] =	stream.indirect.gather [hbm4b:s22+s2], $0x20, s3, s2, $0xb8;
	[tilespmem:$0x18200] =	vst v63  }
0xa3: {  	s10 =	simm.s32 $0xD980  }
0xa4: {  	[tilespmem:s10], [sflag:$0x1] =	stream.indirect.gather [hbm4b:s30+s2], $0x20, s3, s2, $0xb8;
	[tilespmem:$0x18200] =	vst v63  }
0xa5: {  	s4 =	simm.s32 $0xE980  }
0xa6: {  	[tilespmem:s4], [sflag:$0x1] =	stream.indirect.gather [hbm4b:s13+s2], $0x20, s2, s2, $0xb8;
	[tilespmem:$0x18200] =	vst v63  }
0xa7: {  	s5 =	simm.s32 $0xF980  }
0xa8: {  	[tilespmem:s5], [sflag:$0x1] =	stream.indirect.gather [hbm4b:s19+s2], $0x20, s2, s2, $0xb8;
	[tilespmem:$0x18200] =	vst v63  }
0xa9: {  	s6 =	simm.s32 $0x10980  }
0xaa: {  	[tilespmem:s6], [sflag:$0x1] =	stream.indirect.gather [hbm4b:s25+s2], $0x20, s2, s2, $0xb8;
	[tilespmem:$0x18200] =	vst v63  }
0xab: {  	s7 =	simm.s32 $0x11980  }
0xac: {  	[tilespmem:s7], [sflag:$0x1] =	stream.indirect.gather [hbm4b:s15+s2], $0x20, s2, s2, $0xb8;
	[tilespmem:$0x18200] =	vst v63  }
0xad: {  	s9 =	simm.s32 $0x12980  }
0xae: {  	[tilespmem:s9], [sflag:$0x1] =	stream.indirect.gather [hbm4b:s21+s2], $0x20, s2, s2, $0xb8;
	[tilespmem:$0x18200] =	vst v63  }
0xaf: {  	s10 =	simm.s32 $0x13980  }
0xb0: {  	[tilespmem:s10], [sflag:$0x1] =	stream.indirect.gather [hbm4b:s26+s2], $0x20, s2, s2, $0xb8;
	[tilespmem:$0x18200] =	vst v63  }
0xb1: {  	s3 =	simm.s32 $0x14980  }
0xb2: {  	[tilespmem:s3], [sflag:$0x1] =	stream.indirect.gather [hbm4b:s17+s2], $0x20, s2, s2, $0xb8;
	[tilespmem:$0x18200] =	vst v63  }
0xb3: {  	s4 =	simm.s32 $0x15980  }
0xb4: {  	[tilespmem:s4], [sflag:$0x1] =	stream.indirect.gather [hbm4b:s23+s2], $0x20, s2, s2, $0xb8;
	[tilespmem:$0x18200] =	vst v63  }
0xb5: {  	s5 =	rddreg [dreg:$0x1b];
	s6 =	simm.s32 $0x16980  }
0xb6: {  	[tilespmem:s6], [sflag:$0x1] =	stream.indirect.gather [hbm4b:s5+s2], $0x20, s2, s2, $0xb8;
	[tilespmem:$0x18200] =	vst v63  }
0xb7: {  	_ =	swait.ge [sflag:s8], $0x1000  }
0xb8: {  	[sflag:s8] =	ssyncset.done $0x0  }
0xb9: {  	[sflag:s8] =	ssyncadd.s32 $0xFFFFF000  }
0xba: {  	_ =	swait.ge [sflag:s8], $0x1000  }
0xbb: {  	[sflag:s8] =	ssyncset.done $0x0  }
0xbc: {  	[sflag:s8] =	ssyncadd.s32 $0xFFFFF000  }
0xbd: {  	_ =	swait.ge [sflag:s8], $0x1000  }
0xbe: {  	[sflag:s8] =	ssyncset.done $0x0  }
0xbf: {  	[sflag:s8] =	ssyncadd.s32 $0xFFFFF000  }
0xc0: {  	_ =	swait.ge [sflag:s8], $0x1000  }
0xc1: {  	[sflag:s8] =	ssyncset.done $0x0  }
0xc2: {  	[sflag:s8] =	ssyncadd.s32 $0xFFFFF000  }
0xc3: {  	_ =	swait.ge [sflag:s8], $0x1000  }
0xc4: {  	[sflag:s8] =	ssyncset.done $0x0  }
0xc5: {  	[sflag:s8] =	ssyncadd.s32 $0xFFFFF000  }
0xc6: {  	_ =	swait.ge [sflag:s8], $0x1000  }
0xc7: {  	[sflag:s8] =	ssyncset.done $0x0  }
0xc8: {  	[sflag:s8] =	ssyncadd.s32 $0xFFFFF000  }
0xc9: {  	_ =	swait.ge [sflag:s8], $0x1000  }
0xca: {  	[sflag:s8] =	ssyncset.done $0x0  }
0xcb: {  	[sflag:s8] =	ssyncadd.s32 $0xFFFFF000  }
0xcc: {  	_ =	swait.ge [sflag:s8], $0x1000  }
0xcd: {  	[sflag:s8] =	ssyncset.done $0x0  }
0xce: {  	[sflag:s8] =	ssyncadd.s32 $0xFFFFF000  }
0xcf: {  	_ =	swait.ge [sflag:s8], $0x1000  }
0xd0: {  	[sflag:s8] =	ssyncset.done $0x0  }
0xd1: {  	[sflag:s8] =	ssyncadd.s32 $0xFFFFF000  }
0xd2: {  	_ =	swait.ge [sflag:s8], $0x1000  }
0xd3: {  	[sflag:s8] =	ssyncset.done $0x0  }
0xd4: {  	[sflag:s8] =	ssyncadd.s32 $0xFFFFF000  }
0xd5: {  	_ =	swait.ge [sflag:s8], $0x1000  }
0xd6: {  	[sflag:s8] =	ssyncset.done $0x0  }
0xd7: {  	[sflag:s8] =	ssyncadd.s32 $0xFFFFF000  }
0xd8: {  	_ =	swait.ge [sflag:s8], $0x1000  }
0xd9: {  	[sflag:s8] =	ssyncset.done $0x0  }
0xda: {  	[sflag:s8] =	ssyncadd.s32 $0xFFFFF000  }
0xdb: {  	_ =	swait.ge [sflag:s8], $0x1000  }
0xdc: {  	[sflag:s8] =	ssyncset.done $0x0  }
0xdd: {  	[sflag:s8] =	ssyncadd.s32 $0xFFFFF000  }
0xde: {  	_ =	swait.ge [sflag:s8], $0x1000  }
0xdf: {  	[sflag:s8] =	ssyncset.done $0x0  }
0xe0: {  	[sflag:s8] =	ssyncadd.s32 $0xFFFFF000  }
0xe1: {  	_ =	swait.ge [sflag:s8], $0x1000  }
0xe2: {  	[sflag:s8] =	ssyncset.done $0x0  }
0xe3: {  	[sflag:s8] =	ssyncadd.s32 $0xFFFFF000  }
0xe4: {  	_ =	swait.ge [sflag:s8], $0x1000  }
0xe5: {  	[sflag:s8] =	ssyncset.done $0x0  }
0xe6: {  	[sflag:s8] =	ssyncadd.s32 $0xFFFFF000  }
0xe7: {  	_ =	swait.ge [sflag:s8], $0x1000  }
0xe8: {  	[sflag:s8] =	ssyncset.done $0x0  }
0xe9: {  	[sflag:s8] =	ssyncadd.s32 $0xFFFFF000  }
0xea: {  	_ =	swait.ge [sflag:s8], $0x1000  }
0xeb: {  	[sflag:s8] =	ssyncset.done $0x0  }
0xec: {  	s4 =	simm.s32 $0x0;
	[sflag:s8] =	ssyncadd.s32 $0xFFFFF000  }
0xed: {  	v1 =	vld [tilespmem:s4+$0x15990]  }
0xee: {  	v3 =	vld [tilespmem:s4+$0x14990]  }
0xef: {  	s7 =	simm.s32 $0x1180;
	v4 =	vld [tilespmem:s4+$0x14980]  }
0xf0: {  	v5 =	vld [tilespmem:s7+$0x0]  }
0xf1: {  	v6 =	vld [tilespmem:s4+$0xB990]  }
0xf2: {  	v7 =	vld [tilespmem:s4+$0xB980]  }
0xf3: {  	v2 =	vld [tilespmem:s4+$0x15980]  }
0xf4: {  	v9 =	vld [tilespmem:s4+$0xC980]  }
0xf5: {  	v8 =	vld [tilespmem:s4+$0xC990];
	v3 =	vmul.f32 v3, v5  }
0xf6: {  	v4 =	vmul.f32 v4, v5  }
0xf7: {  	v6 =	vmul.f32 v6, v5;
	v5 =	vmul.f32 v7, v5;
	v1 =	vadd.f32 v1, v3  }
0xf8: {  	v2 =	vadd.f32 v2, v4  }
0xf9: {  	v4 =	vadd.f32 v9, v5;
	v5 =	vmul.f32 $1.591549370e-01, v1  }
0xfa: {  	v3 =	vadd.f32 v8, v6;
	v6 =	vmul.f32 $1.591549370e-01, v2  }
0xfb: {  	v8 =	vmul.f32 $1.591549370e-01, v4;
	v5 =	vadd.f32 $1.258291200e+07, v5  }
0xfc: {  	v6 =	vadd.f32 $1.258291200e+07, v6  }
0xfd: {  	v7 =	vmul.f32 $1.591549370e-01, v3;
	v8 =	vadd.f32 $1.258291200e+07, v8;
	v5 =	vadd.f32 $-1.258291200e+07, v5  }
0xfe: {  	v6 =	vadd.f32 $-1.258291200e+07, v6  }
0xff: {  	v7 =	vadd.f32 $1.258291200e+07, v7;
	v8 =	vadd.f32 $-1.258291200e+07, v8;
	v5 =	vmul.f32 $6.283185480e+00, v5  }
0x100: {  	v6 =	vmul.f32 $6.283185480e+00, v6  }
0x101: {  	v7 =	vadd.f32 $-1.258291200e+07, v7;
	v8 =	vmul.f32 $6.283185480e+00, v8;
	v1 =	vsub.f32 v1, v5  }
0x102: {  	v2 =	vsub.f32 v2, v6  }
0x103: {  	v7 =	vmul.f32 $6.283185480e+00, v7;
	v4 =	vsub.f32 v4, v8;
	v5 =	vmul.f32 v1, v1  }
0x104: {  	s9 =	simm.s32 $0x180;
	v15 =	vld [tilespmem:s4+$0xE990];
	v6 =	vmul.f32 v2, v2  }
0x105: {  	v16 =	vld [tilespmem:s9+$0x0];
	v3 =	vsub.f32 v3, v7;
	v8 =	vmul.f32 v4, v4;
	v9 =	vmul.f32 $2.505210790e-08, v5  }
0x106: {  	v17 =	vld [tilespmem:s4+$0xE980];
	v10 =	vmul.f32 $2.505210790e-08, v6  }
0x107: {  	v18 =	vld [tilespmem:s4+$0x5990];
	v7 =	vmul.f32 v3, v3;
	v12 =	vmul.f32 $2.505210790e-08, v8;
	v9 =	vsub.f32 $2.755731880e-06, v9  }
0x108: {  	v13 =	vld [tilespmem:s4+$0xF990];
	v10 =	vsub.f32 $2.755731880e-06, v10  }
0x109: {  	v19 =	vld [tilespmem:s4+$0x5980];
	v11 =	vmul.f32 $2.505210790e-08, v7;
	v12 =	vsub.f32 $2.755731880e-06, v12;
	v9 =	vmul.f32 v9, v5  }
0x10a: {  	v15 =	vmul.f32 v15, v16;
	v10 =	vmul.f32 v10, v6  }
0x10b: {  	v14 =	vld [tilespmem:s4+$0xF980];
	v11 =	vsub.f32 $2.755731880e-06, v11;
	v12 =	vmul.f32 v12, v8;
	v9 =	vadd.f32 $-1.984127010e-04, v9  }
0x10c: {  	v17 =	vmul.f32 v17, v16;
	v18 =	vmul.f32 v18, v16;
	v10 =	vadd.f32 $-1.984127010e-04, v10  }
0x10d: {  	v20 =	vld [tilespmem:s4+$0x6990];
	v11 =	vmul.f32 v11, v7;
	v12 =	vadd.f32 $-1.984127010e-04, v12;
	v9 =	vmul.f32 v9, v5  }
0x10e: {  	v13 =	vadd.f32 v13, v15;
	v15 =	vmul.f32 v19, v16;
	v10 =	vmul.f32 v10, v6  }
0x10f: {  	v11 =	vadd.f32 $-1.984127010e-04, v11;
	v12 =	vmul.f32 v12, v8;
	v9 =	vadd.f32 $8.333333770e-03, v9  }
0x110: {  	v14 =	vadd.f32 v14, v17;
	v17 =	vmul.f32 $1.591549370e-01, v13;
	v10 =	vadd.f32 $8.333333770e-03, v10  }
0x111: {  	v21 =	vld [tilespmem:s4+$0x6980];
	v11 =	vmul.f32 v11, v7;
	v12 =	vadd.f32 $8.333333770e-03, v12;
	v9 =	vmul.f32 v9, v5  }
0x112: {  	v16 =	vadd.f32 v20, v18;
	v17 =	vadd.f32 $1.258291200e+07, v17;
	v10 =	vmul.f32 v10, v6  }
0x113: {  	v11 =	vadd.f32 $8.333333770e-03, v11;
	v12 =	vmul.f32 v12, v8;
	v9 =	vadd.f32 $-1.666666720e-01, v9  }
0x114: {  	v17 =	vadd.f32 $-1.258291200e+07, v17;
	v10 =	vadd.f32 $-1.666666720e-01, v10  }
0x115: {  	v11 =	vmul.f32 v11, v7;
	v12 =	vadd.f32 $-1.666666720e-01, v12;
	v5 =	vmul.f32 v9, v5  }
0x116: {  	v9 =	vadd.f32 v21, v15;
	v15 =	vmul.f32 $1.591549370e-01, v14;
	v6 =	vmul.f32 v10, v6  }
0x117: {  	v11 =	vadd.f32 $-1.666666720e-01, v11;
	v10 =	vmul.f32 $1.591549370e-01, v16;
	v8 =	vmul.f32 v12, v8  }
0x118: {  	v18 =	vadd.f32 $1.000000000e+00, v5;
	v5 =	vmul.f32 $1.591549370e-01, v9;
	v15 =	vadd.f32 $1.258291200e+07, v15  }
0x119: {  	v7 =	vmul.f32 v11, v7;
	v10 =	vadd.f32 $1.258291200e+07, v10;
	v43 =	vadd.f32 $1.000000000e+00, v8  }
0x11a: {  	v5 =	vadd.f32 $1.258291200e+07, v5;
	v11 =	vadd.f32 $-1.258291200e+07, v15  }
0x11b: {  	v19 =	vld [tilespmem:s4+$0xD980];
	v10 =	vadd.f32 $-1.258291200e+07, v10;
	v15 =	vmul.f32 $6.283185480e+00, v17;
	v17 =	vadd.f32 $1.000000000e+00, v7  }
0x11c: {  	v12 =	vld [tilespmem:s4+$0x16980];
	v1 =	vmul.f32 v18, v1;
	v7 =	vadd.f32 $-1.258291200e+07, v5;
	v11 =	vmul.f32 $6.283185480e+00, v11  }
0x11d: {  	v44 =	vld [tilespmem:s4+$0x12980];
	v6 =	vadd.f32 $1.000000000e+00, v6;
	v4 =	vmul.f32 v43, v4;
	v8 =	vmul.f32 $6.283185480e+00, v10  }
0x11e: {  	s10 =	simm.s32 $0x980;
	v5 =	vsub.f32 v13, v15;
	v10 =	vmul.f32 $6.283185480e+00, v7;
	v7 =	vsub.f32 v14, v11;
	v14 =	vld [tilespmem:s4+$0x8980]  }
0x11f: {  	v13 =	vmul.f32 v6, v2;
	v2 =	vmul.f32 v17, v3;
	v6 =	vsub.f32 v16, v8;
	v16 =	vld [tilespmem:s10+$0x0]  }
0x120: {  	v4 =	vmul.f32 v4, v19;
	v11 =	vld [tilespmem:s4+$0x11980];
	v15 =	vmul.f32 v5, v5  }
0x121: {  	v3 =	vmul.f32 v13, v12;
	v8 =	vsub.f32 v9, v10;
	v9 =	vmul.f32 v7, v7;
	v10 =	vld [tilespmem:s4+$0x9980]  }
0x122: {  	v23 =	vld [tilespmem:s4+$0x8990];
	v17 =	vmul.f32 v6, v6;
	v18 =	vmul.f32 $2.505210790e-08, v15  }
0x123: {  	v19 =	vld [tilespmem:s4+$0x9990];
	v45 =	vmul.f32 v8, v8;
	v22 =	vmul.f32 $2.505210790e-08, v9  }
0x124: {  	v12 =	vmul.f32 $2.505210790e-08, v17;
	v13 =	vsub.f32 $2.755731880e-06, v18;
	v18 =	vld [tilespmem:s4+$0x11990];
	v14 =	vmul.f32 v14, v16  }
0x125: {  	v11 =	vmul.f32 v11, v16;
	v24 =	vmul.f32 $2.505210790e-08, v45;
	v22 =	vsub.f32 $2.755731880e-06, v22  }
0x126: {  	v25 =	vld [tilespmem:s4+$0x12990];
	v12 =	vsub.f32 $2.755731880e-06, v12;
	v13 =	vmul.f32 v13, v15;
	v10 =	vadd.f32 v10, v14  }
0x127: {  	v14 =	vmul.f32 v23, v16;
	v11 =	vadd.f32 v44, v11;
	v24 =	vsub.f32 $2.755731880e-06, v24  }
0x128: {  	v22 =	vmul.f32 v22, v9;
	v12 =	vmul.f32 v12, v17;
	v13 =	vadd.f32 $-1.984127010e-04, v13  }
0x129: {  	v16 =	vmul.f32 v18, v16;
	v18 =	vmul.f32 $1.591549370e-01, v10;
	v14 =	vadd.f32 v19, v14  }
0x12a: {  	v21 =	vmul.f32 $1.591549370e-01, v11;
	v46 =	vmul.f32 v24, v45;
	v19 =	vadd.f32 $-1.984127010e-04, v22  }
0x12b: {  	v12 =	vadd.f32 $-1.984127010e-04, v12;
	v13 =	vmul.f32 v13, v15;
	v16 =	vadd.f32 v25, v16  }
0x12c: {  	v18 =	vadd.f32 $1.258291200e+07, v18;
	v47 =	vmul.f32 $1.591549370e-01, v14;
	v21 =	vadd.f32 $1.258291200e+07, v21  }
0x12d: {  	v23 =	vadd.f32 $-1.984127010e-04, v46;
	v13 =	vadd.f32 $8.333333770e-03, v13;
	v48 =	vmul.f32 $1.591549370e-01, v16  }
0x12e: {  	v19 =	vmul.f32 v19, v9;
	v18 =	vadd.f32 $-1.258291200e+07, v18;
	v22 =	vadd.f32 $1.258291200e+07, v47  }
0x12f: {  	v12 =	vmul.f32 v12, v17;
	v21 =	vadd.f32 $-1.258291200e+07, v21;
	v24 =	vadd.f32 $1.258291200e+07, v48  }
0x130: {  	v23 =	vmul.f32 v23, v45;
	v18 =	vmul.f32 $6.283185480e+00, v18;
	v22 =	vadd.f32 $-1.258291200e+07, v22  }
0x131: {  	v19 =	vadd.f32 $8.333333770e-03, v19;
	v21 =	vmul.f32 $6.283185480e+00, v21;
	v24 =	vadd.f32 $-1.258291200e+07, v24  }
0x132: {  	v12 =	vadd.f32 $8.333333770e-03, v12;
	v10 =	vsub.f32 v10, v18;
	v18 =	vmul.f32 $6.283185480e+00, v22  }
0x133: {  	v13 =	vmul.f32 v13, v15;
	v11 =	vsub.f32 v11, v21;
	v49 =	vmul.f32 $6.283185480e+00, v24  }
0x134: {  	v12 =	vmul.f32 v12, v17;
	v50 =	vmul.f32 v10, v10;
	v14 =	vsub.f32 v14, v18  }
0x135: {  	v18 =	vmul.f32 v19, v9;
	v19 =	vmul.f32 v11, v11;
	v16 =	vsub.f32 v16, v49  }
0x136: {  	v51 =	vmul.f32 $2.505210790e-08, v50;
	v52 =	vmul.f32 v14, v14  }
0x137: {  	v23 =	vadd.f32 $8.333333770e-03, v23;
	v53 =	vmul.f32 $2.505210790e-08, v19;
	v26 =	vmul.f32 v16, v16  }
0x138: {  	v13 =	vadd.f32 $-1.666666720e-01, v13;
	v21 =	vsub.f32 $2.755731880e-06, v51;
	v27 =	vmul.f32 $2.505210790e-08, v52  }
0x139: {  	v23 =	vmul.f32 v23, v45;
	v25 =	vsub.f32 $2.755731880e-06, v53;
	v28 =	vmul.f32 $2.505210790e-08, v26  }
0x13a: {  	v12 =	vadd.f32 $-1.666666720e-01, v12;
	v21 =	vmul.f32 v21, v50;
	v27 =	vsub.f32 $2.755731880e-06, v27  }
0x13b: {  	v13 =	vmul.f32 v13, v15;
	v25 =	vmul.f32 v25, v19;
	v28 =	vsub.f32 $2.755731880e-06, v28  }
0x13c: {  	v23 =	vadd.f32 $-1.666666720e-01, v23;
	v21 =	vadd.f32 $-1.984127010e-04, v21;
	v27 =	vmul.f32 v27, v52  }
0x13d: {  	v18 =	vadd.f32 $-1.666666720e-01, v18;
	v25 =	vadd.f32 $-1.984127010e-04, v25;
	v28 =	vmul.f32 v28, v26  }
0x13e: {  	v12 =	vmul.f32 v12, v17;
	v21 =	vmul.f32 v21, v50;
	v15 =	vadd.f32 $-1.984127010e-04, v27  }
0x13f: {  	v9 =	vmul.f32 v18, v9;
	v18 =	vmul.f32 v25, v19;
	v54 =	vadd.f32 $-1.984127010e-04, v28  }
0x140: {  	v13 =	vadd.f32 $1.000000000e+00, v13;
	v21 =	vadd.f32 $8.333333770e-03, v21;
	v15 =	vmul.f32 v15, v52  }
0x141: {  	v17 =	vmul.f32 v23, v45;
	v18 =	vadd.f32 $8.333333770e-03, v18;
	v55 =	vmul.f32 v54, v26  }
0x142: {  	v12 =	vadd.f32 $1.000000000e+00, v12;
	v21 =	vmul.f32 v21, v50;
	v15 =	vadd.f32 $8.333333770e-03, v15  }
0x143: {  	v56 =	vld [tilespmem:s4+$0x10990];
	v5 =	vmul.f32 v13, v5;
	v18 =	vmul.f32 v18, v19;
	v20 =	vadd.f32 $8.333333770e-03, v55  }
0x144: {  	v57 =	vld [tilespmem:s4+$0x10980];
	v17 =	vadd.f32 $1.000000000e+00, v17;
	v21 =	vadd.f32 $-1.666666720e-01, v21;
	v15 =	vmul.f32 v15, v52  }
0x145: {  	v59 =	vld [tilespmem:s4+$0x7980];
	v9 =	vadd.f32 $1.000000000e+00, v9;
	v18 =	vadd.f32 $-1.666666720e-01, v18;
	v20 =	vmul.f32 v20, v26  }
0x146: {  	v58 =	vld [tilespmem:s4+$0x13980];
	v6 =	vmul.f32 v12, v6;
	v21 =	vmul.f32 v21, v50;
	v13 =	vadd.f32 $-1.666666720e-01, v15  }
0x147: {  	v7 =	vmul.f32 v9, v7;
	v9 =	vld [tilespmem:s4+$0xA980];
	v15 =	vmul.f32 v18, v19;
	v18 =	vadd.f32 $-1.666666720e-01, v20  }
0x148: {  	v60 =	vld [tilespmem:s4+$0x7990];
	v8 =	vmul.f32 v17, v8;
	v19 =	vadd.f32 $1.000000000e+00, v21;
	v12 =	vmul.f32 v13, v52  }
0x149: {  	v13 =	vadd.f32 $1.000000000e+00, v15;
	v15 =	vld [tilespmem:s4+$0xA990];
	v17 =	vmul.f32 v18, v26  }
0x14a: {  	v8 =	vmul.f32 v8, v59;
	v10 =	vmul.f32 v19, v10;
	v12 =	vadd.f32 $1.000000000e+00, v12;
	v18 =	vld [tilespmem:s4+$0x13990]  }
0x14b: {  	v7 =	vmul.f32 v7, v57;
	v11 =	vmul.f32 v13, v11;
	v13 =	vadd.f32 $1.000000000e+00, v17;
	v17 =	vld [tilespmem:s4+$0xD990]  }
0x14c: {  	s3 =	simm.s32 $0x19B0;
	v9 =	vmul.f32 v10, v9;
	v10 =	vmul.f32 v12, v14;
	v12 =	vld [tilespmem:s4+$0x16990]  }
0x14d: {  	v11 =	vmul.f32 v11, v58;
	v14 =	vld [tilespmem:s3+$0xFFFFFFF0];
	v13 =	vmul.f32 v13, v16  }
0x14e: {  	v6 =	vmul.f32 v6, v60;
	v8 =	vadd.f32 v9, v8;
	v9 =	vmul.f32 v10, v15  }
0x14f: {  	v5 =	vmul.f32 v5, v56;
	v7 =	vadd.f32 v11, v7;
	v11 =	vld [tilespmem:s3+$0x0];
	v10 =	vmul.f32 v13, v18  }
0x150: {  	s4 =	simm.s32 $0x17980;
	v4 =	vadd.f32 v4, v8;
	v6 =	vadd.f32 v9, v6;
	v2 =	vmul.f32 v2, v17  }
0x151: {  	v8 =	vld [tilespmem:s4+$0x0];
	v3 =	vadd.f32 v3, v7;
	v1 =	vmul.f32 v1, v12  }
0x152: {  	v5 =	vadd.f32 v10, v5;
	v4 =	vmul.f32 v4, v14;
	v2 =	vadd.f32 v2, v6;
	_ =	sdelay $0x1  }
0x153: {  	v3 =	vmul.f32 v3, v4;
	v1 =	vadd.f32 v1, v5;
	v2 =	vmul.f32 v2, v11;
	_ =	sdelay $0x1  }
0x154: {  	v3 =	vadd.f32 v3, v8;
	v1 =	vmul.f32 v1, v2;
	_ =	sdelay $0x1  }
0x155: {  	v1 =	vadd.f32 v1, v3;
	_ =	sdelay $0x1  }
0x156: {  	s5 =	simm.s32 $0x20;
	[tilespmem:s4+$0x0] =	vst v1  }
0x157: {  	v1 =	vld [tilespmem:s5+$0x15990]  }
0x158: {  	v2 =	vld [tilespmem:s5+$0x15980]  }
0x159: {  	v3 =	vld [tilespmem:s5+$0x14990]  }
0x15a: {  	s6 =	simm.s32 $0x1190;
	v4 =	vld [tilespmem:s5+$0x14980]  }
0x15b: {  	v5 =	vld [tilespmem:s6+$0x0]  }
0x15c: {  	v6 =	vld [tilespmem:s5+$0xB990]  }
0x15d: {  	v7 =	vld [tilespmem:s5+$0xB980]  }
0x15e: {  	v8 =	vld [tilespmem:s5+$0xC990]  }
0x15f: {  	v9 =	vld [tilespmem:s5+$0xC980]  }
0x160: {  	v3 =	vmul.f32 v3, v5  }
0x161: {  	v4 =	vmul.f32 v4, v5  }
0x162: {  	v6 =	vmul.f32 v6, v5;
	v5 =	vmul.f32 v7, v5;
	v1 =	vadd.f32 v1, v3  }
0x163: {  	v2 =	vadd.f32 v2, v4  }
0x164: {  	v3 =	vadd.f32 v8, v6;
	v4 =	vadd.f32 v9, v5;
	v5 =	vmul.f32 $1.591549370e-01, v1  }
0x165: {  	v6 =	vmul.f32 $1.591549370e-01, v2  }
0x166: {  	v7 =	vmul.f32 $1.591549370e-01, v3;
	v5 =	vadd.f32 $1.258291200e+07, v5  }
0x167: {  	v8 =	vmul.f32 $1.591549370e-01, v4;
	v6 =	vadd.f32 $1.258291200e+07, v6  }
0x168: {  	v7 =	vadd.f32 $1.258291200e+07, v7;
	v5 =	vadd.f32 $-1.258291200e+07, v5  }
0x169: {  	v8 =	vadd.f32 $1.258291200e+07, v8;
	v6 =	vadd.f32 $-1.258291200e+07, v6  }
0x16a: {  	v7 =	vadd.f32 $-1.258291200e+07, v7;
	v5 =	vmul.f32 $6.283185480e+00, v5  }
0x16b: {  	v8 =	vadd.f32 $-1.258291200e+07, v8;
	v6 =	vmul.f32 $6.283185480e+00, v6  }
0x16c: {  	v7 =	vmul.f32 $6.283185480e+00, v7;
	v1 =	vsub.f32 v1, v5  }
0x16d: {  	v8 =	vmul.f32 $6.283185480e+00, v8;
	v2 =	vsub.f32 v2, v6  }
0x16e: {  	v17 =	vsub.f32 v3, v7;
	v3 =	vmul.f32 v1, v1  }
0x16f: {  	v6 =	vsub.f32 v4, v8;
	v4 =	vmul.f32 v2, v2  }
0x170: {  	s7 =	simm.s32 $0x190;
	v14 =	vld [tilespmem:s5+$0xE990];
	v5 =	vmul.f32 v17, v17;
	v8 =	vmul.f32 $2.505210790e-08, v3  }
0x171: {  	v15 =	vld [tilespmem:s7+$0x0];
	v9 =	vmul.f32 $2.505210790e-08, v4  }
0x172: {  	v16 =	vld [tilespmem:s5+$0xE980];
	v7 =	vmul.f32 v6, v6;
	v10 =	vmul.f32 $2.505210790e-08, v5;
	v8 =	vsub.f32 $2.755731880e-06, v8  }
0x173: {  	v12 =	vld [tilespmem:s5+$0xF990];
	v9 =	vsub.f32 $2.755731880e-06, v9  }
0x174: {  	v18 =	vld [tilespmem:s5+$0x5990];
	v11 =	vmul.f32 $2.505210790e-08, v7;
	v10 =	vsub.f32 $2.755731880e-06, v10;
	v8 =	vmul.f32 v8, v3  }
0x175: {  	v13 =	vld [tilespmem:s5+$0xF980];
	v9 =	vmul.f32 v9, v4  }
0x176: {  	v19 =	vld [tilespmem:s5+$0x5980];
	v11 =	vsub.f32 $2.755731880e-06, v11;
	v10 =	vmul.f32 v10, v5;
	v8 =	vadd.f32 $-1.984127010e-04, v8  }
0x177: {  	v14 =	vmul.f32 v14, v15;
	v16 =	vmul.f32 v16, v15;
	v9 =	vadd.f32 $-1.984127010e-04, v9  }
0x178: {  	v61 =	vld [tilespmem:s5+$0x6990];
	v11 =	vmul.f32 v11, v7;
	v10 =	vadd.f32 $-1.984127010e-04, v10;
	v8 =	vmul.f32 v8, v3  }
0x179: {  	v18 =	vmul.f32 v18, v15;
	v14 =	vadd.f32 v12, v14;
	v9 =	vmul.f32 v9, v4  }
0x17a: {  	v11 =	vadd.f32 $-1.984127010e-04, v11;
	v10 =	vmul.f32 v10, v5;
	v8 =	vadd.f32 $8.333333770e-03, v8  }
0x17b: {  	v12 =	vmul.f32 v19, v15;
	v13 =	vadd.f32 v13, v16;
	v9 =	vadd.f32 $8.333333770e-03, v9  }
0x17c: {  	v62 =	vld [tilespmem:s5+$0x6980];
	v11 =	vmul.f32 v11, v7;
	v10 =	vadd.f32 $8.333333770e-03, v10;
	v8 =	vmul.f32 v8, v3  }
0x17d: {  	v18 =	vadd.f32 v61, v18;
	v15 =	vmul.f32 $1.591549370e-01, v14;
	v9 =	vmul.f32 v9, v4  }
0x17e: {  	v11 =	vadd.f32 $8.333333770e-03, v11;
	v10 =	vmul.f32 v10, v5;
	v8 =	vadd.f32 $-1.666666720e-01, v8  }
0x17f: {  	v15 =	vadd.f32 $1.258291200e+07, v15;
	v9 =	vadd.f32 $-1.666666720e-01, v9  }
0x180: {  	v11 =	vmul.f32 v11, v7;
	v10 =	vadd.f32 $-1.666666720e-01, v10;
	v3 =	vmul.f32 v8, v3  }
0x181: {  	v8 =	vadd.f32 v62, v12;
	v12 =	vmul.f32 $1.591549370e-01, v13;
	v4 =	vmul.f32 v9, v4  }
0x182: {  	v11 =	vadd.f32 $-1.666666720e-01, v11;
	v9 =	vmul.f32 $1.591549370e-01, v18;
	v3 =	vadd.f32 $1.000000000e+00, v3  }
0x183: {  	v16 =	vmul.f32 $1.591549370e-01, v8;
	v12 =	vadd.f32 $1.258291200e+07, v12;
	v19 =	vadd.f32 $1.000000000e+00, v4  }
0x184: {  	v5 =	vmul.f32 v10, v5;
	v4 =	vadd.f32 $1.258291200e+07, v9;
	v9 =	vadd.f32 $-1.258291200e+07, v15  }
0x185: {  	v7 =	vmul.f32 v11, v7;
	v10 =	vadd.f32 $1.258291200e+07, v16;
	v12 =	vadd.f32 $-1.258291200e+07, v12  }
0x186: {  	v11 =	vld [tilespmem:s5+$0x16980];
	v63 =	vadd.f32 $1.000000000e+00, v5;
	v4 =	vadd.f32 $-1.258291200e+07, v4;
	v9 =	vmul.f32 $6.283185480e+00, v9  }
0x187: {  	v15 =	vadd.f32 $1.000000000e+00, v7;
	v5 =	vadd.f32 $-1.258291200e+07, v10;
	v16 =	vmul.f32 $6.283185480e+00, v12;
	v12 =	vld [tilespmem:s5+$0xD980]  }
0x188: {  	v1 =	vmul.f32 v3, v1;
	v10 =	vld [tilespmem:s5+$0x12980];
	v7 =	vmul.f32 $6.283185480e+00, v4;
	v4 =	vsub.f32 v14, v9  }
0x189: {  	v14 =	vld [tilespmem:s5+$0x8980];
	v9 =	vmul.f32 $6.283185480e+00, v5;
	v5 =	vsub.f32 v13, v16;
	v16 =	vmul.f32 v19, v2  }
0x18a: {  	s9 =	simm.s32 $0x990;
	s10 =	simm.s32 $0x100;
	v13 =	vld [tilespmem:s5+$0x11980];
	v3 =	vsub.f32 v18, v7;
	v7 =	vmul.f32 v4, v4;
	v2 =	vmul.f32 v63, v17  }
.LBB2_5:
0x18b: {  	p0 =	sne.s32 s10, $0x3F80;
	v17 =	vld [tilespmem:s9+$0x0];
	v9 =	vsub.f32 v8, v9;
	v18 =	vmul.f32 v5, v5;
	v8 =	vmul.f32 v15, v6  }
0x18c: {  	v15 =	vld [tilespmem:s5+$0x9980];
	v19 =	vmul.f32 v3, v3;
	v20 =	vmul.f32 $2.505210790e-08, v7  }
0x18d: {  	v21 =	vmul.f32 v9, v9;
	v22 =	vmul.f32 $2.505210790e-08, v18;
	v23 =	vld [tilespmem:s5+$0x8990]  }
0x18e: {  	v6 =	vmul.f32 v16, v11;
	v11 =	vmul.f32 $2.505210790e-08, v19;
	v16 =	vsub.f32 $2.755731880e-06, v20;
	v20 =	vld [tilespmem:s5+$0x11990]  }
0x18f: {  	v8 =	vmul.f32 v8, v12;
	v24 =	vmul.f32 $2.505210790e-08, v21;
	v22 =	vsub.f32 $2.755731880e-06, v22;
	v12 =	vld [tilespmem:s5+$0x9990]  }
0x190: {  	v14 =	vmul.f32 v14, v17;
	v11 =	vsub.f32 $2.755731880e-06, v11;
	v16 =	vmul.f32 v16, v7;
	v25 =	vld [tilespmem:s5+$0x12990]  }
0x191: {  	v13 =	vmul.f32 v13, v17;
	v24 =	vsub.f32 $2.755731880e-06, v24;
	v22 =	vmul.f32 v22, v18  }
0x192: {  	v14 =	vadd.f32 v15, v14;
	v11 =	vmul.f32 v11, v19;
	v15 =	vmul.f32 v23, v17  }
0x193: {  	v10 =	vadd.f32 v10, v13;
	v23 =	vmul.f32 v24, v21;
	v13 =	vmul.f32 v20, v17  }
0x194: {  	v16 =	vadd.f32 $-1.984127010e-04, v16;
	v17 =	vmul.f32 $1.591549370e-01, v14;
	v12 =	vadd.f32 v12, v15  }
0x195: {  	v15 =	vadd.f32 $-1.984127010e-04, v22;
	v20 =	vmul.f32 $1.591549370e-01, v10;
	v13 =	vadd.f32 v25, v13  }
0x196: {  	v11 =	vadd.f32 $-1.984127010e-04, v11;
	v17 =	vadd.f32 $1.258291200e+07, v17;
	v22 =	vmul.f32 $1.591549370e-01, v12  }
0x197: {  	v23 =	vadd.f32 $-1.984127010e-04, v23;
	v20 =	vadd.f32 $1.258291200e+07, v20;
	v24 =	vmul.f32 $1.591549370e-01, v13  }
0x198: {  	v16 =	vmul.f32 v16, v7;
	v17 =	vadd.f32 $-1.258291200e+07, v17;
	v22 =	vadd.f32 $1.258291200e+07, v22  }
0x199: {  	v15 =	vmul.f32 v15, v18;
	v20 =	vadd.f32 $-1.258291200e+07, v20;
	v24 =	vadd.f32 $1.258291200e+07, v24  }
0x19a: {  	v11 =	vmul.f32 v11, v19;
	v17 =	vmul.f32 $6.283185480e+00, v17;
	v22 =	vadd.f32 $-1.258291200e+07, v22  }
0x19b: {  	v23 =	vmul.f32 v23, v21;
	v20 =	vmul.f32 $6.283185480e+00, v20;
	v24 =	vadd.f32 $-1.258291200e+07, v24  }
0x19c: {  	v16 =	vadd.f32 $8.333333770e-03, v16;
	v14 =	vsub.f32 v14, v17;
	v17 =	vmul.f32 $6.283185480e+00, v22  }
0x19d: {  	v15 =	vadd.f32 $8.333333770e-03, v15;
	v10 =	vsub.f32 v10, v20;
	v20 =	vmul.f32 $6.283185480e+00, v24  }
0x19e: {  	v16 =	vmul.f32 v16, v7;
	v22 =	vmul.f32 v14, v14;
	v12 =	vsub.f32 v12, v17  }
0x19f: {  	v15 =	vmul.f32 v15, v18;
	v17 =	vmul.f32 v10, v10;
	v13 =	vsub.f32 v13, v20  }
0x1a0: {  	v11 =	vadd.f32 $8.333333770e-03, v11;
	v20 =	vmul.f32 $2.505210790e-08, v22;
	v24 =	vmul.f32 v12, v12  }
0x1a1: {  	v23 =	vadd.f32 $8.333333770e-03, v23;
	v25 =	vmul.f32 $2.505210790e-08, v17;
	v26 =	vmul.f32 v13, v13  }
0x1a2: {  	v11 =	vmul.f32 v11, v19;
	v20 =	vsub.f32 $2.755731880e-06, v20;
	v27 =	vmul.f32 $2.505210790e-08, v24  }
0x1a3: {  	v23 =	vmul.f32 v23, v21;
	v25 =	vsub.f32 $2.755731880e-06, v25;
	v28 =	vmul.f32 $2.505210790e-08, v26  }
0x1a4: {  	v16 =	vadd.f32 $-1.666666720e-01, v16;
	v20 =	vmul.f32 v20, v22;
	v27 =	vsub.f32 $2.755731880e-06, v27  }
0x1a5: {  	v15 =	vadd.f32 $-1.666666720e-01, v15;
	v25 =	vmul.f32 v25, v17;
	v28 =	vsub.f32 $2.755731880e-06, v28  }
0x1a6: {  	v11 =	vadd.f32 $-1.666666720e-01, v11;
	v20 =	vadd.f32 $-1.984127010e-04, v20;
	v27 =	vmul.f32 v27, v24  }
0x1a7: {  	v23 =	vadd.f32 $-1.666666720e-01, v23;
	v25 =	vadd.f32 $-1.984127010e-04, v25;
	v28 =	vmul.f32 v28, v26  }
0x1a8: {  	v7 =	vmul.f32 v16, v7;
	v20 =	vmul.f32 v20, v22;
	v16 =	vadd.f32 $-1.984127010e-04, v27  }
0x1a9: {  	v15 =	vmul.f32 v15, v18;
	v18 =	vmul.f32 v25, v17;
	v25 =	vadd.f32 $-1.984127010e-04, v28  }
0x1aa: {  	v11 =	vmul.f32 v11, v19;
	v20 =	vadd.f32 $8.333333770e-03, v20;
	v16 =	vmul.f32 v16, v24  }
0x1ab: {  	v19 =	vmul.f32 v23, v21;
	v18 =	vadd.f32 $8.333333770e-03, v18;
	v21 =	vmul.f32 v25, v26  }
0x1ac: {  	v7 =	vadd.f32 $1.000000000e+00, v7;
	v20 =	vmul.f32 v20, v22;
	v16 =	vadd.f32 $8.333333770e-03, v16  }
0x1ad: {  	v15 =	vadd.f32 $1.000000000e+00, v15;
	v18 =	vmul.f32 v18, v17;
	v23 =	vld [tilespmem:s5+$0x10990];
	v21 =	vadd.f32 $8.333333770e-03, v21  }
0x1ae: {  	v11 =	vadd.f32 $1.000000000e+00, v11;
	v25 =	vld [tilespmem:s5+$0x10980];
	v20 =	vadd.f32 $-1.666666720e-01, v20;
	v16 =	vmul.f32 v16, v24  }
0x1af: {  	v19 =	vadd.f32 $1.000000000e+00, v19;
	v18 =	vadd.f32 $-1.666666720e-01, v18;
	v27 =	vld [tilespmem:s5+$0x13980];
	v21 =	vmul.f32 v21, v26  }
0x1b0: {  	v4 =	vmul.f32 v7, v4;
	v28 =	vld [tilespmem:s5+$0x7980];
	v20 =	vmul.f32 v20, v22;
	v7 =	vadd.f32 $-1.666666720e-01, v16  }
0x1b1: {  	v5 =	vmul.f32 v15, v5;
	v16 =	vmul.f32 v18, v17;
	v15 =	vld [tilespmem:s5+$0xA980];
	v17 =	vadd.f32 $-1.666666720e-01, v21  }
0x1b2: {  	v3 =	vmul.f32 v11, v3;
	v18 =	vadd.f32 $1.000000000e+00, v20;
	v20 =	vld [tilespmem:s5+$0x7990];
	v7 =	vmul.f32 v7, v24  }
0x1b3: {  	v9 =	vmul.f32 v19, v9;
	v11 =	vadd.f32 $1.000000000e+00, v16;
	v16 =	vld [tilespmem:s5+$0xA990];
	v17 =	vmul.f32 v17, v26  }
0x1b4: {  	v5 =	vmul.f32 v5, v25;
	v14 =	vmul.f32 v18, v14;
	v7 =	vadd.f32 $1.000000000e+00, v7;
	v18 =	vld [tilespmem:s5+$0x13990]  }
0x1b5: {  	v10 =	vmul.f32 v11, v10;
	v9 =	vmul.f32 v9, v28;
	v11 =	vadd.f32 $1.000000000e+00, v17;
	v17 =	vld [tilespmem:s5+$0xD990]  }
0x1b6: {  	s3 =	sadd.s32 $0x40, s3;
	v14 =	vmul.f32 v14, v15;
	v7 =	vmul.f32 v7, v12;
	v12 =	vld [tilespmem:s5+$0x16990]  }
0x1b7: {  	v10 =	vmul.f32 v10, v27;
	v15 =	vld [tilespmem:s3+$0xFFFFFFF0];
	v11 =	vmul.f32 v11, v13  }
0x1b8: {  	v3 =	vmul.f32 v3, v20;
	v9 =	vadd.f32 v14, v9;
	v7 =	vmul.f32 v7, v16  }
0x1b9: {  	v4 =	vmul.f32 v4, v23;
	v5 =	vadd.f32 v10, v5;
	v10 =	vmul.f32 v11, v18;
	v11 =	vld [tilespmem:s3+$0x0]  }
0x1ba: {  	s4 =	sadd.s32 $0x10, s4;
	v8 =	vadd.f32 v8, v9;
	v3 =	vadd.f32 v7, v3;
	v2 =	vmul.f32 v2, v17  }
0x1bb: {  	v7 =	vld [tilespmem:s4+$0x0];
	v4 =	vadd.f32 v10, v4;
	v1 =	vmul.f32 v1, v12  }
0x1bc: {  	v5 =	vadd.f32 v6, v5;
	v6 =	vmul.f32 v8, v15;
	v2 =	vadd.f32 v2, v3;
	_ =	sdelay $0x1  }
0x1bd: {  	v1 =	vadd.f32 v1, v4;
	v3 =	vmul.f32 v5, v6;
	v2 =	vmul.f32 v2, v11;
	_ =	sdelay $0x1  }
0x1be: {  	v3 =	vadd.f32 v3, v7;
	v1 =	vmul.f32 v1, v2;
	_ =	sdelay $0x1  }
0x1bf: {  	v1 =	vadd.f32 v1, v3;
	_ =	sdelay $0x1  }
0x1c0: {  	s5 =	sshra.s32 s10, $0x2;
	[tilespmem:s4+$0x0] =	vst v1  }
0x1c1: {  	v1 =	vld [tilespmem:s5+$0x15990]  }
0x1c2: {  	v2 =	vld [tilespmem:s5+$0x15980]  }
0x1c3: {  	v3 =	vld [tilespmem:s5+$0x14990]  }
0x1c4: {  	s6 =	sadd.s32 $0x10, s6;
	v4 =	vld [tilespmem:s5+$0x14980]  }
0x1c5: {  	v5 =	vld [tilespmem:s6+$0x0]  }
0x1c6: {  	v6 =	vld [tilespmem:s5+$0xB990]  }
0x1c7: {  	v7 =	vld [tilespmem:s5+$0xB980]  }
0x1c8: {  	v8 =	vld [tilespmem:s5+$0xC990]  }
0x1c9: {  	v9 =	vld [tilespmem:s5+$0xC980]  }
0x1ca: {  	v3 =	vmul.f32 v3, v5  }
0x1cb: {  	v4 =	vmul.f32 v4, v5;
	v6 =	vmul.f32 v6, v5  }
0x1cc: {  	v5 =	vmul.f32 v7, v5;
	v1 =	vadd.f32 v1, v3  }
0x1cd: {  	v2 =	vadd.f32 v2, v4;
	v3 =	vadd.f32 v8, v6  }
0x1ce: {  	v4 =	vadd.f32 v9, v5;
	v5 =	vmul.f32 $1.591549370e-01, v1  }
0x1cf: {  	v6 =	vmul.f32 $1.591549370e-01, v2;
	v7 =	vmul.f32 $1.591549370e-01, v3  }
0x1d0: {  	v8 =	vmul.f32 $1.591549370e-01, v4;
	v5 =	vadd.f32 $1.258291200e+07, v5  }
0x1d1: {  	v6 =	vadd.f32 $1.258291200e+07, v6;
	v7 =	vadd.f32 $1.258291200e+07, v7  }
0x1d2: {  	v8 =	vadd.f32 $1.258291200e+07, v8;
	v5 =	vadd.f32 $-1.258291200e+07, v5  }
0x1d3: {  	v6 =	vadd.f32 $-1.258291200e+07, v6;
	v7 =	vadd.f32 $-1.258291200e+07, v7  }
0x1d4: {  	v8 =	vadd.f32 $-1.258291200e+07, v8;
	v5 =	vmul.f32 $6.283185480e+00, v5  }
0x1d5: {  	v6 =	vmul.f32 $6.283185480e+00, v6;
	v7 =	vmul.f32 $6.283185480e+00, v7  }
0x1d6: {  	v8 =	vmul.f32 $6.283185480e+00, v8;
	v1 =	vsub.f32 v1, v5  }
0x1d7: {  	v2 =	vsub.f32 v2, v6;
	v17 =	vsub.f32 v3, v7  }
0x1d8: {  	v6 =	vsub.f32 v4, v8;
	v3 =	vmul.f32 v1, v1  }
0x1d9: {  	v4 =	vmul.f32 v2, v2;
	v5 =	vmul.f32 v17, v17  }
0x1da: {  	v7 =	vmul.f32 v6, v6;
	v8 =	vmul.f32 $2.505210790e-08, v3  }
0x1db: {  	v9 =	vmul.f32 $2.505210790e-08, v4;
	v10 =	vmul.f32 $2.505210790e-08, v5  }
0x1dc: {  	v11 =	vmul.f32 $2.505210790e-08, v7;
	v8 =	vsub.f32 $2.755731880e-06, v8  }
0x1dd: {  	v9 =	vsub.f32 $2.755731880e-06, v9;
	v10 =	vsub.f32 $2.755731880e-06, v10  }
0x1de: {  	v11 =	vsub.f32 $2.755731880e-06, v11;
	v8 =	vmul.f32 v8, v3  }
0x1df: {  	v9 =	vmul.f32 v9, v4;
	v10 =	vmul.f32 v10, v5  }
0x1e0: {  	v11 =	vmul.f32 v11, v7;
	v12 =	vld [tilespmem:s5+$0xF990];
	v8 =	vadd.f32 $-1.984127010e-04, v8  }
0x1e1: {  	v9 =	vadd.f32 $-1.984127010e-04, v9;
	v13 =	vld [tilespmem:s5+$0xF980];
	v10 =	vadd.f32 $-1.984127010e-04, v10  }
0x1e2: {  	s7 =	sadd.s32 $0x10, s7;
	v11 =	vadd.f32 $-1.984127010e-04, v11;
	v14 =	vld [tilespmem:s5+$0xE990];
	v8 =	vmul.f32 v8, v3  }
0x1e3: {  	v9 =	vmul.f32 v9, v4;
	v15 =	vld [tilespmem:s7+$0x0];
	v10 =	vmul.f32 v10, v5  }
0x1e4: {  	v16 =	vld [tilespmem:s5+$0xE980];
	v11 =	vmul.f32 v11, v7;
	v8 =	vadd.f32 $8.333333770e-03, v8  }
0x1e5: {  	v9 =	vadd.f32 $8.333333770e-03, v9;
	v18 =	vld [tilespmem:s5+$0x5990];
	v10 =	vadd.f32 $8.333333770e-03, v10  }
0x1e6: {  	v19 =	vld [tilespmem:s5+$0x5980];
	v11 =	vadd.f32 $8.333333770e-03, v11;
	v8 =	vmul.f32 v8, v3  }
0x1e7: {  	v9 =	vmul.f32 v9, v4;
	v20 =	vld [tilespmem:s5+$0x6990];
	v10 =	vmul.f32 v10, v5  }
0x1e8: {  	v21 =	vld [tilespmem:s5+$0x6980];
	v11 =	vmul.f32 v11, v7;
	v14 =	vmul.f32 v14, v15  }
0x1e9: {  	v9 =	vadd.f32 $-1.666666720e-01, v9;
	v8 =	vadd.f32 $-1.666666720e-01, v8;
	v16 =	vmul.f32 v16, v15  }
0x1ea: {  	v10 =	vadd.f32 $-1.666666720e-01, v10;
	v18 =	vmul.f32 v18, v15;
	v14 =	vadd.f32 v12, v14  }
0x1eb: {  	v11 =	vadd.f32 $-1.666666720e-01, v11;
	v12 =	vmul.f32 v19, v15;
	v13 =	vadd.f32 v13, v16  }
0x1ec: {  	v3 =	vmul.f32 v8, v3;
	v18 =	vadd.f32 v20, v18;
	v15 =	vmul.f32 $1.591549370e-01, v14  }
0x1ed: {  	v4 =	vmul.f32 v9, v4;
	v8 =	vadd.f32 v21, v12;
	v12 =	vmul.f32 $1.591549370e-01, v13  }
0x1ee: {  	v3 =	vadd.f32 $1.000000000e+00, v3;
	v9 =	vmul.f32 $1.591549370e-01, v18;
	v15 =	vadd.f32 $1.258291200e+07, v15  }
0x1ef: {  	v19 =	vadd.f32 $1.000000000e+00, v4;
	v16 =	vmul.f32 $1.591549370e-01, v8;
	v12 =	vadd.f32 $1.258291200e+07, v12  }
0x1f0: {  	v5 =	vmul.f32 v10, v5;
	v4 =	vadd.f32 $1.258291200e+07, v9;
	v9 =	vadd.f32 $-1.258291200e+07, v15  }
0x1f1: {  	v7 =	vmul.f32 v11, v7;
	v10 =	vadd.f32 $1.258291200e+07, v16;
	v12 =	vadd.f32 $-1.258291200e+07, v12  }
.Ltmp1:
0x1f2: {  	v20 =	vadd.f32 $1.000000000e+00, v5;
	v11 =	vld [tilespmem:s5+$0x16980];
	v4 =	vadd.f32 $-1.258291200e+07, v4;
	v9 =	vmul.f32 $6.283185480e+00, v9;
	(pc) =	sbr.rel @p0 .LBB2_5-.Ltmp1, $4  }
0x1f3: {  	v15 =	vadd.f32 $1.000000000e+00, v7;
	v5 =	vadd.f32 $-1.258291200e+07, v10;
	v16 =	vmul.f32 $6.283185480e+00, v12;
	v12 =	vld [tilespmem:s5+$0xD980]  }
0x1f4: {  	v1 =	vmul.f32 v3, v1;
	v10 =	vld [tilespmem:s5+$0x12980];
	v7 =	vmul.f32 $6.283185480e+00, v4;
	v4 =	vsub.f32 v14, v9  }
0x1f5: {  	v9 =	vmul.f32 $6.283185480e+00, v5;
	v5 =	vsub.f32 v13, v16;
	v13 =	vld [tilespmem:s5+$0x11980];
	v16 =	vmul.f32 v19, v2  }
0x1f6: {  	s9 =	sadd.s32 $0x10, s9;
	s10 =	sadd.s32 $0x80, s10;
	v2 =	vmul.f32 v20, v17;
	v14 =	vld [tilespmem:s5+$0x8980];
	v3 =	vsub.f32 v18, v7;
	v7 =	vmul.f32 v4, v4  }
0x1f7: {  	v17 =	vld [tilespmem:s9+$0x0];
	v9 =	vsub.f32 v8, v9;
	v18 =	vmul.f32 v5, v5;
	v8 =	vmul.f32 v15, v6  }
0x1f8: {  	v15 =	vld [tilespmem:s5+$0x9980];
	v19 =	vmul.f32 v3, v3;
	v20 =	vmul.f32 $2.505210790e-08, v7  }
0x1f9: {  	v23 =	vld [tilespmem:s5+$0x8990];
	v21 =	vmul.f32 v9, v9;
	v22 =	vmul.f32 $2.505210790e-08, v18  }
0x1fa: {  	v6 =	vmul.f32 v16, v11;
	v49 =	vld [tilespmem:s5+$0x11990];
	v11 =	vmul.f32 $2.505210790e-08, v19;
	v16 =	vsub.f32 $2.755731880e-06, v20  }
0x1fb: {  	v8 =	vmul.f32 v8, v12;
	v12 =	vld [tilespmem:s5+$0x9990];
	v24 =	vmul.f32 $2.505210790e-08, v21;
	v22 =	vsub.f32 $2.755731880e-06, v22  }
0x1fc: {  	v25 =	vld [tilespmem:s5+$0x12990];
	v14 =	vmul.f32 v14, v17;
	v11 =	vsub.f32 $2.755731880e-06, v11;
	v16 =	vmul.f32 v16, v7  }
0x1fd: {  	v13 =	vmul.f32 v13, v17;
	v24 =	vsub.f32 $2.755731880e-06, v24;
	v22 =	vmul.f32 v22, v18  }
0x1fe: {  	v14 =	vadd.f32 v15, v14;
	v11 =	vmul.f32 v11, v19;
	v15 =	vmul.f32 v23, v17  }
0x1ff: {  	v10 =	vadd.f32 v10, v13;
	v13 =	vmul.f32 v49, v17;
	v16 =	vadd.f32 $-1.984127010e-04, v16  }
0x200: {  	v50 =	vmul.f32 v24, v21;
	v17 =	vmul.f32 $1.591549370e-01, v14;
	v12 =	vadd.f32 v12, v15  }
0x201: {  	v15 =	vadd.f32 $-1.984127010e-04, v22;
	v51 =	vmul.f32 $1.591549370e-01, v10;
	v13 =	vadd.f32 v25, v13  }
0x202: {  	v11 =	vadd.f32 $-1.984127010e-04, v11;
	v17 =	vadd.f32 $1.258291200e+07, v17;
	v52 =	vmul.f32 $1.591549370e-01, v12  }
0x203: {  	v23 =	vadd.f32 $-1.984127010e-04, v50;
	v20 =	vadd.f32 $1.258291200e+07, v51;
	v53 =	vmul.f32 $1.591549370e-01, v13  }
0x204: {  	v16 =	vmul.f32 v16, v7;
	v17 =	vadd.f32 $-1.258291200e+07, v17;
	v22 =	vadd.f32 $1.258291200e+07, v52  }
0x205: {  	v15 =	vmul.f32 v15, v18;
	v20 =	vadd.f32 $-1.258291200e+07, v20;
	v24 =	vadd.f32 $1.258291200e+07, v53  }
0x206: {  	v11 =	vmul.f32 v11, v19;
	v17 =	vmul.f32 $6.283185480e+00, v17;
	v22 =	vadd.f32 $-1.258291200e+07, v22  }
0x207: {  	v16 =	vadd.f32 $8.333333770e-03, v16;
	v20 =	vmul.f32 $6.283185480e+00, v20;
	v24 =	vadd.f32 $-1.258291200e+07, v24  }
0x208: {  	v23 =	vmul.f32 v23, v21;
	v14 =	vsub.f32 v14, v17;
	v17 =	vmul.f32 $6.283185480e+00, v22  }
0x209: {  	v15 =	vadd.f32 $8.333333770e-03, v15;
	v10 =	vsub.f32 v10, v20;
	v54 =	vmul.f32 $6.283185480e+00, v24  }
0x20a: {  	v16 =	vmul.f32 v16, v7;
	v55 =	vmul.f32 v14, v14;
	v12 =	vsub.f32 v12, v17  }
0x20b: {  	v15 =	vmul.f32 v15, v18;
	v17 =	vmul.f32 v10, v10;
	v13 =	vsub.f32 v13, v54  }
0x20c: {  	v11 =	vadd.f32 $8.333333770e-03, v11;
	v56 =	vmul.f32 $2.505210790e-08, v55;
	v57 =	vmul.f32 v12, v12  }
0x20d: {  	v23 =	vadd.f32 $8.333333770e-03, v23;
	v58 =	vmul.f32 $2.505210790e-08, v17;
	v26 =	vmul.f32 v13, v13  }
0x20e: {  	v11 =	vmul.f32 v11, v19;
	v20 =	vsub.f32 $2.755731880e-06, v56;
	v27 =	vmul.f32 $2.505210790e-08, v57  }
0x20f: {  	v16 =	vadd.f32 $-1.666666720e-01, v16;
	v25 =	vsub.f32 $2.755731880e-06, v58;
	v28 =	vmul.f32 $2.505210790e-08, v26  }
0x210: {  	v23 =	vmul.f32 v23, v21;
	v20 =	vmul.f32 v20, v55;
	v27 =	vsub.f32 $2.755731880e-06, v27  }
0x211: {  	v15 =	vadd.f32 $-1.666666720e-01, v15;
	v25 =	vmul.f32 v25, v17;
	v28 =	vsub.f32 $2.755731880e-06, v28  }
0x212: {  	v11 =	vadd.f32 $-1.666666720e-01, v11;
	v20 =	vadd.f32 $-1.984127010e-04, v20;
	v27 =	vmul.f32 v27, v57  }
0x213: {  	v7 =	vmul.f32 v16, v7;
	v25 =	vadd.f32 $-1.984127010e-04, v25;
	v28 =	vmul.f32 v28, v26  }
0x214: {  	v23 =	vadd.f32 $-1.666666720e-01, v23;
	v20 =	vmul.f32 v20, v55;
	v16 =	vadd.f32 $-1.984127010e-04, v27  }
0x215: {  	v15 =	vmul.f32 v15, v18;
	v18 =	vmul.f32 v25, v17;
	v59 =	vadd.f32 $-1.984127010e-04, v28  }
0x216: {  	v11 =	vmul.f32 v11, v19;
	v20 =	vadd.f32 $8.333333770e-03, v20;
	v16 =	vmul.f32 v16, v57  }
0x217: {  	v7 =	vadd.f32 $1.000000000e+00, v7;
	v18 =	vadd.f32 $8.333333770e-03, v18;
	v60 =	vmul.f32 v59, v26  }
0x218: {  	v19 =	vmul.f32 v23, v21;
	v20 =	vmul.f32 v20, v55;
	v16 =	vadd.f32 $8.333333770e-03, v16  }
0x219: {  	v61 =	vld [tilespmem:s5+$0x10990];
	v15 =	vadd.f32 $1.000000000e+00, v15;
	v18 =	vmul.f32 v18, v17;
	v21 =	vadd.f32 $8.333333770e-03, v60  }
0x21a: {  	v62 =	vld [tilespmem:s5+$0x10980];
	v11 =	vadd.f32 $1.000000000e+00, v11;
	v20 =	vadd.f32 $-1.666666720e-01, v20;
	v16 =	vmul.f32 v16, v57  }
0x21b: {  	v63 =	vld [tilespmem:s5+$0x13980];
	v4 =	vmul.f32 v7, v4;
	v18 =	vadd.f32 $-1.666666720e-01, v18;
	v21 =	vmul.f32 v21, v26  }
0x21c: {  	v32 =	vld [tilespmem:s5+$0x7980];
	v19 =	vadd.f32 $1.000000000e+00, v19;
	v20 =	vmul.f32 v20, v55;
	v7 =	vadd.f32 $-1.666666720e-01, v16  }
0x21d: {  	v5 =	vmul.f32 v15, v5;
	v15 =	vld [tilespmem:s5+$0xA980];
	v16 =	vmul.f32 v18, v17;
	v17 =	vadd.f32 $-1.666666720e-01, v21  }
0x21e: {  	v33 =	vld [tilespmem:s5+$0x7990];
	v3 =	vmul.f32 v11, v3;
	v18 =	vadd.f32 $1.000000000e+00, v20;
	v7 =	vmul.f32 v7, v57  }
0x21f: {  	v9 =	vmul.f32 v19, v9;
	v11 =	vadd.f32 $1.000000000e+00, v16;
	v16 =	vld [tilespmem:s5+$0xA990];
	v17 =	vmul.f32 v17, v26  }
0x220: {  	v5 =	vmul.f32 v5, v62;
	v14 =	vmul.f32 v18, v14;
	v7 =	vadd.f32 $1.000000000e+00, v7;
	v18 =	vld [tilespmem:s5+$0x13990]  }
0x221: {  	v9 =	vmul.f32 v9, v32;
	v10 =	vmul.f32 v11, v10;
	v11 =	vadd.f32 $1.000000000e+00, v17;
	v17 =	vld [tilespmem:s5+$0xD990]  }
0x222: {  	s3 =	sadd.s32 $0x40, s3;
	v14 =	vmul.f32 v14, v15;
	v7 =	vmul.f32 v7, v12;
	v12 =	vld [tilespmem:s5+$0x16990]  }
0x223: {  	v10 =	vmul.f32 v10, v63;
	v15 =	vld [tilespmem:s3+$0xFFFFFFF0];
	v11 =	vmul.f32 v11, v13  }
0x224: {  	v3 =	vmul.f32 v3, v33;
	v9 =	vadd.f32 v14, v9;
	v7 =	vmul.f32 v7, v16  }
0x225: {  	v4 =	vmul.f32 v4, v61;
	v5 =	vadd.f32 v10, v5;
	v10 =	vmul.f32 v11, v18;
	v11 =	vld [tilespmem:s3+$0x0]  }
0x226: {  	s10 =	sadd.s32 $0x10, s4;
	v2 =	vmul.f32 v2, v17;
	v8 =	vadd.f32 v8, v9;
	v3 =	vadd.f32 v7, v3  }
0x227: {  	v7 =	vld [tilespmem:s10+$0x0];
	v5 =	vadd.f32 v6, v5;
	v4 =	vadd.f32 v10, v4  }
0x228: {  	v1 =	vmul.f32 v1, v12;
	v6 =	vmul.f32 v8, v15;
	v2 =	vadd.f32 v2, v3;
	_ =	sdelay $0x1  }
0x229: {  	v1 =	vadd.f32 v1, v4;
	v3 =	vmul.f32 v5, v6;
	v2 =	vmul.f32 v2, v11;
	_ =	sdelay $0x1  }
0x22a: {  	v3 =	vadd.f32 v3, v7;
	v1 =	vmul.f32 v1, v2;
	_ =	sdelay $0x1  }
0x22b: {  	v1 =	vadd.f32 v1, v3;
	_ =	sdelay $0x1  }
0x22c: {  	[tilespmem:s10+$0x0] =	vst v1  }
0x22d: {  	[tilespmem:s31], [sflag:$0x1] =	stream.indirect.gather [hbm4b:s12+s2], $0x20, s2, s2, $0xb8;
	[tilespmem:$0x18200] =	vst v63  }
0x22e: {  	s0 =	simm.s32 $0x6980  }
0x22f: {  	[tilespmem:s0], [sflag:$0x1] =	stream.indirect.gather [hbm4b:s18+s2], $0x20, s2, s2, $0xb8;
	[tilespmem:$0x18200] =	vst v63  }
0x230: {  	s18 =	simm.s32 $0x7980  }
0x231: {  	[tilespmem:s18], [sflag:$0x1] =	stream.indirect.gather [hbm4b:s24+s2], $0x20, s2, s2, $0xb8;
	[tilespmem:$0x18200] =	vst v63  }
0x232: {  	s24 =	simm.s32 $0x8980  }
0x233: {  	[tilespmem:s24], [sflag:$0x1] =	stream.indirect.gather [hbm4b:s14+s2], $0x20, s2, s2, $0xb8;
	[tilespmem:$0x18200] =	vst v63  }
0x234: {  	s3 =	simm.s32 $0x9980  }
0x235: {  	[tilespmem:s3], [sflag:$0x1] =	stream.indirect.gather [hbm4b:s20+s2], $0x20, s2, s2, $0xb8;
	[tilespmem:$0x18200] =	vst v63  }
0x236: {  	s4 =	simm.s32 $0xA980  }
0x237: {  	[tilespmem:s4], [sflag:$0x1] =	stream.indirect.gather [hbm4b:s29+s2], $0x20, s2, s2, $0xb8;
	[tilespmem:$0x18200] =	vst v63  }
0x238: {  	s5 =	simm.s32 $0xB980  }
0x239: {  	[tilespmem:s5], [sflag:$0x1] =	stream.indirect.gather [hbm4b:s16+s2], $0x20, s2, s2, $0xb8;
	[tilespmem:$0x18200] =	vst v63  }
0x23a: {  	s6 =	simm.s32 $0xC980  }
0x23b: {  	[tilespmem:s6], [sflag:$0x1] =	stream.indirect.gather [hbm4b:s22+s2], $0x20, s2, s2, $0xb8;
	[tilespmem:$0x18200] =	vst v63  }
0x23c: {  	s7 =	simm.s32 $0xD980  }
0x23d: {  	[tilespmem:s7], [sflag:$0x1] =	stream.indirect.gather [hbm4b:s30+s2], $0x20, s2, s2, $0xb8;
	[tilespmem:$0x18200] =	vst v63  }
0x23e: {  	s9 =	simm.s32 $0xE980;
	s12 =	simm.s32 $0x0  }
0x23f: {  	[tilespmem:s9], [sflag:$0x1] =	stream.indirect.gather [hbm4b:s13+s2], $0x20, s12, s2, $0xb8;
	[tilespmem:$0x18200] =	vst v63  }
0x240: {  	s10 =	simm.s32 $0xF980  }
0x241: {  	[tilespmem:s10], [sflag:$0x1] =	stream.indirect.gather [hbm4b:s19+s2], $0x20, s12, s2, $0xb8;
	[tilespmem:$0x18200] =	vst v63  }
0x242: {  	s13 =	simm.s32 $0x10980  }
0x243: {  	[tilespmem:s13], [sflag:$0x1] =	stream.indirect.gather [hbm4b:s25+s2], $0x20, s12, s2, $0xb8;
	[tilespmem:$0x18200] =	vst v63  }
0x244: {  	s14 =	simm.s32 $0x11980  }
0x245: {  	[tilespmem:s14], [sflag:$0x1] =	stream.indirect.gather [hbm4b:s15+s2], $0x20, s12, s2, $0xb8;
	[tilespmem:$0x18200] =	vst v63  }
0x246: {  	s16 =	simm.s32 $0x12980  }
0x247: {  	[tilespmem:s16], [sflag:$0x1] =	stream.indirect.gather [hbm4b:s21+s2], $0x20, s12, s2, $0xb8;
	[tilespmem:$0x18200] =	vst v63  }
0x248: {  	s18 =	simm.s32 $0x13980  }
0x249: {  	[tilespmem:s18], [sflag:$0x1] =	stream.indirect.gather [hbm4b:s26+s2], $0x20, s12, s2, $0xb8;
	[tilespmem:$0x18200] =	vst v63  }
0x24a: {  	s19 =	simm.s32 $0x14980  }
0x24b: {  	[tilespmem:s19], [sflag:$0x1] =	stream.indirect.gather [hbm4b:s17+s2], $0x20, s12, s2, $0xb8;
	[tilespmem:$0x18200] =	vst v63  }
0x24c: {  	s31 =	smov.u32 s23;
	s20 =	simm.s32 $0x15980  }
0x24d: {  	[tilespmem:s20], [sflag:$0x1] =	stream.indirect.gather [hbm4b:s23+s2], $0x20, s12, s2, $0xb8;
	[tilespmem:$0x18200] =	vst v63  }
0x24e: {  	s30 =	smov.u32 s21;
	s21 =	rddreg [dreg:$0x1b];
	s23 =	simm.s32 $0x16980  }
0x24f: {  	[tilespmem:s23], [sflag:$0x1] =	stream.indirect.gather [hbm4b:s21+s2], $0x20, s12, s2, $0xb8;
	[tilespmem:$0x18200] =	vst v63  }
0x250: {  	_ =	swait.ge [sflag:s8], $0x1000  }
0x251: {  	[sflag:s8] =	ssyncset.done $0x0  }
0x252: {  	[sflag:s8] =	ssyncadd.s32 $0xFFFFF000  }
0x253: {  	_ =	swait.ge [sflag:s8], $0x1000  }
0x254: {  	[sflag:s8] =	ssyncset.done $0x0  }
0x255: {  	[sflag:s8] =	ssyncadd.s32 $0xFFFFF000  }
0x256: {  	_ =	swait.ge [sflag:s8], $0x1000  }
0x257: {  	[sflag:s8] =	ssyncset.done $0x0  }
0x258: {  	[sflag:s8] =	ssyncadd.s32 $0xFFFFF000  }
0x259: {  	_ =	swait.ge [sflag:s8], $0x1000  }
0x25a: {  	[sflag:s8] =	ssyncset.done $0x0  }
0x25b: {  	[sflag:s8] =	ssyncadd.s32 $0xFFFFF000  }
0x25c: {  	_ =	swait.ge [sflag:s8], $0x1000  }
0x25d: {  	[sflag:s8] =	ssyncset.done $0x0  }
0x25e: {  	[sflag:s8] =	ssyncadd.s32 $0xFFFFF000  }
0x25f: {  	_ =	swait.ge [sflag:s8], $0x1000  }
0x260: {  	[sflag:s8] =	ssyncset.done $0x0  }
0x261: {  	[sflag:s8] =	ssyncadd.s32 $0xFFFFF000  }
0x262: {  	_ =	swait.ge [sflag:s8], $0x1000  }
0x263: {  	[sflag:s8] =	ssyncset.done $0x0  }
0x264: {  	[sflag:s8] =	ssyncadd.s32 $0xFFFFF000  }
0x265: {  	_ =	swait.ge [sflag:s8], $0x1000  }
0x266: {  	[sflag:s8] =	ssyncset.done $0x0  }
0x267: {  	[sflag:s8] =	ssyncadd.s32 $0xFFFFF000  }
0x268: {  	_ =	swait.ge [sflag:s8], $0x1000  }
0x269: {  	[sflag:s8] =	ssyncset.done $0x0  }
0x26a: {  	[sflag:s8] =	ssyncadd.s32 $0xFFFFF000  }
0x26b: {  	_ =	swait.ge [sflag:s8], $0x1000  }
0x26c: {  	[sflag:s8] =	ssyncset.done $0x0  }
0x26d: {  	[sflag:s8] =	ssyncadd.s32 $0xFFFFF000  }
0x26e: {  	_ =	swait.ge [sflag:s8], $0x1000  }
0x26f: {  	[sflag:s8] =	ssyncset.done $0x0  }
0x270: {  	[sflag:s8] =	ssyncadd.s32 $0xFFFFF000  }
0x271: {  	_ =	swait.ge [sflag:s8], $0x1000  }
0x272: {  	[sflag:s8] =	ssyncset.done $0x0  }
0x273: {  	[sflag:s8] =	ssyncadd.s32 $0xFFFFF000  }
0x274: {  	_ =	swait.ge [sflag:s8], $0x1000  }
0x275: {  	[sflag:s8] =	ssyncset.done $0x0  }
0x276: {  	[sflag:s8] =	ssyncadd.s32 $0xFFFFF000  }
0x277: {  	_ =	swait.ge [sflag:s8], $0x1000  }
0x278: {  	[sflag:s8] =	ssyncset.done $0x0  }
0x279: {  	[sflag:s8] =	ssyncadd.s32 $0xFFFFF000  }
0x27a: {  	_ =	swait.ge [sflag:s8], $0x1000  }
0x27b: {  	[sflag:s8] =	ssyncset.done $0x0  }
0x27c: {  	[sflag:s8] =	ssyncadd.s32 $0xFFFFF000  }
0x27d: {  	_ =	swait.ge [sflag:s8], $0x1000  }
0x27e: {  	[sflag:s8] =	ssyncset.done $0x0  }
0x27f: {  	[sflag:s8] =	ssyncadd.s32 $0xFFFFF000  }
0x280: {  	_ =	swait.ge [sflag:s8], $0x1000  }
0x281: {  	[sflag:s8] =	ssyncset.done $0x0  }
0x282: {  	[sflag:s8] =	ssyncadd.s32 $0xFFFFF000  }
0x283: {  	_ =	swait.ge [sflag:s8], $0x1000  }
0x284: {  	[sflag:s8] =	ssyncset.done $0x0  }
0x285: {  	s24 =	simm.s32 $0x0;
	[sflag:s8] =	ssyncadd.s32 $0xFFFFF000  }
0x286: {  	v1 =	vld [tilespmem:s24+$0x15990]  }
0x287: {  	v3 =	vld [tilespmem:s24+$0x14990]  }
0x288: {  	s25 =	simm.s32 $0x1180;
	v4 =	vld [tilespmem:s24+$0x14980]  }
0x289: {  	v5 =	vld [tilespmem:s25+$0x0]  }
0x28a: {  	v6 =	vld [tilespmem:s24+$0xB990]  }
0x28b: {  	v7 =	vld [tilespmem:s24+$0xB980]  }
0x28c: {  	v2 =	vld [tilespmem:s24+$0x15980]  }
0x28d: {  	v9 =	vld [tilespmem:s24+$0xC980]  }
0x28e: {  	v8 =	vld [tilespmem:s24+$0xC990];
	v3 =	vmul.f32 v3, v5  }
0x28f: {  	v4 =	vmul.f32 v4, v5  }
0x290: {  	v6 =	vmul.f32 v6, v5;
	v5 =	vmul.f32 v7, v5;
	v1 =	vadd.f32 v1, v3  }
0x291: {  	v2 =	vadd.f32 v2, v4  }
0x292: {  	v4 =	vadd.f32 v9, v5;
	v5 =	vmul.f32 $1.591549370e-01, v1  }
0x293: {  	v3 =	vadd.f32 v8, v6;
	v6 =	vmul.f32 $1.591549370e-01, v2  }
0x294: {  	v8 =	vmul.f32 $1.591549370e-01, v4;
	v5 =	vadd.f32 $1.258291200e+07, v5  }
0x295: {  	v6 =	vadd.f32 $1.258291200e+07, v6  }
0x296: {  	v7 =	vmul.f32 $1.591549370e-01, v3;
	v8 =	vadd.f32 $1.258291200e+07, v8;
	v5 =	vadd.f32 $-1.258291200e+07, v5  }
0x297: {  	v6 =	vadd.f32 $-1.258291200e+07, v6  }
0x298: {  	v7 =	vadd.f32 $1.258291200e+07, v7;
	v8 =	vadd.f32 $-1.258291200e+07, v8;
	v5 =	vmul.f32 $6.283185480e+00, v5  }
0x299: {  	v6 =	vmul.f32 $6.283185480e+00, v6  }
0x29a: {  	v7 =	vadd.f32 $-1.258291200e+07, v7;
	v8 =	vmul.f32 $6.283185480e+00, v8;
	v1 =	vsub.f32 v1, v5  }
0x29b: {  	v2 =	vsub.f32 v2, v6  }
0x29c: {  	v7 =	vmul.f32 $6.283185480e+00, v7;
	v4 =	vsub.f32 v4, v8;
	v5 =	vmul.f32 v1, v1  }
0x29d: {  	s26 =	simm.s32 $0x180;
	v15 =	vld [tilespmem:s24+$0xE990];
	v6 =	vmul.f32 v2, v2  }
0x29e: {  	v16 =	vld [tilespmem:s26+$0x0];
	v3 =	vsub.f32 v3, v7;
	v8 =	vmul.f32 v4, v4;
	v9 =	vmul.f32 $2.505210790e-08, v5  }
0x29f: {  	v17 =	vld [tilespmem:s24+$0xE980];
	v10 =	vmul.f32 $2.505210790e-08, v6  }
0x2a0: {  	v18 =	vld [tilespmem:s24+$0x5990];
	v7 =	vmul.f32 v3, v3;
	v12 =	vmul.f32 $2.505210790e-08, v8;
	v9 =	vsub.f32 $2.755731880e-06, v9  }
0x2a1: {  	v13 =	vld [tilespmem:s24+$0xF990];
	v10 =	vsub.f32 $2.755731880e-06, v10  }
0x2a2: {  	v19 =	vld [tilespmem:s24+$0x5980];
	v11 =	vmul.f32 $2.505210790e-08, v7;
	v12 =	vsub.f32 $2.755731880e-06, v12;
	v9 =	vmul.f32 v9, v5  }
0x2a3: {  	v15 =	vmul.f32 v15, v16;
	v10 =	vmul.f32 v10, v6  }
0x2a4: {  	v14 =	vld [tilespmem:s24+$0xF980];
	v11 =	vsub.f32 $2.755731880e-06, v11;
	v12 =	vmul.f32 v12, v8;
	v9 =	vadd.f32 $-1.984127010e-04, v9  }
0x2a5: {  	v17 =	vmul.f32 v17, v16;
	v18 =	vmul.f32 v18, v16;
	v10 =	vadd.f32 $-1.984127010e-04, v10  }
0x2a6: {  	v34 =	vld [tilespmem:s24+$0x6990];
	v11 =	vmul.f32 v11, v7;
	v12 =	vadd.f32 $-1.984127010e-04, v12;
	v9 =	vmul.f32 v9, v5  }
0x2a7: {  	v13 =	vadd.f32 v13, v15;
	v15 =	vmul.f32 v19, v16;
	v10 =	vmul.f32 v10, v6  }
0x2a8: {  	v11 =	vadd.f32 $-1.984127010e-04, v11;
	v12 =	vmul.f32 v12, v8;
	v9 =	vadd.f32 $8.333333770e-03, v9  }
0x2a9: {  	v14 =	vadd.f32 v14, v17;
	v17 =	vmul.f32 $1.591549370e-01, v13;
	v10 =	vadd.f32 $8.333333770e-03, v10  }
0x2aa: {  	v35 =	vld [tilespmem:s24+$0x6980];
	v11 =	vmul.f32 v11, v7;
	v12 =	vadd.f32 $8.333333770e-03, v12;
	v9 =	vmul.f32 v9, v5  }
0x2ab: {  	v16 =	vadd.f32 v34, v18;
	v17 =	vadd.f32 $1.258291200e+07, v17;
	v10 =	vmul.f32 v10, v6  }
0x2ac: {  	v11 =	vadd.f32 $8.333333770e-03, v11;
	v12 =	vmul.f32 v12, v8;
	v9 =	vadd.f32 $-1.666666720e-01, v9  }
0x2ad: {  	v17 =	vadd.f32 $-1.258291200e+07, v17;
	v10 =	vadd.f32 $-1.666666720e-01, v10  }
0x2ae: {  	v11 =	vmul.f32 v11, v7;
	v12 =	vadd.f32 $-1.666666720e-01, v12;
	v5 =	vmul.f32 v9, v5  }
0x2af: {  	v9 =	vadd.f32 v35, v15;
	v15 =	vmul.f32 $1.591549370e-01, v14;
	v6 =	vmul.f32 v10, v6  }
0x2b0: {  	v11 =	vadd.f32 $-1.666666720e-01, v11;
	v10 =	vmul.f32 $1.591549370e-01, v16;
	v8 =	vmul.f32 v12, v8  }
0x2b1: {  	v18 =	vadd.f32 $1.000000000e+00, v5;
	v5 =	vmul.f32 $1.591549370e-01, v9;
	v15 =	vadd.f32 $1.258291200e+07, v15  }
0x2b2: {  	v7 =	vmul.f32 v11, v7;
	v10 =	vadd.f32 $1.258291200e+07, v10;
	v36 =	vadd.f32 $1.000000000e+00, v8  }
0x2b3: {  	v5 =	vadd.f32 $1.258291200e+07, v5;
	v11 =	vadd.f32 $-1.258291200e+07, v15  }
0x2b4: {  	v19 =	vld [tilespmem:s24+$0xD980];
	v10 =	vadd.f32 $-1.258291200e+07, v10;
	v15 =	vmul.f32 $6.283185480e+00, v17;
	v17 =	vadd.f32 $1.000000000e+00, v7  }
0x2b5: {  	v12 =	vld [tilespmem:s24+$0x16980];
	v1 =	vmul.f32 v18, v1;
	v7 =	vadd.f32 $-1.258291200e+07, v5;
	v11 =	vmul.f32 $6.283185480e+00, v11  }
0x2b6: {  	v37 =	vld [tilespmem:s24+$0x12980];
	v6 =	vadd.f32 $1.000000000e+00, v6;
	v4 =	vmul.f32 v36, v4;
	v8 =	vmul.f32 $6.283185480e+00, v10  }
0x2b7: {  	s29 =	simm.s32 $0x980;
	v5 =	vsub.f32 v13, v15;
	v10 =	vmul.f32 $6.283185480e+00, v7;
	v7 =	vsub.f32 v14, v11;
	v14 =	vld [tilespmem:s24+$0x8980]  }
0x2b8: {  	v13 =	vmul.f32 v6, v2;
	v2 =	vmul.f32 v17, v3;
	v6 =	vsub.f32 v16, v8;
	v16 =	vld [tilespmem:s29+$0x0]  }
0x2b9: {  	v4 =	vmul.f32 v4, v19;
	v11 =	vld [tilespmem:s24+$0x11980];
	v15 =	vmul.f32 v5, v5  }
0x2ba: {  	v3 =	vmul.f32 v13, v12;
	v8 =	vsub.f32 v9, v10;
	v9 =	vmul.f32 v7, v7;
	v10 =	vld [tilespmem:s24+$0x9980]  }
0x2bb: {  	v40 =	vld [tilespmem:s24+$0x8990];
	v17 =	vmul.f32 v6, v6;
	v18 =	vmul.f32 $2.505210790e-08, v15  }
0x2bc: {  	v19 =	vld [tilespmem:s24+$0x9990];
	v38 =	vmul.f32 v8, v8;
	v39 =	vmul.f32 $2.505210790e-08, v9  }
0x2bd: {  	v12 =	vmul.f32 $2.505210790e-08, v17;
	v13 =	vsub.f32 $2.755731880e-06, v18;
	v18 =	vld [tilespmem:s24+$0x11990];
	v14 =	vmul.f32 v14, v16  }
0x2be: {  	v11 =	vmul.f32 v11, v16;
	v41 =	vmul.f32 $2.505210790e-08, v38;
	v22 =	vsub.f32 $2.755731880e-06, v39  }
0x2bf: {  	v42 =	vld [tilespmem:s24+$0x12990];
	v12 =	vsub.f32 $2.755731880e-06, v12;
	v13 =	vmul.f32 v13, v15;
	v10 =	vadd.f32 v10, v14  }
0x2c0: {  	v14 =	vmul.f32 v40, v16;
	v11 =	vadd.f32 v37, v11;
	v24 =	vsub.f32 $2.755731880e-06, v41  }
0x2c1: {  	v22 =	vmul.f32 v22, v9;
	v12 =	vmul.f32 v12, v17;
	v13 =	vadd.f32 $-1.984127010e-04, v13  }
0x2c2: {  	v16 =	vmul.f32 v18, v16;
	v18 =	vmul.f32 $1.591549370e-01, v10;
	v14 =	vadd.f32 v19, v14  }
0x2c3: {  	v21 =	vmul.f32 $1.591549370e-01, v11;
	v43 =	vmul.f32 v24, v38;
	v19 =	vadd.f32 $-1.984127010e-04, v22  }
0x2c4: {  	v12 =	vadd.f32 $-1.984127010e-04, v12;
	v13 =	vmul.f32 v13, v15;
	v16 =	vadd.f32 v42, v16  }
0x2c5: {  	v18 =	vadd.f32 $1.258291200e+07, v18;
	v44 =	vmul.f32 $1.591549370e-01, v14;
	v21 =	vadd.f32 $1.258291200e+07, v21  }
0x2c6: {  	v23 =	vadd.f32 $-1.984127010e-04, v43;
	v13 =	vadd.f32 $8.333333770e-03, v13;
	v45 =	vmul.f32 $1.591549370e-01, v16  }
0x2c7: {  	v19 =	vmul.f32 v19, v9;
	v18 =	vadd.f32 $-1.258291200e+07, v18;
	v22 =	vadd.f32 $1.258291200e+07, v44  }
0x2c8: {  	v12 =	vmul.f32 v12, v17;
	v21 =	vadd.f32 $-1.258291200e+07, v21;
	v24 =	vadd.f32 $1.258291200e+07, v45  }
0x2c9: {  	v23 =	vmul.f32 v23, v38;
	v18 =	vmul.f32 $6.283185480e+00, v18;
	v22 =	vadd.f32 $-1.258291200e+07, v22  }
0x2ca: {  	v19 =	vadd.f32 $8.333333770e-03, v19;
	v21 =	vmul.f32 $6.283185480e+00, v21;
	v24 =	vadd.f32 $-1.258291200e+07, v24  }
0x2cb: {  	v12 =	vadd.f32 $8.333333770e-03, v12;
	v10 =	vsub.f32 v10, v18;
	v18 =	vmul.f32 $6.283185480e+00, v22  }
0x2cc: {  	v13 =	vmul.f32 v13, v15;
	v11 =	vsub.f32 v11, v21;
	v46 =	vmul.f32 $6.283185480e+00, v24  }
0x2cd: {  	v12 =	vmul.f32 v12, v17;
	v47 =	vmul.f32 v10, v10;
	v14 =	vsub.f32 v14, v18  }
0x2ce: {  	v18 =	vmul.f32 v19, v9;
	v19 =	vmul.f32 v11, v11;
	v16 =	vsub.f32 v16, v46  }
0x2cf: {  	v48 =	vmul.f32 $2.505210790e-08, v47;
	v49 =	vmul.f32 v14, v14  }
0x2d0: {  	v23 =	vadd.f32 $8.333333770e-03, v23;
	v50 =	vmul.f32 $2.505210790e-08, v19;
	v51 =	vmul.f32 v16, v16  }
0x2d1: {  	v13 =	vadd.f32 $-1.666666720e-01, v13;
	v21 =	vsub.f32 $2.755731880e-06, v48;
	v52 =	vmul.f32 $2.505210790e-08, v49  }
0x2d2: {  	v23 =	vmul.f32 v23, v38;
	v25 =	vsub.f32 $2.755731880e-06, v50;
	v53 =	vmul.f32 $2.505210790e-08, v51  }
0x2d3: {  	v12 =	vadd.f32 $-1.666666720e-01, v12;
	v21 =	vmul.f32 v21, v47;
	v27 =	vsub.f32 $2.755731880e-06, v52  }
0x2d4: {  	v13 =	vmul.f32 v13, v15;
	v25 =	vmul.f32 v25, v19;
	v28 =	vsub.f32 $2.755731880e-06, v53  }
0x2d5: {  	v23 =	vadd.f32 $-1.666666720e-01, v23;
	v21 =	vadd.f32 $-1.984127010e-04, v21;
	v27 =	vmul.f32 v27, v49  }
0x2d6: {  	v18 =	vadd.f32 $-1.666666720e-01, v18;
	v25 =	vadd.f32 $-1.984127010e-04, v25;
	v28 =	vmul.f32 v28, v51  }
0x2d7: {  	v12 =	vmul.f32 v12, v17;
	v21 =	vmul.f32 v21, v47;
	v15 =	vadd.f32 $-1.984127010e-04, v27  }
0x2d8: {  	v9 =	vmul.f32 v18, v9;
	v18 =	vmul.f32 v25, v19;
	v54 =	vadd.f32 $-1.984127010e-04, v28  }
0x2d9: {  	v13 =	vadd.f32 $1.000000000e+00, v13;
	v21 =	vadd.f32 $8.333333770e-03, v21;
	v15 =	vmul.f32 v15, v49  }
0x2da: {  	v17 =	vmul.f32 v23, v38;
	v18 =	vadd.f32 $8.333333770e-03, v18;
	v55 =	vmul.f32 v54, v51  }
0x2db: {  	v12 =	vadd.f32 $1.000000000e+00, v12;
	v21 =	vmul.f32 v21, v47;
	v15 =	vadd.f32 $8.333333770e-03, v15  }
0x2dc: {  	v56 =	vld [tilespmem:s24+$0x10990];
	v5 =	vmul.f32 v13, v5;
	v18 =	vmul.f32 v18, v19;
	v20 =	vadd.f32 $8.333333770e-03, v55  }
0x2dd: {  	v57 =	vld [tilespmem:s24+$0x10980];
	v17 =	vadd.f32 $1.000000000e+00, v17;
	v21 =	vadd.f32 $-1.666666720e-01, v21;
	v15 =	vmul.f32 v15, v49  }
0x2de: {  	v59 =	vld [tilespmem:s24+$0x7980];
	v9 =	vadd.f32 $1.000000000e+00, v9;
	v18 =	vadd.f32 $-1.666666720e-01, v18;
	v20 =	vmul.f32 v20, v51  }
0x2df: {  	v58 =	vld [tilespmem:s24+$0x13980];
	v6 =	vmul.f32 v12, v6;
	v21 =	vmul.f32 v21, v47;
	v13 =	vadd.f32 $-1.666666720e-01, v15  }
0x2e0: {  	v7 =	vmul.f32 v9, v7;
	v9 =	vld [tilespmem:s24+$0xA980];
	v15 =	vmul.f32 v18, v19;
	v18 =	vadd.f32 $-1.666666720e-01, v20  }
0x2e1: {  	v60 =	vld [tilespmem:s24+$0x7990];
	v8 =	vmul.f32 v17, v8;
	v19 =	vadd.f32 $1.000000000e+00, v21;
	v12 =	vmul.f32 v13, v49  }
0x2e2: {  	v13 =	vadd.f32 $1.000000000e+00, v15;
	v15 =	vld [tilespmem:s24+$0xA990];
	v17 =	vmul.f32 v18, v51  }
0x2e3: {  	v8 =	vmul.f32 v8, v59;
	v10 =	vmul.f32 v19, v10;
	v12 =	vadd.f32 $1.000000000e+00, v12;
	v18 =	vld [tilespmem:s24+$0x13990]  }
0x2e4: {  	v7 =	vmul.f32 v7, v57;
	v11 =	vmul.f32 v13, v11;
	v13 =	vadd.f32 $1.000000000e+00, v17;
	v17 =	vld [tilespmem:s24+$0xD990]  }
0x2e5: {  	s3 =	simm.s32 $0x39B0;
	v9 =	vmul.f32 v10, v9;
	v10 =	vmul.f32 v12, v14;
	v12 =	vld [tilespmem:s24+$0x16990]  }
0x2e6: {  	v11 =	vmul.f32 v11, v58;
	v14 =	vld [tilespmem:s3+$0xFFFFFFF0];
	v13 =	vmul.f32 v13, v16  }
0x2e7: {  	v6 =	vmul.f32 v6, v60;
	v8 =	vadd.f32 v9, v8;
	v9 =	vmul.f32 v10, v15  }
0x2e8: {  	v5 =	vmul.f32 v5, v56;
	v7 =	vadd.f32 v11, v7;
	v11 =	vld [tilespmem:s3+$0x0];
	v10 =	vmul.f32 v13, v18  }
0x2e9: {  	s4 =	simm.s32 $0x17980;
	v4 =	vadd.f32 v4, v8;
	v6 =	vadd.f32 v9, v6;
	v2 =	vmul.f32 v2, v17  }
0x2ea: {  	v8 =	vld [tilespmem:s4+$0x0];
	v3 =	vadd.f32 v3, v7;
	v1 =	vmul.f32 v1, v12  }
0x2eb: {  	v5 =	vadd.f32 v10, v5;
	v4 =	vmul.f32 v4, v14;
	v2 =	vadd.f32 v2, v6;
	_ =	sdelay $0x1  }
0x2ec: {  	v3 =	vmul.f32 v3, v4;
	v1 =	vadd.f32 v1, v5;
	v2 =	vmul.f32 v2, v11;
	_ =	sdelay $0x1  }
0x2ed: {  	v3 =	vadd.f32 v3, v8;
	v1 =	vmul.f32 v1, v2;
	_ =	sdelay $0x1  }
0x2ee: {  	v1 =	vadd.f32 v1, v3;
	_ =	sdelay $0x1  }
0x2ef: {  	s5 =	simm.s32 $0x20;
	[tilespmem:s4+$0x0] =	vst v1  }
0x2f0: {  	v1 =	vld [tilespmem:s5+$0x15990]  }
0x2f1: {  	v2 =	vld [tilespmem:s5+$0x15980]  }
0x2f2: {  	v3 =	vld [tilespmem:s5+$0x14990]  }
0x2f3: {  	s6 =	simm.s32 $0x1190;
	v4 =	vld [tilespmem:s5+$0x14980]  }
0x2f4: {  	v5 =	vld [tilespmem:s6+$0x0]  }
0x2f5: {  	v6 =	vld [tilespmem:s5+$0xB990]  }
0x2f6: {  	v7 =	vld [tilespmem:s5+$0xB980]  }
0x2f7: {  	v8 =	vld [tilespmem:s5+$0xC990]  }
0x2f8: {  	v9 =	vld [tilespmem:s5+$0xC980]  }
0x2f9: {  	v3 =	vmul.f32 v3, v5  }
0x2fa: {  	v4 =	vmul.f32 v4, v5  }
0x2fb: {  	v6 =	vmul.f32 v6, v5;
	v5 =	vmul.f32 v7, v5;
	v1 =	vadd.f32 v1, v3  }
0x2fc: {  	v2 =	vadd.f32 v2, v4  }
0x2fd: {  	v3 =	vadd.f32 v8, v6;
	v4 =	vadd.f32 v9, v5;
	v5 =	vmul.f32 $1.591549370e-01, v1  }
0x2fe: {  	v6 =	vmul.f32 $1.591549370e-01, v2  }
0x2ff: {  	v7 =	vmul.f32 $1.591549370e-01, v3;
	v5 =	vadd.f32 $1.258291200e+07, v5  }
0x300: {  	v8 =	vmul.f32 $1.591549370e-01, v4;
	v6 =	vadd.f32 $1.258291200e+07, v6  }
0x301: {  	v7 =	vadd.f32 $1.258291200e+07, v7;
	v5 =	vadd.f32 $-1.258291200e+07, v5  }
0x302: {  	v8 =	vadd.f32 $1.258291200e+07, v8;
	v6 =	vadd.f32 $-1.258291200e+07, v6  }
0x303: {  	v7 =	vadd.f32 $-1.258291200e+07, v7;
	v5 =	vmul.f32 $6.283185480e+00, v5  }
0x304: {  	v8 =	vadd.f32 $-1.258291200e+07, v8;
	v6 =	vmul.f32 $6.283185480e+00, v6  }
0x305: {  	v7 =	vmul.f32 $6.283185480e+00, v7;
	v1 =	vsub.f32 v1, v5  }
0x306: {  	v8 =	vmul.f32 $6.283185480e+00, v8;
	v2 =	vsub.f32 v2, v6  }
0x307: {  	v17 =	vsub.f32 v3, v7;
	v3 =	vmul.f32 v1, v1  }
0x308: {  	v6 =	vsub.f32 v4, v8;
	v4 =	vmul.f32 v2, v2  }
0x309: {  	s7 =	simm.s32 $0x190;
	v14 =	vld [tilespmem:s5+$0xE990];
	v5 =	vmul.f32 v17, v17;
	v8 =	vmul.f32 $2.505210790e-08, v3  }
0x30a: {  	v15 =	vld [tilespmem:s7+$0x0];
	v9 =	vmul.f32 $2.505210790e-08, v4  }
0x30b: {  	v16 =	vld [tilespmem:s5+$0xE980];
	v7 =	vmul.f32 v6, v6;
	v10 =	vmul.f32 $2.505210790e-08, v5;
	v8 =	vsub.f32 $2.755731880e-06, v8  }
0x30c: {  	v12 =	vld [tilespmem:s5+$0xF990];
	v9 =	vsub.f32 $2.755731880e-06, v9  }
0x30d: {  	v18 =	vld [tilespmem:s5+$0x5990];
	v11 =	vmul.f32 $2.505210790e-08, v7;
	v10 =	vsub.f32 $2.755731880e-06, v10;
	v8 =	vmul.f32 v8, v3  }
0x30e: {  	v13 =	vld [tilespmem:s5+$0xF980];
	v9 =	vmul.f32 v9, v4  }
0x30f: {  	v19 =	vld [tilespmem:s5+$0x5980];
	v11 =	vsub.f32 $2.755731880e-06, v11;
	v10 =	vmul.f32 v10, v5;
	v8 =	vadd.f32 $-1.984127010e-04, v8  }
0x310: {  	v14 =	vmul.f32 v14, v15;
	v16 =	vmul.f32 v16, v15;
	v9 =	vadd.f32 $-1.984127010e-04, v9  }
0x311: {  	v61 =	vld [tilespmem:s5+$0x6990];
	v11 =	vmul.f32 v11, v7;
	v10 =	vadd.f32 $-1.984127010e-04, v10;
	v8 =	vmul.f32 v8, v3  }
0x312: {  	v18 =	vmul.f32 v18, v15;
	v14 =	vadd.f32 v12, v14;
	v9 =	vmul.f32 v9, v4  }
0x313: {  	v11 =	vadd.f32 $-1.984127010e-04, v11;
	v10 =	vmul.f32 v10, v5;
	v8 =	vadd.f32 $8.333333770e-03, v8  }
0x314: {  	v12 =	vmul.f32 v19, v15;
	v13 =	vadd.f32 v13, v16;
	v9 =	vadd.f32 $8.333333770e-03, v9  }
0x315: {  	v62 =	vld [tilespmem:s5+$0x6980];
	v11 =	vmul.f32 v11, v7;
	v10 =	vadd.f32 $8.333333770e-03, v10;
	v8 =	vmul.f32 v8, v3  }
0x316: {  	v18 =	vadd.f32 v61, v18;
	v15 =	vmul.f32 $1.591549370e-01, v14;
	v9 =	vmul.f32 v9, v4  }
0x317: {  	v11 =	vadd.f32 $8.333333770e-03, v11;
	v10 =	vmul.f32 v10, v5;
	v8 =	vadd.f32 $-1.666666720e-01, v8  }
0x318: {  	v15 =	vadd.f32 $1.258291200e+07, v15;
	v9 =	vadd.f32 $-1.666666720e-01, v9  }
0x319: {  	v11 =	vmul.f32 v11, v7;
	v10 =	vadd.f32 $-1.666666720e-01, v10;
	v3 =	vmul.f32 v8, v3  }
0x31a: {  	v8 =	vadd.f32 v62, v12;
	v12 =	vmul.f32 $1.591549370e-01, v13;
	v4 =	vmul.f32 v9, v4  }
0x31b: {  	v11 =	vadd.f32 $-1.666666720e-01, v11;
	v9 =	vmul.f32 $1.591549370e-01, v18;
	v3 =	vadd.f32 $1.000000000e+00, v3  }
0x31c: {  	v16 =	vmul.f32 $1.591549370e-01, v8;
	v12 =	vadd.f32 $1.258291200e+07, v12;
	v19 =	vadd.f32 $1.000000000e+00, v4  }
0x31d: {  	v5 =	vmul.f32 v10, v5;
	v4 =	vadd.f32 $1.258291200e+07, v9;
	v9 =	vadd.f32 $-1.258291200e+07, v15  }
0x31e: {  	v7 =	vmul.f32 v11, v7;
	v10 =	vadd.f32 $1.258291200e+07, v16;
	v12 =	vadd.f32 $-1.258291200e+07, v12  }
0x31f: {  	v11 =	vld [tilespmem:s5+$0x16980];
	v63 =	vadd.f32 $1.000000000e+00, v5;
	v4 =	vadd.f32 $-1.258291200e+07, v4;
	v9 =	vmul.f32 $6.283185480e+00, v9  }
0x320: {  	v15 =	vadd.f32 $1.000000000e+00, v7;
	v5 =	vadd.f32 $-1.258291200e+07, v10;
	v16 =	vmul.f32 $6.283185480e+00, v12;
	v12 =	vld [tilespmem:s5+$0xD980]  }
0x321: {  	v1 =	vmul.f32 v3, v1;
	v10 =	vld [tilespmem:s5+$0x12980];
	v7 =	vmul.f32 $6.283185480e+00, v4;
	v4 =	vsub.f32 v14, v9  }
0x322: {  	s0 =	smov.u32 s17;
	v14 =	vld [tilespmem:s5+$0x8980];
	v9 =	vmul.f32 $6.283185480e+00, v5;
	v5 =	vsub.f32 v13, v16;
	v16 =	vmul.f32 v19, v2  }
0x323: {  	s22 =	smov.u32 s15;
	s9 =	simm.s32 $0x990;
	s10 =	simm.s32 $0x100;
	v13 =	vld [tilespmem:s5+$0x11980];
	v3 =	vsub.f32 v18, v7;
	v7 =	vmul.f32 v4, v4;
	v2 =	vmul.f32 v63, v17  }
.LBB2_7:
0x324: {  	p0 =	sne.s32 s10, $0x3F80;
	v17 =	vld [tilespmem:s9+$0x0];
	v9 =	vsub.f32 v8, v9;
	v18 =	vmul.f32 v5, v5;
	v8 =	vmul.f32 v15, v6  }
0x325: {  	v15 =	vld [tilespmem:s5+$0x9980];
	v19 =	vmul.f32 v3, v3;
	v20 =	vmul.f32 $2.505210790e-08, v7  }
0x326: {  	v21 =	vmul.f32 v9, v9;
	v22 =	vmul.f32 $2.505210790e-08, v18;
	v23 =	vld [tilespmem:s5+$0x8990]  }
0x327: {  	v6 =	vmul.f32 v16, v11;
	v11 =	vmul.f32 $2.505210790e-08, v19;
	v16 =	vsub.f32 $2.755731880e-06, v20;
	v20 =	vld [tilespmem:s5+$0x11990]  }
0x328: {  	v8 =	vmul.f32 v8, v12;
	v24 =	vmul.f32 $2.505210790e-08, v21;
	v22 =	vsub.f32 $2.755731880e-06, v22;
	v12 =	vld [tilespmem:s5+$0x9990]  }
0x329: {  	v14 =	vmul.f32 v14, v17;
	v11 =	vsub.f32 $2.755731880e-06, v11;
	v16 =	vmul.f32 v16, v7;
	v25 =	vld [tilespmem:s5+$0x12990]  }
0x32a: {  	v13 =	vmul.f32 v13, v17;
	v24 =	vsub.f32 $2.755731880e-06, v24;
	v22 =	vmul.f32 v22, v18  }
0x32b: {  	v14 =	vadd.f32 v15, v14;
	v11 =	vmul.f32 v11, v19;
	v15 =	vmul.f32 v23, v17  }
0x32c: {  	v10 =	vadd.f32 v10, v13;
	v23 =	vmul.f32 v24, v21;
	v13 =	vmul.f32 v20, v17  }
0x32d: {  	v16 =	vadd.f32 $-1.984127010e-04, v16;
	v17 =	vmul.f32 $1.591549370e-01, v14;
	v12 =	vadd.f32 v12, v15  }
0x32e: {  	v15 =	vadd.f32 $-1.984127010e-04, v22;
	v20 =	vmul.f32 $1.591549370e-01, v10;
	v13 =	vadd.f32 v25, v13  }
0x32f: {  	v11 =	vadd.f32 $-1.984127010e-04, v11;
	v17 =	vadd.f32 $1.258291200e+07, v17;
	v22 =	vmul.f32 $1.591549370e-01, v12  }
0x330: {  	v23 =	vadd.f32 $-1.984127010e-04, v23;
	v20 =	vadd.f32 $1.258291200e+07, v20;
	v24 =	vmul.f32 $1.591549370e-01, v13  }
0x331: {  	v16 =	vmul.f32 v16, v7;
	v17 =	vadd.f32 $-1.258291200e+07, v17;
	v22 =	vadd.f32 $1.258291200e+07, v22  }
0x332: {  	v15 =	vmul.f32 v15, v18;
	v20 =	vadd.f32 $-1.258291200e+07, v20;
	v24 =	vadd.f32 $1.258291200e+07, v24  }
0x333: {  	v11 =	vmul.f32 v11, v19;
	v17 =	vmul.f32 $6.283185480e+00, v17;
	v22 =	vadd.f32 $-1.258291200e+07, v22  }
0x334: {  	v23 =	vmul.f32 v23, v21;
	v20 =	vmul.f32 $6.283185480e+00, v20;
	v24 =	vadd.f32 $-1.258291200e+07, v24  }
0x335: {  	v16 =	vadd.f32 $8.333333770e-03, v16;
	v14 =	vsub.f32 v14, v17;
	v17 =	vmul.f32 $6.283185480e+00, v22  }
0x336: {  	v15 =	vadd.f32 $8.333333770e-03, v15;
	v10 =	vsub.f32 v10, v20;
	v20 =	vmul.f32 $6.283185480e+00, v24  }
0x337: {  	v16 =	vmul.f32 v16, v7;
	v22 =	vmul.f32 v14, v14;
	v12 =	vsub.f32 v12, v17  }
0x338: {  	v15 =	vmul.f32 v15, v18;
	v17 =	vmul.f32 v10, v10;
	v13 =	vsub.f32 v13, v20  }
0x339: {  	v11 =	vadd.f32 $8.333333770e-03, v11;
	v20 =	vmul.f32 $2.505210790e-08, v22;
	v24 =	vmul.f32 v12, v12  }
0x33a: {  	v23 =	vadd.f32 $8.333333770e-03, v23;
	v25 =	vmul.f32 $2.505210790e-08, v17;
	v26 =	vmul.f32 v13, v13  }
0x33b: {  	v11 =	vmul.f32 v11, v19;
	v20 =	vsub.f32 $2.755731880e-06, v20;
	v27 =	vmul.f32 $2.505210790e-08, v24  }
0x33c: {  	v23 =	vmul.f32 v23, v21;
	v25 =	vsub.f32 $2.755731880e-06, v25;
	v28 =	vmul.f32 $2.505210790e-08, v26  }
0x33d: {  	v16 =	vadd.f32 $-1.666666720e-01, v16;
	v20 =	vmul.f32 v20, v22;
	v27 =	vsub.f32 $2.755731880e-06, v27  }
0x33e: {  	v15 =	vadd.f32 $-1.666666720e-01, v15;
	v25 =	vmul.f32 v25, v17;
	v28 =	vsub.f32 $2.755731880e-06, v28  }
0x33f: {  	v11 =	vadd.f32 $-1.666666720e-01, v11;
	v20 =	vadd.f32 $-1.984127010e-04, v20;
	v27 =	vmul.f32 v27, v24  }
0x340: {  	v23 =	vadd.f32 $-1.666666720e-01, v23;
	v25 =	vadd.f32 $-1.984127010e-04, v25;
	v28 =	vmul.f32 v28, v26  }
0x341: {  	v7 =	vmul.f32 v16, v7;
	v20 =	vmul.f32 v20, v22;
	v16 =	vadd.f32 $-1.984127010e-04, v27  }
0x342: {  	v15 =	vmul.f32 v15, v18;
	v18 =	vmul.f32 v25, v17;
	v25 =	vadd.f32 $-1.984127010e-04, v28  }
0x343: {  	v11 =	vmul.f32 v11, v19;
	v20 =	vadd.f32 $8.333333770e-03, v20;
	v16 =	vmul.f32 v16, v24  }
0x344: {  	v19 =	vmul.f32 v23, v21;
	v18 =	vadd.f32 $8.333333770e-03, v18;
	v21 =	vmul.f32 v25, v26  }
0x345: {  	v7 =	vadd.f32 $1.000000000e+00, v7;
	v20 =	vmul.f32 v20, v22;
	v16 =	vadd.f32 $8.333333770e-03, v16  }
0x346: {  	v15 =	vadd.f32 $1.000000000e+00, v15;
	v18 =	vmul.f32 v18, v17;
	v23 =	vld [tilespmem:s5+$0x10990];
	v21 =	vadd.f32 $8.333333770e-03, v21  }
0x347: {  	v11 =	vadd.f32 $1.000000000e+00, v11;
	v25 =	vld [tilespmem:s5+$0x10980];
	v20 =	vadd.f32 $-1.666666720e-01, v20;
	v16 =	vmul.f32 v16, v24  }
0x348: {  	v19 =	vadd.f32 $1.000000000e+00, v19;
	v18 =	vadd.f32 $-1.666666720e-01, v18;
	v27 =	vld [tilespmem:s5+$0x13980];
	v21 =	vmul.f32 v21, v26  }
0x349: {  	v4 =	vmul.f32 v7, v4;
	v28 =	vld [tilespmem:s5+$0x7980];
	v20 =	vmul.f32 v20, v22;
	v7 =	vadd.f32 $-1.666666720e-01, v16  }
0x34a: {  	v5 =	vmul.f32 v15, v5;
	v16 =	vmul.f32 v18, v17;
	v15 =	vld [tilespmem:s5+$0xA980];
	v17 =	vadd.f32 $-1.666666720e-01, v21  }
0x34b: {  	v3 =	vmul.f32 v11, v3;
	v18 =	vadd.f32 $1.000000000e+00, v20;
	v20 =	vld [tilespmem:s5+$0x7990];
	v7 =	vmul.f32 v7, v24  }
0x34c: {  	v9 =	vmul.f32 v19, v9;
	v11 =	vadd.f32 $1.000000000e+00, v16;
	v16 =	vld [tilespmem:s5+$0xA990];
	v17 =	vmul.f32 v17, v26  }
0x34d: {  	v5 =	vmul.f32 v5, v25;
	v14 =	vmul.f32 v18, v14;
	v7 =	vadd.f32 $1.000000000e+00, v7;
	v18 =	vld [tilespmem:s5+$0x13990]  }
0x34e: {  	v10 =	vmul.f32 v11, v10;
	v9 =	vmul.f32 v9, v28;
	v11 =	vadd.f32 $1.000000000e+00, v17;
	v17 =	vld [tilespmem:s5+$0xD990]  }
0x34f: {  	s3 =	sadd.s32 $0x40, s3;
	v14 =	vmul.f32 v14, v15;
	v7 =	vmul.f32 v7, v12;
	v12 =	vld [tilespmem:s5+$0x16990]  }
0x350: {  	v10 =	vmul.f32 v10, v27;
	v15 =	vld [tilespmem:s3+$0xFFFFFFF0];
	v11 =	vmul.f32 v11, v13  }
0x351: {  	v3 =	vmul.f32 v3, v20;
	v9 =	vadd.f32 v14, v9;
	v7 =	vmul.f32 v7, v16  }
0x352: {  	v4 =	vmul.f32 v4, v23;
	v5 =	vadd.f32 v10, v5;
	v10 =	vmul.f32 v11, v18;
	v11 =	vld [tilespmem:s3+$0x0]  }
0x353: {  	s4 =	sadd.s32 $0x10, s4;
	v8 =	vadd.f32 v8, v9;
	v3 =	vadd.f32 v7, v3;
	v2 =	vmul.f32 v2, v17  }
0x354: {  	v7 =	vld [tilespmem:s4+$0x0];
	v4 =	vadd.f32 v10, v4;
	v1 =	vmul.f32 v1, v12  }
0x355: {  	v5 =	vadd.f32 v6, v5;
	v6 =	vmul.f32 v8, v15;
	v2 =	vadd.f32 v2, v3;
	_ =	sdelay $0x1  }
0x356: {  	v1 =	vadd.f32 v1, v4;
	v3 =	vmul.f32 v5, v6;
	v2 =	vmul.f32 v2, v11;
	_ =	sdelay $0x1  }
0x357: {  	v3 =	vadd.f32 v3, v7;
	v1 =	vmul.f32 v1, v2;
	_ =	sdelay $0x1  }
0x358: {  	v1 =	vadd.f32 v1, v3;
	_ =	sdelay $0x1  }
0x359: {  	s5 =	sshra.s32 s10, $0x2;
	[tilespmem:s4+$0x0] =	vst v1  }
0x35a: {  	v1 =	vld [tilespmem:s5+$0x15990]  }
0x35b: {  	v2 =	vld [tilespmem:s5+$0x15980]  }
0x35c: {  	v3 =	vld [tilespmem:s5+$0x14990]  }
0x35d: {  	s6 =	sadd.s32 $0x10, s6;
	v4 =	vld [tilespmem:s5+$0x14980]  }
0x35e: {  	v5 =	vld [tilespmem:s6+$0x0]  }
0x35f: {  	v6 =	vld [tilespmem:s5+$0xB990]  }
0x360: {  	v7 =	vld [tilespmem:s5+$0xB980]  }
0x361: {  	v8 =	vld [tilespmem:s5+$0xC990]  }
0x362: {  	v9 =	vld [tilespmem:s5+$0xC980]  }
0x363: {  	v3 =	vmul.f32 v3, v5  }
0x364: {  	v4 =	vmul.f32 v4, v5;
	v6 =	vmul.f32 v6, v5  }
0x365: {  	v5 =	vmul.f32 v7, v5;
	v1 =	vadd.f32 v1, v3  }
0x366: {  	v2 =	vadd.f32 v2, v4;
	v3 =	vadd.f32 v8, v6  }
0x367: {  	v4 =	vadd.f32 v9, v5;
	v5 =	vmul.f32 $1.591549370e-01, v1  }
0x368: {  	v6 =	vmul.f32 $1.591549370e-01, v2;
	v7 =	vmul.f32 $1.591549370e-01, v3  }
0x369: {  	v8 =	vmul.f32 $1.591549370e-01, v4;
	v5 =	vadd.f32 $1.258291200e+07, v5  }
0x36a: {  	v6 =	vadd.f32 $1.258291200e+07, v6;
	v7 =	vadd.f32 $1.258291200e+07, v7  }
0x36b: {  	v8 =	vadd.f32 $1.258291200e+07, v8;
	v5 =	vadd.f32 $-1.258291200e+07, v5  }
0x36c: {  	v6 =	vadd.f32 $-1.258291200e+07, v6;
	v7 =	vadd.f32 $-1.258291200e+07, v7  }
0x36d: {  	v8 =	vadd.f32 $-1.258291200e+07, v8;
	v5 =	vmul.f32 $6.283185480e+00, v5  }
0x36e: {  	v6 =	vmul.f32 $6.283185480e+00, v6;
	v7 =	vmul.f32 $6.283185480e+00, v7  }
0x36f: {  	v8 =	vmul.f32 $6.283185480e+00, v8;
	v1 =	vsub.f32 v1, v5  }
0x370: {  	v2 =	vsub.f32 v2, v6;
	v17 =	vsub.f32 v3, v7  }
0x371: {  	v6 =	vsub.f32 v4, v8;
	v3 =	vmul.f32 v1, v1  }
0x372: {  	v4 =	vmul.f32 v2, v2;
	v5 =	vmul.f32 v17, v17  }
0x373: {  	v7 =	vmul.f32 v6, v6;
	v8 =	vmul.f32 $2.505210790e-08, v3  }
0x374: {  	v9 =	vmul.f32 $2.505210790e-08, v4;
	v10 =	vmul.f32 $2.505210790e-08, v5  }
0x375: {  	v11 =	vmul.f32 $2.505210790e-08, v7;
	v8 =	vsub.f32 $2.755731880e-06, v8  }
0x376: {  	v9 =	vsub.f32 $2.755731880e-06, v9;
	v10 =	vsub.f32 $2.755731880e-06, v10  }
0x377: {  	v11 =	vsub.f32 $2.755731880e-06, v11;
	v8 =	vmul.f32 v8, v3  }
0x378: {  	v9 =	vmul.f32 v9, v4;
	v10 =	vmul.f32 v10, v5  }
0x379: {  	v11 =	vmul.f32 v11, v7;
	v12 =	vld [tilespmem:s5+$0xF990];
	v8 =	vadd.f32 $-1.984127010e-04, v8  }
0x37a: {  	v9 =	vadd.f32 $-1.984127010e-04, v9;
	v13 =	vld [tilespmem:s5+$0xF980];
	v10 =	vadd.f32 $-1.984127010e-04, v10  }
0x37b: {  	s7 =	sadd.s32 $0x10, s7;
	v11 =	vadd.f32 $-1.984127010e-04, v11;
	v14 =	vld [tilespmem:s5+$0xE990];
	v8 =	vmul.f32 v8, v3  }
0x37c: {  	v9 =	vmul.f32 v9, v4;
	v15 =	vld [tilespmem:s7+$0x0];
	v10 =	vmul.f32 v10, v5  }
0x37d: {  	v16 =	vld [tilespmem:s5+$0xE980];
	v11 =	vmul.f32 v11, v7;
	v8 =	vadd.f32 $8.333333770e-03, v8  }
0x37e: {  	v9 =	vadd.f32 $8.333333770e-03, v9;
	v18 =	vld [tilespmem:s5+$0x5990];
	v10 =	vadd.f32 $8.333333770e-03, v10  }
0x37f: {  	v19 =	vld [tilespmem:s5+$0x5980];
	v11 =	vadd.f32 $8.333333770e-03, v11;
	v8 =	vmul.f32 v8, v3  }
0x380: {  	v9 =	vmul.f32 v9, v4;
	v20 =	vld [tilespmem:s5+$0x6990];
	v10 =	vmul.f32 v10, v5  }
0x381: {  	v21 =	vld [tilespmem:s5+$0x6980];
	v11 =	vmul.f32 v11, v7;
	v14 =	vmul.f32 v14, v15  }
0x382: {  	v9 =	vadd.f32 $-1.666666720e-01, v9;
	v8 =	vadd.f32 $-1.666666720e-01, v8;
	v16 =	vmul.f32 v16, v15  }
0x383: {  	v10 =	vadd.f32 $-1.666666720e-01, v10;
	v18 =	vmul.f32 v18, v15;
	v14 =	vadd.f32 v12, v14  }
0x384: {  	v11 =	vadd.f32 $-1.666666720e-01, v11;
	v12 =	vmul.f32 v19, v15;
	v13 =	vadd.f32 v13, v16  }
0x385: {  	v3 =	vmul.f32 v8, v3;
	v18 =	vadd.f32 v20, v18;
	v15 =	vmul.f32 $1.591549370e-01, v14  }
0x386: {  	v4 =	vmul.f32 v9, v4;
	v8 =	vadd.f32 v21, v12;
	v12 =	vmul.f32 $1.591549370e-01, v13  }
0x387: {  	v3 =	vadd.f32 $1.000000000e+00, v3;
	v9 =	vmul.f32 $1.591549370e-01, v18;
	v15 =	vadd.f32 $1.258291200e+07, v15  }
0x388: {  	v19 =	vadd.f32 $1.000000000e+00, v4;
	v16 =	vmul.f32 $1.591549370e-01, v8;
	v12 =	vadd.f32 $1.258291200e+07, v12  }
0x389: {  	v5 =	vmul.f32 v10, v5;
	v4 =	vadd.f32 $1.258291200e+07, v9;
	v9 =	vadd.f32 $-1.258291200e+07, v15  }
0x38a: {  	v7 =	vmul.f32 v11, v7;
	v10 =	vadd.f32 $1.258291200e+07, v16;
	v12 =	vadd.f32 $-1.258291200e+07, v12  }
.Ltmp2:
0x38b: {  	v20 =	vadd.f32 $1.000000000e+00, v5;
	v11 =	vld [tilespmem:s5+$0x16980];
	v4 =	vadd.f32 $-1.258291200e+07, v4;
	v9 =	vmul.f32 $6.283185480e+00, v9;
	(pc) =	sbr.rel @p0 .LBB2_7-.Ltmp2, $4  }
0x38c: {  	v15 =	vadd.f32 $1.000000000e+00, v7;
	v5 =	vadd.f32 $-1.258291200e+07, v10;
	v16 =	vmul.f32 $6.283185480e+00, v12;
	v12 =	vld [tilespmem:s5+$0xD980]  }
0x38d: {  	v1 =	vmul.f32 v3, v1;
	v10 =	vld [tilespmem:s5+$0x12980];
	v7 =	vmul.f32 $6.283185480e+00, v4;
	v4 =	vsub.f32 v14, v9  }
0x38e: {  	v9 =	vmul.f32 $6.283185480e+00, v5;
	v5 =	vsub.f32 v13, v16;
	v13 =	vld [tilespmem:s5+$0x11980];
	v16 =	vmul.f32 v19, v2  }
0x38f: {  	s9 =	sadd.s32 $0x10, s9;
	s10 =	sadd.s32 $0x80, s10;
	v2 =	vmul.f32 v20, v17;
	v14 =	vld [tilespmem:s5+$0x8980];
	v3 =	vsub.f32 v18, v7;
	v7 =	vmul.f32 v4, v4  }
0x390: {  	v17 =	vld [tilespmem:s9+$0x0];
	v9 =	vsub.f32 v8, v9;
	v18 =	vmul.f32 v5, v5;
	v8 =	vmul.f32 v15, v6  }
0x391: {  	v15 =	vld [tilespmem:s5+$0x9980];
	v19 =	vmul.f32 v3, v3;
	v20 =	vmul.f32 $2.505210790e-08, v7  }
0x392: {  	v23 =	vld [tilespmem:s5+$0x8990];
	v21 =	vmul.f32 v9, v9;
	v22 =	vmul.f32 $2.505210790e-08, v18  }
0x393: {  	v6 =	vmul.f32 v16, v11;
	v47 =	vld [tilespmem:s5+$0x11990];
	v11 =	vmul.f32 $2.505210790e-08, v19;
	v16 =	vsub.f32 $2.755731880e-06, v20  }
0x394: {  	v8 =	vmul.f32 v8, v12;
	v12 =	vld [tilespmem:s5+$0x9990];
	v24 =	vmul.f32 $2.505210790e-08, v21;
	v22 =	vsub.f32 $2.755731880e-06, v22  }
0x395: {  	v25 =	vld [tilespmem:s5+$0x12990];
	v14 =	vmul.f32 v14, v17;
	v11 =	vsub.f32 $2.755731880e-06, v11;
	v16 =	vmul.f32 v16, v7  }
0x396: {  	v13 =	vmul.f32 v13, v17;
	v24 =	vsub.f32 $2.755731880e-06, v24;
	v22 =	vmul.f32 v22, v18  }
0x397: {  	v14 =	vadd.f32 v15, v14;
	v11 =	vmul.f32 v11, v19;
	v15 =	vmul.f32 v23, v17  }
0x398: {  	v10 =	vadd.f32 v10, v13;
	v13 =	vmul.f32 v47, v17;
	v16 =	vadd.f32 $-1.984127010e-04, v16  }
0x399: {  	v48 =	vmul.f32 v24, v21;
	v17 =	vmul.f32 $1.591549370e-01, v14;
	v12 =	vadd.f32 v12, v15  }
0x39a: {  	v15 =	vadd.f32 $-1.984127010e-04, v22;
	v49 =	vmul.f32 $1.591549370e-01, v10;
	v13 =	vadd.f32 v25, v13  }
0x39b: {  	v11 =	vadd.f32 $-1.984127010e-04, v11;
	v17 =	vadd.f32 $1.258291200e+07, v17;
	v50 =	vmul.f32 $1.591549370e-01, v12  }
0x39c: {  	v23 =	vadd.f32 $-1.984127010e-04, v48;
	v20 =	vadd.f32 $1.258291200e+07, v49;
	v51 =	vmul.f32 $1.591549370e-01, v13  }
0x39d: {  	v16 =	vmul.f32 v16, v7;
	v17 =	vadd.f32 $-1.258291200e+07, v17;
	v22 =	vadd.f32 $1.258291200e+07, v50  }
0x39e: {  	v15 =	vmul.f32 v15, v18;
	v20 =	vadd.f32 $-1.258291200e+07, v20;
	v24 =	vadd.f32 $1.258291200e+07, v51  }
0x39f: {  	v11 =	vmul.f32 v11, v19;
	v17 =	vmul.f32 $6.283185480e+00, v17;
	v22 =	vadd.f32 $-1.258291200e+07, v22  }
0x3a0: {  	v16 =	vadd.f32 $8.333333770e-03, v16;
	v20 =	vmul.f32 $6.283185480e+00, v20;
	v24 =	vadd.f32 $-1.258291200e+07, v24  }
0x3a1: {  	v23 =	vmul.f32 v23, v21;
	v14 =	vsub.f32 v14, v17;
	v17 =	vmul.f32 $6.283185480e+00, v22  }
0x3a2: {  	v15 =	vadd.f32 $8.333333770e-03, v15;
	v10 =	vsub.f32 v10, v20;
	v52 =	vmul.f32 $6.283185480e+00, v24  }
0x3a3: {  	v16 =	vmul.f32 v16, v7;
	v53 =	vmul.f32 v14, v14;
	v12 =	vsub.f32 v12, v17  }
0x3a4: {  	v15 =	vmul.f32 v15, v18;
	v17 =	vmul.f32 v10, v10;
	v13 =	vsub.f32 v13, v52  }
0x3a5: {  	v11 =	vadd.f32 $8.333333770e-03, v11;
	v54 =	vmul.f32 $2.505210790e-08, v53;
	v55 =	vmul.f32 v12, v12  }
0x3a6: {  	v23 =	vadd.f32 $8.333333770e-03, v23;
	v56 =	vmul.f32 $2.505210790e-08, v17;
	v26 =	vmul.f32 v13, v13  }
0x3a7: {  	v11 =	vmul.f32 v11, v19;
	v20 =	vsub.f32 $2.755731880e-06, v54;
	v27 =	vmul.f32 $2.505210790e-08, v55  }
0x3a8: {  	v16 =	vadd.f32 $-1.666666720e-01, v16;
	v25 =	vsub.f32 $2.755731880e-06, v56;
	v28 =	vmul.f32 $2.505210790e-08, v26  }
0x3a9: {  	v23 =	vmul.f32 v23, v21;
	v20 =	vmul.f32 v20, v53;
	v27 =	vsub.f32 $2.755731880e-06, v27  }
0x3aa: {  	v15 =	vadd.f32 $-1.666666720e-01, v15;
	v25 =	vmul.f32 v25, v17;
	v28 =	vsub.f32 $2.755731880e-06, v28  }
0x3ab: {  	v11 =	vadd.f32 $-1.666666720e-01, v11;
	v20 =	vadd.f32 $-1.984127010e-04, v20;
	v27 =	vmul.f32 v27, v55  }
0x3ac: {  	v7 =	vmul.f32 v16, v7;
	v25 =	vadd.f32 $-1.984127010e-04, v25;
	v28 =	vmul.f32 v28, v26  }
0x3ad: {  	v23 =	vadd.f32 $-1.666666720e-01, v23;
	v20 =	vmul.f32 v20, v53;
	v16 =	vadd.f32 $-1.984127010e-04, v27  }
0x3ae: {  	v15 =	vmul.f32 v15, v18;
	v18 =	vmul.f32 v25, v17;
	v57 =	vadd.f32 $-1.984127010e-04, v28  }
0x3af: {  	v11 =	vmul.f32 v11, v19;
	v20 =	vadd.f32 $8.333333770e-03, v20;
	v16 =	vmul.f32 v16, v55  }
0x3b0: {  	v7 =	vadd.f32 $1.000000000e+00, v7;
	v18 =	vadd.f32 $8.333333770e-03, v18;
	v58 =	vmul.f32 v57, v26  }
0x3b1: {  	v19 =	vmul.f32 v23, v21;
	v20 =	vmul.f32 v20, v53;
	v16 =	vadd.f32 $8.333333770e-03, v16  }
0x3b2: {  	v59 =	vld [tilespmem:s5+$0x10990];
	v15 =	vadd.f32 $1.000000000e+00, v15;
	v18 =	vmul.f32 v18, v17;
	v21 =	vadd.f32 $8.333333770e-03, v58  }
0x3b3: {  	v60 =	vld [tilespmem:s5+$0x10980];
	v11 =	vadd.f32 $1.000000000e+00, v11;
	v20 =	vadd.f32 $-1.666666720e-01, v20;
	v16 =	vmul.f32 v16, v55  }
0x3b4: {  	v61 =	vld [tilespmem:s5+$0x13980];
	v4 =	vmul.f32 v7, v4;
	v18 =	vadd.f32 $-1.666666720e-01, v18;
	v21 =	vmul.f32 v21, v26  }
0x3b5: {  	v62 =	vld [tilespmem:s5+$0x7980];
	v19 =	vadd.f32 $1.000000000e+00, v19;
	v20 =	vmul.f32 v20, v53;
	v7 =	vadd.f32 $-1.666666720e-01, v16  }
0x3b6: {  	v5 =	vmul.f32 v15, v5;
	v15 =	vld [tilespmem:s5+$0xA980];
	v16 =	vmul.f32 v18, v17;
	v17 =	vadd.f32 $-1.666666720e-01, v21  }
0x3b7: {  	v63 =	vld [tilespmem:s5+$0x7990];
	v3 =	vmul.f32 v11, v3;
	v18 =	vadd.f32 $1.000000000e+00, v20;
	v7 =	vmul.f32 v7, v55  }
0x3b8: {  	v9 =	vmul.f32 v19, v9;
	v11 =	vadd.f32 $1.000000000e+00, v16;
	v16 =	vld [tilespmem:s5+$0xA990];
	v17 =	vmul.f32 v17, v26  }
0x3b9: {  	v5 =	vmul.f32 v5, v60;
	v14 =	vmul.f32 v18, v14;
	v7 =	vadd.f32 $1.000000000e+00, v7;
	v18 =	vld [tilespmem:s5+$0x13990]  }
0x3ba: {  	v9 =	vmul.f32 v9, v62;
	v10 =	vmul.f32 v11, v10;
	v11 =	vadd.f32 $1.000000000e+00, v17;
	v17 =	vld [tilespmem:s5+$0xD990]  }
0x3bb: {  	s3 =	sadd.s32 $0x40, s3;
	v14 =	vmul.f32 v14, v15;
	v7 =	vmul.f32 v7, v12;
	v12 =	vld [tilespmem:s5+$0x16990]  }
0x3bc: {  	v10 =	vmul.f32 v10, v61;
	v15 =	vld [tilespmem:s3+$0xFFFFFFF0];
	v11 =	vmul.f32 v11, v13  }
0x3bd: {  	v3 =	vmul.f32 v3, v63;
	v9 =	vadd.f32 v14, v9;
	v7 =	vmul.f32 v7, v16  }
0x3be: {  	v4 =	vmul.f32 v4, v59;
	v5 =	vadd.f32 v10, v5;
	v10 =	vmul.f32 v11, v18;
	v11 =	vld [tilespmem:s3+$0x0]  }
0x3bf: {  	s25 =	sadd.s32 $0x10, s4;
	v2 =	vmul.f32 v2, v17;
	v8 =	vadd.f32 v8, v9;
	v3 =	vadd.f32 v7, v3  }
0x3c0: {  	v7 =	vld [tilespmem:s25+$0x0];
	v5 =	vadd.f32 v6, v5;
	v4 =	vadd.f32 v10, v4  }
0x3c1: {  	v1 =	vmul.f32 v1, v12;
	v6 =	vmul.f32 v8, v15;
	v2 =	vadd.f32 v2, v3;
	_ =	sdelay $0x1  }
0x3c2: {  	v1 =	vadd.f32 v1, v4;
	v3 =	vmul.f32 v5, v6;
	v2 =	vmul.f32 v2, v11;
	_ =	sdelay $0x1  }
0x3c3: {  	v3 =	vadd.f32 v3, v7;
	v1 =	vmul.f32 v1, v2;
	_ =	sdelay $0x1  }
0x3c4: {  	v1 =	vadd.f32 v1, v3;
	_ =	sdelay $0x1  }
0x3c5: {  	s3 =	simm.s32 $0x17A00;
	[tilespmem:s25+$0x0] =	vst v1  }
0x3c6: {  	v1 =	vld [tilespmem:s3+$0x60];
	_ =	sdelay $0x4  }
0x3c7: {  	v2 =	vperm.xlane v1, v0;
	_ =	sdelay $0x1  }
0x3c8: {  	v3 =	vld [tilespmem:s3+$0x50];
	v1 =	vadd.f32 v2, v1;
	_ =	sdelay $0x1  }
0x3c9: {  	(v2sf) =	vpush v1, $0x6  }
0x3ca: {  	(v2sf) =	vpush v1, $0x5  }
0x3cb: {  	(v2sf) =	vpush v1, $0x4  }
0x3cc: {  	v2 =	vperm.xlane v3, v0;
	(v2sf) =	vpush v1, $0x3  }
0x3cd: {  	(v2sf) =	vpush v1, $0x2  }
0x3ce: {  	v4 =	vld [tilespmem:s3+$0x40];
	v2 =	vadd.f32 v2, v3;
	(v2sf) =	vpush v1, $0x0  }
0x3cf: {  	(v2sf) =	vpush v1, $0x1  }
0x3d0: {  	(v2sf) =	vpush v2, $0x6  }
0x3d1: {  	(v2sf) =	vpush v2, $0x5  }
0x3d2: {  	(v2sf) =	vpush v2, $0x4  }
0x3d3: {  	v3 =	vperm.xlane v4, v0;
	(v2sf) =	vpush v2, $0x3  }
0x3d4: {  	(v2sf) =	vpush v2, $0x2  }
0x3d5: {  	v5 =	vld [tilespmem:s3+$0x30];
	v3 =	vadd.f32 v3, v4;
	(v2sf) =	vpush v2, $0x0  }
0x3d6: {  	(v2sf) =	vpush v2, $0x1  }
0x3d7: {  	(v2sf) =	vpush v3, $0x6  }
0x3d8: {  	(v2sf) =	vpush v3, $0x5;
	s4 =	spop (v2sf)  }
0x3d9: {  	(v2sf) =	vpush v3, $0x4;
	s5 =	spop (v2sf)  }
0x3da: {  	v4 =	vperm.xlane v5, v0;
	(v2sf) =	vpush v3, $0x3;
	s26 =	spop (v2sf)  }
0x3db: {  	(v2sf) =	vpush v3, $0x2;
	s10 =	spop (v2sf)  }
0x3dc: {  	v6 =	vld [tilespmem:s3+$0x20];
	v4 =	vadd.f32 v4, v5;
	(v2sf) =	vpush v3, $0x0;
	s13 =	spop (v2sf)  }
0x3dd: {  	(v2sf) =	vpush v3, $0x1;
	s15 =	spop (v2sf)  }
0x3de: {  	(v2sf) =	vpush v4, $0x6;
	s16 =	spop (v2sf)  }
0x3df: {  	(v2sf) =	vpush v4, $0x5;
	s17 =	spop (v2sf)  }
0x3e0: {  	(v2sf) =	vpush v4, $0x4;
	s18 =	spop (v2sf)  }
0x3e1: {  	v5 =	vperm.xlane v6, v0;
	(v2sf) =	vpush v4, $0x3;
	s19 =	spop (v2sf)  }
0x3e2: {  	(v2sf) =	vpush v4, $0x2;
	s20 =	spop (v2sf)  }
0x3e3: {  	v7 =	vld [tilespmem:s3+$0x10];
	v5 =	vadd.f32 v5, v6;
	(v2sf) =	vpush v4, $0x0;
	s21 =	spop (v2sf)  }
0x3e4: {  	(v2sf) =	vpush v4, $0x1;
	s23 =	spop (v2sf)  }
0x3e5: {  	(v2sf) =	vpush v5, $0x6;
	s24 =	spop (v2sf)  }
0x3e6: {  	(v2sf) =	vpush v5, $0x5;
	s6 =	spop (v2sf)  }
0x3e7: {  	s15 =	sadd.f32 s16, s15;
	(v2sf) =	vpush v5, $0x4;
	s7 =	spop (v2sf)  }
0x3e8: {  	v6 =	vperm.xlane v7, v0;
	(v2sf) =	vpush v5, $0x3;
	s14 =	spop (v2sf)  }
0x3e9: {  	s13 =	sadd.f32 s15, s13;
	(v2sf) =	vpush v5, $0x2;
	s16 =	spop (v2sf)  }
0x3ea: {  	v8 =	vld [tilespmem:s3+$0x0];
	v6 =	vadd.f32 v6, v7;
	s23 =	sadd.f32 s24, s23;
	(v2sf) =	vpush v5, $0x0;
	s24 =	spop (v2sf)  }
0x3eb: {  	s10 =	sadd.f32 s13, s10;
	(v2sf) =	vpush v5, $0x1;
	s15 =	spop (v2sf)  }
0x3ec: {  	s21 =	sadd.f32 s23, s21;
	(v2sf) =	vpush v6, $0x6;
	s23 =	spop (v2sf)  }
0x3ed: {  	s9 =	sadd.f32 s10, s26;
	(v2sf) =	vpush v6, $0x5;
	s13 =	spop (v2sf)  }
0x3ee: {  	s20 =	sadd.f32 s21, s20;
	(v2sf) =	vpush v6, $0x4;
	s21 =	spop (v2sf)  }
0x3ef: {  	v7 =	vperm.xlane v8, v0;
	s5 =	sadd.f32 s9, s5;
	(v2sf) =	vpush v6, $0x3;
	s25 =	spop (v2sf)  }
0x3f0: {  	s29 =	sadd.f32 s20, s19;
	(v2sf) =	vpush v6, $0x2;
	s19 =	spop (v2sf)  }
0x3f1: {  	v9 =	vld [tilespmem:s3+$0xFFFFFFF0];
	v7 =	vadd.f32 v7, v8;
	s15 =	sadd.f32 s23, s15;
	(v2sf) =	vpush v6, $0x0;
	s20 =	spop (v2sf)  }
0x3f2: {  	s18 =	sadd.f32 s29, s18;
	(v2sf) =	vpush v6, $0x1;
	s29 =	spop (v2sf)  }
0x3f3: {  	s5 =	sadd.f32 s5, s4;
	(v2sf) =	vpush v7, $0x6;
	s26 =	spop (v2sf)  }
0x3f4: {  	s15 =	sadd.f32 s15, s24;
	(v2sf) =	vpush v7, $0x5;
	s9 =	spop (v2sf)  }
0x3f5: {  	s4 =	sadd.f32 s18, s17;
	(v2sf) =	vpush v7, $0x4;
	s10 =	spop (v2sf)  }
0x3f6: {  	v8 =	vperm.xlane v9, v0;
	s29 =	sadd.f32 s26, s29;
	(v2sf) =	vpush v7, $0x3;
	s18 =	spop (v2sf)  }
0x3f7: {  	s15 =	sadd.f32 s15, s16;
	(v2sf) =	vpush v7, $0x2;
	s23 =	spop (v2sf)  }
0x3f8: {  	v10 =	vld [tilespmem:s3+$0xFFFFFFE0];
	v8 =	vadd.f32 v8, v9;
	s17 =	sadd.f32 s29, s20;
	(v2sf) =	vpush v7, $0x0;
	s20 =	spop (v2sf)  }
0x3f9: {  	s14 =	sadd.f32 s15, s14;
	(v2sf) =	vpush v7, $0x1;
	s16 =	spop (v2sf)  }
0x3fa: {  	s17 =	sadd.f32 s17, s19;
	(v2sf) =	vpush v8, $0x6;
	s19 =	spop (v2sf)  }
0x3fb: {  	(v2sf) =	vpush v8, $0x5;
	s15 =	spop (v2sf)  }
0x3fc: {  	s7 =	sadd.f32 s14, s7;
	(v2sf) =	vpush v8, $0x4;
	s24 =	spop (v2sf)  }
0x3fd: {  	v9 =	vperm.xlane v10, v0;
	s17 =	sadd.f32 s17, s25;
	(v2sf) =	vpush v8, $0x0;
	s25 =	spop (v2sf)  }
0x3fe: {  	s6 =	sadd.f32 s7, s6;
	(v2sf) =	vpush v8, $0x1;
	s26 =	spop (v2sf)  }
0x3ff: {  	v11 =	vld [tilespmem:s3+$0xFFFFFFD0];
	v9 =	vadd.f32 v9, v10;
	s21 =	sadd.f32 s17, s21;
	(v2sf) =	vpush v8, $0x3;
	s29 =	spop (v2sf)  }
0x400: {  	s16 =	sadd.f32 s19, s16;
	(v2sf) =	vpush v8, $0x2;
	s14 =	spop (v2sf)  }
0x401: {  	s7 =	sadd.f32 s21, s13;
	(v2sf) =	vpush v9, $0x6;
	s19 =	spop (v2sf)  }
0x402: {  	s13 =	sadd.f32 s19, s14;
	(v2sf) =	vpush v9, $0x5;
	s14 =	spop (v2sf)  }
0x403: {  	s16 =	sadd.f32 s16, s20;
	(v2sf) =	vpush v9, $0x4;
	s19 =	spop (v2sf)  }
0x404: {  	v10 =	vperm.xlane v11, v0;
	s13 =	sadd.f32 s13, s29;
	(v2sf) =	vpush v9, $0x3;
	s20 =	spop (v2sf)  }
0x405: {  	s16 =	sadd.f32 s16, s23;
	(v2sf) =	vpush v9, $0x2;
	s21 =	spop (v2sf)  }
0x406: {  	v12 =	vld [tilespmem:s3+$0xFFFFFFC0];
	v10 =	vadd.f32 v10, v11;
	s13 =	sadd.f32 s13, s26;
	(v2sf) =	vpush v9, $0x0;
	s17 =	spop (v2sf)  }
0x407: {  	s16 =	sadd.f32 s16, s18;
	(v2sf) =	vpush v9, $0x1;
	s26 =	spop (v2sf)  }
0x408: {  	s13 =	sadd.f32 s13, s25;
	(v2sf) =	vpush v10, $0x6;
	s29 =	spop (v2sf)  }
0x409: {  	s10 =	sadd.f32 s16, s10;
	(v2sf) =	vpush v10, $0x0;
	s16 =	spop (v2sf)  }
0x40a: {  	s13 =	sadd.f32 s13, s24;
	(v2sf) =	vpush v10, $0x1;
	s24 =	spop (v2sf)  }
0x40b: {  	v11 =	vperm.xlane v12, v0;
	s10 =	sadd.f32 s10, s9;
	(v2sf) =	vpush v10, $0x5;
	s25 =	spop (v2sf)  }
0x40c: {  	v13 =	vld [tilespmem:s3+$0xFFFFFFB0];
	s13 =	sadd.f32 s13, s15;
	(v2sf) =	vpush v10, $0x2;
	s15 =	spop (v2sf)  }
0x40d: {  	v11 =	vadd.f32 v11, v12;
	s26 =	sadd.f32 s29, s26;
	(v2sf) =	vpush v10, $0x4;
	s29 =	spop (v2sf)  }
0x40e: {  	s9 =	sadd.f32 s29, s15;
	(v2sf) =	vpush v10, $0x3;
	s23 =	spop (v2sf)  }
0x40f: {  	s15 =	sadd.f32 s26, s17;
	(v2sf) =	vpush v11, $0x6;
	s26 =	spop (v2sf)  }
0x410: {  	s17 =	sadd.f32 s9, s26;
	(v2sf) =	vpush v11, $0x5;
	s9 =	spop (v2sf)  }
0x411: {  	v12 =	vperm.xlane v13, v0;
	s15 =	sadd.f32 s15, s21;
	(v2sf) =	vpush v11, $0x4;
	s21 =	spop (v2sf)  }
0x412: {  	s17 =	sadd.f32 s17, s23;
	(v2sf) =	vpush v11, $0x3;
	s23 =	spop (v2sf)  }
0x413: {  	v12 =	vadd.f32 v12, v13;
	s15 =	sadd.f32 s15, s20;
	(v2sf) =	vpush v11, $0x0;
	s18 =	spop (v2sf)  }
0x414: {  	v13 =	vld [tilespmem:s3+$0xFFFFFFA0];
	s17 =	sadd.f32 s17, s25;
	(v2sf) =	vpush v11, $0x1;
	s20 =	spop (v2sf)  }
0x415: {  	s15 =	sadd.f32 s15, s19;
	(v2sf) =	vpush v12, $0x0;
	s19 =	spop (v2sf)  }
0x416: {  	s17 =	sadd.f32 s17, s24;
	(v2sf) =	vpush v12, $0x1;
	s29 =	spop (v2sf)  }
0x417: {  	s14 =	sadd.f32 s15, s14;
	(v2sf) =	vpush v11, $0x2;
	s25 =	spop (v2sf)  }
0x418: {  	v14 =	vld [tilespmem:s3+$0xFFFFFF90];
	s29 =	sadd.f32 s29, s19;
	(v2sf) =	vpush v12, $0x2;
	s26 =	spop (v2sf)  }
0x419: {  	v15 =	vperm.xlane v13, v0;
	s15 =	sadd.f32 s17, s16;
	(v2sf) =	vpush v12, $0x6;
	s24 =	spop (v2sf)  }
0x41a: {  	s16 =	sadd.f32 s24, s26;
	(v2sf) =	vpush v12, $0x3;
	s24 =	spop (v2sf)  }
0x41b: {  	v13 =	vadd.f32 v15, v13;
	s17 =	sadd.f32 s29, s20;
	(v2sf) =	vpush v12, $0x5;
	s26 =	spop (v2sf)  }
0x41c: {  	s16 =	sadd.f32 s16, s26;
	(v2sf) =	vpush v12, $0x4;
	s29 =	spop (v2sf)  }
0x41d: {  	v15 =	vperm.xlane v14, v0;
	s17 =	sadd.f32 s17, s18;
	(v2sf) =	vpush v13, $0x6;
	s26 =	spop (v2sf)  }
0x41e: {  	s16 =	sadd.f32 s16, s26;
	(v2sf) =	vpush v13, $0x5;
	s18 =	spop (v2sf)  }
0x41f: {  	v14 =	vadd.f32 v15, v14;
	s17 =	sadd.f32 s17, s23;
	(v2sf) =	vpush v13, $0x0;
	s19 =	spop (v2sf)  }
0x420: {  	s16 =	sadd.f32 s16, s29;
	(v2sf) =	vpush v13, $0x1;
	s20 =	spop (v2sf)  }
0x421: {  	s17 =	sadd.f32 s17, s21;
	(v2sf) =	vpush v14, $0x0;
	s21 =	spop (v2sf)  }
0x422: {  	v16 =	vld [tilespmem:s3+$0xFFFFFF80];
	s29 =	sadd.f32 s16, s24;
	(v2sf) =	vpush v14, $0x1;
	s23 =	spop (v2sf)  }
0x423: {  	v15 =	vld [tilespmem:s3+$0x70];
	s16 =	sadd.f32 s17, s9;
	(v2sf) =	vpush v13, $0x2;
	s24 =	spop (v2sf)  }
0x424: {  	s9 =	simm.s32 $0x40;
	s17 =	sadd.f32 s29, s25;
	(v2sf) =	vpush v14, $0x2;
	s25 =	spop (v2sf)  }
.LBB2_9:
0x425: {  	p0 =	sne.s32 s9, $0x1C0;
	s23 =	sadd.f32 s24, s23;
	(v2sf) =	vpush v13, $0x3;
	s24 =	spop (v2sf)  }
0x426: {  	s24 =	sadd.f32 s24, s25;
	(v2sf) =	vpush v14, $0x3;
	s25 =	spop (v2sf)  }
0x427: {  	v17 =	vperm.xlane v16, v0;
	s23 =	sadd.f32 s23, s25;
	(v2sf) =	vpush v13, $0x4;
	s25 =	spop (v2sf)  }
0x428: {  	s24 =	sadd.f32 s24, s25;
	v18 =	vperm.xlane v15, v0;
	(v2sf) =	vpush v14, $0x4;
	s25 =	spop (v2sf)  }
0x429: {  	v16 =	vadd.f32 v17, v16;
	s21 =	sadd.f32 s23, s21;
	(v2sf) =	vpush v14, $0x6;
	s23 =	spop (v2sf)  }
0x42a: {  	s23 =	sadd.f32 s24, s23;
	v15 =	vadd.f32 v18, v15;
	(v2sf) =	vpush v14, $0x5;
	s24 =	spop (v2sf)  }
0x42b: {  	s20 =	sadd.f32 s21, s20;
	(v2sf) =	vpush v16, $0x0;
	s21 =	spop (v2sf)  }
0x42c: {  	s21 =	sadd.f32 s23, s21;
	s23 =	spop (v2sf);
	(v2sf) =	vpush v15, $0x0  }
0x42d: {  	s19 =	sadd.f32 s20, s19;
	s20 =	spop (v2sf);
	(v2sf) =	vpush v15, $0x1  }
0x42e: {  	s21 =	sadd.f32 s21, s24;
	(v2sf) =	vpush v16, $0x1;
	s24 =	spop (v2sf)  }
0x42f: {  	s18 =	sadd.f32 s19, s18;
	s26 =	spop (v2sf);
	(v2sf) =	vpush v15, $0x2  }
0x430: {  	s19 =	sadd.f32 s21, s25;
	(v2sf) =	vpush v16, $0x2;
	s21 =	spop (v2sf)  }
0x431: {  	s24 =	sadd.f32 s26, s24;
	s25 =	spop (v2sf);
	(v2sf) =	vpush v15, $0x3  }
0x432: {  	s21 =	sadd.f32 s25, s21;
	(v2sf) =	vpush v16, $0x3;
	s25 =	spop (v2sf)  }
0x433: {  	s24 =	sadd.f32 s24, s25;
	s25 =	spop (v2sf);
	(v2sf) =	vpush v15, $0x4  }
0x434: {  	s21 =	sadd.f32 s21, s25;
	(v2sf) =	vpush v16, $0x4;
	s25 =	spop (v2sf)  }
0x435: {  	s24 =	sadd.f32 s24, s25;
	s25 =	spop (v2sf);
	(v2sf) =	vpush v15, $0x5  }
0x436: {  	s21 =	sadd.f32 s21, s25;
	(v2sf) =	vpush v16, $0x5;
	s25 =	spop (v2sf)  }
0x437: {  	s24 =	sadd.f32 s24, s25;
	s25 =	spop (v2sf);
	(v2sf) =	vpush v15, $0x6  }
0x438: {  	s21 =	sadd.f32 s21, s25;
	(v2sf) =	vpush v16, $0x6;
	s25 =	spop (v2sf)  }
0x439: {  	s20 =	sadd.f32 s24, s20;
	s24 =	spop (v2sf);
	(v2sf) =	vpush v15, $0x7  }
0x43a: {  	s21 =	sadd.f32 s21, s24;
	s24 =	spop (v2sf);
	(v2sf) =	vpush v16, $0x7  }
0x43b: {  	s20 =	sadd.f32 s20, s23;
	(v2sf) =	vpush v14, $0x7;
	s23 =	spop (v2sf)  }
0x43c: {  	s21 =	sadd.f32 s21, s25;
	(v2sf) =	vpush v13, $0x7;
	s25 =	spop (v2sf)  }
0x43d: {  	s23 =	sadd.f32 s25, s23;
	s25 =	spop (v2sf);
	(v2sf) =	vpush v12, $0x7  }
0x43e: {  	s24 =	sadd.f32 s25, s24;
	(v2sf) =	vpush v11, $0x7;
	s25 =	spop (v2sf)  }
0x43f: {  	s23 =	sadd.f32 s23, s25;
	s25 =	spop (v2sf);
	(v2sf) =	vpush v10, $0x7  }
0x440: {  	s24 =	sadd.f32 s24, s25;
	(v2sf) =	vpush v9, $0x7;
	s25 =	spop (v2sf)  }
0x441: {  	s23 =	sadd.f32 s23, s25;
	s25 =	spop (v2sf);
	(v2sf) =	vpush v8, $0x7  }
0x442: {  	s24 =	sadd.f32 s24, s25;
	(v2sf) =	vpush v7, $0x7;
	s25 =	spop (v2sf)  }
0x443: {  	s23 =	sadd.f32 s23, s25;
	s25 =	spop (v2sf);
	(v2sf) =	vpush v6, $0x7  }
0x444: {  	s24 =	sadd.f32 s24, s25;
	(v2sf) =	vpush v5, $0x7;
	s25 =	spop (v2sf)  }
0x445: {  	s23 =	sadd.f32 s23, s25;
	s25 =	spop (v2sf);
	(v2sf) =	vpush v4, $0x7  }
0x446: {  	s24 =	sadd.f32 s24, s25;
	(v2sf) =	vpush v3, $0x7;
	s25 =	spop (v2sf)  }
0x447: {  	s23 =	sadd.f32 s23, s25;
	s25 =	spop (v2sf);
	(v2sf) =	vpush v2, $0x7  }
0x448: {  	s24 =	sadd.f32 s24, s25;
	(v2sf) =	vpush v1, $0x7;
	s25 =	spop (v2sf)  }
0x449: {  	s23 =	sadd.f32 s23, s25;
	s25 =	spop (v2sf)  }
0x44a: {  	s24 =	sadd.f32 s24, s25;
	s25 =	spop (v2sf)  }
0x44b: {  	s21 =	sadd.f32 s21, s25;
	v1 =	vmov s23;
	s23 =	spop (v2sf)  }
0x44c: {  	s20 =	sadd.f32 s20, s23;
	v1 =	vsel vm0, s24, v1;
	s23 =	spop (v2sf)  }
0x44d: {  	s19 =	sadd.f32 s19, s23;
	v1 =	vsel vm1, s21, v1;
	s21 =	spop (v2sf)  }
0x44e: {  	s18 =	sadd.f32 s18, s21;
	v1 =	vsel vm2, s20, v1;
	s20 =	spop (v2sf)  }
0x44f: {  	s17 =	sadd.f32 s17, s20;
	v1 =	vsel vm3, s19, v1;
	s19 =	spop (v2sf)  }
0x450: {  	s16 =	sadd.f32 s16, s19;
	v1 =	vsel vm4, s18, v1;
	s18 =	spop (v2sf)  }
0x451: {  	s15 =	sadd.f32 s15, s18;
	v1 =	vsel vm5, s17, v1;
	s17 =	spop (v2sf)  }
0x452: {  	s14 =	sadd.f32 s14, s17;
	v1 =	vsel vm6, s16, v1;
	s16 =	spop (v2sf)  }
0x453: {  	s13 =	sadd.f32 s13, s16;
	v1 =	vsel vm7, s15, v1;
	s15 =	spop (v2sf)  }
0x454: {  	s10 =	sadd.f32 s10, s15;
	v1 =	vsel vm8, s14, v1;
	s14 =	spop (v2sf)  }
0x455: {  	s7 =	sadd.f32 s7, s14;
	v1 =	vsel vm9, s13, v1;
	s13 =	spop (v2sf)  }
0x456: {  	s6 =	sadd.f32 s6, s13;
	v1 =	vsel vm10, s10, v1;
	s10 =	spop (v2sf)  }
0x457: {  	s4 =	sadd.f32 s4, s10;
	v1 =	vsel vm11, s7, v1;
	s7 =	spop (v2sf)  }
0x458: {  	s5 =	sadd.f32 s5, s7;
	v1 =	vsel vm12, s6, v1  }
0x459: {  	v1 =	vsel vm13, s4, v1  }
0x45a: {  	v1 =	vsel vm14, s5, v1  }
0x45b: {  	v1 =	vmul.f32 $5.000000000e-01, v1  }
0x45c: {  	s4 =	sshra.s32 s12, $0x2;
	s12 =	smov.u32 s9  }
0x45d: {  	s3 =	sadd.s32 $0x100, s3;
	[tilespmem:s4+$0x18180] =	vst v1  }
0x45e: {  	v1 =	vld [tilespmem:s3+$0x60];
	_ =	sdelay $0x4  }
0x45f: {  	v2 =	vperm.xlane v1, v0;
	_ =	sdelay $0x1  }
0x460: {  	v3 =	vld [tilespmem:s3+$0x50];
	v1 =	vadd.f32 v2, v1;
	_ =	sdelay $0x1  }
0x461: {  	(v2sf) =	vpush v1, $0x6  }
0x462: {  	(v2sf) =	vpush v1, $0x5  }
0x463: {  	(v2sf) =	vpush v1, $0x4  }
0x464: {  	v2 =	vperm.xlane v3, v0;
	(v2sf) =	vpush v1, $0x3  }
0x465: {  	(v2sf) =	vpush v1, $0x2  }
0x466: {  	v4 =	vld [tilespmem:s3+$0x40];
	v2 =	vadd.f32 v2, v3;
	(v2sf) =	vpush v1, $0x0  }
0x467: {  	(v2sf) =	vpush v1, $0x1  }
0x468: {  	(v2sf) =	vpush v2, $0x6  }
0x469: {  	(v2sf) =	vpush v2, $0x5  }
0x46a: {  	(v2sf) =	vpush v2, $0x4  }
0x46b: {  	v3 =	vperm.xlane v4, v0;
	(v2sf) =	vpush v2, $0x3  }
0x46c: {  	(v2sf) =	vpush v2, $0x2  }
0x46d: {  	v5 =	vld [tilespmem:s3+$0x30];
	v3 =	vadd.f32 v3, v4;
	(v2sf) =	vpush v2, $0x0  }
0x46e: {  	(v2sf) =	vpush v2, $0x1  }
0x46f: {  	(v2sf) =	vpush v3, $0x6  }
0x470: {  	(v2sf) =	vpush v3, $0x5;
	s4 =	spop (v2sf)  }
0x471: {  	(v2sf) =	vpush v3, $0x4;
	s5 =	spop (v2sf)  }
0x472: {  	v4 =	vperm.xlane v5, v0;
	(v2sf) =	vpush v3, $0x3;
	s13 =	spop (v2sf)  }
0x473: {  	(v2sf) =	vpush v3, $0x2;
	s14 =	spop (v2sf)  }
0x474: {  	v6 =	vld [tilespmem:s3+$0x20];
	v4 =	vadd.f32 v4, v5;
	(v2sf) =	vpush v3, $0x0;
	s17 =	spop (v2sf)  }
0x475: {  	(v2sf) =	vpush v3, $0x1;
	s18 =	spop (v2sf)  }
0x476: {  	(v2sf) =	vpush v4, $0x6;
	s19 =	spop (v2sf)  }
0x477: {  	(v2sf) =	vpush v4, $0x5;
	s10 =	spop (v2sf)  }
0x478: {  	(v2sf) =	vpush v4, $0x4;
	s16 =	spop (v2sf)  }
0x479: {  	v5 =	vperm.xlane v6, v0;
	(v2sf) =	vpush v4, $0x3;
	s20 =	spop (v2sf)  }
0x47a: {  	(v2sf) =	vpush v4, $0x2;
	s21 =	spop (v2sf)  }
0x47b: {  	v7 =	vld [tilespmem:s3+$0x10];
	v5 =	vadd.f32 v5, v6;
	(v2sf) =	vpush v4, $0x0;
	s23 =	spop (v2sf)  }
0x47c: {  	(v2sf) =	vpush v4, $0x1;
	s24 =	spop (v2sf)  }
0x47d: {  	(v2sf) =	vpush v5, $0x6;
	s25 =	spop (v2sf)  }
0x47e: {  	(v2sf) =	vpush v5, $0x5;
	s6 =	spop (v2sf)  }
0x47f: {  	(v2sf) =	vpush v5, $0x4;
	s7 =	spop (v2sf)  }
0x480: {  	v6 =	vperm.xlane v7, v0;
	(v2sf) =	vpush v5, $0x3;
	s15 =	spop (v2sf)  }
0x481: {  	s19 =	sadd.f32 s19, s18;
	(v2sf) =	vpush v5, $0x2;
	s18 =	spop (v2sf)  }
0x482: {  	s24 =	sadd.f32 s25, s24;
	v8 =	vld [tilespmem:s3+$0x0];
	v6 =	vadd.f32 v6, v7;
	(v2sf) =	vpush v5, $0x0;
	s25 =	spop (v2sf)  }
0x483: {  	s17 =	sadd.f32 s19, s17;
	(v2sf) =	vpush v5, $0x1;
	s26 =	spop (v2sf)  }
0x484: {  	s19 =	sadd.f32 s24, s23;
	(v2sf) =	vpush v6, $0x6;
	s23 =	spop (v2sf)  }
0x485: {  	s17 =	sadd.f32 s17, s14;
	(v2sf) =	vpush v6, $0x5;
	s14 =	spop (v2sf)  }
0x486: {  	s21 =	sadd.f32 s19, s21;
	(v2sf) =	vpush v6, $0x4;
	s19 =	spop (v2sf)  }
0x487: {  	s13 =	sadd.f32 s17, s13;
	v7 =	vperm.xlane v8, v0;
	(v2sf) =	vpush v6, $0x3;
	s24 =	spop (v2sf)  }
0x488: {  	s17 =	sadd.f32 s21, s20;
	(v2sf) =	vpush v6, $0x2;
	s20 =	spop (v2sf)  }
0x489: {  	s5 =	sadd.f32 s13, s5;
	v9 =	vld [tilespmem:s3+$0xFFFFFFF0];
	v7 =	vadd.f32 v7, v8;
	(v2sf) =	vpush v6, $0x0;
	s21 =	spop (v2sf)  }
0x48a: {  	s13 =	sadd.f32 s17, s16;
	(v2sf) =	vpush v6, $0x1;
	s16 =	spop (v2sf)  }
0x48b: {  	s5 =	sadd.f32 s5, s4;
	(v2sf) =	vpush v7, $0x6;
	s17 =	spop (v2sf)  }
0x48c: {  	s4 =	sadd.f32 s13, s10;
	(v2sf) =	vpush v7, $0x5;
	s10 =	spop (v2sf)  }
0x48d: {  	s23 =	sadd.f32 s23, s26;
	(v2sf) =	vpush v7, $0x4;
	s13 =	spop (v2sf)  }
0x48e: {  	s16 =	sadd.f32 s17, s16;
	v8 =	vperm.xlane v9, v0;
	(v2sf) =	vpush v7, $0x3;
	s17 =	spop (v2sf)  }
0x48f: {  	s23 =	sadd.f32 s23, s25;
	(v2sf) =	vpush v7, $0x2;
	s25 =	spop (v2sf)  }
0x490: {  	s16 =	sadd.f32 s16, s21;
	v10 =	vld [tilespmem:s3+$0xFFFFFFE0];
	v8 =	vadd.f32 v8, v9;
	(v2sf) =	vpush v7, $0x0;
	s21 =	spop (v2sf)  }
0x491: {  	s18 =	sadd.f32 s23, s18;
	(v2sf) =	vpush v7, $0x1;
	s23 =	spop (v2sf)  }
0x492: {  	s20 =	sadd.f32 s16, s20;
	(v2sf) =	vpush v8, $0x6;
	s26 =	spop (v2sf)  }
0x493: {  	s15 =	sadd.f32 s18, s15;
	(v2sf) =	vpush v8, $0x5;
	s16 =	spop (v2sf)  }
0x494: {  	s18 =	sadd.f32 s20, s24;
	(v2sf) =	vpush v8, $0x4;
	s20 =	spop (v2sf)  }
0x495: {  	s7 =	sadd.f32 s15, s7;
	v9 =	vperm.xlane v10, v0;
	(v2sf) =	vpush v8, $0x0;
	s24 =	spop (v2sf)  }
0x496: {  	s15 =	sadd.f32 s18, s19;
	(v2sf) =	vpush v8, $0x1;
	s18 =	spop (v2sf)  }
0x497: {  	s6 =	sadd.f32 s7, s6;
	v11 =	vld [tilespmem:s3+$0xFFFFFFD0];
	v9 =	vadd.f32 v9, v10;
	(v2sf) =	vpush v8, $0x3;
	s19 =	spop (v2sf)  }
0x498: {  	s7 =	sadd.f32 s15, s14;
	(v2sf) =	vpush v8, $0x2;
	s14 =	spop (v2sf)  }
0x499: {  	s15 =	sadd.f32 s26, s23;
	(v2sf) =	vpush v9, $0x6;
	s23 =	spop (v2sf)  }
0x49a: {  	s23 =	sadd.f32 s23, s14;
	(v2sf) =	vpush v9, $0x5;
	s14 =	spop (v2sf)  }
0x49b: {  	s21 =	sadd.f32 s15, s21;
	(v2sf) =	vpush v9, $0x4;
	s15 =	spop (v2sf)  }
0x49c: {  	v10 =	vperm.xlane v11, v0;
	s23 =	sadd.f32 s23, s19;
	(v2sf) =	vpush v9, $0x3;
	s19 =	spop (v2sf)  }
0x49d: {  	s21 =	sadd.f32 s21, s25;
	(v2sf) =	vpush v9, $0x2;
	s25 =	spop (v2sf)  }
0x49e: {  	v12 =	vld [tilespmem:s3+$0xFFFFFFC0];
	v10 =	vadd.f32 v10, v11;
	s18 =	sadd.f32 s23, s18;
	(v2sf) =	vpush v9, $0x0;
	s23 =	spop (v2sf)  }
0x49f: {  	s17 =	sadd.f32 s21, s17;
	(v2sf) =	vpush v9, $0x1;
	s21 =	spop (v2sf)  }
0x4a0: {  	s24 =	sadd.f32 s18, s24;
	(v2sf) =	vpush v10, $0x6;
	s26 =	spop (v2sf)  }
0x4a1: {  	s13 =	sadd.f32 s17, s13;
	(v2sf) =	vpush v10, $0x0;
	s18 =	spop (v2sf)  }
0x4a2: {  	s17 =	sadd.f32 s24, s20;
	(v2sf) =	vpush v10, $0x1;
	s20 =	spop (v2sf)  }
0x4a3: {  	s10 =	sadd.f32 s13, s10;
	v11 =	vperm.xlane v12, v0;
	(v2sf) =	vpush v10, $0x5;
	s24 =	spop (v2sf)  }
0x4a4: {  	v13 =	vld [tilespmem:s3+$0xFFFFFFB0];
	s13 =	sadd.f32 s17, s16;
	(v2sf) =	vpush v10, $0x2;
	s16 =	spop (v2sf)  }
0x4a5: {  	s17 =	sadd.f32 s26, s21;
	v11 =	vadd.f32 v11, v12;
	(v2sf) =	vpush v10, $0x4;
	s21 =	spop (v2sf)  }
0x4a6: {  	s16 =	sadd.f32 s21, s16;
	(v2sf) =	vpush v10, $0x3;
	s21 =	spop (v2sf)  }
0x4a7: {  	s17 =	sadd.f32 s17, s23;
	(v2sf) =	vpush v11, $0x6;
	s23 =	spop (v2sf)  }
0x4a8: {  	s23 =	sadd.f32 s16, s23;
	(v2sf) =	vpush v11, $0x5;
	s16 =	spop (v2sf)  }
0x4a9: {  	s25 =	sadd.f32 s17, s25;
	v12 =	vperm.xlane v13, v0;
	(v2sf) =	vpush v11, $0x4;
	s17 =	spop (v2sf)  }
0x4aa: {  	s21 =	sadd.f32 s23, s21;
	(v2sf) =	vpush v11, $0x3;
	s23 =	spop (v2sf)  }
0x4ab: {  	s19 =	sadd.f32 s25, s19;
	v12 =	vadd.f32 v12, v13;
	(v2sf) =	vpush v11, $0x0;
	s25 =	spop (v2sf)  }
0x4ac: {  	v13 =	vld [tilespmem:s3+$0xFFFFFFA0];
	s21 =	sadd.f32 s21, s24;
	(v2sf) =	vpush v11, $0x1;
	s24 =	spop (v2sf)  }
0x4ad: {  	s15 =	sadd.f32 s19, s15;
	(v2sf) =	vpush v12, $0x0;
	s19 =	spop (v2sf)  }
0x4ae: {  	s20 =	sadd.f32 s21, s20;
	(v2sf) =	vpush v12, $0x1;
	s21 =	spop (v2sf)  }
0x4af: {  	s14 =	sadd.f32 s15, s14;
	(v2sf) =	vpush v11, $0x2;
	s26 =	spop (v2sf)  }
0x4b0: {  	v14 =	vld [tilespmem:s3+$0xFFFFFF90];
	s15 =	sadd.f32 s20, s18;
	(v2sf) =	vpush v12, $0x2;
	s18 =	spop (v2sf)  }
0x4b1: {  	s19 =	sadd.f32 s21, s19;
	v15 =	vperm.xlane v13, v0;
	(v2sf) =	vpush v12, $0x6;
	s20 =	spop (v2sf)  }
0x4b2: {  	s18 =	sadd.f32 s20, s18;
	(v2sf) =	vpush v12, $0x3;
	s29 =	spop (v2sf)  }
0x4b3: {  	s19 =	sadd.f32 s19, s24;
	v13 =	vadd.f32 v15, v13;
	(v2sf) =	vpush v12, $0x5;
	s20 =	spop (v2sf)  }
0x4b4: {  	s18 =	sadd.f32 s18, s20;
	(v2sf) =	vpush v12, $0x4;
	s20 =	spop (v2sf)  }
0x4b5: {  	s19 =	sadd.f32 s19, s25;
	s21 =	spop (v2sf)  }
0x4b6: {  	v15 =	vperm.xlane v14, v0;
	(v2sf) =	vpush v13, $0x6;
	s21 =	sadd.f32 s18, s21  }
0x4b7: {  	s23 =	sadd.f32 s19, s23;
	(v2sf) =	vpush v13, $0x5;
	s18 =	spop (v2sf)  }
0x4b8: {  	v14 =	vadd.f32 v15, v14;
	(v2sf) =	vpush v13, $0x0;
	s19 =	spop (v2sf);
	s24 =	sadd.f32 s21, s20  }
.Ltmp3:
0x4b9: {  	(v2sf) =	vpush v13, $0x1;
	s20 =	spop (v2sf);
	(pc) =	sbr.rel @p0 .LBB2_9-.Ltmp3, $4  }
0x4ba: {  	s17 =	sadd.f32 s23, s17;
	(v2sf) =	vpush v14, $0x0;
	s21 =	spop (v2sf)  }
0x4bb: {  	v16 =	vld [tilespmem:s3+$0xFFFFFF80];
	s25 =	sadd.f32 s24, s29;
	(v2sf) =	vpush v14, $0x1;
	s23 =	spop (v2sf)  }
0x4bc: {  	s16 =	sadd.f32 s17, s16;
	v15 =	vld [tilespmem:s3+$0x70];
	(v2sf) =	vpush v13, $0x2;
	s24 =	spop (v2sf)  }
0x4bd: {  	s9 =	sadd.s32 $0x40, s9;
	s17 =	sadd.f32 s25, s26;
	(v2sf) =	vpush v14, $0x2;
	s25 =	spop (v2sf)  }
0x4be: {  	s3 =	sadd.f32 s24, s23;
	(v2sf) =	vpush v13, $0x3;
	s9 =	spop (v2sf)  }
0x4bf: {  	s9 =	sadd.f32 s9, s25;
	(v2sf) =	vpush v14, $0x3;
	s25 =	spop (v2sf)  }
0x4c0: {  	v17 =	vperm.xlane v16, v0;
	s3 =	sadd.f32 s3, s25;
	(v2sf) =	vpush v13, $0x4;
	s26 =	spop (v2sf)  }
0x4c1: {  	s9 =	sadd.f32 s9, s26;
	v18 =	vperm.xlane v15, v0;
	(v2sf) =	vpush v14, $0x4;
	s23 =	spop (v2sf)  }
0x4c2: {  	v16 =	vadd.f32 v17, v16;
	s3 =	sadd.f32 s3, s21;
	(v2sf) =	vpush v14, $0x6;
	s24 =	spop (v2sf)  }
0x4c3: {  	s9 =	sadd.f32 s9, s24;
	v15 =	vadd.f32 v18, v15;
	(v2sf) =	vpush v14, $0x5;
	s25 =	spop (v2sf)  }
0x4c4: {  	s3 =	sadd.f32 s3, s20;
	(v2sf) =	vpush v16, $0x0;
	s26 =	spop (v2sf)  }
0x4c5: {  	s9 =	sadd.f32 s9, s26;
	s20 =	spop (v2sf);
	(v2sf) =	vpush v15, $0x0  }
0x4c6: {  	s3 =	sadd.f32 s3, s19;
	s19 =	spop (v2sf);
	(v2sf) =	vpush v15, $0x1  }
0x4c7: {  	s9 =	sadd.f32 s9, s25;
	(v2sf) =	vpush v16, $0x1;
	s24 =	spop (v2sf)  }
0x4c8: {  	s3 =	sadd.f32 s3, s18;
	s25 =	spop (v2sf);
	(v2sf) =	vpush v15, $0x2  }
0x4c9: {  	s9 =	sadd.f32 s9, s23;
	(v2sf) =	vpush v16, $0x2;
	s26 =	spop (v2sf)  }
0x4ca: {  	s18 =	sadd.f32 s25, s24;
	s24 =	spop (v2sf);
	(v2sf) =	vpush v15, $0x3  }
0x4cb: {  	s21 =	sadd.f32 s24, s26;
	(v2sf) =	vpush v16, $0x3;
	s25 =	spop (v2sf)  }
0x4cc: {  	s18 =	sadd.f32 s18, s25;
	s26 =	spop (v2sf);
	(v2sf) =	vpush v15, $0x4  }
0x4cd: {  	s21 =	sadd.f32 s21, s26;
	(v2sf) =	vpush v16, $0x4;
	s24 =	spop (v2sf)  }
0x4ce: {  	s18 =	sadd.f32 s18, s24;
	s25 =	spop (v2sf);
	(v2sf) =	vpush v15, $0x5  }
0x4cf: {  	s21 =	sadd.f32 s21, s25;
	(v2sf) =	vpush v16, $0x5;
	s26 =	spop (v2sf)  }
0x4d0: {  	s18 =	sadd.f32 s18, s26;
	s24 =	spop (v2sf);
	(v2sf) =	vpush v15, $0x6  }
0x4d1: {  	s21 =	sadd.f32 s21, s24;
	(v2sf) =	vpush v16, $0x6;
	s25 =	spop (v2sf)  }
0x4d2: {  	s18 =	sadd.f32 s18, s19;
	s26 =	spop (v2sf);
	(v2sf) =	vpush v15, $0x7  }
0x4d3: {  	s19 =	sadd.f32 s21, s26;
	s21 =	spop (v2sf);
	(v2sf) =	vpush v16, $0x7  }
0x4d4: {  	s18 =	sadd.f32 s18, s20;
	(v2sf) =	vpush v14, $0x7;
	s24 =	spop (v2sf)  }
0x4d5: {  	s19 =	sadd.f32 s19, s25;
	(v2sf) =	vpush v13, $0x7;
	s25 =	spop (v2sf)  }
0x4d6: {  	s20 =	sadd.f32 s25, s24;
	s26 =	spop (v2sf);
	(v2sf) =	vpush v12, $0x7  }
0x4d7: {  	s21 =	sadd.f32 s26, s21;
	(v2sf) =	vpush v11, $0x7;
	s24 =	spop (v2sf)  }
0x4d8: {  	s20 =	sadd.f32 s20, s24;
	s25 =	spop (v2sf);
	(v2sf) =	vpush v10, $0x7  }
0x4d9: {  	s21 =	sadd.f32 s21, s25;
	(v2sf) =	vpush v9, $0x7;
	s26 =	spop (v2sf)  }
0x4da: {  	s20 =	sadd.f32 s20, s26;
	s24 =	spop (v2sf);
	(v2sf) =	vpush v8, $0x7  }
0x4db: {  	s21 =	sadd.f32 s21, s24;
	(v2sf) =	vpush v7, $0x7;
	s25 =	spop (v2sf)  }
0x4dc: {  	s20 =	sadd.f32 s20, s25;
	s26 =	spop (v2sf);
	(v2sf) =	vpush v6, $0x7  }
0x4dd: {  	s21 =	sadd.f32 s21, s26;
	(v2sf) =	vpush v5, $0x7;
	s24 =	spop (v2sf)  }
0x4de: {  	s20 =	sadd.f32 s20, s24;
	s25 =	spop (v2sf);
	(v2sf) =	vpush v4, $0x7  }
0x4df: {  	s21 =	sadd.f32 s21, s25;
	(v2sf) =	vpush v3, $0x7;
	s26 =	spop (v2sf)  }
0x4e0: {  	s20 =	sadd.f32 s20, s26;
	s24 =	spop (v2sf);
	(v2sf) =	vpush v2, $0x7  }
0x4e1: {  	s21 =	sadd.f32 s21, s24;
	(v2sf) =	vpush v1, $0x7;
	s25 =	spop (v2sf)  }
0x4e2: {  	s20 =	sadd.f32 s20, s25;
	s26 =	spop (v2sf)  }
0x4e3: {  	s21 =	sadd.f32 s21, s26;
	s24 =	spop (v2sf)  }
0x4e4: {  	s19 =	sadd.f32 s19, s24;
	v1 =	vmov s20;
	s25 =	spop (v2sf)  }
0x4e5: {  	s18 =	sadd.f32 s18, s25;
	v1 =	vsel vm0, s21, v1;
	s26 =	spop (v2sf)  }
0x4e6: {  	s9 =	sadd.f32 s9, s26;
	v1 =	vsel vm1, s19, v1;
	s21 =	spop (v2sf)  }
0x4e7: {  	s3 =	sadd.f32 s3, s21;
	v1 =	vsel vm2, s18, v1;
	s23 =	spop (v2sf)  }
0x4e8: {  	s17 =	sadd.f32 s17, s23;
	v1 =	vsel vm3, s9, v1;
	s24 =	spop (v2sf)  }
0x4e9: {  	s9 =	sadd.f32 s16, s24;
	v1 =	vsel vm4, s3, v1;
	s25 =	spop (v2sf)  }
0x4ea: {  	s3 =	sadd.f32 s15, s25;
	v1 =	vsel vm5, s17, v1;
	s26 =	spop (v2sf)  }
0x4eb: {  	s14 =	sadd.f32 s14, s26;
	v1 =	vsel vm6, s9, v1;
	s16 =	spop (v2sf)  }
0x4ec: {  	s9 =	sadd.f32 s13, s16;
	v1 =	vsel vm7, s3, v1;
	s17 =	spop (v2sf)  }
0x4ed: {  	s3 =	sadd.f32 s10, s17;
	v1 =	vsel vm8, s14, v1;
	s18 =	spop (v2sf)  }
0x4ee: {  	s7 =	sadd.f32 s7, s18;
	v1 =	vsel vm9, s9, v1;
	s19 =	spop (v2sf)  }
0x4ef: {  	s6 =	sadd.f32 s6, s19;
	v1 =	vsel vm10, s3, v1;
	s20 =	spop (v2sf)  }
0x4f0: {  	s3 =	sadd.f32 s4, s20;
	v1 =	vsel vm11, s7, v1;
	s21 =	spop (v2sf)  }
0x4f1: {  	s4 =	sadd.f32 s5, s21;
	v1 =	vsel vm12, s6, v1  }
0x4f2: {  	v1 =	vsel vm13, s3, v1  }
0x4f3: {  	v1 =	vsel vm14, s4, v1  }
0x4f4: {  	v1 =	vmul.f32 $5.000000000e-01, v1  }
0x4f5: {  	s23 =	sshra.s32 s12, $0x2;
	s24 =	rddreg [dreg:$0x4]  }
0x4f6: {  	s25 =	simm.s32 $0x0;
	s26 =	simm.s32 $0x18180;
	s3 =	sadd.s32 s24, s11;
	[tilespmem:s23+$0x18180] =	vst v1  }
0x4f7: {  	[hbm4b:s3+s25] =	stream.linear.scatter [tilespmem:s26], [sflag:$0x2], $0x80, $0x38;
	[tilespmem:$0x18200] =	vst v63  }
0x4f8: {  	_ =	swait.ge [sflag:s1], $0x80  }
0x4f9: {  	s12 =	rddreg [dreg:$0xd]  }
0x4fa: {  	s13 =	rddreg [dreg:$0x13]  }
0x4fb: {  	s14 =	rddreg [dreg:$0xe]  }
0x4fc: {  	s16 =	rddreg [dreg:$0x10]  }
0x4fd: {  	s18 =	rddreg [dreg:$0xf]  }
0x4fe: {  	s19 =	rddreg [dreg:$0x12]  }
0x4ff: {  	s28 =	sadd.s32 $0x1, s28;
	s20 =	rddreg [dreg:$0x11]  }
0x500: {  	p0 =	sne.s32 s28, $0x4;
	s15 =	smov.u32 s22;
	s22 =	rddreg [dreg:$0x14]  }
.Ltmp4:
0x501: {  	s24 =	rddreg [dreg:$0x15];
	(pc) =	sbr.rel @p0 .LBB2_2-.Ltmp4, $4  }
0x502: {  	s25 =	rddreg [dreg:$0x17]  }
0x503: {  	s17 =	smov.u32 s0;
	s21 =	smov.u32 s30;
	s26 =	rddreg [dreg:$0x18]  }
0x504: {  	s23 =	smov.u32 s31;
	[sflag:s1] =	ssyncset.done $0x0;
	s29 =	rddreg [dreg:$0x19]  }
0x505: {  	s31 =	simm.s32 $0x5980;
	s30 =	rddreg [dreg:$0x1a];
	[sflag:s1] =	ssyncadd.s32 $0xFFFFFF80  }
0x506: {  	s3 =	rddreg [dreg:$0x1d]  }
0x507: {  	s0 =	rddreg [dreg:$0x1c];
	s3 =	sadd.s32 $0x1, s3  }
0x508: {  	p0 =	sne.s32 s3, s0  }
.Ltmp5:
0x509: {  	_ = 	snop;
	(pc) =	sbr.rel @p0 .LBB2_1-.Ltmp5, $1  }
0x50a: {  	_ =	sdelay $0x3  }
0x50b: {  	_ =	sfence.sel $0x180000  }
0x50c: {  	[bflag:$0x0] =	sbarrier.arrive $0xFFFF  }
0x50d: {  	_ =	strace $0x90000047  }
0x50e: {  	s0 =	stileid.u32;
	[bflag:$0x2] =	sbarrier.arrive $0xFFFF  }
0x50f: {  	p0 =	sne.s32 s0, $0x0;
	s0 =	rddreg [dreg:$0x5]  }
0x510: {  	s0 =	sadd.s32 @!p0 $0x100000, s0  }
0x511: {  	[sflag:s0] =	ssyncadd.tile.s32 @!p0 $0x1;
	_ =	shalt  }
.Lfunc_end2:
_tile_overlayer_lowered:
.L_overlay_start_2:
0x512: {  	(tag) =	ssettag $0x2  }
0x513: {  	s0 =	rddreg [dreg:$0x0];
	s2 =	stileid.u32  }
0x514: {  	s1 =	rddreg [dreg:$0x1];
	p0 =	sne.s32 s2, $0x0  }
0x515: {  	s3 =	rddreg [dreg:$0x2];
	[bflag:$0x3] =	sbarrier.arrive $0xFFFF;
	s2 =	simm.s32 @!p0 $0x1C02  }
0x516: {  	[timem:s3], [sflag:s2] =	dma.local @!p0 [hbm:s0], s1  }
0x517: {  	s0 =	simm.s32 @!p0 $0x2  }
0x518: {  	_ =	swait.ge @!p0 [sflag:s0], s1  }
0x519: {  	s1 =	ssub.s32 @!p0 $0x0, s1;
	[sflag:s0] =	ssyncset.done @!p0 $0x0  }
0x51a: {  	[sflag:s0] =	ssyncadd.s32 @!p0 s1  }
0x51b: {  	[bflag:$0x3] =	sbarrier.arrive $0xFFFF  }
0x51c: {  	_ =	shalt  }

</sc_bundles>
